<compile_context>
chip_gen: v7x
topology: tpu7x:2x2x1
jax: 0.10.2.dev20260603
libtpu: 0.0.44.dev20260713+nightly
codegen_flags: <defaults>
</compile_context>

<pallas_src>
import functools

import jax
import jax.numpy as jnp
from jax import lax
from jax.experimental import pallas as pl
from jax.experimental.pallas import tpu as pltpu
from jax.experimental.pallas import tpu_sc as plsc

EMBED = 32
LANES = 16
SUB = 128
TBLK = 16
VOCAB = 1_000_000
CONV = 800


@functools.lru_cache(maxsize=None)
def _make_gather(batch: int, hist: int):
    info = plsc.get_sparse_core_info()
    nc, ns = info.num_cores, info.num_subcores
    nw = nc * ns
    bw = batch // nw
    nsub = bw // SUB
    assert batch % nw == 0 and bw % SUB == 0 and hist % 2 == 0
    mesh = plsc.VectorSubcoreMesh(core_axis_name="c", subcore_axis_name="s")

    @functools.partial(
        pl.kernel,
        mesh=mesh,
        out_type=jax.ShapeDtypeStruct(
            (hist, EMBED // 8, batch // 128, 8, 128), jnp.float32
        ),
        scratch_types=[
            pltpu.HBM((nc * VOCAB, EMBED), jnp.float32),
            pltpu.VMEM((EMBED, CONV), jnp.float32),
            pltpu.VMEM((CONV, EMBED), jnp.float32),
            pltpu.VMEM((2, bw), jnp.int32),
            pltpu.VMEM((2, bw, EMBED), jnp.float32),
            pltpu.VMEM((2, EMBED // 8, bw // 128, 8, 128), jnp.float32),
            pltpu.SemaphoreType.DMA,
            pltpu.SemaphoreType.DMA,
            pltpu.SemaphoreType.DMA,
            pltpu.SemaphoreType.DMA,
            pltpu.SemaphoreType.DMA,
            pltpu.SemaphoreType.DMA,
        ],
        compiler_params=pltpu.CompilerParams(
            use_tc_tiling_on_sc=False, needs_layout_passes=False
        ),
    )
    def gather_kernel(wt_hbm, idst_hbm, out_hbm, lin_hbm, conv_in, conv_out,
                      idx_v, rows_v, slab_v, g_a, g_b, i_a, i_b, o_a, o_b):
        c = lax.axis_index("c")
        s = lax.axis_index("s")
        wid = s * nc + c
        b0 = wid * bw
        lane_iota = lax.iota(jnp.int32, LANES)
        cbase = jnp.full((LANES,), 0, jnp.int32) + c * VOCAB
        diag_ids = [(lane_iota + d) & (EMBED - 1) for d in range(EMBED)]

        n_conv_chunks = VOCAB // CONV
        conv_steps = (n_conv_chunks + ns - 1) // ns

        def conv_body(t, carry):
            chunk = t * ns + s

            @pl.when(chunk < n_conv_chunks)
            def _():
                r0 = chunk * CONV
                pltpu.sync_copy(wt_hbm.at[:, pl.ds(r0, CONV)], conv_in)

                @plsc.parallel_loop(0, CONV // LANES, 1, unroll=2)
                def cv(vg):
                    col_ids = vg * LANES + lane_iota
                    for blk in range(0, EMBED, TBLK):
                        vals = [
                            plsc.load_gather(
                                conv_in, [diag_ids[d], col_ids]
                            )
                            for d in range(blk, blk + TBLK)
                        ]
                        for i, d in enumerate(range(blk, blk + TBLK)):
                            plsc.store_scatter(
                                conv_out, [col_ids, diag_ids[d]], vals[i]
                            )

                pltpu.sync_copy(
                    conv_out, lin_hbm.at[pl.ds(c * VOCAB + r0, CONV)]
                )

            return carry

        def idx_offset(p):
            @plsc.parallel_loop(0, bw // LANES, 1, unroll=2)
            def ob(k):
                v = idx_v[p, pl.ds(k * LANES, LANES)]
                idx_v[p, pl.ds(k * LANES, LANES)] = v + cbase

        def fire_gathers(p, sem):
            for j in range(nsub):
                pltpu.async_copy(
                    lin_hbm.at[idx_v.at[p, pl.ds(j * SUB, SUB)]],
                    rows_v.at[p, pl.ds(j * SUB, SUB), :],
                    sem,
                )

        def drain_gathers(p, sem):
            for j in range(nsub):
                pltpu.make_async_copy(
                    lin_hbm.at[idx_v.at[p, pl.ds(j * SUB, SUB)]],
                    rows_v.at[p, pl.ds(j * SUB, SUB), :],
                    sem,
                ).wait()

        def idx_fetch(h, p, sem):
            pltpu.async_copy(idst_hbm.at[h, pl.ds(b0, bw)], idx_v.at[p], sem)

        def idx_wait(h, p, sem):
            pltpu.make_async_copy(
                idst_hbm.at[h, pl.ds(b0, bw)], idx_v.at[p], sem
            ).wait()

        def transpose(p):
            @plsc.parallel_loop(0, bw // LANES, 1, unroll=2)
            def tr_body(bg):
                row_ids = bg * LANES + lane_iota
                btl = lax.shift_right_logical(row_ids, 7)
                bi = lax.bitwise_and(row_ids, 127)
                for blk in range(0, EMBED, TBLK):
                    vals = [
                        plsc.load_gather(
                            rows_v.at[p], [row_ids, diag_ids[d]]
                        )
                        for d in range(blk, blk + TBLK)
                    ]
                    for i, d in enumerate(range(blk, blk + TBLK)):
                        et = lax.shift_right_logical(diag_ids[d], 3)
                        ei = lax.bitwise_and(diag_ids[d], 7)
                        plsc.store_scatter(
                            slab_v.at[p], [et, btl, ei, bi], vals[i]
                        )

        def out_write(h, p, sem):
            pltpu.async_copy(
                slab_v.at[p],
                out_hbm.at[h, :, pl.ds(wid * (bw // 128), bw // 128)],
                sem,
            )

        def out_wait(h, p, sem):
            pltpu.make_async_copy(
                slab_v.at[p],
                out_hbm.at[h, :, pl.ds(wid * (bw // 128), bw // 128)],
                sem,
            ).wait()

        lax.fori_loop(0, conv_steps, conv_body, 0)
        plsc.subcore_barrier()

        pltpu.sync_copy(idst_hbm.at[0, pl.ds(b0, bw)], idx_v.at[0])
        idx_offset(0)
        fire_gathers(0, g_a)
        idx_fetch(1, 1, i_b)

        def body(hh, carry):
            h0 = 2 * hh
            h1 = h0 + 1
            drain_gathers(0, g_a)
            idx_wait(h1, 1, i_b)
            idx_offset(1)
            fire_gathers(1, g_b)

            @pl.when(hh < hist // 2 - 1)
            def _():
                idx_fetch(h0 + 2, 0, i_a)

            @pl.when(hh > 0)
            def _():
                out_wait(h0, 0, o_a)

            transpose(0)
            out_write(h0, 0, o_a)

            drain_gathers(1, g_b)

            @pl.when(hh < hist // 2 - 1)
            def _():
                idx_wait(h0 + 2, 0, i_a)
                idx_offset(0)
                fire_gathers(0, g_a)
                idx_fetch(h0 + 3, 1, i_b)

            @pl.when(hh > 0)
            def _():
                out_wait(h1, 1, o_b)

            transpose(1)
            out_write(h1, 1, o_b)
            return carry

        lax.fori_loop(0, hist // 2, body, 0)
        out_wait(hist - 2, 0, o_a)
        out_wait(hist - 1, 1, o_b)

    return gather_kernel


def kernel(input_ids, weight):
    batch, hist = input_ids.shape
    w_t = weight.T
    ids_t = input_ids.T.astype(jnp.int32)
    out5 = _make_gather(batch, hist)(w_t, ids_t)
    out = jnp.transpose(out5, (2, 4, 0, 1, 3))
    return out.reshape(batch, hist, 32)

# --- scband reference (transcript-rebuilt; emitter-appended) ---
"""Pipeline reference for scband-embedding-65730179498297 (READ-ONLY COPY).

The authoritative reference and input builder live on the scoring server;
editing this copy changes nothing except your own understanding.
"""

import jax, jax.numpy as jnp
import numpy as np
import math

VOCAB = 1000000
EMBED = 32
BATCH = 16384
HIST = 200
INIT_SCALE = 1.0

def setup_inputs(seed: int = 0) -> dict:
    key = jax.random.key(seed)
    k_ids, k_w = jax.random.split(key)
    input_ids = jax.random.randint(k_ids, (BATCH, HIST), 0, VOCAB, dtype=jnp.int64 if jax.config.jax_enable_x64 else jnp.int32)
    # weight init: truncated_normal(-3, 3) * (init_scale / sqrt(embed_size))
    weight = jax.random.truncated_normal(k_w, -3.0, 3.0, (VOCAB, EMBED), dtype=jnp.float32) * (INIT_SCALE / math.sqrt(EMBED))
    return {"input_ids": input_ids, "weight": weight}

def reference(input_ids, weight):
    # Embedding.embed: weight.take(Vocab, input_ids) -> gather rows along vocab axis
    input_embeds = jnp.take(weight, input_ids, axis=0)
    return input_embeds

if __name__ == "__main__":
    import jax
    _d = setup_inputs()
    print(jax.jit(kernel)(*tuple(_d.values())))

</pallas_src>

<mosaic_0001>
#map = affine_map<(d0, d1) -> (0, 0)>
#map1 = affine_map<(d0, d1) -> (0, 0, 0, 0, 0)>
module attributes {stable_mosaic.version = 14 : i64} {
  func.func @gather_kernel(%arg0: i32, %arg1: i32, %arg2: memref<32x1000000xf32, #tpu.memory_space<hbm>>, %arg3: memref<200x16384xi32, #tpu.memory_space<hbm>>, %arg4: memref<200x4x128x8x128xf32, #tpu.memory_space<hbm>>, %arg5: memref<2000000x32xf32, #tpu.memory_space<hbm>>, %arg6: memref<32x800xf32, #tpu.memory_space<vmem>>, %arg7: memref<800x32xf32, #tpu.memory_space<vmem>>, %arg8: memref<2x512xi32, #tpu.memory_space<vmem>>, %arg9: memref<2x512x32xf32, #tpu.memory_space<vmem>>, %arg10: memref<2x4x4x8x128xf32, #tpu.memory_space<vmem>>, %arg11: memref<!tpu.dma_semaphore, #tpu.memory_space<semaphore_mem>>, %arg12: memref<!tpu.dma_semaphore, #tpu.memory_space<semaphore_mem>>, %arg13: memref<!tpu.dma_semaphore, #tpu.memory_space<semaphore_mem>>, %arg14: memref<!tpu.dma_semaphore, #tpu.memory_space<semaphore_mem>>, %arg15: memref<!tpu.dma_semaphore, #tpu.memory_space<semaphore_mem>>, %arg16: memref<!tpu.dma_semaphore, #tpu.memory_space<semaphore_mem>>) attributes {dimension_semantics = [#tpu.dimension_semantics<core_parallel>, #tpu.dimension_semantics<subcore_parallel>], iteration_bounds = array<i64: 2, 16>, scalar_prefetch = 0 : i64, scratch_operands = 12 : i64, tpu.core_type = #tpu.core_type<sc_vector_subcore>, window_params = [{transform_indices = #map}, {transform_indices = #map}, {transform_indices = #map1}]} {
    %mul3A = arith.constant 2 : i32
    %mul3A_0 = arith.muli %arg1, %mul3A : i32
    %add3A = arith.addi %mul3A_0, %arg0 : i32
    %mul3A_1 = arith.constant 512 : i32
    %mul3A_2 = arith.muli %add3A, %mul3A_1 : i32
    %iota3A = tpu.iota {dimensions = array<i32: 0>} : vector<16xi32>
    %broadcast_in_dim3A = arith.constant 0 : i32
    %broadcast_in_dim3A_3 = vector.broadcast %broadcast_in_dim3A : i32 to vector<16xi32>
    %mul3A_4 = arith.constant 1000000 : i32
    %mul3A_5 = arith.muli %arg0, %mul3A_4 : i32
    %add3A_6 = vector.broadcast %mul3A_5 : i32 to vector<16xi32>
    %add3A_7 = arith.addi %broadcast_in_dim3A_3, %add3A_6 : vector<16xi32>
    %add3A_8 = arith.constant 0 : i32
    %add3A_9 = vector.broadcast %add3A_8 : i32 to vector<16xi32>
    %add3A_10 = arith.addi %iota3A, %add3A_9 : vector<16xi32>
    %and3A = arith.constant 31 : i32
    %and3A_11 = vector.broadcast %and3A : i32 to vector<16xi32>
    %and3A_12 = arith.andi %add3A_10, %and3A_11 : vector<16xi32>
    %add3A_13 = arith.constant 1 : i32
    %add3A_14 = vector.broadcast %add3A_13 : i32 to vector<16xi32>
    %add3A_15 = arith.addi %iota3A, %add3A_14 : vector<16xi32>
    %and3A_16 = arith.constant 31 : i32
    %and3A_17 = vector.broadcast %and3A_16 : i32 to vector<16xi32>
    %and3A_18 = arith.andi %add3A_15, %and3A_17 : vector<16xi32>
    %add3A_19 = arith.constant 2 : i32
    %add3A_20 = vector.broadcast %add3A_19 : i32 to vector<16xi32>
    %add3A_21 = arith.addi %iota3A, %add3A_20 : vector<16xi32>
    %and3A_22 = arith.constant 31 : i32
    %and3A_23 = vector.broadcast %and3A_22 : i32 to vector<16xi32>
    %and3A_24 = arith.andi %add3A_21, %and3A_23 : vector<16xi32>
    %add3A_25 = arith.constant 3 : i32
    %add3A_26 = vector.broadcast %add3A_25 : i32 to vector<16xi32>
    %add3A_27 = arith.addi %iota3A, %add3A_26 : vector<16xi32>
    %and3A_28 = arith.constant 31 : i32
    %and3A_29 = vector.broadcast %and3A_28 : i32 to vector<16xi32>
    %and3A_30 = arith.andi %add3A_27, %and3A_29 : vector<16xi32>
    %add3A_31 = arith.constant 4 : i32
    %add3A_32 = vector.broadcast %add3A_31 : i32 to vector<16xi32>
    %add3A_33 = arith.addi %iota3A, %add3A_32 : vector<16xi32>
    %and3A_34 = arith.constant 31 : i32
    %and3A_35 = vector.broadcast %and3A_34 : i32 to vector<16xi32>
    %and3A_36 = arith.andi %add3A_33, %and3A_35 : vector<16xi32>
    %add3A_37 = arith.constant 5 : i32
    %add3A_38 = vector.broadcast %add3A_37 : i32 to vector<16xi32>
    %add3A_39 = arith.addi %iota3A, %add3A_38 : vector<16xi32>
    %and3A_40 = arith.constant 31 : i32
    %and3A_41 = vector.broadcast %and3A_40 : i32 to vector<16xi32>
    %and3A_42 = arith.andi %add3A_39, %and3A_41 : vector<16xi32>
    %add3A_43 = arith.constant 6 : i32
    %add3A_44 = vector.broadcast %add3A_43 : i32 to vector<16xi32>
    %add3A_45 = arith.addi %iota3A, %add3A_44 : vector<16xi32>
    %and3A_46 = arith.constant 31 : i32
    %and3A_47 = vector.broadcast %and3A_46 : i32 to vector<16xi32>
    %and3A_48 = arith.andi %add3A_45, %and3A_47 : vector<16xi32>
    %add3A_49 = arith.constant 7 : i32
    %add3A_50 = vector.broadcast %add3A_49 : i32 to vector<16xi32>
    %add3A_51 = arith.addi %iota3A, %add3A_50 : vector<16xi32>
    %and3A_52 = arith.constant 31 : i32
    %and3A_53 = vector.broadcast %and3A_52 : i32 to vector<16xi32>
    %and3A_54 = arith.andi %add3A_51, %and3A_53 : vector<16xi32>
    %add3A_55 = arith.constant 8 : i32
    %add3A_56 = vector.broadcast %add3A_55 : i32 to vector<16xi32>
    %add3A_57 = arith.addi %iota3A, %add3A_56 : vector<16xi32>
    %and3A_58 = arith.constant 31 : i32
    %and3A_59 = vector.broadcast %and3A_58 : i32 to vector<16xi32>
    %and3A_60 = arith.andi %add3A_57, %and3A_59 : vector<16xi32>
    %add3A_61 = arith.constant 9 : i32
    %add3A_62 = vector.broadcast %add3A_61 : i32 to vector<16xi32>
    %add3A_63 = arith.addi %iota3A, %add3A_62 : vector<16xi32>
    %and3A_64 = arith.constant 31 : i32
    %and3A_65 = vector.broadcast %and3A_64 : i32 to vector<16xi32>
    %and3A_66 = arith.andi %add3A_63, %and3A_65 : vector<16xi32>
    %add3A_67 = arith.constant 10 : i32
    %add3A_68 = vector.broadcast %add3A_67 : i32 to vector<16xi32>
    %add3A_69 = arith.addi %iota3A, %add3A_68 : vector<16xi32>
    %and3A_70 = arith.constant 31 : i32
    %and3A_71 = vector.broadcast %and3A_70 : i32 to vector<16xi32>
    %and3A_72 = arith.andi %add3A_69, %and3A_71 : vector<16xi32>
    %add3A_73 = arith.constant 11 : i32
    %add3A_74 = vector.broadcast %add3A_73 : i32 to vector<16xi32>
    %add3A_75 = arith.addi %iota3A, %add3A_74 : vector<16xi32>
    %and3A_76 = arith.constant 31 : i32
    %and3A_77 = vector.broadcast %and3A_76 : i32 to vector<16xi32>
    %and3A_78 = arith.andi %add3A_75, %and3A_77 : vector<16xi32>
    %add3A_79 = arith.constant 12 : i32
    %add3A_80 = vector.broadcast %add3A_79 : i32 to vector<16xi32>
    %add3A_81 = arith.addi %iota3A, %add3A_80 : vector<16xi32>
    %and3A_82 = arith.constant 31 : i32
    %and3A_83 = vector.broadcast %and3A_82 : i32 to vector<16xi32>
    %and3A_84 = arith.andi %add3A_81, %and3A_83 : vector<16xi32>
    %add3A_85 = arith.constant 13 : i32
    %add3A_86 = vector.broadcast %add3A_85 : i32 to vector<16xi32>
    %add3A_87 = arith.addi %iota3A, %add3A_86 : vector<16xi32>
    %and3A_88 = arith.constant 31 : i32
    %and3A_89 = vector.broadcast %and3A_88 : i32 to vector<16xi32>
    %and3A_90 = arith.andi %add3A_87, %and3A_89 : vector<16xi32>
    %add3A_91 = arith.constant 14 : i32
    %add3A_92 = vector.broadcast %add3A_91 : i32 to vector<16xi32>
    %add3A_93 = arith.addi %iota3A, %add3A_92 : vector<16xi32>
    %and3A_94 = arith.constant 31 : i32
    %and3A_95 = vector.broadcast %and3A_94 : i32 to vector<16xi32>
    %and3A_96 = arith.andi %add3A_93, %and3A_95 : vector<16xi32>
    %add3A_97 = arith.constant 15 : i32
    %add3A_98 = vector.broadcast %add3A_97 : i32 to vector<16xi32>
    %add3A_99 = arith.addi %iota3A, %add3A_98 : vector<16xi32>
    %and3A_100 = arith.constant 31 : i32
    %and3A_101 = vector.broadcast %and3A_100 : i32 to vector<16xi32>
    %and3A_102 = arith.andi %add3A_99, %and3A_101 : vector<16xi32>
    %add3A_103 = arith.constant 16 : i32
    %add3A_104 = vector.broadcast %add3A_103 : i32 to vector<16xi32>
    %add3A_105 = arith.addi %iota3A, %add3A_104 : vector<16xi32>
    %and3A_106 = arith.constant 31 : i32
    %and3A_107 = vector.broadcast %and3A_106 : i32 to vector<16xi32>
    %and3A_108 = arith.andi %add3A_105, %and3A_107 : vector<16xi32>
    %add3A_109 = arith.constant 17 : i32
    %add3A_110 = vector.broadcast %add3A_109 : i32 to vector<16xi32>
    %add3A_111 = arith.addi %iota3A, %add3A_110 : vector<16xi32>
    %and3A_112 = arith.constant 31 : i32
    %and3A_113 = vector.broadcast %and3A_112 : i32 to vector<16xi32>
    %and3A_114 = arith.andi %add3A_111, %and3A_113 : vector<16xi32>
    %add3A_115 = arith.constant 18 : i32
    %add3A_116 = vector.broadcast %add3A_115 : i32 to vector<16xi32>
    %add3A_117 = arith.addi %iota3A, %add3A_116 : vector<16xi32>
    %and3A_118 = arith.constant 31 : i32
    %and3A_119 = vector.broadcast %and3A_118 : i32 to vector<16xi32>
    %and3A_120 = arith.andi %add3A_117, %and3A_119 : vector<16xi32>
    %add3A_121 = arith.constant 19 : i32
    %add3A_122 = vector.broadcast %add3A_121 : i32 to vector<16xi32>
    %add3A_123 = arith.addi %iota3A, %add3A_122 : vector<16xi32>
    %and3A_124 = arith.constant 31 : i32
    %and3A_125 = vector.broadcast %and3A_124 : i32 to vector<16xi32>
    %and3A_126 = arith.andi %add3A_123, %and3A_125 : vector<16xi32>
    %add3A_127 = arith.constant 20 : i32
    %add3A_128 = vector.broadcast %add3A_127 : i32 to vector<16xi32>
    %add3A_129 = arith.addi %iota3A, %add3A_128 : vector<16xi32>
    %and3A_130 = arith.constant 31 : i32
    %and3A_131 = vector.broadcast %and3A_130 : i32 to vector<16xi32>
    %and3A_132 = arith.andi %add3A_129, %and3A_131 : vector<16xi32>
    %add3A_133 = arith.constant 21 : i32
    %add3A_134 = vector.broadcast %add3A_133 : i32 to vector<16xi32>
    %add3A_135 = arith.addi %iota3A, %add3A_134 : vector<16xi32>
    %and3A_136 = arith.constant 31 : i32
    %and3A_137 = vector.broadcast %and3A_136 : i32 to vector<16xi32>
    %and3A_138 = arith.andi %add3A_135, %and3A_137 : vector<16xi32>
    %add3A_139 = arith.constant 22 : i32
    %add3A_140 = vector.broadcast %add3A_139 : i32 to vector<16xi32>
    %add3A_141 = arith.addi %iota3A, %add3A_140 : vector<16xi32>
    %and3A_142 = arith.constant 31 : i32
    %and3A_143 = vector.broadcast %and3A_142 : i32 to vector<16xi32>
    %and3A_144 = arith.andi %add3A_141, %and3A_143 : vector<16xi32>
    %add3A_145 = arith.constant 23 : i32
    %add3A_146 = vector.broadcast %add3A_145 : i32 to vector<16xi32>
    %add3A_147 = arith.addi %iota3A, %add3A_146 : vector<16xi32>
    %and3A_148 = arith.constant 31 : i32
    %and3A_149 = vector.broadcast %and3A_148 : i32 to vector<16xi32>
    %and3A_150 = arith.andi %add3A_147, %and3A_149 : vector<16xi32>
    %add3A_151 = arith.constant 24 : i32
    %add3A_152 = vector.broadcast %add3A_151 : i32 to vector<16xi32>
    %add3A_153 = arith.addi %iota3A, %add3A_152 : vector<16xi32>
    %and3A_154 = arith.constant 31 : i32
    %and3A_155 = vector.broadcast %and3A_154 : i32 to vector<16xi32>
    %and3A_156 = arith.andi %add3A_153, %and3A_155 : vector<16xi32>
    %add3A_157 = arith.constant 25 : i32
    %add3A_158 = vector.broadcast %add3A_157 : i32 to vector<16xi32>
    %add3A_159 = arith.addi %iota3A, %add3A_158 : vector<16xi32>
    %and3A_160 = arith.constant 31 : i32
    %and3A_161 = vector.broadcast %and3A_160 : i32 to vector<16xi32>
    %and3A_162 = arith.andi %add3A_159, %and3A_161 : vector<16xi32>
    %add3A_163 = arith.constant 26 : i32
    %add3A_164 = vector.broadcast %add3A_163 : i32 to vector<16xi32>
    %add3A_165 = arith.addi %iota3A, %add3A_164 : vector<16xi32>
    %and3A_166 = arith.constant 31 : i32
    %and3A_167 = vector.broadcast %and3A_166 : i32 to vector<16xi32>
    %and3A_168 = arith.andi %add3A_165, %and3A_167 : vector<16xi32>
    %add3A_169 = arith.constant 27 : i32
    %add3A_170 = vector.broadcast %add3A_169 : i32 to vector<16xi32>
    %add3A_171 = arith.addi %iota3A, %add3A_170 : vector<16xi32>
    %and3A_172 = arith.constant 31 : i32
    %and3A_173 = vector.broadcast %and3A_172 : i32 to vector<16xi32>
    %and3A_174 = arith.andi %add3A_171, %and3A_173 : vector<16xi32>
    %add3A_175 = arith.constant 28 : i32
    %add3A_176 = vector.broadcast %add3A_175 : i32 to vector<16xi32>
    %add3A_177 = arith.addi %iota3A, %add3A_176 : vector<16xi32>
    %and3A_178 = arith.constant 31 : i32
    %and3A_179 = vector.broadcast %and3A_178 : i32 to vector<16xi32>
    %and3A_180 = arith.andi %add3A_177, %and3A_179 : vector<16xi32>
    %add3A_181 = arith.constant 29 : i32
    %add3A_182 = vector.broadcast %add3A_181 : i32 to vector<16xi32>
    %add3A_183 = arith.addi %iota3A, %add3A_182 : vector<16xi32>
    %and3A_184 = arith.constant 31 : i32
    %and3A_185 = vector.broadcast %and3A_184 : i32 to vector<16xi32>
    %and3A_186 = arith.andi %add3A_183, %and3A_185 : vector<16xi32>
    %add3A_187 = arith.constant 30 : i32
    %add3A_188 = vector.broadcast %add3A_187 : i32 to vector<16xi32>
    %add3A_189 = arith.addi %iota3A, %add3A_188 : vector<16xi32>
    %and3A_190 = arith.constant 31 : i32
    %and3A_191 = vector.broadcast %and3A_190 : i32 to vector<16xi32>
    %and3A_192 = arith.andi %add3A_189, %and3A_191 : vector<16xi32>
    %add3A_193 = arith.constant 31 : i32
    %add3A_194 = vector.broadcast %add3A_193 : i32 to vector<16xi32>
    %add3A_195 = arith.addi %iota3A, %add3A_194 : vector<16xi32>
    %and3A_196 = arith.constant 31 : i32
    %and3A_197 = vector.broadcast %and3A_196 : i32 to vector<16xi32>
    %and3A_198 = arith.andi %add3A_195, %and3A_197 : vector<16xi32>
    %scan3A = arith.constant 0 : i32
    %scan3A_199 = arith.constant 0 : i32
    %scan3A_200 = arith.constant 79 : i32
    %scan3A_201 = arith.addi %scan3A_199, %scan3A_200 : i32
    %scan3A_202 = arith.constant 1 : i32
    scf.for %scan3A_323 = %scan3A_199 to %scan3A_201 step %scan3A_202  : i32 {
      %mul3A_324 = arith.constant 16 : i32
      %mul3A_325 = arith.muli %scan3A_323, %mul3A_324 : i32
      %add3A_326 = arith.addi %mul3A_325, %arg1 : i32
      %lt3A = arith.constant 1250 : i32
      %lt3A_327 = arith.cmpi slt, %add3A_326, %lt3A : i32
      %convert_element_type3A = arith.extui %lt3A_327 : i1 to i32
      %cond3A = arith.constant 0 : i32
      %cond3A_328 = arith.cmpi ne, %convert_element_type3A, %cond3A : i32
      scf.if %cond3A_328 {
        %mul3A_329 = arith.constant 800 : i32
        %mul3A_330 = arith.muli %add3A_326, %mul3A_329 : i32
        "tpu.region"() ({
          %run_scoped3A_337 = tpu.sem_alloc : memref<!tpu.dma_semaphore, #tpu.memory_space<semaphore_mem>>
          %dma_start3A_338 = arith.constant 0 : i32
          %dma_start3A_339 = tpu.memref_slice %arg2[%dma_start3A_338, %mul3A_330] : memref<32x1000000xf32, #tpu.memory_space<hbm>> -> memref<32x800xf32, #tpu.memory_space<hbm>>
          %dma_start3A_340 = arith.constant 0 : i32
          %dma_start3A_341 = tpu.memref_slice %arg2[%dma_start3A_340, %mul3A_330] : memref<32x1000000xf32, #tpu.memory_space<hbm>> -> memref<32x800xf32, #tpu.memory_space<hbm>>
          tpu.enqueue_dma source(%dma_start3A_341 : memref<32x800xf32, #tpu.memory_space<hbm>>) target(%arg6 : memref<32x800xf32, #tpu.memory_space<vmem>>) target_semaphore(%run_scoped3A_337 : memref<!tpu.dma_semaphore, #tpu.memory_space<semaphore_mem>>)
          %dma_wait3A_342 = arith.constant 0 : i32
          %dma_wait3A_343 = tpu.memref_slice %arg2[%dma_wait3A_342, %mul3A_330] : memref<32x1000000xf32, #tpu.memory_space<hbm>> -> memref<32x800xf32, #tpu.memory_space<hbm>>
          %dma_wait3A_344 = arith.constant 0 : i32
          %dma_wait3A_345 = tpu.memref_slice %arg2[%dma_wait3A_344, %mul3A_330] : memref<32x1000000xf32, #tpu.memory_space<hbm>> -> memref<32x800xf32, #tpu.memory_space<hbm>>
          tpu.wait_dma2 semaphore(%run_scoped3A_337 : memref<!tpu.dma_semaphore, #tpu.memory_space<semaphore_mem>>) src(%dma_wait3A_345 : memref<32x800xf32, #tpu.memory_space<hbm>>) dst(%arg6 : memref<32x800xf32, #tpu.memory_space<vmem>>)
          tpu.yield
        }) : () -> ()
        %parallel_loop3A_331 = arith.constant 0 : i32
        %parallel_loop3A_332 = arith.constant 50 : i32
        %parallel_loop3A_333 = arith.constant 1 : i32
        scf.for %parallel_loop3A_337 = %parallel_loop3A_331 to %parallel_loop3A_332 step %parallel_loop3A_333  : i32 {
          %parallel_loop3A_338 = arith.constant 16 : i32
          %parallel_loop3A_339 = arith.muli %parallel_loop3A_337, %parallel_loop3A_338 : i32
          %parallel_loop3A_340 = vector.broadcast %parallel_loop3A_339 : i32 to vector<16xi32>
          %parallel_loop3A_341 = arith.addi %parallel_loop3A_340, %iota3A : vector<16xi32>
          %parallel_loop3A_342 = tpu.vector_load_idx %arg6[%and3A_12, %parallel_loop3A_341] : memref<32x800xf32, #tpu.memory_space<vmem>>[vector<16xi32>, vector<16xi32>], vector<16xf32>,
          %parallel_loop3A_343 = tpu.vector_load_idx %arg6[%and3A_18, %parallel_loop3A_341] : memref<32x800xf32, #tpu.memory_space<vmem>>[vector<16xi32>, vector<16xi32>], vector<16xf32>,
          %parallel_loop3A_344 = tpu.vector_load_idx %arg6[%and3A_24, %parallel_loop3A_341] : memref<32x800xf32, #tpu.memory_space<vmem>>[vector<16xi32>, vector<16xi32>], vector<16xf32>,
          %parallel_loop3A_345 = tpu.vector_load_idx %arg6[%and3A_30, %parallel_loop3A_341] : memref<32x800xf32, #tpu.memory_space<vmem>>[vector<16xi32>, vector<16xi32>], vector<16xf32>,
          %parallel_loop3A_346 = tpu.vector_load_idx %arg6[%and3A_36, %parallel_loop3A_341] : memref<32x800xf32, #tpu.memory_space<vmem>>[vector<16xi32>, vector<16xi32>], vector<16xf32>,
          %parallel_loop3A_347 = tpu.vector_load_idx %arg6[%and3A_42, %parallel_loop3A_341] : memref<32x800xf32, #tpu.memory_space<vmem>>[vector<16xi32>, vector<16xi32>], vector<16xf32>,
          %parallel_loop3A_348 = tpu.vector_load_idx %arg6[%and3A_48, %parallel_loop3A_341] : memref<32x800xf32, #tpu.memory_space<vmem>>[vector<16xi32>, vector<16xi32>], vector<16xf32>,
          %parallel_loop3A_349 = tpu.vector_load_idx %arg6[%and3A_54, %parallel_loop3A_341] : memref<32x800xf32, #tpu.memory_space<vmem>>[vector<16xi32>, vector<16xi32>], vector<16xf32>,
          %parallel_loop3A_350 = tpu.vector_load_idx %arg6[%and3A_60, %parallel_loop3A_341] : memref<32x800xf32, #tpu.memory_space<vmem>>[vector<16xi32>, vector<16xi32>], vector<16xf32>,
          %parallel_loop3A_351 = tpu.vector_load_idx %arg6[%and3A_66, %parallel_loop3A_341] : memref<32x800xf32, #tpu.memory_space<vmem>>[vector<16xi32>, vector<16xi32>], vector<16xf32>,
          %parallel_loop3A_352 = tpu.vector_load_idx %arg6[%and3A_72, %parallel_loop3A_341] : memref<32x800xf32, #tpu.memory_space<vmem>>[vector<16xi32>, vector<16xi32>], vector<16xf32>,
          %parallel_loop3A_353 = tpu.vector_load_idx %arg6[%and3A_78, %parallel_loop3A_341] : memref<32x800xf32, #tpu.memory_space<vmem>>[vector<16xi32>, vector<16xi32>], vector<16xf32>,
          %parallel_loop3A_354 = tpu.vector_load_idx %arg6[%and3A_84, %parallel_loop3A_341] : memref<32x800xf32, #tpu.memory_space<vmem>>[vector<16xi32>, vector<16xi32>], vector<16xf32>,
          %parallel_loop3A_355 = tpu.vector_load_idx %arg6[%and3A_90, %parallel_loop3A_341] : memref<32x800xf32, #tpu.memory_space<vmem>>[vector<16xi32>, vector<16xi32>], vector<16xf32>,
          %parallel_loop3A_356 = tpu.vector_load_idx %arg6[%and3A_96, %parallel_loop3A_341] : memref<32x800xf32, #tpu.memory_space<vmem>>[vector<16xi32>, vector<16xi32>], vector<16xf32>,
          %parallel_loop3A_357 = tpu.vector_load_idx %arg6[%and3A_102, %parallel_loop3A_341] : memref<32x800xf32, #tpu.memory_space<vmem>>[vector<16xi32>, vector<16xi32>], vector<16xf32>,
          tpu.vector_store_idx %arg7[%parallel_loop3A_341, %and3A_12], %parallel_loop3A_342 : memref<800x32xf32, #tpu.memory_space<vmem>>[vector<16xi32>, vector<16xi32>], vector<16xf32>,
          tpu.vector_store_idx %arg7[%parallel_loop3A_341, %and3A_18], %parallel_loop3A_343 : memref<800x32xf32, #tpu.memory_space<vmem>>[vector<16xi32>, vector<16xi32>], vector<16xf32>,
          tpu.vector_store_idx %arg7[%parallel_loop3A_341, %and3A_24], %parallel_loop3A_344 : memref<800x32xf32, #tpu.memory_space<vmem>>[vector<16xi32>, vector<16xi32>], vector<16xf32>,
          tpu.vector_store_idx %arg7[%parallel_loop3A_341, %and3A_30], %parallel_loop3A_345 : memref<800x32xf32, #tpu.memory_space<vmem>>[vector<16xi32>, vector<16xi32>], vector<16xf32>,
          tpu.vector_store_idx %arg7[%parallel_loop3A_341, %and3A_36], %parallel_loop3A_346 : memref<800x32xf32, #tpu.memory_space<vmem>>[vector<16xi32>, vector<16xi32>], vector<16xf32>,
          tpu.vector_store_idx %arg7[%parallel_loop3A_341, %and3A_42], %parallel_loop3A_347 : memref<800x32xf32, #tpu.memory_space<vmem>>[vector<16xi32>, vector<16xi32>], vector<16xf32>,
          tpu.vector_store_idx %arg7[%parallel_loop3A_341, %and3A_48], %parallel_loop3A_348 : memref<800x32xf32, #tpu.memory_space<vmem>>[vector<16xi32>, vector<16xi32>], vector<16xf32>,
          tpu.vector_store_idx %arg7[%parallel_loop3A_341, %and3A_54], %parallel_loop3A_349 : memref<800x32xf32, #tpu.memory_space<vmem>>[vector<16xi32>, vector<16xi32>], vector<16xf32>,
          tpu.vector_store_idx %arg7[%parallel_loop3A_341, %and3A_60], %parallel_loop3A_350 : memref<800x32xf32, #tpu.memory_space<vmem>>[vector<16xi32>, vector<16xi32>], vector<16xf32>,
          tpu.vector_store_idx %arg7[%parallel_loop3A_341, %and3A_66], %parallel_loop3A_351 : memref<800x32xf32, #tpu.memory_space<vmem>>[vector<16xi32>, vector<16xi32>], vector<16xf32>,
          tpu.vector_store_idx %arg7[%parallel_loop3A_341, %and3A_72], %parallel_loop3A_352 : memref<800x32xf32, #tpu.memory_space<vmem>>[vector<16xi32>, vector<16xi32>], vector<16xf32>,
          tpu.vector_store_idx %arg7[%parallel_loop3A_341, %and3A_78], %parallel_loop3A_353 : memref<800x32xf32, #tpu.memory_space<vmem>>[vector<16xi32>, vector<16xi32>], vector<16xf32>,
          tpu.vector_store_idx %arg7[%parallel_loop3A_341, %and3A_84], %parallel_loop3A_354 : memref<800x32xf32, #tpu.memory_space<vmem>>[vector<16xi32>, vector<16xi32>], vector<16xf32>,
          tpu.vector_store_idx %arg7[%parallel_loop3A_341, %and3A_90], %parallel_loop3A_355 : memref<800x32xf32, #tpu.memory_space<vmem>>[vector<16xi32>, vector<16xi32>], vector<16xf32>,
          tpu.vector_store_idx %arg7[%parallel_loop3A_341, %and3A_96], %parallel_loop3A_356 : memref<800x32xf32, #tpu.memory_space<vmem>>[vector<16xi32>, vector<16xi32>], vector<16xf32>,
          tpu.vector_store_idx %arg7[%parallel_loop3A_341, %and3A_102], %parallel_loop3A_357 : memref<800x32xf32, #tpu.memory_space<vmem>>[vector<16xi32>, vector<16xi32>], vector<16xf32>,
          %parallel_loop3A_358 = tpu.vector_load_idx %arg6[%and3A_108, %parallel_loop3A_341] : memref<32x800xf32, #tpu.memory_space<vmem>>[vector<16xi32>, vector<16xi32>], vector<16xf32>,
          %parallel_loop3A_359 = tpu.vector_load_idx %arg6[%and3A_114, %parallel_loop3A_341] : memref<32x800xf32, #tpu.memory_space<vmem>>[vector<16xi32>, vector<16xi32>], vector<16xf32>,
          %parallel_loop3A_360 = tpu.vector_load_idx %arg6[%and3A_120, %parallel_loop3A_341] : memref<32x800xf32, #tpu.memory_space<vmem>>[vector<16xi32>, vector<16xi32>], vector<16xf32>,
          %parallel_loop3A_361 = tpu.vector_load_idx %arg6[%and3A_126, %parallel_loop3A_341] : memref<32x800xf32, #tpu.memory_space<vmem>>[vector<16xi32>, vector<16xi32>], vector<16xf32>,
          %parallel_loop3A_362 = tpu.vector_load_idx %arg6[%and3A_132, %parallel_loop3A_341] : memref<32x800xf32, #tpu.memory_space<vmem>>[vector<16xi32>, vector<16xi32>], vector<16xf32>,
          %parallel_loop3A_363 = tpu.vector_load_idx %arg6[%and3A_138, %parallel_loop3A_341] : memref<32x800xf32, #tpu.memory_space<vmem>>[vector<16xi32>, vector<16xi32>], vector<16xf32>,
          %parallel_loop3A_364 = tpu.vector_load_idx %arg6[%and3A_144, %parallel_loop3A_341] : memref<32x800xf32, #tpu.memory_space<vmem>>[vector<16xi32>, vector<16xi32>], vector<16xf32>,
          %parallel_loop3A_365 = tpu.vector_load_idx %arg6[%and3A_150, %parallel_loop3A_341] : memref<32x800xf32, #tpu.memory_space<vmem>>[vector<16xi32>, vector<16xi32>], vector<16xf32>,
          %parallel_loop3A_366 = tpu.vector_load_idx %arg6[%and3A_156, %parallel_loop3A_341] : memref<32x800xf32, #tpu.memory_space<vmem>>[vector<16xi32>, vector<16xi32>], vector<16xf32>,
          %parallel_loop3A_367 = tpu.vector_load_idx %arg6[%and3A_162, %parallel_loop3A_341] : memref<32x800xf32, #tpu.memory_space<vmem>>[vector<16xi32>, vector<16xi32>], vector<16xf32>,
          %parallel_loop3A_368 = tpu.vector_load_idx %arg6[%and3A_168, %parallel_loop3A_341] : memref<32x800xf32, #tpu.memory_space<vmem>>[vector<16xi32>, vector<16xi32>], vector<16xf32>,
          %parallel_loop3A_369 = tpu.vector_load_idx %arg6[%and3A_174, %parallel_loop3A_341] : memref<32x800xf32, #tpu.memory_space<vmem>>[vector<16xi32>, vector<16xi32>], vector<16xf32>,
          %parallel_loop3A_370 = tpu.vector_load_idx %arg6[%and3A_180, %parallel_loop3A_341] : memref<32x800xf32, #tpu.memory_space<vmem>>[vector<16xi32>, vector<16xi32>], vector<16xf32>,
          %parallel_loop3A_371 = tpu.vector_load_idx %arg6[%and3A_186, %parallel_loop3A_341] : memref<32x800xf32, #tpu.memory_space<vmem>>[vector<16xi32>, vector<16xi32>], vector<16xf32>,
          %parallel_loop3A_372 = tpu.vector_load_idx %arg6[%and3A_192, %parallel_loop3A_341] : memref<32x800xf32, #tpu.memory_space<vmem>>[vector<16xi32>, vector<16xi32>], vector<16xf32>,
          %parallel_loop3A_373 = tpu.vector_load_idx %arg6[%and3A_198, %parallel_loop3A_341] : memref<32x800xf32, #tpu.memory_space<vmem>>[vector<16xi32>, vector<16xi32>], vector<16xf32>,
          tpu.vector_store_idx %arg7[%parallel_loop3A_341, %and3A_108], %parallel_loop3A_358 : memref<800x32xf32, #tpu.memory_space<vmem>>[vector<16xi32>, vector<16xi32>], vector<16xf32>,
          tpu.vector_store_idx %arg7[%parallel_loop3A_341, %and3A_114], %parallel_loop3A_359 : memref<800x32xf32, #tpu.memory_space<vmem>>[vector<16xi32>, vector<16xi32>], vector<16xf32>,
          tpu.vector_store_idx %arg7[%parallel_loop3A_341, %and3A_120], %parallel_loop3A_360 : memref<800x32xf32, #tpu.memory_space<vmem>>[vector<16xi32>, vector<16xi32>], vector<16xf32>,
          tpu.vector_store_idx %arg7[%parallel_loop3A_341, %and3A_126], %parallel_loop3A_361 : memref<800x32xf32, #tpu.memory_space<vmem>>[vector<16xi32>, vector<16xi32>], vector<16xf32>,
          tpu.vector_store_idx %arg7[%parallel_loop3A_341, %and3A_132], %parallel_loop3A_362 : memref<800x32xf32, #tpu.memory_space<vmem>>[vector<16xi32>, vector<16xi32>], vector<16xf32>,
          tpu.vector_store_idx %arg7[%parallel_loop3A_341, %and3A_138], %parallel_loop3A_363 : memref<800x32xf32, #tpu.memory_space<vmem>>[vector<16xi32>, vector<16xi32>], vector<16xf32>,
          tpu.vector_store_idx %arg7[%parallel_loop3A_341, %and3A_144], %parallel_loop3A_364 : memref<800x32xf32, #tpu.memory_space<vmem>>[vector<16xi32>, vector<16xi32>], vector<16xf32>,
          tpu.vector_store_idx %arg7[%parallel_loop3A_341, %and3A_150], %parallel_loop3A_365 : memref<800x32xf32, #tpu.memory_space<vmem>>[vector<16xi32>, vector<16xi32>], vector<16xf32>,
          tpu.vector_store_idx %arg7[%parallel_loop3A_341, %and3A_156], %parallel_loop3A_366 : memref<800x32xf32, #tpu.memory_space<vmem>>[vector<16xi32>, vector<16xi32>], vector<16xf32>,
          tpu.vector_store_idx %arg7[%parallel_loop3A_341, %and3A_162], %parallel_loop3A_367 : memref<800x32xf32, #tpu.memory_space<vmem>>[vector<16xi32>, vector<16xi32>], vector<16xf32>,
          tpu.vector_store_idx %arg7[%parallel_loop3A_341, %and3A_168], %parallel_loop3A_368 : memref<800x32xf32, #tpu.memory_space<vmem>>[vector<16xi32>, vector<16xi32>], vector<16xf32>,
          tpu.vector_store_idx %arg7[%parallel_loop3A_341, %and3A_174], %parallel_loop3A_369 : memref<800x32xf32, #tpu.memory_space<vmem>>[vector<16xi32>, vector<16xi32>], vector<16xf32>,
          tpu.vector_store_idx %arg7[%parallel_loop3A_341, %and3A_180], %parallel_loop3A_370 : memref<800x32xf32, #tpu.memory_space<vmem>>[vector<16xi32>, vector<16xi32>], vector<16xf32>,
          tpu.vector_store_idx %arg7[%parallel_loop3A_341, %and3A_186], %parallel_loop3A_371 : memref<800x32xf32, #tpu.memory_space<vmem>>[vector<16xi32>, vector<16xi32>], vector<16xf32>,
          tpu.vector_store_idx %arg7[%parallel_loop3A_341, %and3A_192], %parallel_loop3A_372 : memref<800x32xf32, #tpu.memory_space<vmem>>[vector<16xi32>, vector<16xi32>], vector<16xf32>,
          tpu.vector_store_idx %arg7[%parallel_loop3A_341, %and3A_198], %parallel_loop3A_373 : memref<800x32xf32, #tpu.memory_space<vmem>>[vector<16xi32>, vector<16xi32>], vector<16xf32>,
        } {sc.loop_unroll_factor = 2 : i64, sc.parallel_access}
        %mul3A_334 = arith.constant 1000000 : i32
        %mul3A_335 = arith.muli %arg0, %mul3A_334 : i32
        %add3A_336 = arith.addi %mul3A_335, %mul3A_330 : i32
        "tpu.region"() ({
          %run_scoped3A_337 = tpu.sem_alloc : memref<!tpu.dma_semaphore, #tpu.memory_space<semaphore_mem>>
          %dma_start3A_338 = arith.constant 0 : i32
          %dma_start3A_339 = tpu.memref_slice %arg5[%add3A_336, %dma_start3A_338] : memref<2000000x32xf32, #tpu.memory_space<hbm>> -> memref<800x32xf32, #tpu.memory_space<hbm>>
          %dma_start3A_340 = arith.constant 0 : i32
          %dma_start3A_341 = tpu.memref_slice %arg5[%add3A_336, %dma_start3A_340] : memref<2000000x32xf32, #tpu.memory_space<hbm>> -> memref<800x32xf32, #tpu.memory_space<hbm>>
          tpu.enqueue_dma source(%arg7 : memref<800x32xf32, #tpu.memory_space<vmem>>) target(%dma_start3A_341 : memref<800x32xf32, #tpu.memory_space<hbm>>) target_semaphore(%run_scoped3A_337 : memref<!tpu.dma_semaphore, #tpu.memory_space<semaphore_mem>>)
          %dma_wait3A_342 = arith.constant 0 : i32
          %dma_wait3A_343 = tpu.memref_slice %arg5[%add3A_336, %dma_wait3A_342] : memref<2000000x32xf32, #tpu.memory_space<hbm>> -> memref<800x32xf32, #tpu.memory_space<hbm>>
          %dma_wait3A_344 = arith.constant 0 : i32
          %dma_wait3A_345 = tpu.memref_slice %arg5[%add3A_336, %dma_wait3A_344] : memref<2000000x32xf32, #tpu.memory_space<hbm>> -> memref<800x32xf32, #tpu.memory_space<hbm>>
          tpu.wait_dma2 semaphore(%run_scoped3A_337 : memref<!tpu.dma_semaphore, #tpu.memory_space<semaphore_mem>>) src(%arg7 : memref<800x32xf32, #tpu.memory_space<vmem>>) dst(%dma_wait3A_345 : memref<800x32xf32, #tpu.memory_space<hbm>>)
          tpu.yield
        }) : () -> ()
      } else {
      }
    }
    %scan3A_203 = arith.constant 79 : i32
    %barrier3A = arith.constant 0 : index
    tpu.barrier barrier_id(%barrier3A)
    %run_scoped3A = arith.constant 0 : i32
    %run_scoped3A_204 = arith.constant 0 : i32
    "tpu.region"() ({
      %run_scoped3A_323 = tpu.sem_alloc : memref<!tpu.dma_semaphore, #tpu.memory_space<semaphore_mem>>
      %dma_start3A_324 = arith.constant 0 : i32
      %dma_start3A_325 = tpu.memref_slice %arg8[%run_scoped3A_204, %dma_start3A_324] : memref<2x512xi32, #tpu.memory_space<vmem>> -> memref<1x512xi32, #tpu.memory_space<vmem>>
      %dma_start3A_326 = tpu.memref_squeeze %dma_start3A_325 : memref<1x512xi32, #tpu.memory_space<vmem>> -> memref<512xi32, #tpu.memory_space<vmem>>
      %dma_start3A_327 = tpu.memref_slice %arg3[%run_scoped3A, %mul3A_2] : memref<200x16384xi32, #tpu.memory_space<hbm>> -> memref<1x512xi32, #tpu.memory_space<hbm>>
      %dma_start3A_328 = tpu.memref_squeeze %dma_start3A_327 : memref<1x512xi32, #tpu.memory_space<hbm>> -> memref<512xi32, #tpu.memory_space<hbm>>
      %dma_start3A_329 = arith.constant 0 : i32
      %dma_start3A_330 = tpu.memref_slice %arg8[%run_scoped3A_204, %dma_start3A_329] : memref<2x512xi32, #tpu.memory_space<vmem>> -> memref<1x512xi32, #tpu.memory_space<vmem>>
      %dma_start3A_331 = tpu.memref_squeeze %dma_start3A_330 : memref<1x512xi32, #tpu.memory_space<vmem>> -> memref<512xi32, #tpu.memory_space<vmem>>
      %dma_start3A_332 = tpu.memref_slice %arg3[%run_scoped3A, %mul3A_2] : memref<200x16384xi32, #tpu.memory_space<hbm>> -> memref<1x512xi32, #tpu.memory_space<hbm>>
      %dma_start3A_333 = tpu.memref_squeeze %dma_start3A_332 : memref<1x512xi32, #tpu.memory_space<hbm>> -> memref<512xi32, #tpu.memory_space<hbm>>
      tpu.enqueue_dma source(%dma_start3A_333 : memref<512xi32, #tpu.memory_space<hbm>>) target(%dma_start3A_331 : memref<512xi32, #tpu.memory_space<vmem>>) target_semaphore(%run_scoped3A_323 : memref<!tpu.dma_semaphore, #tpu.memory_space<semaphore_mem>>)
      %dma_wait3A_334 = arith.constant 0 : i32
      %dma_wait3A_335 = tpu.memref_slice %arg8[%run_scoped3A_204, %dma_wait3A_334] : memref<2x512xi32, #tpu.memory_space<vmem>> -> memref<1x512xi32, #tpu.memory_space<vmem>>
      %dma_wait3A_336 = tpu.memref_squeeze %dma_wait3A_335 : memref<1x512xi32, #tpu.memory_space<vmem>> -> memref<512xi32, #tpu.memory_space<vmem>>
      %dma_wait3A_337 = tpu.memref_slice %arg3[%run_scoped3A, %mul3A_2] : memref<200x16384xi32, #tpu.memory_space<hbm>> -> memref<1x512xi32, #tpu.memory_space<hbm>>
      %dma_wait3A_338 = tpu.memref_squeeze %dma_wait3A_337 : memref<1x512xi32, #tpu.memory_space<hbm>> -> memref<512xi32, #tpu.memory_space<hbm>>
      %dma_wait3A_339 = arith.constant 0 : i32
      %dma_wait3A_340 = tpu.memref_slice %arg8[%run_scoped3A_204, %dma_wait3A_339] : memref<2x512xi32, #tpu.memory_space<vmem>> -> memref<1x512xi32, #tpu.memory_space<vmem>>
      %dma_wait3A_341 = tpu.memref_squeeze %dma_wait3A_340 : memref<1x512xi32, #tpu.memory_space<vmem>> -> memref<512xi32, #tpu.memory_space<vmem>>
      %dma_wait3A_342 = tpu.memref_slice %arg3[%run_scoped3A, %mul3A_2] : memref<200x16384xi32, #tpu.memory_space<hbm>> -> memref<1x512xi32, #tpu.memory_space<hbm>>
      %dma_wait3A_343 = tpu.memref_squeeze %dma_wait3A_342 : memref<1x512xi32, #tpu.memory_space<hbm>> -> memref<512xi32, #tpu.memory_space<hbm>>
      tpu.wait_dma2 semaphore(%run_scoped3A_323 : memref<!tpu.dma_semaphore, #tpu.memory_space<semaphore_mem>>) src(%dma_wait3A_343 : memref<512xi32, #tpu.memory_space<hbm>>) dst(%dma_wait3A_341 : memref<512xi32, #tpu.memory_space<vmem>>)
      tpu.yield
    }) : () -> ()
    %parallel_loop3A = arith.constant 0 : i32
    %parallel_loop3A_205 = arith.constant 32 : i32
    %parallel_loop3A_206 = arith.constant 1 : i32
    scf.for %parallel_loop3A_323 = %parallel_loop3A to %parallel_loop3A_205 step %parallel_loop3A_206  : i32 {
      %parallel_loop3A_324 = arith.constant 16 : i32
      %parallel_loop3A_325 = arith.muli %parallel_loop3A_323, %parallel_loop3A_324 : i32
      %parallel_loop3A_326 = arith.constant 0 : i32
      %parallel_loop3A_327 = arith.index_cast %parallel_loop3A_326 : i32 to index
      %parallel_loop3A_328 = arith.index_cast %parallel_loop3A_325 : i32 to index
      %parallel_loop3A_329 = tpu.vector_load %arg8[%parallel_loop3A_327, %parallel_loop3A_328] {strides = array<i32>} : memref<2x512xi32, #tpu.memory_space<vmem>>, vector<16xi32>,
      %parallel_loop3A_330 = arith.addi %parallel_loop3A_329, %add3A_7 : vector<16xi32>
      %parallel_loop3A_331 = arith.constant 16 : i32
      %parallel_loop3A_332 = arith.muli %parallel_loop3A_323, %parallel_loop3A_331 : i32
      %parallel_loop3A_333 = arith.constant 0 : i32
      %parallel_loop3A_334 = arith.index_cast %parallel_loop3A_333 : i32 to index
      %parallel_loop3A_335 = arith.index_cast %parallel_loop3A_332 : i32 to index
      %parallel_loop3A_336 = tpu.vector_load %arg8[%parallel_loop3A_334, %parallel_loop3A_335] {strides = array<i32>} : memref<2x512xi32, #tpu.memory_space<vmem>>, vector<16xi32>,
      tpu.vector_store %arg8[%parallel_loop3A_334, %parallel_loop3A_335], %parallel_loop3A_330 {strides = array<i32>} : memref<2x512xi32, #tpu.memory_space<vmem>>, vector<16xi32>,
    } {sc.loop_unroll_factor = 2 : i64, sc.parallel_access}
    %dma_start3A = arith.constant 0 : i32
    %dma_start3A_207 = arith.constant 0 : i32
    %dma_start3A_208 = arith.constant 0 : i32
    %dma_start3A_209 = arith.constant 0 : i32
    %dma_start3A_210 = tpu.memref_slice %arg9[%dma_start3A_207, %dma_start3A_208, %dma_start3A_209] : memref<2x512x32xf32, #tpu.memory_space<vmem>> -> memref<1x128x32xf32, #tpu.memory_space<vmem>>
    %dma_start3A_211 = tpu.memref_squeeze %dma_start3A_210 : memref<1x128x32xf32, #tpu.memory_space<vmem>> -> memref<128x32xf32, #tpu.memory_space<vmem>>
    %dma_start3A_212 = arith.constant 0 : i32
    %dma_start3A_213 = tpu.memref_slice %arg8[%dma_start3A, %dma_start3A_212] : memref<2x512xi32, #tpu.memory_space<vmem>> -> memref<1x128xi32, #tpu.memory_space<vmem>>
    %dma_start3A_214 = tpu.memref_squeeze %dma_start3A_213 : memref<1x128xi32, #tpu.memory_space<vmem>> -> memref<128xi32, #tpu.memory_space<vmem>>
    %dma_start3A_215 = arith.constant 0 : i32
    %dma_start3A_216 = arith.constant 0 : i32
    %dma_start3A_217 = tpu.memref_slice %arg5[%dma_start3A_215, %dma_start3A_216] : memref<2000000x32xf32, #tpu.memory_space<hbm>> -> memref<2000000x32xf32, #tpu.memory_space<hbm>>
    tpu.enqueue_indirect_dma source(%dma_start3A_217 : memref<2000000x32xf32, #tpu.memory_space<hbm>>) target(%dma_start3A_211 : memref<128x32xf32, #tpu.memory_space<vmem>>) offsets(%dma_start3A_214 : memref<128xi32, #tpu.memory_space<vmem>>) semaphore(%arg11 : memref<!tpu.dma_semaphore, #tpu.memory_space<semaphore_mem>>)
    %dma_start3A_218 = arith.constant 0 : i32
    %dma_start3A_219 = arith.constant 0 : i32
    %dma_start3A_220 = arith.constant 128 : i32
    %dma_start3A_221 = arith.constant 0 : i32
    %dma_start3A_222 = tpu.memref_slice %arg9[%dma_start3A_219, %dma_start3A_220, %dma_start3A_221] : memref<2x512x32xf32, #tpu.memory_space<vmem>> -> memref<1x128x32xf32, #tpu.memory_space<vmem>>
    %dma_start3A_223 = tpu.memref_squeeze %dma_start3A_222 : memref<1x128x32xf32, #tpu.memory_space<vmem>> -> memref<128x32xf32, #tpu.memory_space<vmem>>
    %dma_start3A_224 = arith.constant 128 : i32
    %dma_start3A_225 = tpu.memref_slice %arg8[%dma_start3A_218, %dma_start3A_224] : memref<2x512xi32, #tpu.memory_space<vmem>> -> memref<1x128xi32, #tpu.memory_space<vmem>>
    %dma_start3A_226 = tpu.memref_squeeze %dma_start3A_225 : memref<1x128xi32, #tpu.memory_space<vmem>> -> memref<128xi32, #tpu.memory_space<vmem>>
    %dma_start3A_227 = arith.constant 0 : i32
    %dma_start3A_228 = arith.constant 0 : i32
    %dma_start3A_229 = tpu.memref_slice %arg5[%dma_start3A_227, %dma_start3A_228] : memref<2000000x32xf32, #tpu.memory_space<hbm>> -> memref<2000000x32xf32, #tpu.memory_space<hbm>>
    tpu.enqueue_indirect_dma source(%dma_start3A_229 : memref<2000000x32xf32, #tpu.memory_space<hbm>>) target(%dma_start3A_223 : memref<128x32xf32, #tpu.memory_space<vmem>>) offsets(%dma_start3A_226 : memref<128xi32, #tpu.memory_space<vmem>>) semaphore(%arg11 : memref<!tpu.dma_semaphore, #tpu.memory_space<semaphore_mem>>)
    %dma_start3A_230 = arith.constant 0 : i32
    %dma_start3A_231 = arith.constant 0 : i32
    %dma_start3A_232 = arith.constant 256 : i32
    %dma_start3A_233 = arith.constant 0 : i32
    %dma_start3A_234 = tpu.memref_slice %arg9[%dma_start3A_231, %dma_start3A_232, %dma_start3A_233] : memref<2x512x32xf32, #tpu.memory_space<vmem>> -> memref<1x128x32xf32, #tpu.memory_space<vmem>>
    %dma_start3A_235 = tpu.memref_squeeze %dma_start3A_234 : memref<1x128x32xf32, #tpu.memory_space<vmem>> -> memref<128x32xf32, #tpu.memory_space<vmem>>
    %dma_start3A_236 = arith.constant 256 : i32
    %dma_start3A_237 = tpu.memref_slice %arg8[%dma_start3A_230, %dma_start3A_236] : memref<2x512xi32, #tpu.memory_space<vmem>> -> memref<1x128xi32, #tpu.memory_space<vmem>>
    %dma_start3A_238 = tpu.memref_squeeze %dma_start3A_237 : memref<1x128xi32, #tpu.memory_space<vmem>> -> memref<128xi32, #tpu.memory_space<vmem>>
    %dma_start3A_239 = arith.constant 0 : i32
    %dma_start3A_240 = arith.constant 0 : i32
    %dma_start3A_241 = tpu.memref_slice %arg5[%dma_start3A_239, %dma_start3A_240] : memref<2000000x32xf32, #tpu.memory_space<hbm>> -> memref<2000000x32xf32, #tpu.memory_space<hbm>>
    tpu.enqueue_indirect_dma source(%dma_start3A_241 : memref<2000000x32xf32, #tpu.memory_space<hbm>>) target(%dma_start3A_235 : memref<128x32xf32, #tpu.memory_space<vmem>>) offsets(%dma_start3A_238 : memref<128xi32, #tpu.memory_space<vmem>>) semaphore(%arg11 : memref<!tpu.dma_semaphore, #tpu.memory_space<semaphore_mem>>)
    %dma_start3A_242 = arith.constant 0 : i32
    %dma_start3A_243 = arith.constant 0 : i32
    %dma_start3A_244 = arith.constant 384 : i32
    %dma_start3A_245 = arith.constant 0 : i32
    %dma_start3A_246 = tpu.memref_slice %arg9[%dma_start3A_243, %dma_start3A_244, %dma_start3A_245] : memref<2x512x32xf32, #tpu.memory_space<vmem>> -> memref<1x128x32xf32, #tpu.memory_space<vmem>>
    %dma_start3A_247 = tpu.memref_squeeze %dma_start3A_246 : memref<1x128x32xf32, #tpu.memory_space<vmem>> -> memref<128x32xf32, #tpu.memory_space<vmem>>
    %dma_start3A_248 = arith.constant 384 : i32
    %dma_start3A_249 = tpu.memref_slice %arg8[%dma_start3A_242, %dma_start3A_248] : memref<2x512xi32, #tpu.memory_space<vmem>> -> memref<1x128xi32, #tpu.memory_space<vmem>>
    %dma_start3A_250 = tpu.memref_squeeze %dma_start3A_249 : memref<1x128xi32, #tpu.memory_space<vmem>> -> memref<128xi32, #tpu.memory_space<vmem>>
    %dma_start3A_251 = arith.constant 0 : i32
    %dma_start3A_252 = arith.constant 0 : i32
    %dma_start3A_253 = tpu.memref_slice %arg5[%dma_start3A_251, %dma_start3A_252] : memref<2000000x32xf32, #tpu.memory_space<hbm>> -> memref<2000000x32xf32, #tpu.memory_space<hbm>>
    tpu.enqueue_indirect_dma source(%dma_start3A_253 : memref<2000000x32xf32, #tpu.memory_space<hbm>>) target(%dma_start3A_247 : memref<128x32xf32, #tpu.memory_space<vmem>>) offsets(%dma_start3A_250 : memref<128xi32, #tpu.memory_space<vmem>>) semaphore(%arg11 : memref<!tpu.dma_semaphore, #tpu.memory_space<semaphore_mem>>)
    %dma_start3A_254 = arith.constant 1 : i32
    %dma_start3A_255 = arith.constant 1 : i32
    %dma_start3A_256 = arith.constant 0 : i32
    %dma_start3A_257 = tpu.memref_slice %arg8[%dma_start3A_255, %dma_start3A_256] : memref<2x512xi32, #tpu.memory_space<vmem>> -> memref<1x512xi32, #tpu.memory_space<vmem>>
    %dma_start3A_258 = tpu.memref_squeeze %dma_start3A_257 : memref<1x512xi32, #tpu.memory_space<vmem>> -> memref<512xi32, #tpu.memory_space<vmem>>
    %dma_start3A_259 = tpu.memref_slice %arg3[%dma_start3A_254, %mul3A_2] : memref<200x16384xi32, #tpu.memory_space<hbm>> -> memref<1x512xi32, #tpu.memory_space<hbm>>
    %dma_start3A_260 = tpu.memref_squeeze %dma_start3A_259 : memref<1x512xi32, #tpu.memory_space<hbm>> -> memref<512xi32, #tpu.memory_space<hbm>>
    %dma_start3A_261 = arith.constant 0 : i32
    %dma_start3A_262 = tpu.memref_slice %arg8[%dma_start3A_255, %dma_start3A_261] : memref<2x512xi32, #tpu.memory_space<vmem>> -> memref<1x512xi32, #tpu.memory_space<vmem>>
    %dma_start3A_263 = tpu.memref_squeeze %dma_start3A_262 : memref<1x512xi32, #tpu.memory_space<vmem>> -> memref<512xi32, #tpu.memory_space<vmem>>
    %dma_start3A_264 = tpu.memref_slice %arg3[%dma_start3A_254, %mul3A_2] : memref<200x16384xi32, #tpu.memory_space<hbm>> -> memref<1x512xi32, #tpu.memory_space<hbm>>
    %dma_start3A_265 = tpu.memref_squeeze %dma_start3A_264 : memref<1x512xi32, #tpu.memory_space<hbm>> -> memref<512xi32, #tpu.memory_space<hbm>>
    tpu.enqueue_dma source(%dma_start3A_265 : memref<512xi32, #tpu.memory_space<hbm>>) target(%dma_start3A_263 : memref<512xi32, #tpu.memory_space<vmem>>) target_semaphore(%arg14 : memref<!tpu.dma_semaphore, #tpu.memory_space<semaphore_mem>>)
    %scan3A_266 = arith.constant 0 : i32
    %scan3A_267 = arith.constant 0 : i32
    %scan3A_268 = arith.constant 100 : i32
    %scan3A_269 = arith.addi %scan3A_267, %scan3A_268 : i32
    %scan3A_270 = arith.constant 1 : i32
    scf.for %scan3A_323 = %scan3A_267 to %scan3A_269 step %scan3A_270  : i32 {
      %mul3A_324 = arith.constant 2 : i32
      %mul3A_325 = arith.muli %mul3A_324, %scan3A_323 : i32
      %add3A_326 = arith.constant 1 : i32
      %add3A_327 = arith.addi %mul3A_325, %add3A_326 : i32
      %dma_wait3A_328 = arith.constant 0 : i32
      %dma_wait3A_329 = arith.constant 0 : i32
      %dma_wait3A_330 = arith.constant 0 : i32
      %dma_wait3A_331 = arith.constant 0 : i32
      %dma_wait3A_332 = tpu.memref_slice %arg9[%dma_wait3A_329, %dma_wait3A_330, %dma_wait3A_331] : memref<2x512x32xf32, #tpu.memory_space<vmem>> -> memref<1x128x32xf32, #tpu.memory_space<vmem>>
      %dma_wait3A_333 = tpu.memref_squeeze %dma_wait3A_332 : memref<1x128x32xf32, #tpu.memory_space<vmem>> -> memref<128x32xf32, #tpu.memory_space<vmem>>
      %dma_wait3A_334 = arith.constant 0 : i32
      %dma_wait3A_335 = tpu.memref_slice %arg8[%dma_wait3A_328, %dma_wait3A_334] : memref<2x512xi32, #tpu.memory_space<vmem>> -> memref<1x128xi32, #tpu.memory_space<vmem>>
      %dma_wait3A_336 = tpu.memref_squeeze %dma_wait3A_335 : memref<1x128xi32, #tpu.memory_space<vmem>> -> memref<128xi32, #tpu.memory_space<vmem>>
      %dma_wait3A_337 = arith.constant 0 : i32
      %dma_wait3A_338 = arith.constant 0 : i32
      %dma_wait3A_339 = tpu.memref_slice %arg5[%dma_wait3A_337, %dma_wait3A_338] : memref<2000000x32xf32, #tpu.memory_space<hbm>> -> memref<2000000x32xf32, #tpu.memory_space<hbm>>
      tpu.wait_indirect_dma semaphore(%arg11 : memref<!tpu.dma_semaphore, #tpu.memory_space<semaphore_mem>>) src(%dma_wait3A_339 : memref<2000000x32xf32, #tpu.memory_space<hbm>>) dst(%dma_wait3A_333 : memref<128x32xf32, #tpu.memory_space<vmem>>)
      %dma_wait3A_340 = arith.constant 0 : i32
      %dma_wait3A_341 = arith.constant 0 : i32
      %dma_wait3A_342 = arith.constant 128 : i32
      %dma_wait3A_343 = arith.constant 0 : i32
      %dma_wait3A_344 = tpu.memref_slice %arg9[%dma_wait3A_341, %dma_wait3A_342, %dma_wait3A_343] : memref<2x512x32xf32, #tpu.memory_space<vmem>> -> memref<1x128x32xf32, #tpu.memory_space<vmem>>
      %dma_wait3A_345 = tpu.memref_squeeze %dma_wait3A_344 : memref<1x128x32xf32, #tpu.memory_space<vmem>> -> memref<128x32xf32, #tpu.memory_space<vmem>>
      %dma_wait3A_346 = arith.constant 128 : i32
      %dma_wait3A_347 = tpu.memref_slice %arg8[%dma_wait3A_340, %dma_wait3A_346] : memref<2x512xi32, #tpu.memory_space<vmem>> -> memref<1x128xi32, #tpu.memory_space<vmem>>
      %dma_wait3A_348 = tpu.memref_squeeze %dma_wait3A_347 : memref<1x128xi32, #tpu.memory_space<vmem>> -> memref<128xi32, #tpu.memory_space<vmem>>
      %dma_wait3A_349 = arith.constant 0 : i32
      %dma_wait3A_350 = arith.constant 0 : i32
      %dma_wait3A_351 = tpu.memref_slice %arg5[%dma_wait3A_349, %dma_wait3A_350] : memref<2000000x32xf32, #tpu.memory_space<hbm>> -> memref<2000000x32xf32, #tpu.memory_space<hbm>>
      tpu.wait_indirect_dma semaphore(%arg11 : memref<!tpu.dma_semaphore, #tpu.memory_space<semaphore_mem>>) src(%dma_wait3A_351 : memref<2000000x32xf32, #tpu.memory_space<hbm>>) dst(%dma_wait3A_345 : memref<128x32xf32, #tpu.memory_space<vmem>>)
      %dma_wait3A_352 = arith.constant 0 : i32
      %dma_wait3A_353 = arith.constant 0 : i32
      %dma_wait3A_354 = arith.constant 256 : i32
      %dma_wait3A_355 = arith.constant 0 : i32
      %dma_wait3A_356 = tpu.memref_slice %arg9[%dma_wait3A_353, %dma_wait3A_354, %dma_wait3A_355] : memref<2x512x32xf32, #tpu.memory_space<vmem>> -> memref<1x128x32xf32, #tpu.memory_space<vmem>>
      %dma_wait3A_357 = tpu.memref_squeeze %dma_wait3A_356 : memref<1x128x32xf32, #tpu.memory_space<vmem>> -> memref<128x32xf32, #tpu.memory_space<vmem>>
      %dma_wait3A_358 = arith.constant 256 : i32
      %dma_wait3A_359 = tpu.memref_slice %arg8[%dma_wait3A_352, %dma_wait3A_358] : memref<2x512xi32, #tpu.memory_space<vmem>> -> memref<1x128xi32, #tpu.memory_space<vmem>>
      %dma_wait3A_360 = tpu.memref_squeeze %dma_wait3A_359 : memref<1x128xi32, #tpu.memory_space<vmem>> -> memref<128xi32, #tpu.memory_space<vmem>>
      %dma_wait3A_361 = arith.constant 0 : i32
      %dma_wait3A_362 = arith.constant 0 : i32
      %dma_wait3A_363 = tpu.memref_slice %arg5[%dma_wait3A_361, %dma_wait3A_362] : memref<2000000x32xf32, #tpu.memory_space<hbm>> -> memref<2000000x32xf32, #tpu.memory_space<hbm>>
      tpu.wait_indirect_dma semaphore(%arg11 : memref<!tpu.dma_semaphore, #tpu.memory_space<semaphore_mem>>) src(%dma_wait3A_363 : memref<2000000x32xf32, #tpu.memory_space<hbm>>) dst(%dma_wait3A_357 : memref<128x32xf32, #tpu.memory_space<vmem>>)
      %dma_wait3A_364 = arith.constant 0 : i32
      %dma_wait3A_365 = arith.constant 0 : i32
      %dma_wait3A_366 = arith.constant 384 : i32
      %dma_wait3A_367 = arith.constant 0 : i32
      %dma_wait3A_368 = tpu.memref_slice %arg9[%dma_wait3A_365, %dma_wait3A_366, %dma_wait3A_367] : memref<2x512x32xf32, #tpu.memory_space<vmem>> -> memref<1x128x32xf32, #tpu.memory_space<vmem>>
      %dma_wait3A_369 = tpu.memref_squeeze %dma_wait3A_368 : memref<1x128x32xf32, #tpu.memory_space<vmem>> -> memref<128x32xf32, #tpu.memory_space<vmem>>
      %dma_wait3A_370 = arith.constant 384 : i32
      %dma_wait3A_371 = tpu.memref_slice %arg8[%dma_wait3A_364, %dma_wait3A_370] : memref<2x512xi32, #tpu.memory_space<vmem>> -> memref<1x128xi32, #tpu.memory_space<vmem>>
      %dma_wait3A_372 = tpu.memref_squeeze %dma_wait3A_371 : memref<1x128xi32, #tpu.memory_space<vmem>> -> memref<128xi32, #tpu.memory_space<vmem>>
      %dma_wait3A_373 = arith.constant 0 : i32
      %dma_wait3A_374 = arith.constant 0 : i32
      %dma_wait3A_375 = tpu.memref_slice %arg5[%dma_wait3A_373, %dma_wait3A_374] : memref<2000000x32xf32, #tpu.memory_space<hbm>> -> memref<2000000x32xf32, #tpu.memory_space<hbm>>
      tpu.wait_indirect_dma semaphore(%arg11 : memref<!tpu.dma_semaphore, #tpu.memory_space<semaphore_mem>>) src(%dma_wait3A_375 : memref<2000000x32xf32, #tpu.memory_space<hbm>>) dst(%dma_wait3A_369 : memref<128x32xf32, #tpu.memory_space<vmem>>)
      %dma_wait3A_376 = arith.constant 1 : i32
      %dma_wait3A_377 = arith.constant 0 : i32
      %dma_wait3A_378 = tpu.memref_slice %arg8[%dma_wait3A_376, %dma_wait3A_377] : memref<2x512xi32, #tpu.memory_space<vmem>> -> memref<1x512xi32, #tpu.memory_space<vmem>>
      %dma_wait3A_379 = tpu.memref_squeeze %dma_wait3A_378 : memref<1x512xi32, #tpu.memory_space<vmem>> -> memref<512xi32, #tpu.memory_space<vmem>>
      %dma_wait3A_380 = tpu.memref_slice %arg3[%add3A_327, %mul3A_2] : memref<200x16384xi32, #tpu.memory_space<hbm>> -> memref<1x512xi32, #tpu.memory_space<hbm>>
      %dma_wait3A_381 = tpu.memref_squeeze %dma_wait3A_380 : memref<1x512xi32, #tpu.memory_space<hbm>> -> memref<512xi32, #tpu.memory_space<hbm>>
      %dma_wait3A_382 = arith.constant 0 : i32
      %dma_wait3A_383 = tpu.memref_slice %arg8[%dma_wait3A_376, %dma_wait3A_382] : memref<2x512xi32, #tpu.memory_space<vmem>> -> memref<1x512xi32, #tpu.memory_space<vmem>>
      %dma_wait3A_384 = tpu.memref_squeeze %dma_wait3A_383 : memref<1x512xi32, #tpu.memory_space<vmem>> -> memref<512xi32, #tpu.memory_space<vmem>>
      %dma_wait3A_385 = tpu.memref_slice %arg3[%add3A_327, %mul3A_2] : memref<200x16384xi32, #tpu.memory_space<hbm>> -> memref<1x512xi32, #tpu.memory_space<hbm>>
      %dma_wait3A_386 = tpu.memref_squeeze %dma_wait3A_385 : memref<1x512xi32, #tpu.memory_space<hbm>> -> memref<512xi32, #tpu.memory_space<hbm>>
      tpu.wait_dma2 semaphore(%arg14 : memref<!tpu.dma_semaphore, #tpu.memory_space<semaphore_mem>>) src(%dma_wait3A_386 : memref<512xi32, #tpu.memory_space<hbm>>) dst(%dma_wait3A_384 : memref<512xi32, #tpu.memory_space<vmem>>)
      %parallel_loop3A_387 = arith.constant 0 : i32
      %parallel_loop3A_388 = arith.constant 32 : i32
      %parallel_loop3A_389 = arith.constant 1 : i32
      scf.for %parallel_loop3A_558 = %parallel_loop3A_387 to %parallel_loop3A_388 step %parallel_loop3A_389  : i32 {
        %parallel_loop3A_559 = arith.constant 16 : i32
        %parallel_loop3A_560 = arith.muli %parallel_loop3A_558, %parallel_loop3A_559 : i32
        %parallel_loop3A_561 = arith.constant 1 : i32
        %parallel_loop3A_562 = arith.index_cast %parallel_loop3A_561 : i32 to index
        %parallel_loop3A_563 = arith.index_cast %parallel_loop3A_560 : i32 to index
        %parallel_loop3A_564 = tpu.vector_load %arg8[%parallel_loop3A_562, %parallel_loop3A_563] {strides = array<i32>} : memref<2x512xi32, #tpu.memory_space<vmem>>, vector<16xi32>,
        %parallel_loop3A_565 = arith.addi %parallel_loop3A_564, %add3A_7 : vector<16xi32>
        %parallel_loop3A_566 = arith.constant 16 : i32
        %parallel_loop3A_567 = arith.muli %parallel_loop3A_558, %parallel_loop3A_566 : i32
        %parallel_loop3A_568 = arith.constant 1 : i32
        %parallel_loop3A_569 = arith.index_cast %parallel_loop3A_568 : i32 to index
        %parallel_loop3A_570 = arith.index_cast %parallel_loop3A_567 : i32 to index
        %parallel_loop3A_571 = tpu.vector_load %arg8[%parallel_loop3A_569, %parallel_loop3A_570] {strides = array<i32>} : memref<2x512xi32, #tpu.memory_space<vmem>>, vector<16xi32>,
        tpu.vector_store %arg8[%parallel_loop3A_569, %parallel_loop3A_570], %parallel_loop3A_565 {strides = array<i32>} : memref<2x512xi32, #tpu.memory_space<vmem>>, vector<16xi32>,
      } {sc.loop_unroll_factor = 2 : i64, sc.parallel_access}
      %dma_start3A_390 = arith.constant 1 : i32
      %dma_start3A_391 = arith.constant 1 : i32
      %dma_start3A_392 = arith.constant 0 : i32
      %dma_start3A_393 = arith.constant 0 : i32
      %dma_start3A_394 = tpu.memref_slice %arg9[%dma_start3A_391, %dma_start3A_392, %dma_start3A_393] : memref<2x512x32xf32, #tpu.memory_space<vmem>> -> memref<1x128x32xf32, #tpu.memory_space<vmem>>
      %dma_start3A_395 = tpu.memref_squeeze %dma_start3A_394 : memref<1x128x32xf32, #tpu.memory_space<vmem>> -> memref<128x32xf32, #tpu.memory_space<vmem>>
      %dma_start3A_396 = arith.constant 0 : i32
      %dma_start3A_397 = tpu.memref_slice %arg8[%dma_start3A_390, %dma_start3A_396] : memref<2x512xi32, #tpu.memory_space<vmem>> -> memref<1x128xi32, #tpu.memory_space<vmem>>
      %dma_start3A_398 = tpu.memref_squeeze %dma_start3A_397 : memref<1x128xi32, #tpu.memory_space<vmem>> -> memref<128xi32, #tpu.memory_space<vmem>>
      %dma_start3A_399 = arith.constant 0 : i32
      %dma_start3A_400 = arith.constant 0 : i32
      %dma_start3A_401 = tpu.memref_slice %arg5[%dma_start3A_399, %dma_start3A_400] : memref<2000000x32xf32, #tpu.memory_space<hbm>> -> memref<2000000x32xf32, #tpu.memory_space<hbm>>
      tpu.enqueue_indirect_dma source(%dma_start3A_401 : memref<2000000x32xf32, #tpu.memory_space<hbm>>) target(%dma_start3A_395 : memref<128x32xf32, #tpu.memory_space<vmem>>) offsets(%dma_start3A_398 : memref<128xi32, #tpu.memory_space<vmem>>) semaphore(%arg12 : memref<!tpu.dma_semaphore, #tpu.memory_space<semaphore_mem>>)
      %dma_start3A_402 = arith.constant 1 : i32
      %dma_start3A_403 = arith.constant 1 : i32
      %dma_start3A_404 = arith.constant 128 : i32
      %dma_start3A_405 = arith.constant 0 : i32
      %dma_start3A_406 = tpu.memref_slice %arg9[%dma_start3A_403, %dma_start3A_404, %dma_start3A_405] : memref<2x512x32xf32, #tpu.memory_space<vmem>> -> memref<1x128x32xf32, #tpu.memory_space<vmem>>
      %dma_start3A_407 = tpu.memref_squeeze %dma_start3A_406 : memref<1x128x32xf32, #tpu.memory_space<vmem>> -> memref<128x32xf32, #tpu.memory_space<vmem>>
      %dma_start3A_408 = arith.constant 128 : i32
      %dma_start3A_409 = tpu.memref_slice %arg8[%dma_start3A_402, %dma_start3A_408] : memref<2x512xi32, #tpu.memory_space<vmem>> -> memref<1x128xi32, #tpu.memory_space<vmem>>
      %dma_start3A_410 = tpu.memref_squeeze %dma_start3A_409 : memref<1x128xi32, #tpu.memory_space<vmem>> -> memref<128xi32, #tpu.memory_space<vmem>>
      %dma_start3A_411 = arith.constant 0 : i32
      %dma_start3A_412 = arith.constant 0 : i32
      %dma_start3A_413 = tpu.memref_slice %arg5[%dma_start3A_411, %dma_start3A_412] : memref<2000000x32xf32, #tpu.memory_space<hbm>> -> memref<2000000x32xf32, #tpu.memory_space<hbm>>
      tpu.enqueue_indirect_dma source(%dma_start3A_413 : memref<2000000x32xf32, #tpu.memory_space<hbm>>) target(%dma_start3A_407 : memref<128x32xf32, #tpu.memory_space<vmem>>) offsets(%dma_start3A_410 : memref<128xi32, #tpu.memory_space<vmem>>) semaphore(%arg12 : memref<!tpu.dma_semaphore, #tpu.memory_space<semaphore_mem>>)
      %dma_start3A_414 = arith.constant 1 : i32
      %dma_start3A_415 = arith.constant 1 : i32
      %dma_start3A_416 = arith.constant 256 : i32
      %dma_start3A_417 = arith.constant 0 : i32
      %dma_start3A_418 = tpu.memref_slice %arg9[%dma_start3A_415, %dma_start3A_416, %dma_start3A_417] : memref<2x512x32xf32, #tpu.memory_space<vmem>> -> memref<1x128x32xf32, #tpu.memory_space<vmem>>
      %dma_start3A_419 = tpu.memref_squeeze %dma_start3A_418 : memref<1x128x32xf32, #tpu.memory_space<vmem>> -> memref<128x32xf32, #tpu.memory_space<vmem>>
      %dma_start3A_420 = arith.constant 256 : i32
      %dma_start3A_421 = tpu.memref_slice %arg8[%dma_start3A_414, %dma_start3A_420] : memref<2x512xi32, #tpu.memory_space<vmem>> -> memref<1x128xi32, #tpu.memory_space<vmem>>
      %dma_start3A_422 = tpu.memref_squeeze %dma_start3A_421 : memref<1x128xi32, #tpu.memory_space<vmem>> -> memref<128xi32, #tpu.memory_space<vmem>>
      %dma_start3A_423 = arith.constant 0 : i32
      %dma_start3A_424 = arith.constant 0 : i32
      %dma_start3A_425 = tpu.memref_slice %arg5[%dma_start3A_423, %dma_start3A_424] : memref<2000000x32xf32, #tpu.memory_space<hbm>> -> memref<2000000x32xf32, #tpu.memory_space<hbm>>
      tpu.enqueue_indirect_dma source(%dma_start3A_425 : memref<2000000x32xf32, #tpu.memory_space<hbm>>) target(%dma_start3A_419 : memref<128x32xf32, #tpu.memory_space<vmem>>) offsets(%dma_start3A_422 : memref<128xi32, #tpu.memory_space<vmem>>) semaphore(%arg12 : memref<!tpu.dma_semaphore, #tpu.memory_space<semaphore_mem>>)
      %dma_start3A_426 = arith.constant 1 : i32
      %dma_start3A_427 = arith.constant 1 : i32
      %dma_start3A_428 = arith.constant 384 : i32
      %dma_start3A_429 = arith.constant 0 : i32
      %dma_start3A_430 = tpu.memref_slice %arg9[%dma_start3A_427, %dma_start3A_428, %dma_start3A_429] : memref<2x512x32xf32, #tpu.memory_space<vmem>> -> memref<1x128x32xf32, #tpu.memory_space<vmem>>
      %dma_start3A_431 = tpu.memref_squeeze %dma_start3A_430 : memref<1x128x32xf32, #tpu.memory_space<vmem>> -> memref<128x32xf32, #tpu.memory_space<vmem>>
      %dma_start3A_432 = arith.constant 384 : i32
      %dma_start3A_433 = tpu.memref_slice %arg8[%dma_start3A_426, %dma_start3A_432] : memref<2x512xi32, #tpu.memory_space<vmem>> -> memref<1x128xi32, #tpu.memory_space<vmem>>
      %dma_start3A_434 = tpu.memref_squeeze %dma_start3A_433 : memref<1x128xi32, #tpu.memory_space<vmem>> -> memref<128xi32, #tpu.memory_space<vmem>>
      %dma_start3A_435 = arith.constant 0 : i32
      %dma_start3A_436 = arith.constant 0 : i32
      %dma_start3A_437 = tpu.memref_slice %arg5[%dma_start3A_435, %dma_start3A_436] : memref<2000000x32xf32, #tpu.memory_space<hbm>> -> memref<2000000x32xf32, #tpu.memory_space<hbm>>
      tpu.enqueue_indirect_dma source(%dma_start3A_437 : memref<2000000x32xf32, #tpu.memory_space<hbm>>) target(%dma_start3A_431 : memref<128x32xf32, #tpu.memory_space<vmem>>) offsets(%dma_start3A_434 : memref<128xi32, #tpu.memory_space<vmem>>) semaphore(%arg12 : memref<!tpu.dma_semaphore, #tpu.memory_space<semaphore_mem>>)
      %lt3A = arith.constant 99 : i32
      %lt3A_438 = arith.cmpi slt, %scan3A_323, %lt3A : i32
      %convert_element_type3A = arith.extui %lt3A_438 : i1 to i32
      %cond3A = arith.constant 0 : i32
      %cond3A_439 = arith.cmpi ne, %convert_element_type3A, %cond3A : i32
      scf.if %cond3A_439 {
        %add3A_558 = arith.constant 2 : i32
        %add3A_559 = arith.addi %mul3A_325, %add3A_558 : i32
        %dma_start3A_560 = arith.constant 0 : i32
        %dma_start3A_561 = arith.constant 0 : i32
        %dma_start3A_562 = tpu.memref_slice %arg8[%dma_start3A_560, %dma_start3A_561] : memref<2x512xi32, #tpu.memory_space<vmem>> -> memref<1x512xi32, #tpu.memory_space<vmem>>
        %dma_start3A_563 = tpu.memref_squeeze %dma_start3A_562 : memref<1x512xi32, #tpu.memory_space<vmem>> -> memref<512xi32, #tpu.memory_space<vmem>>
        %dma_start3A_564 = tpu.memref_slice %arg3[%add3A_559, %mul3A_2] : memref<200x16384xi32, #tpu.memory_space<hbm>> -> memref<1x512xi32, #tpu.memory_space<hbm>>
        %dma_start3A_565 = tpu.memref_squeeze %dma_start3A_564 : memref<1x512xi32, #tpu.memory_space<hbm>> -> memref<512xi32, #tpu.memory_space<hbm>>
        %dma_start3A_566 = arith.constant 0 : i32
        %dma_start3A_567 = tpu.memref_slice %arg8[%dma_start3A_560, %dma_start3A_566] : memref<2x512xi32, #tpu.memory_space<vmem>> -> memref<1x512xi32, #tpu.memory_space<vmem>>
        %dma_start3A_568 = tpu.memref_squeeze %dma_start3A_567 : memref<1x512xi32, #tpu.memory_space<vmem>> -> memref<512xi32, #tpu.memory_space<vmem>>
        %dma_start3A_569 = tpu.memref_slice %arg3[%add3A_559, %mul3A_2] : memref<200x16384xi32, #tpu.memory_space<hbm>> -> memref<1x512xi32, #tpu.memory_space<hbm>>
        %dma_start3A_570 = tpu.memref_squeeze %dma_start3A_569 : memref<1x512xi32, #tpu.memory_space<hbm>> -> memref<512xi32, #tpu.memory_space<hbm>>
        tpu.enqueue_dma source(%dma_start3A_570 : memref<512xi32, #tpu.memory_space<hbm>>) target(%dma_start3A_568 : memref<512xi32, #tpu.memory_space<vmem>>) target_semaphore(%arg13 : memref<!tpu.dma_semaphore, #tpu.memory_space<semaphore_mem>>)
      } else {
      }
      %gt3A = arith.constant 0 : i32
      %gt3A_440 = arith.cmpi sgt, %scan3A_323, %gt3A : i32
      %convert_element_type3A_441 = arith.extui %gt3A_440 : i1 to i32
      %cond3A_442 = arith.constant 0 : i32
      %cond3A_443 = arith.cmpi ne, %convert_element_type3A_441, %cond3A_442 : i32
      scf.if %cond3A_443 {
        %mul3A_558 = arith.constant 4 : i32
        %mul3A_559 = arith.muli %add3A, %mul3A_558 : i32
        %dma_wait3A_560 = arith.constant 0 : i32
        %dma_wait3A_561 = arith.constant 0 : i32
        %dma_wait3A_562 = arith.constant 0 : i32
        %dma_wait3A_563 = arith.constant 0 : i32
        %dma_wait3A_564 = arith.constant 0 : i32
        %dma_wait3A_565 = tpu.memref_slice %arg10[%dma_wait3A_560, %dma_wait3A_561, %dma_wait3A_562, %dma_wait3A_563, %dma_wait3A_564] : memref<2x4x4x8x128xf32, #tpu.memory_space<vmem>> -> memref<1x4x4x8x128xf32, #tpu.memory_space<vmem>>
        %dma_wait3A_566 = tpu.memref_squeeze %dma_wait3A_565 : memref<1x4x4x8x128xf32, #tpu.memory_space<vmem>> -> memref<4x4x8x128xf32, #tpu.memory_space<vmem>>
        %dma_wait3A_567 = arith.constant 0 : i32
        %dma_wait3A_568 = arith.constant 0 : i32
        %dma_wait3A_569 = arith.constant 0 : i32
        %dma_wait3A_570 = tpu.memref_slice %arg4[%mul3A_325, %dma_wait3A_567, %mul3A_559, %dma_wait3A_568, %dma_wait3A_569] : memref<200x4x128x8x128xf32, #tpu.memory_space<hbm>> -> memref<1x4x4x8x128xf32, #tpu.memory_space<hbm>>
        %dma_wait3A_571 = tpu.memref_squeeze %dma_wait3A_570 : memref<1x4x4x8x128xf32, #tpu.memory_space<hbm>> -> memref<4x4x8x128xf32, #tpu.memory_space<hbm>>
        %dma_wait3A_572 = arith.constant 0 : i32
        %dma_wait3A_573 = arith.constant 0 : i32
        %dma_wait3A_574 = arith.constant 0 : i32
        %dma_wait3A_575 = tpu.memref_slice %arg4[%mul3A_325, %dma_wait3A_572, %mul3A_559, %dma_wait3A_573, %dma_wait3A_574] : memref<200x4x128x8x128xf32, #tpu.memory_space<hbm>> -> memref<1x4x4x8x128xf32, #tpu.memory_space<hbm>>
        %dma_wait3A_576 = tpu.memref_squeeze %dma_wait3A_575 : memref<1x4x4x8x128xf32, #tpu.memory_space<hbm>> -> memref<4x4x8x128xf32, #tpu.memory_space<hbm>>
        %dma_wait3A_577 = arith.constant 0 : i32
        %dma_wait3A_578 = arith.constant 0 : i32
        %dma_wait3A_579 = arith.constant 0 : i32
        %dma_wait3A_580 = arith.constant 0 : i32
        %dma_wait3A_581 = tpu.memref_slice %arg10[%dma_wait3A_560, %dma_wait3A_577, %dma_wait3A_578, %dma_wait3A_579, %dma_wait3A_580] : memref<2x4x4x8x128xf32, #tpu.memory_space<vmem>> -> memref<1x4x4x8x128xf32, #tpu.memory_space<vmem>>
        %dma_wait3A_582 = tpu.memref_squeeze %dma_wait3A_581 : memref<1x4x4x8x128xf32, #tpu.memory_space<vmem>> -> memref<4x4x8x128xf32, #tpu.memory_space<vmem>>
        tpu.wait_dma2 semaphore(%arg15 : memref<!tpu.dma_semaphore, #tpu.memory_space<semaphore_mem>>) src(%dma_wait3A_582 : memref<4x4x8x128xf32, #tpu.memory_space<vmem>>) dst(%dma_wait3A_576 : memref<4x4x8x128xf32, #tpu.memory_space<hbm>>)
      } else {
      }
      %parallel_loop3A_444 = arith.constant 0 : i32
      %parallel_loop3A_445 = arith.constant 32 : i32
      %parallel_loop3A_446 = arith.constant 1 : i32
      scf.for %parallel_loop3A_558 = %parallel_loop3A_444 to %parallel_loop3A_445 step %parallel_loop3A_446  : i32 {
        %parallel_loop3A_559 = arith.constant 16 : i32
        %parallel_loop3A_560 = arith.muli %parallel_loop3A_558, %parallel_loop3A_559 : i32
        %parallel_loop3A_561 = vector.broadcast %parallel_loop3A_560 : i32 to vector<16xi32>
        %parallel_loop3A_562 = arith.addi %parallel_loop3A_561, %iota3A : vector<16xi32>
        %parallel_loop3A_563 = arith.constant 7 : i32
        %parallel_loop3A_564 = vector.broadcast %parallel_loop3A_563 : i32 to vector<16xi32>
        %parallel_loop3A_565 = arith.shrui %parallel_loop3A_562, %parallel_loop3A_564 : vector<16xi32>
        %parallel_loop3A_566 = arith.constant 127 : i32
        %parallel_loop3A_567 = vector.broadcast %parallel_loop3A_566 : i32 to vector<16xi32>
        %parallel_loop3A_568 = arith.andi %parallel_loop3A_562, %parallel_loop3A_567 : vector<16xi32>
        %parallel_loop3A_569 = arith.constant 0 : i32
        %parallel_loop3A_570 = arith.constant 0 : i32
        %parallel_loop3A_571 = arith.constant 0 : i32
        %parallel_loop3A_572 = tpu.memref_slice %arg9[%parallel_loop3A_569, %parallel_loop3A_570, %parallel_loop3A_571] : memref<2x512x32xf32, #tpu.memory_space<vmem>> -> memref<1x512x32xf32, #tpu.memory_space<vmem>>
        %parallel_loop3A_573 = tpu.memref_squeeze %parallel_loop3A_572 : memref<1x512x32xf32, #tpu.memory_space<vmem>> -> memref<512x32xf32, #tpu.memory_space<vmem>>
        %parallel_loop3A_574 = tpu.vector_load_idx %parallel_loop3A_573[%parallel_loop3A_562, %and3A_12] : memref<512x32xf32, #tpu.memory_space<vmem>>[vector<16xi32>, vector<16xi32>], vector<16xf32>,
        %parallel_loop3A_575 = arith.constant 0 : i32
        %parallel_loop3A_576 = arith.constant 0 : i32
        %parallel_loop3A_577 = arith.constant 0 : i32
        %parallel_loop3A_578 = tpu.memref_slice %arg9[%parallel_loop3A_575, %parallel_loop3A_576, %parallel_loop3A_577] : memref<2x512x32xf32, #tpu.memory_space<vmem>> -> memref<1x512x32xf32, #tpu.memory_space<vmem>>
        %parallel_loop3A_579 = tpu.memref_squeeze %parallel_loop3A_578 : memref<1x512x32xf32, #tpu.memory_space<vmem>> -> memref<512x32xf32, #tpu.memory_space<vmem>>
        %parallel_loop3A_580 = tpu.vector_load_idx %parallel_loop3A_579[%parallel_loop3A_562, %and3A_18] : memref<512x32xf32, #tpu.memory_space<vmem>>[vector<16xi32>, vector<16xi32>], vector<16xf32>,
        %parallel_loop3A_581 = arith.constant 0 : i32
        %parallel_loop3A_582 = arith.constant 0 : i32
        %parallel_loop3A_583 = arith.constant 0 : i32
        %parallel_loop3A_584 = tpu.memref_slice %arg9[%parallel_loop3A_581, %parallel_loop3A_582, %parallel_loop3A_583] : memref<2x512x32xf32, #tpu.memory_space<vmem>> -> memref<1x512x32xf32, #tpu.memory_space<vmem>>
        %parallel_loop3A_585 = tpu.memref_squeeze %parallel_loop3A_584 : memref<1x512x32xf32, #tpu.memory_space<vmem>> -> memref<512x32xf32, #tpu.memory_space<vmem>>
        %parallel_loop3A_586 = tpu.vector_load_idx %parallel_loop3A_585[%parallel_loop3A_562, %and3A_24] : memref<512x32xf32, #tpu.memory_space<vmem>>[vector<16xi32>, vector<16xi32>], vector<16xf32>,
        %parallel_loop3A_587 = arith.constant 0 : i32
        %parallel_loop3A_588 = arith.constant 0 : i32
        %parallel_loop3A_589 = arith.constant 0 : i32
        %parallel_loop3A_590 = tpu.memref_slice %arg9[%parallel_loop3A_587, %parallel_loop3A_588, %parallel_loop3A_589] : memref<2x512x32xf32, #tpu.memory_space<vmem>> -> memref<1x512x32xf32, #tpu.memory_space<vmem>>
        %parallel_loop3A_591 = tpu.memref_squeeze %parallel_loop3A_590 : memref<1x512x32xf32, #tpu.memory_space<vmem>> -> memref<512x32xf32, #tpu.memory_space<vmem>>
        %parallel_loop3A_592 = tpu.vector_load_idx %parallel_loop3A_591[%parallel_loop3A_562, %and3A_30] : memref<512x32xf32, #tpu.memory_space<vmem>>[vector<16xi32>, vector<16xi32>], vector<16xf32>,
        %parallel_loop3A_593 = arith.constant 0 : i32
        %parallel_loop3A_594 = arith.constant 0 : i32
        %parallel_loop3A_595 = arith.constant 0 : i32
        %parallel_loop3A_596 = tpu.memref_slice %arg9[%parallel_loop3A_593, %parallel_loop3A_594, %parallel_loop3A_595] : memref<2x512x32xf32, #tpu.memory_space<vmem>> -> memref<1x512x32xf32, #tpu.memory_space<vmem>>
        %parallel_loop3A_597 = tpu.memref_squeeze %parallel_loop3A_596 : memref<1x512x32xf32, #tpu.memory_space<vmem>> -> memref<512x32xf32, #tpu.memory_space<vmem>>
        %parallel_loop3A_598 = tpu.vector_load_idx %parallel_loop3A_597[%parallel_loop3A_562, %and3A_36] : memref<512x32xf32, #tpu.memory_space<vmem>>[vector<16xi32>, vector<16xi32>], vector<16xf32>,
        %parallel_loop3A_599 = arith.constant 0 : i32
        %parallel_loop3A_600 = arith.constant 0 : i32
        %parallel_loop3A_601 = arith.constant 0 : i32
        %parallel_loop3A_602 = tpu.memref_slice %arg9[%parallel_loop3A_599, %parallel_loop3A_600, %parallel_loop3A_601] : memref<2x512x32xf32, #tpu.memory_space<vmem>> -> memref<1x512x32xf32, #tpu.memory_space<vmem>>
        %parallel_loop3A_603 = tpu.memref_squeeze %parallel_loop3A_602 : memref<1x512x32xf32, #tpu.memory_space<vmem>> -> memref<512x32xf32, #tpu.memory_space<vmem>>
        %parallel_loop3A_604 = tpu.vector_load_idx %parallel_loop3A_603[%parallel_loop3A_562, %and3A_42] : memref<512x32xf32, #tpu.memory_space<vmem>>[vector<16xi32>, vector<16xi32>], vector<16xf32>,
        %parallel_loop3A_605 = arith.constant 0 : i32
        %parallel_loop3A_606 = arith.constant 0 : i32
        %parallel_loop3A_607 = arith.constant 0 : i32
        %parallel_loop3A_608 = tpu.memref_slice %arg9[%parallel_loop3A_605, %parallel_loop3A_606, %parallel_loop3A_607] : memref<2x512x32xf32, #tpu.memory_space<vmem>> -> memref<1x512x32xf32, #tpu.memory_space<vmem>>
        %parallel_loop3A_609 = tpu.memref_squeeze %parallel_loop3A_608 : memref<1x512x32xf32, #tpu.memory_space<vmem>> -> memref<512x32xf32, #tpu.memory_space<vmem>>
        %parallel_loop3A_610 = tpu.vector_load_idx %parallel_loop3A_609[%parallel_loop3A_562, %and3A_48] : memref<512x32xf32, #tpu.memory_space<vmem>>[vector<16xi32>, vector<16xi32>], vector<16xf32>,
        %parallel_loop3A_611 = arith.constant 0 : i32
        %parallel_loop3A_612 = arith.constant 0 : i32
        %parallel_loop3A_613 = arith.constant 0 : i32
        %parallel_loop3A_614 = tpu.memref_slice %arg9[%parallel_loop3A_611, %parallel_loop3A_612, %parallel_loop3A_613] : memref<2x512x32xf32, #tpu.memory_space<vmem>> -> memref<1x512x32xf32, #tpu.memory_space<vmem>>
        %parallel_loop3A_615 = tpu.memref_squeeze %parallel_loop3A_614 : memref<1x512x32xf32, #tpu.memory_space<vmem>> -> memref<512x32xf32, #tpu.memory_space<vmem>>
        %parallel_loop3A_616 = tpu.vector_load_idx %parallel_loop3A_615[%parallel_loop3A_562, %and3A_54] : memref<512x32xf32, #tpu.memory_space<vmem>>[vector<16xi32>, vector<16xi32>], vector<16xf32>,
        %parallel_loop3A_617 = arith.constant 0 : i32
        %parallel_loop3A_618 = arith.constant 0 : i32
        %parallel_loop3A_619 = arith.constant 0 : i32
        %parallel_loop3A_620 = tpu.memref_slice %arg9[%parallel_loop3A_617, %parallel_loop3A_618, %parallel_loop3A_619] : memref<2x512x32xf32, #tpu.memory_space<vmem>> -> memref<1x512x32xf32, #tpu.memory_space<vmem>>
        %parallel_loop3A_621 = tpu.memref_squeeze %parallel_loop3A_620 : memref<1x512x32xf32, #tpu.memory_space<vmem>> -> memref<512x32xf32, #tpu.memory_space<vmem>>
        %parallel_loop3A_622 = tpu.vector_load_idx %parallel_loop3A_621[%parallel_loop3A_562, %and3A_60] : memref<512x32xf32, #tpu.memory_space<vmem>>[vector<16xi32>, vector<16xi32>], vector<16xf32>,
        %parallel_loop3A_623 = arith.constant 0 : i32
        %parallel_loop3A_624 = arith.constant 0 : i32
        %parallel_loop3A_625 = arith.constant 0 : i32
        %parallel_loop3A_626 = tpu.memref_slice %arg9[%parallel_loop3A_623, %parallel_loop3A_624, %parallel_loop3A_625] : memref<2x512x32xf32, #tpu.memory_space<vmem>> -> memref<1x512x32xf32, #tpu.memory_space<vmem>>
        %parallel_loop3A_627 = tpu.memref_squeeze %parallel_loop3A_626 : memref<1x512x32xf32, #tpu.memory_space<vmem>> -> memref<512x32xf32, #tpu.memory_space<vmem>>
        %parallel_loop3A_628 = tpu.vector_load_idx %parallel_loop3A_627[%parallel_loop3A_562, %and3A_66] : memref<512x32xf32, #tpu.memory_space<vmem>>[vector<16xi32>, vector<16xi32>], vector<16xf32>,
        %parallel_loop3A_629 = arith.constant 0 : i32
        %parallel_loop3A_630 = arith.constant 0 : i32
        %parallel_loop3A_631 = arith.constant 0 : i32
        %parallel_loop3A_632 = tpu.memref_slice %arg9[%parallel_loop3A_629, %parallel_loop3A_630, %parallel_loop3A_631] : memref<2x512x32xf32, #tpu.memory_space<vmem>> -> memref<1x512x32xf32, #tpu.memory_space<vmem>>
        %parallel_loop3A_633 = tpu.memref_squeeze %parallel_loop3A_632 : memref<1x512x32xf32, #tpu.memory_space<vmem>> -> memref<512x32xf32, #tpu.memory_space<vmem>>
        %parallel_loop3A_634 = tpu.vector_load_idx %parallel_loop3A_633[%parallel_loop3A_562, %and3A_72] : memref<512x32xf32, #tpu.memory_space<vmem>>[vector<16xi32>, vector<16xi32>], vector<16xf32>,
        %parallel_loop3A_635 = arith.constant 0 : i32
        %parallel_loop3A_636 = arith.constant 0 : i32
        %parallel_loop3A_637 = arith.constant 0 : i32
        %parallel_loop3A_638 = tpu.memref_slice %arg9[%parallel_loop3A_635, %parallel_loop3A_636, %parallel_loop3A_637] : memref<2x512x32xf32, #tpu.memory_space<vmem>> -> memref<1x512x32xf32, #tpu.memory_space<vmem>>
        %parallel_loop3A_639 = tpu.memref_squeeze %parallel_loop3A_638 : memref<1x512x32xf32, #tpu.memory_space<vmem>> -> memref<512x32xf32, #tpu.memory_space<vmem>>
        %parallel_loop3A_640 = tpu.vector_load_idx %parallel_loop3A_639[%parallel_loop3A_562, %and3A_78] : memref<512x32xf32, #tpu.memory_space<vmem>>[vector<16xi32>, vector<16xi32>], vector<16xf32>,
        %parallel_loop3A_641 = arith.constant 0 : i32
        %parallel_loop3A_642 = arith.constant 0 : i32
        %parallel_loop3A_643 = arith.constant 0 : i32
        %parallel_loop3A_644 = tpu.memref_slice %arg9[%parallel_loop3A_641, %parallel_loop3A_642, %parallel_loop3A_643] : memref<2x512x32xf32, #tpu.memory_space<vmem>> -> memref<1x512x32xf32, #tpu.memory_space<vmem>>
        %parallel_loop3A_645 = tpu.memref_squeeze %parallel_loop3A_644 : memref<1x512x32xf32, #tpu.memory_space<vmem>> -> memref<512x32xf32, #tpu.memory_space<vmem>>
        %parallel_loop3A_646 = tpu.vector_load_idx %parallel_loop3A_645[%parallel_loop3A_562, %and3A_84] : memref<512x32xf32, #tpu.memory_space<vmem>>[vector<16xi32>, vector<16xi32>], vector<16xf32>,
        %parallel_loop3A_647 = arith.constant 0 : i32
        %parallel_loop3A_648 = arith.constant 0 : i32
        %parallel_loop3A_649 = arith.constant 0 : i32
        %parallel_loop3A_650 = tpu.memref_slice %arg9[%parallel_loop3A_647, %parallel_loop3A_648, %parallel_loop3A_649] : memref<2x512x32xf32, #tpu.memory_space<vmem>> -> memref<1x512x32xf32, #tpu.memory_space<vmem>>
        %parallel_loop3A_651 = tpu.memref_squeeze %parallel_loop3A_650 : memref<1x512x32xf32, #tpu.memory_space<vmem>> -> memref<512x32xf32, #tpu.memory_space<vmem>>
        %parallel_loop3A_652 = tpu.vector_load_idx %parallel_loop3A_651[%parallel_loop3A_562, %and3A_90] : memref<512x32xf32, #tpu.memory_space<vmem>>[vector<16xi32>, vector<16xi32>], vector<16xf32>,
        %parallel_loop3A_653 = arith.constant 0 : i32
        %parallel_loop3A_654 = arith.constant 0 : i32
        %parallel_loop3A_655 = arith.constant 0 : i32
        %parallel_loop3A_656 = tpu.memref_slice %arg9[%parallel_loop3A_653, %parallel_loop3A_654, %parallel_loop3A_655] : memref<2x512x32xf32, #tpu.memory_space<vmem>> -> memref<1x512x32xf32, #tpu.memory_space<vmem>>
        %parallel_loop3A_657 = tpu.memref_squeeze %parallel_loop3A_656 : memref<1x512x32xf32, #tpu.memory_space<vmem>> -> memref<512x32xf32, #tpu.memory_space<vmem>>
        %parallel_loop3A_658 = tpu.vector_load_idx %parallel_loop3A_657[%parallel_loop3A_562, %and3A_96] : memref<512x32xf32, #tpu.memory_space<vmem>>[vector<16xi32>, vector<16xi32>], vector<16xf32>,
        %parallel_loop3A_659 = arith.constant 0 : i32
        %parallel_loop3A_660 = arith.constant 0 : i32
        %parallel_loop3A_661 = arith.constant 0 : i32
        %parallel_loop3A_662 = tpu.memref_slice %arg9[%parallel_loop3A_659, %parallel_loop3A_660, %parallel_loop3A_661] : memref<2x512x32xf32, #tpu.memory_space<vmem>> -> memref<1x512x32xf32, #tpu.memory_space<vmem>>
        %parallel_loop3A_663 = tpu.memref_squeeze %parallel_loop3A_662 : memref<1x512x32xf32, #tpu.memory_space<vmem>> -> memref<512x32xf32, #tpu.memory_space<vmem>>
        %parallel_loop3A_664 = tpu.vector_load_idx %parallel_loop3A_663[%parallel_loop3A_562, %and3A_102] : memref<512x32xf32, #tpu.memory_space<vmem>>[vector<16xi32>, vector<16xi32>], vector<16xf32>,
        %parallel_loop3A_665 = arith.constant 3 : i32
        %parallel_loop3A_666 = vector.broadcast %parallel_loop3A_665 : i32 to vector<16xi32>
        %parallel_loop3A_667 = arith.shrui %and3A_12, %parallel_loop3A_666 : vector<16xi32>
        %parallel_loop3A_668 = arith.constant 7 : i32
        %parallel_loop3A_669 = vector.broadcast %parallel_loop3A_668 : i32 to vector<16xi32>
        %parallel_loop3A_670 = arith.andi %and3A_12, %parallel_loop3A_669 : vector<16xi32>
        %parallel_loop3A_671 = arith.constant 0 : i32
        %parallel_loop3A_672 = arith.constant 0 : i32
        %parallel_loop3A_673 = arith.constant 0 : i32
        %parallel_loop3A_674 = arith.constant 0 : i32
        %parallel_loop3A_675 = arith.constant 0 : i32
        %parallel_loop3A_676 = tpu.memref_slice %arg10[%parallel_loop3A_671, %parallel_loop3A_672, %parallel_loop3A_673, %parallel_loop3A_674, %parallel_loop3A_675] : memref<2x4x4x8x128xf32, #tpu.memory_space<vmem>> -> memref<1x4x4x8x128xf32, #tpu.memory_space<vmem>>
        %parallel_loop3A_677 = tpu.memref_squeeze %parallel_loop3A_676 : memref<1x4x4x8x128xf32, #tpu.memory_space<vmem>> -> memref<4x4x8x128xf32, #tpu.memory_space<vmem>>
        tpu.vector_store_idx %parallel_loop3A_677[%parallel_loop3A_667, %parallel_loop3A_565, %parallel_loop3A_670, %parallel_loop3A_568], %parallel_loop3A_574 : memref<4x4x8x128xf32, #tpu.memory_space<vmem>>[vector<16xi32>, vector<16xi32>, vector<16xi32>, vector<16xi32>], vector<16xf32>,
        %parallel_loop3A_678 = arith.constant 3 : i32
        %parallel_loop3A_679 = vector.broadcast %parallel_loop3A_678 : i32 to vector<16xi32>
        %parallel_loop3A_680 = arith.shrui %and3A_18, %parallel_loop3A_679 : vector<16xi32>
        %parallel_loop3A_681 = arith.constant 7 : i32
        %parallel_loop3A_682 = vector.broadcast %parallel_loop3A_681 : i32 to vector<16xi32>
        %parallel_loop3A_683 = arith.andi %and3A_18, %parallel_loop3A_682 : vector<16xi32>
        %parallel_loop3A_684 = arith.constant 0 : i32
        %parallel_loop3A_685 = arith.constant 0 : i32
        %parallel_loop3A_686 = arith.constant 0 : i32
        %parallel_loop3A_687 = arith.constant 0 : i32
        %parallel_loop3A_688 = arith.constant 0 : i32
        %parallel_loop3A_689 = tpu.memref_slice %arg10[%parallel_loop3A_684, %parallel_loop3A_685, %parallel_loop3A_686, %parallel_loop3A_687, %parallel_loop3A_688] : memref<2x4x4x8x128xf32, #tpu.memory_space<vmem>> -> memref<1x4x4x8x128xf32, #tpu.memory_space<vmem>>
        %parallel_loop3A_690 = tpu.memref_squeeze %parallel_loop3A_689 : memref<1x4x4x8x128xf32, #tpu.memory_space<vmem>> -> memref<4x4x8x128xf32, #tpu.memory_space<vmem>>
        tpu.vector_store_idx %parallel_loop3A_690[%parallel_loop3A_680, %parallel_loop3A_565, %parallel_loop3A_683, %parallel_loop3A_568], %parallel_loop3A_580 : memref<4x4x8x128xf32, #tpu.memory_space<vmem>>[vector<16xi32>, vector<16xi32>, vector<16xi32>, vector<16xi32>], vector<16xf32>,
        %parallel_loop3A_691 = arith.constant 3 : i32
        %parallel_loop3A_692 = vector.broadcast %parallel_loop3A_691 : i32 to vector<16xi32>
        %parallel_loop3A_693 = arith.shrui %and3A_24, %parallel_loop3A_692 : vector<16xi32>
        %parallel_loop3A_694 = arith.constant 7 : i32
        %parallel_loop3A_695 = vector.broadcast %parallel_loop3A_694 : i32 to vector<16xi32>
        %parallel_loop3A_696 = arith.andi %and3A_24, %parallel_loop3A_695 : vector<16xi32>
        %parallel_loop3A_697 = arith.constant 0 : i32
        %parallel_loop3A_698 = arith.constant 0 : i32
        %parallel_loop3A_699 = arith.constant 0 : i32
        %parallel_loop3A_700 = arith.constant 0 : i32
        %parallel_loop3A_701 = arith.constant 0 : i32
        %parallel_loop3A_702 = tpu.memref_slice %arg10[%parallel_loop3A_697, %parallel_loop3A_698, %parallel_loop3A_699, %parallel_loop3A_700, %parallel_loop3A_701] : memref<2x4x4x8x128xf32, #tpu.memory_space<vmem>> -> memref<1x4x4x8x128xf32, #tpu.memory_space<vmem>>
        %parallel_loop3A_703 = tpu.memref_squeeze %parallel_loop3A_702 : memref<1x4x4x8x128xf32, #tpu.memory_space<vmem>> -> memref<4x4x8x128xf32, #tpu.memory_space<vmem>>
        tpu.vector_store_idx %parallel_loop3A_703[%parallel_loop3A_693, %parallel_loop3A_565, %parallel_loop3A_696, %parallel_loop3A_568], %parallel_loop3A_586 : memref<4x4x8x128xf32, #tpu.memory_space<vmem>>[vector<16xi32>, vector<16xi32>, vector<16xi32>, vector<16xi32>], vector<16xf32>,
        %parallel_loop3A_704 = arith.constant 3 : i32
        %parallel_loop3A_705 = vector.broadcast %parallel_loop3A_704 : i32 to vector<16xi32>
        %parallel_loop3A_706 = arith.shrui %and3A_30, %parallel_loop3A_705 : vector<16xi32>
        %parallel_loop3A_707 = arith.constant 7 : i32
        %parallel_loop3A_708 = vector.broadcast %parallel_loop3A_707 : i32 to vector<16xi32>
        %parallel_loop3A_709 = arith.andi %and3A_30, %parallel_loop3A_708 : vector<16xi32>
        %parallel_loop3A_710 = arith.constant 0 : i32
        %parallel_loop3A_711 = arith.constant 0 : i32
        %parallel_loop3A_712 = arith.constant 0 : i32
        %parallel_loop3A_713 = arith.constant 0 : i32
        %parallel_loop3A_714 = arith.constant 0 : i32
        %parallel_loop3A_715 = tpu.memref_slice %arg10[%parallel_loop3A_710, %parallel_loop3A_711, %parallel_loop3A_712, %parallel_loop3A_713, %parallel_loop3A_714] : memref<2x4x4x8x128xf32, #tpu.memory_space<vmem>> -> memref<1x4x4x8x128xf32, #tpu.memory_space<vmem>>
        %parallel_loop3A_716 = tpu.memref_squeeze %parallel_loop3A_715 : memref<1x4x4x8x128xf32, #tpu.memory_space<vmem>> -> memref<4x4x8x128xf32, #tpu.memory_space<vmem>>
        tpu.vector_store_idx %parallel_loop3A_716[%parallel_loop3A_706, %parallel_loop3A_565, %parallel_loop3A_709, %parallel_loop3A_568], %parallel_loop3A_592 : memref<4x4x8x128xf32, #tpu.memory_space<vmem>>[vector<16xi32>, vector<16xi32>, vector<16xi32>, vector<16xi32>], vector<16xf32>,
        %parallel_loop3A_717 = arith.constant 3 : i32
        %parallel_loop3A_718 = vector.broadcast %parallel_loop3A_717 : i32 to vector<16xi32>
        %parallel_loop3A_719 = arith.shrui %and3A_36, %parallel_loop3A_718 : vector<16xi32>
        %parallel_loop3A_720 = arith.constant 7 : i32
        %parallel_loop3A_721 = vector.broadcast %parallel_loop3A_720 : i32 to vector<16xi32>
        %parallel_loop3A_722 = arith.andi %and3A_36, %parallel_loop3A_721 : vector<16xi32>
        %parallel_loop3A_723 = arith.constant 0 : i32
        %parallel_loop3A_724 = arith.constant 0 : i32
        %parallel_loop3A_725 = arith.constant 0 : i32
        %parallel_loop3A_726 = arith.constant 0 : i32
        %parallel_loop3A_727 = arith.constant 0 : i32
        %parallel_loop3A_728 = tpu.memref_slice %arg10[%parallel_loop3A_723, %parallel_loop3A_724, %parallel_loop3A_725, %parallel_loop3A_726, %parallel_loop3A_727] : memref<2x4x4x8x128xf32, #tpu.memory_space<vmem>> -> memref<1x4x4x8x128xf32, #tpu.memory_space<vmem>>
        %parallel_loop3A_729 = tpu.memref_squeeze %parallel_loop3A_728 : memref<1x4x4x8x128xf32, #tpu.memory_space<vmem>> -> memref<4x4x8x128xf32, #tpu.memory_space<vmem>>
        tpu.vector_store_idx %parallel_loop3A_729[%parallel_loop3A_719, %parallel_loop3A_565, %parallel_loop3A_722, %parallel_loop3A_568], %parallel_loop3A_598 : memref<4x4x8x128xf32, #tpu.memory_space<vmem>>[vector<16xi32>, vector<16xi32>, vector<16xi32>, vector<16xi32>], vector<16xf32>,
        %parallel_loop3A_730 = arith.constant 3 : i32
        %parallel_loop3A_731 = vector.broadcast %parallel_loop3A_730 : i32 to vector<16xi32>
        %parallel_loop3A_732 = arith.shrui %and3A_42, %parallel_loop3A_731 : vector<16xi32>
        %parallel_loop3A_733 = arith.constant 7 : i32
        %parallel_loop3A_734 = vector.broadcast %parallel_loop3A_733 : i32 to vector<16xi32>
        %parallel_loop3A_735 = arith.andi %and3A_42, %parallel_loop3A_734 : vector<16xi32>
        %parallel_loop3A_736 = arith.constant 0 : i32
        %parallel_loop3A_737 = arith.constant 0 : i32
        %parallel_loop3A_738 = arith.constant 0 : i32
        %parallel_loop3A_739 = arith.constant 0 : i32
        %parallel_loop3A_740 = arith.constant 0 : i32
        %parallel_loop3A_741 = tpu.memref_slice %arg10[%parallel_loop3A_736, %parallel_loop3A_737, %parallel_loop3A_738, %parallel_loop3A_739, %parallel_loop3A_740] : memref<2x4x4x8x128xf32, #tpu.memory_space<vmem>> -> memref<1x4x4x8x128xf32, #tpu.memory_space<vmem>>
        %parallel_loop3A_742 = tpu.memref_squeeze %parallel_loop3A_741 : memref<1x4x4x8x128xf32, #tpu.memory_space<vmem>> -> memref<4x4x8x128xf32, #tpu.memory_space<vmem>>
        tpu.vector_store_idx %parallel_loop3A_742[%parallel_loop3A_732, %parallel_loop3A_565, %parallel_loop3A_735, %parallel_loop3A_568], %parallel_loop3A_604 : memref<4x4x8x128xf32, #tpu.memory_space<vmem>>[vector<16xi32>, vector<16xi32>, vector<16xi32>, vector<16xi32>], vector<16xf32>,
        %parallel_loop3A_743 = arith.constant 3 : i32
        %parallel_loop3A_744 = vector.broadcast %parallel_loop3A_743 : i32 to vector<16xi32>
        %parallel_loop3A_745 = arith.shrui %and3A_48, %parallel_loop3A_744 : vector<16xi32>
        %parallel_loop3A_746 = arith.constant 7 : i32
        %parallel_loop3A_747 = vector.broadcast %parallel_loop3A_746 : i32 to vector<16xi32>
        %parallel_loop3A_748 = arith.andi %and3A_48, %parallel_loop3A_747 : vector<16xi32>
        %parallel_loop3A_749 = arith.constant 0 : i32
        %parallel_loop3A_750 = arith.constant 0 : i32
        %parallel_loop3A_751 = arith.constant 0 : i32
        %parallel_loop3A_752 = arith.constant 0 : i32
        %parallel_loop3A_753 = arith.constant 0 : i32
        %parallel_loop3A_754 = tpu.memref_slice %arg10[%parallel_loop3A_749, %parallel_loop3A_750, %parallel_loop3A_751, %parallel_loop3A_752, %parallel_loop3A_753] : memref<2x4x4x8x128xf32, #tpu.memory_space<vmem>> -> memref<1x4x4x8x128xf32, #tpu.memory_space<vmem>>
        %parallel_loop3A_755 = tpu.memref_squeeze %parallel_loop3A_754 : memref<1x4x4x8x128xf32, #tpu.memory_space<vmem>> -> memref<4x4x8x128xf32, #tpu.memory_space<vmem>>
        tpu.vector_store_idx %parallel_loop3A_755[%parallel_loop3A_745, %parallel_loop3A_565, %parallel_loop3A_748, %parallel_loop3A_568], %parallel_loop3A_610 : memref<4x4x8x128xf32, #tpu.memory_space<vmem>>[vector<16xi32>, vector<16xi32>, vector<16xi32>, vector<16xi32>], vector<16xf32>,
        %parallel_loop3A_756 = arith.constant 3 : i32
        %parallel_loop3A_757 = vector.broadcast %parallel_loop3A_756 : i32 to vector<16xi32>
        %parallel_loop3A_758 = arith.shrui %and3A_54, %parallel_loop3A_757 : vector<16xi32>
        %parallel_loop3A_759 = arith.constant 7 : i32
        %parallel_loop3A_760 = vector.broadcast %parallel_loop3A_759 : i32 to vector<16xi32>
        %parallel_loop3A_761 = arith.andi %and3A_54, %parallel_loop3A_760 : vector<16xi32>
        %parallel_loop3A_762 = arith.constant 0 : i32
        %parallel_loop3A_763 = arith.constant 0 : i32
        %parallel_loop3A_764 = arith.constant 0 : i32
        %parallel_loop3A_765 = arith.constant 0 : i32
        %parallel_loop3A_766 = arith.constant 0 : i32
        %parallel_loop3A_767 = tpu.memref_slice %arg10[%parallel_loop3A_762, %parallel_loop3A_763, %parallel_loop3A_764, %parallel_loop3A_765, %parallel_loop3A_766] : memref<2x4x4x8x128xf32, #tpu.memory_space<vmem>> -> memref<1x4x4x8x128xf32, #tpu.memory_space<vmem>>
        %parallel_loop3A_768 = tpu.memref_squeeze %parallel_loop3A_767 : memref<1x4x4x8x128xf32, #tpu.memory_space<vmem>> -> memref<4x4x8x128xf32, #tpu.memory_space<vmem>>
        tpu.vector_store_idx %parallel_loop3A_768[%parallel_loop3A_758, %parallel_loop3A_565, %parallel_loop3A_761, %parallel_loop3A_568], %parallel_loop3A_616 : memref<4x4x8x128xf32, #tpu.memory_space<vmem>>[vector<16xi32>, vector<16xi32>, vector<16xi32>, vector<16xi32>], vector<16xf32>,
        %parallel_loop3A_769 = arith.constant 3 : i32
        %parallel_loop3A_770 = vector.broadcast %parallel_loop3A_769 : i32 to vector<16xi32>
        %parallel_loop3A_771 = arith.shrui %and3A_60, %parallel_loop3A_770 : vector<16xi32>
        %parallel_loop3A_772 = arith.constant 7 : i32
        %parallel_loop3A_773 = vector.broadcast %parallel_loop3A_772 : i32 to vector<16xi32>
        %parallel_loop3A_774 = arith.andi %and3A_60, %parallel_loop3A_773 : vector<16xi32>
        %parallel_loop3A_775 = arith.constant 0 : i32
        %parallel_loop3A_776 = arith.constant 0 : i32
        %parallel_loop3A_777 = arith.constant 0 : i32
        %parallel_loop3A_778 = arith.constant 0 : i32
        %parallel_loop3A_779 = arith.constant 0 : i32
        %parallel_loop3A_780 = tpu.memref_slice %arg10[%parallel_loop3A_775, %parallel_loop3A_776, %parallel_loop3A_777, %parallel_loop3A_778, %parallel_loop3A_779] : memref<2x4x4x8x128xf32, #tpu.memory_space<vmem>> -> memref<1x4x4x8x128xf32, #tpu.memory_space<vmem>>
        %parallel_loop3A_781 = tpu.memref_squeeze %parallel_loop3A_780 : memref<1x4x4x8x128xf32, #tpu.memory_space<vmem>> -> memref<4x4x8x128xf32, #tpu.memory_space<vmem>>
        tpu.vector_store_idx %parallel_loop3A_781[%parallel_loop3A_771, %parallel_loop3A_565, %parallel_loop3A_774, %parallel_loop3A_568], %parallel_loop3A_622 : memref<4x4x8x128xf32, #tpu.memory_space<vmem>>[vector<16xi32>, vector<16xi32>, vector<16xi32>, vector<16xi32>], vector<16xf32>,
        %parallel_loop3A_782 = arith.constant 3 : i32
        %parallel_loop3A_783 = vector.broadcast %parallel_loop3A_782 : i32 to vector<16xi32>
        %parallel_loop3A_784 = arith.shrui %and3A_66, %parallel_loop3A_783 : vector<16xi32>
        %parallel_loop3A_785 = arith.constant 7 : i32
        %parallel_loop3A_786 = vector.broadcast %parallel_loop3A_785 : i32 to vector<16xi32>
        %parallel_loop3A_787 = arith.andi %and3A_66, %parallel_loop3A_786 : vector<16xi32>
        %parallel_loop3A_788 = arith.constant 0 : i32
        %parallel_loop3A_789 = arith.constant 0 : i32
        %parallel_loop3A_790 = arith.constant 0 : i32
        %parallel_loop3A_791 = arith.constant 0 : i32
        %parallel_loop3A_792 = arith.constant 0 : i32
        %parallel_loop3A_793 = tpu.memref_slice %arg10[%parallel_loop3A_788, %parallel_loop3A_789, %parallel_loop3A_790, %parallel_loop3A_791, %parallel_loop3A_792] : memref<2x4x4x8x128xf32, #tpu.memory_space<vmem>> -> memref<1x4x4x8x128xf32, #tpu.memory_space<vmem>>
        %parallel_loop3A_794 = tpu.memref_squeeze %parallel_loop3A_793 : memref<1x4x4x8x128xf32, #tpu.memory_space<vmem>> -> memref<4x4x8x128xf32, #tpu.memory_space<vmem>>
        tpu.vector_store_idx %parallel_loop3A_794[%parallel_loop3A_784, %parallel_loop3A_565, %parallel_loop3A_787, %parallel_loop3A_568], %parallel_loop3A_628 : memref<4x4x8x128xf32, #tpu.memory_space<vmem>>[vector<16xi32>, vector<16xi32>, vector<16xi32>, vector<16xi32>], vector<16xf32>,
        %parallel_loop3A_795 = arith.constant 3 : i32
        %parallel_loop3A_796 = vector.broadcast %parallel_loop3A_795 : i32 to vector<16xi32>
        %parallel_loop3A_797 = arith.shrui %and3A_72, %parallel_loop3A_796 : vector<16xi32>
        %parallel_loop3A_798 = arith.constant 7 : i32
        %parallel_loop3A_799 = vector.broadcast %parallel_loop3A_798 : i32 to vector<16xi32>
        %parallel_loop3A_800 = arith.andi %and3A_72, %parallel_loop3A_799 : vector<16xi32>
        %parallel_loop3A_801 = arith.constant 0 : i32
        %parallel_loop3A_802 = arith.constant 0 : i32
        %parallel_loop3A_803 = arith.constant 0 : i32
        %parallel_loop3A_804 = arith.constant 0 : i32
        %parallel_loop3A_805 = arith.constant 0 : i32
        %parallel_loop3A_806 = tpu.memref_slice %arg10[%parallel_loop3A_801, %parallel_loop3A_802, %parallel_loop3A_803, %parallel_loop3A_804, %parallel_loop3A_805] : memref<2x4x4x8x128xf32, #tpu.memory_space<vmem>> -> memref<1x4x4x8x128xf32, #tpu.memory_space<vmem>>
        %parallel_loop3A_807 = tpu.memref_squeeze %parallel_loop3A_806 : memref<1x4x4x8x128xf32, #tpu.memory_space<vmem>> -> memref<4x4x8x128xf32, #tpu.memory_space<vmem>>
        tpu.vector_store_idx %parallel_loop3A_807[%parallel_loop3A_797, %parallel_loop3A_565, %parallel_loop3A_800, %parallel_loop3A_568], %parallel_loop3A_634 : memref<4x4x8x128xf32, #tpu.memory_space<vmem>>[vector<16xi32>, vector<16xi32>, vector<16xi32>, vector<16xi32>], vector<16xf32>,
        %parallel_loop3A_808 = arith.constant 3 : i32
        %parallel_loop3A_809 = vector.broadcast %parallel_loop3A_808 : i32 to vector<16xi32>
        %parallel_loop3A_810 = arith.shrui %and3A_78, %parallel_loop3A_809 : vector<16xi32>
        %parallel_loop3A_811 = arith.constant 7 : i32
        %parallel_loop3A_812 = vector.broadcast %parallel_loop3A_811 : i32 to vector<16xi32>
        %parallel_loop3A_813 = arith.andi %and3A_78, %parallel_loop3A_812 : vector<16xi32>
        %parallel_loop3A_814 = arith.constant 0 : i32
        %parallel_loop3A_815 = arith.constant 0 : i32
        %parallel_loop3A_816 = arith.constant 0 : i32
        %parallel_loop3A_817 = arith.constant 0 : i32
        %parallel_loop3A_818 = arith.constant 0 : i32
        %parallel_loop3A_819 = tpu.memref_slice %arg10[%parallel_loop3A_814, %parallel_loop3A_815, %parallel_loop3A_816, %parallel_loop3A_817, %parallel_loop3A_818] : memref<2x4x4x8x128xf32, #tpu.memory_space<vmem>> -> memref<1x4x4x8x128xf32, #tpu.memory_space<vmem>>
        %parallel_loop3A_820 = tpu.memref_squeeze %parallel_loop3A_819 : memref<1x4x4x8x128xf32, #tpu.memory_space<vmem>> -> memref<4x4x8x128xf32, #tpu.memory_space<vmem>>
        tpu.vector_store_idx %parallel_loop3A_820[%parallel_loop3A_810, %parallel_loop3A_565, %parallel_loop3A_813, %parallel_loop3A_568], %parallel_loop3A_640 : memref<4x4x8x128xf32, #tpu.memory_space<vmem>>[vector<16xi32>, vector<16xi32>, vector<16xi32>, vector<16xi32>], vector<16xf32>,
        %parallel_loop3A_821 = arith.constant 3 : i32
        %parallel_loop3A_822 = vector.broadcast %parallel_loop3A_821 : i32 to vector<16xi32>
        %parallel_loop3A_823 = arith.shrui %and3A_84, %parallel_loop3A_822 : vector<16xi32>
        %parallel_loop3A_824 = arith.constant 7 : i32
        %parallel_loop3A_825 = vector.broadcast %parallel_loop3A_824 : i32 to vector<16xi32>
        %parallel_loop3A_826 = arith.andi %and3A_84, %parallel_loop3A_825 : vector<16xi32>
        %parallel_loop3A_827 = arith.constant 0 : i32
        %parallel_loop3A_828 = arith.constant 0 : i32
        %parallel_loop3A_829 = arith.constant 0 : i32
        %parallel_loop3A_830 = arith.constant 0 : i32
        %parallel_loop3A_831 = arith.constant 0 : i32
        %parallel_loop3A_832 = tpu.memref_slice %arg10[%parallel_loop3A_827, %parallel_loop3A_828, %parallel_loop3A_829, %parallel_loop3A_830, %parallel_loop3A_831] : memref<2x4x4x8x128xf32, #tpu.memory_space<vmem>> -> memref<1x4x4x8x128xf32, #tpu.memory_space<vmem>>
        %parallel_loop3A_833 = tpu.memref_squeeze %parallel_loop3A_832 : memref<1x4x4x8x128xf32, #tpu.memory_space<vmem>> -> memref<4x4x8x128xf32, #tpu.memory_space<vmem>>
        tpu.vector_store_idx %parallel_loop3A_833[%parallel_loop3A_823, %parallel_loop3A_565, %parallel_loop3A_826, %parallel_loop3A_568], %parallel_loop3A_646 : memref<4x4x8x128xf32, #tpu.memory_space<vmem>>[vector<16xi32>, vector<16xi32>, vector<16xi32>, vector<16xi32>], vector<16xf32>,
        %parallel_loop3A_834 = arith.constant 3 : i32
        %parallel_loop3A_835 = vector.broadcast %parallel_loop3A_834 : i32 to vector<16xi32>
        %parallel_loop3A_836 = arith.shrui %and3A_90, %parallel_loop3A_835 : vector<16xi32>
        %parallel_loop3A_837 = arith.constant 7 : i32
        %parallel_loop3A_838 = vector.broadcast %parallel_loop3A_837 : i32 to vector<16xi32>
        %parallel_loop3A_839 = arith.andi %and3A_90, %parallel_loop3A_838 : vector<16xi32>
        %parallel_loop3A_840 = arith.constant 0 : i32
        %parallel_loop3A_841 = arith.constant 0 : i32
        %parallel_loop3A_842 = arith.constant 0 : i32
        %parallel_loop3A_843 = arith.constant 0 : i32
        %parallel_loop3A_844 = arith.constant 0 : i32
        %parallel_loop3A_845 = tpu.memref_slice %arg10[%parallel_loop3A_840, %parallel_loop3A_841, %parallel_loop3A_842, %parallel_loop3A_843, %parallel_loop3A_844] : memref<2x4x4x8x128xf32, #tpu.memory_space<vmem>> -> memref<1x4x4x8x128xf32, #tpu.memory_space<vmem>>
        %parallel_loop3A_846 = tpu.memref_squeeze %parallel_loop3A_845 : memref<1x4x4x8x128xf32, #tpu.memory_space<vmem>> -> memref<4x4x8x128xf32, #tpu.memory_space<vmem>>
        tpu.vector_store_idx %parallel_loop3A_846[%parallel_loop3A_836, %parallel_loop3A_565, %parallel_loop3A_839, %parallel_loop3A_568], %parallel_loop3A_652 : memref<4x4x8x128xf32, #tpu.memory_space<vmem>>[vector<16xi32>, vector<16xi32>, vector<16xi32>, vector<16xi32>], vector<16xf32>,
        %parallel_loop3A_847 = arith.constant 3 : i32
        %parallel_loop3A_848 = vector.broadcast %parallel_loop3A_847 : i32 to vector<16xi32>
        %parallel_loop3A_849 = arith.shrui %and3A_96, %parallel_loop3A_848 : vector<16xi32>
        %parallel_loop3A_850 = arith.constant 7 : i32
        %parallel_loop3A_851 = vector.broadcast %parallel_loop3A_850 : i32 to vector<16xi32>
        %parallel_loop3A_852 = arith.andi %and3A_96, %parallel_loop3A_851 : vector<16xi32>
        %parallel_loop3A_853 = arith.constant 0 : i32
        %parallel_loop3A_854 = arith.constant 0 : i32
        %parallel_loop3A_855 = arith.constant 0 : i32
        %parallel_loop3A_856 = arith.constant 0 : i32
        %parallel_loop3A_857 = arith.constant 0 : i32
        %parallel_loop3A_858 = tpu.memref_slice %arg10[%parallel_loop3A_853, %parallel_loop3A_854, %parallel_loop3A_855, %parallel_loop3A_856, %parallel_loop3A_857] : memref<2x4x4x8x128xf32, #tpu.memory_space<vmem>> -> memref<1x4x4x8x128xf32, #tpu.memory_space<vmem>>
        %parallel_loop3A_859 = tpu.memref_squeeze %parallel_loop3A_858 : memref<1x4x4x8x128xf32, #tpu.memory_space<vmem>> -> memref<4x4x8x128xf32, #tpu.memory_space<vmem>>
        tpu.vector_store_idx %parallel_loop3A_859[%parallel_loop3A_849, %parallel_loop3A_565, %parallel_loop3A_852, %parallel_loop3A_568], %parallel_loop3A_658 : memref<4x4x8x128xf32, #tpu.memory_space<vmem>>[vector<16xi32>, vector<16xi32>, vector<16xi32>, vector<16xi32>], vector<16xf32>,
        %parallel_loop3A_860 = arith.constant 3 : i32
        %parallel_loop3A_861 = vector.broadcast %parallel_loop3A_860 : i32 to vector<16xi32>
        %parallel_loop3A_862 = arith.shrui %and3A_102, %parallel_loop3A_861 : vector<16xi32>
        %parallel_loop3A_863 = arith.constant 7 : i32
        %parallel_loop3A_864 = vector.broadcast %parallel_loop3A_863 : i32 to vector<16xi32>
        %parallel_loop3A_865 = arith.andi %and3A_102, %parallel_loop3A_864 : vector<16xi32>
        %parallel_loop3A_866 = arith.constant 0 : i32
        %parallel_loop3A_867 = arith.constant 0 : i32
        %parallel_loop3A_868 = arith.constant 0 : i32
        %parallel_loop3A_869 = arith.constant 0 : i32
        %parallel_loop3A_870 = arith.constant 0 : i32
        %parallel_loop3A_871 = tpu.memref_slice %arg10[%parallel_loop3A_866, %parallel_loop3A_867, %parallel_loop3A_868, %parallel_loop3A_869, %parallel_loop3A_870] : memref<2x4x4x8x128xf32, #tpu.memory_space<vmem>> -> memref<1x4x4x8x128xf32, #tpu.memory_space<vmem>>
        %parallel_loop3A_872 = tpu.memref_squeeze %parallel_loop3A_871 : memref<1x4x4x8x128xf32, #tpu.memory_space<vmem>> -> memref<4x4x8x128xf32, #tpu.memory_space<vmem>>
        tpu.vector_store_idx %parallel_loop3A_872[%parallel_loop3A_862, %parallel_loop3A_565, %parallel_loop3A_865, %parallel_loop3A_568], %parallel_loop3A_664 : memref<4x4x8x128xf32, #tpu.memory_space<vmem>>[vector<16xi32>, vector<16xi32>, vector<16xi32>, vector<16xi32>], vector<16xf32>,
        %parallel_loop3A_873 = arith.constant 0 : i32
        %parallel_loop3A_874 = arith.constant 0 : i32
        %parallel_loop3A_875 = arith.constant 0 : i32
        %parallel_loop3A_876 = tpu.memref_slice %arg9[%parallel_loop3A_873, %parallel_loop3A_874, %parallel_loop3A_875] : memref<2x512x32xf32, #tpu.memory_space<vmem>> -> memref<1x512x32xf32, #tpu.memory_space<vmem>>
        %parallel_loop3A_877 = tpu.memref_squeeze %parallel_loop3A_876 : memref<1x512x32xf32, #tpu.memory_space<vmem>> -> memref<512x32xf32, #tpu.memory_space<vmem>>
        %parallel_loop3A_878 = tpu.vector_load_idx %parallel_loop3A_877[%parallel_loop3A_562, %and3A_108] : memref<512x32xf32, #tpu.memory_space<vmem>>[vector<16xi32>, vector<16xi32>], vector<16xf32>,
        %parallel_loop3A_879 = arith.constant 0 : i32
        %parallel_loop3A_880 = arith.constant 0 : i32
        %parallel_loop3A_881 = arith.constant 0 : i32
        %parallel_loop3A_882 = tpu.memref_slice %arg9[%parallel_loop3A_879, %parallel_loop3A_880, %parallel_loop3A_881] : memref<2x512x32xf32, #tpu.memory_space<vmem>> -> memref<1x512x32xf32, #tpu.memory_space<vmem>>
        %parallel_loop3A_883 = tpu.memref_squeeze %parallel_loop3A_882 : memref<1x512x32xf32, #tpu.memory_space<vmem>> -> memref<512x32xf32, #tpu.memory_space<vmem>>
        %parallel_loop3A_884 = tpu.vector_load_idx %parallel_loop3A_883[%parallel_loop3A_562, %and3A_114] : memref<512x32xf32, #tpu.memory_space<vmem>>[vector<16xi32>, vector<16xi32>], vector<16xf32>,
        %parallel_loop3A_885 = arith.constant 0 : i32
        %parallel_loop3A_886 = arith.constant 0 : i32
        %parallel_loop3A_887 = arith.constant 0 : i32
        %parallel_loop3A_888 = tpu.memref_slice %arg9[%parallel_loop3A_885, %parallel_loop3A_886, %parallel_loop3A_887] : memref<2x512x32xf32, #tpu.memory_space<vmem>> -> memref<1x512x32xf32, #tpu.memory_space<vmem>>
        %parallel_loop3A_889 = tpu.memref_squeeze %parallel_loop3A_888 : memref<1x512x32xf32, #tpu.memory_space<vmem>> -> memref<512x32xf32, #tpu.memory_space<vmem>>
        %parallel_loop3A_890 = tpu.vector_load_idx %parallel_loop3A_889[%parallel_loop3A_562, %and3A_120] : memref<512x32xf32, #tpu.memory_space<vmem>>[vector<16xi32>, vector<16xi32>], vector<16xf32>,
        %parallel_loop3A_891 = arith.constant 0 : i32
        %parallel_loop3A_892 = arith.constant 0 : i32
        %parallel_loop3A_893 = arith.constant 0 : i32
        %parallel_loop3A_894 = tpu.memref_slice %arg9[%parallel_loop3A_891, %parallel_loop3A_892, %parallel_loop3A_893] : memref<2x512x32xf32, #tpu.memory_space<vmem>> -> memref<1x512x32xf32, #tpu.memory_space<vmem>>
        %parallel_loop3A_895 = tpu.memref_squeeze %parallel_loop3A_894 : memref<1x512x32xf32, #tpu.memory_space<vmem>> -> memref<512x32xf32, #tpu.memory_space<vmem>>
        %parallel_loop3A_896 = tpu.vector_load_idx %parallel_loop3A_895[%parallel_loop3A_562, %and3A_126] : memref<512x32xf32, #tpu.memory_space<vmem>>[vector<16xi32>, vector<16xi32>], vector<16xf32>,
        %parallel_loop3A_897 = arith.constant 0 : i32
        %parallel_loop3A_898 = arith.constant 0 : i32
        %parallel_loop3A_899 = arith.constant 0 : i32
        %parallel_loop3A_900 = tpu.memref_slice %arg9[%parallel_loop3A_897, %parallel_loop3A_898, %parallel_loop3A_899] : memref<2x512x32xf32, #tpu.memory_space<vmem>> -> memref<1x512x32xf32, #tpu.memory_space<vmem>>
        %parallel_loop3A_901 = tpu.memref_squeeze %parallel_loop3A_900 : memref<1x512x32xf32, #tpu.memory_space<vmem>> -> memref<512x32xf32, #tpu.memory_space<vmem>>
        %parallel_loop3A_902 = tpu.vector_load_idx %parallel_loop3A_901[%parallel_loop3A_562, %and3A_132] : memref<512x32xf32, #tpu.memory_space<vmem>>[vector<16xi32>, vector<16xi32>], vector<16xf32>,
        %parallel_loop3A_903 = arith.constant 0 : i32
        %parallel_loop3A_904 = arith.constant 0 : i32
        %parallel_loop3A_905 = arith.constant 0 : i32
        %parallel_loop3A_906 = tpu.memref_slice %arg9[%parallel_loop3A_903, %parallel_loop3A_904, %parallel_loop3A_905] : memref<2x512x32xf32, #tpu.memory_space<vmem>> -> memref<1x512x32xf32, #tpu.memory_space<vmem>>
        %parallel_loop3A_907 = tpu.memref_squeeze %parallel_loop3A_906 : memref<1x512x32xf32, #tpu.memory_space<vmem>> -> memref<512x32xf32, #tpu.memory_space<vmem>>
        %parallel_loop3A_908 = tpu.vector_load_idx %parallel_loop3A_907[%parallel_loop3A_562, %and3A_138] : memref<512x32xf32, #tpu.memory_space<vmem>>[vector<16xi32>, vector<16xi32>], vector<16xf32>,
        %parallel_loop3A_909 = arith.constant 0 : i32
        %parallel_loop3A_910 = arith.constant 0 : i32
        %parallel_loop3A_911 = arith.constant 0 : i32
        %parallel_loop3A_912 = tpu.memref_slice %arg9[%parallel_loop3A_909, %parallel_loop3A_910, %parallel_loop3A_911] : memref<2x512x32xf32, #tpu.memory_space<vmem>> -> memref<1x512x32xf32, #tpu.memory_space<vmem>>
        %parallel_loop3A_913 = tpu.memref_squeeze %parallel_loop3A_912 : memref<1x512x32xf32, #tpu.memory_space<vmem>> -> memref<512x32xf32, #tpu.memory_space<vmem>>
        %parallel_loop3A_914 = tpu.vector_load_idx %parallel_loop3A_913[%parallel_loop3A_562, %and3A_144] : memref<512x32xf32, #tpu.memory_space<vmem>>[vector<16xi32>, vector<16xi32>], vector<16xf32>,
        %parallel_loop3A_915 = arith.constant 0 : i32
        %parallel_loop3A_916 = arith.constant 0 : i32
        %parallel_loop3A_917 = arith.constant 0 : i32
        %parallel_loop3A_918 = tpu.memref_slice %arg9[%parallel_loop3A_915, %parallel_loop3A_916, %parallel_loop3A_917] : memref<2x512x32xf32, #tpu.memory_space<vmem>> -> memref<1x512x32xf32, #tpu.memory_space<vmem>>
        %parallel_loop3A_919 = tpu.memref_squeeze %parallel_loop3A_918 : memref<1x512x32xf32, #tpu.memory_space<vmem>> -> memref<512x32xf32, #tpu.memory_space<vmem>>
        %parallel_loop3A_920 = tpu.vector_load_idx %parallel_loop3A_919[%parallel_loop3A_562, %and3A_150] : memref<512x32xf32, #tpu.memory_space<vmem>>[vector<16xi32>, vector<16xi32>], vector<16xf32>,
        %parallel_loop3A_921 = arith.constant 0 : i32
        %parallel_loop3A_922 = arith.constant 0 : i32
        %parallel_loop3A_923 = arith.constant 0 : i32
        %parallel_loop3A_924 = tpu.memref_slice %arg9[%parallel_loop3A_921, %parallel_loop3A_922, %parallel_loop3A_923] : memref<2x512x32xf32, #tpu.memory_space<vmem>> -> memref<1x512x32xf32, #tpu.memory_space<vmem>>
        %parallel_loop3A_925 = tpu.memref_squeeze %parallel_loop3A_924 : memref<1x512x32xf32, #tpu.memory_space<vmem>> -> memref<512x32xf32, #tpu.memory_space<vmem>>
        %parallel_loop3A_926 = tpu.vector_load_idx %parallel_loop3A_925[%parallel_loop3A_562, %and3A_156] : memref<512x32xf32, #tpu.memory_space<vmem>>[vector<16xi32>, vector<16xi32>], vector<16xf32>,
        %parallel_loop3A_927 = arith.constant 0 : i32
        %parallel_loop3A_928 = arith.constant 0 : i32
        %parallel_loop3A_929 = arith.constant 0 : i32
        %parallel_loop3A_930 = tpu.memref_slice %arg9[%parallel_loop3A_927, %parallel_loop3A_928, %parallel_loop3A_929] : memref<2x512x32xf32, #tpu.memory_space<vmem>> -> memref<1x512x32xf32, #tpu.memory_space<vmem>>
        %parallel_loop3A_931 = tpu.memref_squeeze %parallel_loop3A_930 : memref<1x512x32xf32, #tpu.memory_space<vmem>> -> memref<512x32xf32, #tpu.memory_space<vmem>>
        %parallel_loop3A_932 = tpu.vector_load_idx %parallel_loop3A_931[%parallel_loop3A_562, %and3A_162] : memref<512x32xf32, #tpu.memory_space<vmem>>[vector<16xi32>, vector<16xi32>], vector<16xf32>,
        %parallel_loop3A_933 = arith.constant 0 : i32
        %parallel_loop3A_934 = arith.constant 0 : i32
        %parallel_loop3A_935 = arith.constant 0 : i32
        %parallel_loop3A_936 = tpu.memref_slice %arg9[%parallel_loop3A_933, %parallel_loop3A_934, %parallel_loop3A_935] : memref<2x512x32xf32, #tpu.memory_space<vmem>> -> memref<1x512x32xf32, #tpu.memory_space<vmem>>
        %parallel_loop3A_937 = tpu.memref_squeeze %parallel_loop3A_936 : memref<1x512x32xf32, #tpu.memory_space<vmem>> -> memref<512x32xf32, #tpu.memory_space<vmem>>
        %parallel_loop3A_938 = tpu.vector_load_idx %parallel_loop3A_937[%parallel_loop3A_562, %and3A_168] : memref<512x32xf32, #tpu.memory_space<vmem>>[vector<16xi32>, vector<16xi32>], vector<16xf32>,
        %parallel_loop3A_939 = arith.constant 0 : i32
        %parallel_loop3A_940 = arith.constant 0 : i32
        %parallel_loop3A_941 = arith.constant 0 : i32
        %parallel_loop3A_942 = tpu.memref_slice %arg9[%parallel_loop3A_939, %parallel_loop3A_940, %parallel_loop3A_941] : memref<2x512x32xf32, #tpu.memory_space<vmem>> -> memref<1x512x32xf32, #tpu.memory_space<vmem>>
        %parallel_loop3A_943 = tpu.memref_squeeze %parallel_loop3A_942 : memref<1x512x32xf32, #tpu.memory_space<vmem>> -> memref<512x32xf32, #tpu.memory_space<vmem>>
        %parallel_loop3A_944 = tpu.vector_load_idx %parallel_loop3A_943[%parallel_loop3A_562, %and3A_174] : memref<512x32xf32, #tpu.memory_space<vmem>>[vector<16xi32>, vector<16xi32>], vector<16xf32>,
        %parallel_loop3A_945 = arith.constant 0 : i32
        %parallel_loop3A_946 = arith.constant 0 : i32
        %parallel_loop3A_947 = arith.constant 0 : i32
        %parallel_loop3A_948 = tpu.memref_slice %arg9[%parallel_loop3A_945, %parallel_loop3A_946, %parallel_loop3A_947] : memref<2x512x32xf32, #tpu.memory_space<vmem>> -> memref<1x512x32xf32, #tpu.memory_space<vmem>>
        %parallel_loop3A_949 = tpu.memref_squeeze %parallel_loop3A_948 : memref<1x512x32xf32, #tpu.memory_space<vmem>> -> memref<512x32xf32, #tpu.memory_space<vmem>>
        %parallel_loop3A_950 = tpu.vector_load_idx %parallel_loop3A_949[%parallel_loop3A_562, %and3A_180] : memref<512x32xf32, #tpu.memory_space<vmem>>[vector<16xi32>, vector<16xi32>], vector<16xf32>,
        %parallel_loop3A_951 = arith.constant 0 : i32
        %parallel_loop3A_952 = arith.constant 0 : i32
        %parallel_loop3A_953 = arith.constant 0 : i32
        %parallel_loop3A_954 = tpu.memref_slice %arg9[%parallel_loop3A_951, %parallel_loop3A_952, %parallel_loop3A_953] : memref<2x512x32xf32, #tpu.memory_space<vmem>> -> memref<1x512x32xf32, #tpu.memory_space<vmem>>
        %parallel_loop3A_955 = tpu.memref_squeeze %parallel_loop3A_954 : memref<1x512x32xf32, #tpu.memory_space<vmem>> -> memref<512x32xf32, #tpu.memory_space<vmem>>
        %parallel_loop3A_956 = tpu.vector_load_idx %parallel_loop3A_955[%parallel_loop3A_562, %and3A_186] : memref<512x32xf32, #tpu.memory_space<vmem>>[vector<16xi32>, vector<16xi32>], vector<16xf32>,
        %parallel_loop3A_957 = arith.constant 0 : i32
        %parallel_loop3A_958 = arith.constant 0 : i32
        %parallel_loop3A_959 = arith.constant 0 : i32
        %parallel_loop3A_960 = tpu.memref_slice %arg9[%parallel_loop3A_957, %parallel_loop3A_958, %parallel_loop3A_959] : memref<2x512x32xf32, #tpu.memory_space<vmem>> -> memref<1x512x32xf32, #tpu.memory_space<vmem>>
        %parallel_loop3A_961 = tpu.memref_squeeze %parallel_loop3A_960 : memref<1x512x32xf32, #tpu.memory_space<vmem>> -> memref<512x32xf32, #tpu.memory_space<vmem>>
        %parallel_loop3A_962 = tpu.vector_load_idx %parallel_loop3A_961[%parallel_loop3A_562, %and3A_192] : memref<512x32xf32, #tpu.memory_space<vmem>>[vector<16xi32>, vector<16xi32>], vector<16xf32>,
        %parallel_loop3A_963 = arith.constant 0 : i32
        %parallel_loop3A_964 = arith.constant 0 : i32
        %parallel_loop3A_965 = arith.constant 0 : i32
        %parallel_loop3A_966 = tpu.memref_slice %arg9[%parallel_loop3A_963, %parallel_loop3A_964, %parallel_loop3A_965] : memref<2x512x32xf32, #tpu.memory_space<vmem>> -> memref<1x512x32xf32, #tpu.memory_space<vmem>>
        %parallel_loop3A_967 = tpu.memref_squeeze %parallel_loop3A_966 : memref<1x512x32xf32, #tpu.memory_space<vmem>> -> memref<512x32xf32, #tpu.memory_space<vmem>>
        %parallel_loop3A_968 = tpu.vector_load_idx %parallel_loop3A_967[%parallel_loop3A_562, %and3A_198] : memref<512x32xf32, #tpu.memory_space<vmem>>[vector<16xi32>, vector<16xi32>], vector<16xf32>,
        %parallel_loop3A_969 = arith.constant 3 : i32
        %parallel_loop3A_970 = vector.broadcast %parallel_loop3A_969 : i32 to vector<16xi32>
        %parallel_loop3A_971 = arith.shrui %and3A_108, %parallel_loop3A_970 : vector<16xi32>
        %parallel_loop3A_972 = arith.constant 7 : i32
        %parallel_loop3A_973 = vector.broadcast %parallel_loop3A_972 : i32 to vector<16xi32>
        %parallel_loop3A_974 = arith.andi %and3A_108, %parallel_loop3A_973 : vector<16xi32>
        %parallel_loop3A_975 = arith.constant 0 : i32
        %parallel_loop3A_976 = arith.constant 0 : i32
        %parallel_loop3A_977 = arith.constant 0 : i32
        %parallel_loop3A_978 = arith.constant 0 : i32
        %parallel_loop3A_979 = arith.constant 0 : i32
        %parallel_loop3A_980 = tpu.memref_slice %arg10[%parallel_loop3A_975, %parallel_loop3A_976, %parallel_loop3A_977, %parallel_loop3A_978, %parallel_loop3A_979] : memref<2x4x4x8x128xf32, #tpu.memory_space<vmem>> -> memref<1x4x4x8x128xf32, #tpu.memory_space<vmem>>
        %parallel_loop3A_981 = tpu.memref_squeeze %parallel_loop3A_980 : memref<1x4x4x8x128xf32, #tpu.memory_space<vmem>> -> memref<4x4x8x128xf32, #tpu.memory_space<vmem>>
        tpu.vector_store_idx %parallel_loop3A_981[%parallel_loop3A_971, %parallel_loop3A_565, %parallel_loop3A_974, %parallel_loop3A_568], %parallel_loop3A_878 : memref<4x4x8x128xf32, #tpu.memory_space<vmem>>[vector<16xi32>, vector<16xi32>, vector<16xi32>, vector<16xi32>], vector<16xf32>,
        %parallel_loop3A_982 = arith.constant 3 : i32
        %parallel_loop3A_983 = vector.broadcast %parallel_loop3A_982 : i32 to vector<16xi32>
        %parallel_loop3A_984 = arith.shrui %and3A_114, %parallel_loop3A_983 : vector<16xi32>
        %parallel_loop3A_985 = arith.constant 7 : i32
        %parallel_loop3A_986 = vector.broadcast %parallel_loop3A_985 : i32 to vector<16xi32>
        %parallel_loop3A_987 = arith.andi %and3A_114, %parallel_loop3A_986 : vector<16xi32>
        %parallel_loop3A_988 = arith.constant 0 : i32
        %parallel_loop3A_989 = arith.constant 0 : i32
        %parallel_loop3A_990 = arith.constant 0 : i32
        %parallel_loop3A_991 = arith.constant 0 : i32
        %parallel_loop3A_992 = arith.constant 0 : i32
        %parallel_loop3A_993 = tpu.memref_slice %arg10[%parallel_loop3A_988, %parallel_loop3A_989, %parallel_loop3A_990, %parallel_loop3A_991, %parallel_loop3A_992] : memref<2x4x4x8x128xf32, #tpu.memory_space<vmem>> -> memref<1x4x4x8x128xf32, #tpu.memory_space<vmem>>
        %parallel_loop3A_994 = tpu.memref_squeeze %parallel_loop3A_993 : memref<1x4x4x8x128xf32, #tpu.memory_space<vmem>> -> memref<4x4x8x128xf32, #tpu.memory_space<vmem>>
        tpu.vector_store_idx %parallel_loop3A_994[%parallel_loop3A_984, %parallel_loop3A_565, %parallel_loop3A_987, %parallel_loop3A_568], %parallel_loop3A_884 : memref<4x4x8x128xf32, #tpu.memory_space<vmem>>[vector<16xi32>, vector<16xi32>, vector<16xi32>, vector<16xi32>], vector<16xf32>,
        %parallel_loop3A_995 = arith.constant 3 : i32
        %parallel_loop3A_996 = vector.broadcast %parallel_loop3A_995 : i32 to vector<16xi32>
        %parallel_loop3A_997 = arith.shrui %and3A_120, %parallel_loop3A_996 : vector<16xi32>
        %parallel_loop3A_998 = arith.constant 7 : i32
        %parallel_loop3A_999 = vector.broadcast %parallel_loop3A_998 : i32 to vector<16xi32>
        %parallel_loop3A_1000 = arith.andi %and3A_120, %parallel_loop3A_999 : vector<16xi32>
        %parallel_loop3A_1001 = arith.constant 0 : i32
        %parallel_loop3A_1002 = arith.constant 0 : i32
        %parallel_loop3A_1003 = arith.constant 0 : i32
        %parallel_loop3A_1004 = arith.constant 0 : i32
        %parallel_loop3A_1005 = arith.constant 0 : i32
        %parallel_loop3A_1006 = tpu.memref_slice %arg10[%parallel_loop3A_1001, %parallel_loop3A_1002, %parallel_loop3A_1003, %parallel_loop3A_1004, %parallel_loop3A_1005] : memref<2x4x4x8x128xf32, #tpu.memory_space<vmem>> -> memref<1x4x4x8x128xf32, #tpu.memory_space<vmem>>
        %parallel_loop3A_1007 = tpu.memref_squeeze %parallel_loop3A_1006 : memref<1x4x4x8x128xf32, #tpu.memory_space<vmem>> -> memref<4x4x8x128xf32, #tpu.memory_space<vmem>>
        tpu.vector_store_idx %parallel_loop3A_1007[%parallel_loop3A_997, %parallel_loop3A_565, %parallel_loop3A_1000, %parallel_loop3A_568], %parallel_loop3A_890 : memref<4x4x8x128xf32, #tpu.memory_space<vmem>>[vector<16xi32>, vector<16xi32>, vector<16xi32>, vector<16xi32>], vector<16xf32>,
        %parallel_loop3A_1008 = arith.constant 3 : i32
        %parallel_loop3A_1009 = vector.broadcast %parallel_loop3A_1008 : i32 to vector<16xi32>
        %parallel_loop3A_1010 = arith.shrui %and3A_126, %parallel_loop3A_1009 : vector<16xi32>
        %parallel_loop3A_1011 = arith.constant 7 : i32
        %parallel_loop3A_1012 = vector.broadcast %parallel_loop3A_1011 : i32 to vector<16xi32>
        %parallel_loop3A_1013 = arith.andi %and3A_126, %parallel_loop3A_1012 : vector<16xi32>
        %parallel_loop3A_1014 = arith.constant 0 : i32
        %parallel_loop3A_1015 = arith.constant 0 : i32
        %parallel_loop3A_1016 = arith.constant 0 : i32
        %parallel_loop3A_1017 = arith.constant 0 : i32
        %parallel_loop3A_1018 = arith.constant 0 : i32
        %parallel_loop3A_1019 = tpu.memref_slice %arg10[%parallel_loop3A_1014, %parallel_loop3A_1015, %parallel_loop3A_1016, %parallel_loop3A_1017, %parallel_loop3A_1018] : memref<2x4x4x8x128xf32, #tpu.memory_space<vmem>> -> memref<1x4x4x8x128xf32, #tpu.memory_space<vmem>>
        %parallel_loop3A_1020 = tpu.memref_squeeze %parallel_loop3A_1019 : memref<1x4x4x8x128xf32, #tpu.memory_space<vmem>> -> memref<4x4x8x128xf32, #tpu.memory_space<vmem>>
        tpu.vector_store_idx %parallel_loop3A_1020[%parallel_loop3A_1010, %parallel_loop3A_565, %parallel_loop3A_1013, %parallel_loop3A_568], %parallel_loop3A_896 : memref<4x4x8x128xf32, #tpu.memory_space<vmem>>[vector<16xi32>, vector<16xi32>, vector<16xi32>, vector<16xi32>], vector<16xf32>,
        %parallel_loop3A_1021 = arith.constant 3 : i32
        %parallel_loop3A_1022 = vector.broadcast %parallel_loop3A_1021 : i32 to vector<16xi32>
        %parallel_loop3A_1023 = arith.shrui %and3A_132, %parallel_loop3A_1022 : vector<16xi32>
        %parallel_loop3A_1024 = arith.constant 7 : i32
        %parallel_loop3A_1025 = vector.broadcast %parallel_loop3A_1024 : i32 to vector<16xi32>
        %parallel_loop3A_1026 = arith.andi %and3A_132, %parallel_loop3A_1025 : vector<16xi32>
        %parallel_loop3A_1027 = arith.constant 0 : i32
        %parallel_loop3A_1028 = arith.constant 0 : i32
        %parallel_loop3A_1029 = arith.constant 0 : i32
        %parallel_loop3A_1030 = arith.constant 0 : i32
        %parallel_loop3A_1031 = arith.constant 0 : i32
        %parallel_loop3A_1032 = tpu.memref_slice %arg10[%parallel_loop3A_1027, %parallel_loop3A_1028, %parallel_loop3A_1029, %parallel_loop3A_1030, %parallel_loop3A_1031] : memref<2x4x4x8x128xf32, #tpu.memory_space<vmem>> -> memref<1x4x4x8x128xf32, #tpu.memory_space<vmem>>
        %parallel_loop3A_1033 = tpu.memref_squeeze %parallel_loop3A_1032 : memref<1x4x4x8x128xf32, #tpu.memory_space<vmem>> -> memref<4x4x8x128xf32, #tpu.memory_space<vmem>>
        tpu.vector_store_idx %parallel_loop3A_1033[%parallel_loop3A_1023, %parallel_loop3A_565, %parallel_loop3A_1026, %parallel_loop3A_568], %parallel_loop3A_902 : memref<4x4x8x128xf32, #tpu.memory_space<vmem>>[vector<16xi32>, vector<16xi32>, vector<16xi32>, vector<16xi32>], vector<16xf32>,
        %parallel_loop3A_1034 = arith.constant 3 : i32
        %parallel_loop3A_1035 = vector.broadcast %parallel_loop3A_1034 : i32 to vector<16xi32>
        %parallel_loop3A_1036 = arith.shrui %and3A_138, %parallel_loop3A_1035 : vector<16xi32>
        %parallel_loop3A_1037 = arith.constant 7 : i32
        %parallel_loop3A_1038 = vector.broadcast %parallel_loop3A_1037 : i32 to vector<16xi32>
        %parallel_loop3A_1039 = arith.andi %and3A_138, %parallel_loop3A_1038 : vector<16xi32>
        %parallel_loop3A_1040 = arith.constant 0 : i32
        %parallel_loop3A_1041 = arith.constant 0 : i32
        %parallel_loop3A_1042 = arith.constant 0 : i32
        %parallel_loop3A_1043 = arith.constant 0 : i32
        %parallel_loop3A_1044 = arith.constant 0 : i32
        %parallel_loop3A_1045 = tpu.memref_slice %arg10[%parallel_loop3A_1040, %parallel_loop3A_1041, %parallel_loop3A_1042, %parallel_loop3A_1043, %parallel_loop3A_1044] : memref<2x4x4x8x128xf32, #tpu.memory_space<vmem>> -> memref<1x4x4x8x128xf32, #tpu.memory_space<vmem>>
        %parallel_loop3A_1046 = tpu.memref_squeeze %parallel_loop3A_1045 : memref<1x4x4x8x128xf32, #tpu.memory_space<vmem>> -> memref<4x4x8x128xf32, #tpu.memory_space<vmem>>
        tpu.vector_store_idx %parallel_loop3A_1046[%parallel_loop3A_1036, %parallel_loop3A_565, %parallel_loop3A_1039, %parallel_loop3A_568], %parallel_loop3A_908 : memref<4x4x8x128xf32, #tpu.memory_space<vmem>>[vector<16xi32>, vector<16xi32>, vector<16xi32>, vector<16xi32>], vector<16xf32>,
        %parallel_loop3A_1047 = arith.constant 3 : i32
        %parallel_loop3A_1048 = vector.broadcast %parallel_loop3A_1047 : i32 to vector<16xi32>
        %parallel_loop3A_1049 = arith.shrui %and3A_144, %parallel_loop3A_1048 : vector<16xi32>
        %parallel_loop3A_1050 = arith.constant 7 : i32
        %parallel_loop3A_1051 = vector.broadcast %parallel_loop3A_1050 : i32 to vector<16xi32>
        %parallel_loop3A_1052 = arith.andi %and3A_144, %parallel_loop3A_1051 : vector<16xi32>
        %parallel_loop3A_1053 = arith.constant 0 : i32
        %parallel_loop3A_1054 = arith.constant 0 : i32
        %parallel_loop3A_1055 = arith.constant 0 : i32
        %parallel_loop3A_1056 = arith.constant 0 : i32
        %parallel_loop3A_1057 = arith.constant 0 : i32
        %parallel_loop3A_1058 = tpu.memref_slice %arg10[%parallel_loop3A_1053, %parallel_loop3A_1054, %parallel_loop3A_1055, %parallel_loop3A_1056, %parallel_loop3A_1057] : memref<2x4x4x8x128xf32, #tpu.memory_space<vmem>> -> memref<1x4x4x8x128xf32, #tpu.memory_space<vmem>>
        %parallel_loop3A_1059 = tpu.memref_squeeze %parallel_loop3A_1058 : memref<1x4x4x8x128xf32, #tpu.memory_space<vmem>> -> memref<4x4x8x128xf32, #tpu.memory_space<vmem>>
        tpu.vector_store_idx %parallel_loop3A_1059[%parallel_loop3A_1049, %parallel_loop3A_565, %parallel_loop3A_1052, %parallel_loop3A_568], %parallel_loop3A_914 : memref<4x4x8x128xf32, #tpu.memory_space<vmem>>[vector<16xi32>, vector<16xi32>, vector<16xi32>, vector<16xi32>], vector<16xf32>,
        %parallel_loop3A_1060 = arith.constant 3 : i32
        %parallel_loop3A_1061 = vector.broadcast %parallel_loop3A_1060 : i32 to vector<16xi32>
        %parallel_loop3A_1062 = arith.shrui %and3A_150, %parallel_loop3A_1061 : vector<16xi32>
        %parallel_loop3A_1063 = arith.constant 7 : i32
        %parallel_loop3A_1064 = vector.broadcast %parallel_loop3A_1063 : i32 to vector<16xi32>
        %parallel_loop3A_1065 = arith.andi %and3A_150, %parallel_loop3A_1064 : vector<16xi32>
        %parallel_loop3A_1066 = arith.constant 0 : i32
        %parallel_loop3A_1067 = arith.constant 0 : i32
        %parallel_loop3A_1068 = arith.constant 0 : i32
        %parallel_loop3A_1069 = arith.constant 0 : i32
        %parallel_loop3A_1070 = arith.constant 0 : i32
        %parallel_loop3A_1071 = tpu.memref_slice %arg10[%parallel_loop3A_1066, %parallel_loop3A_1067, %parallel_loop3A_1068, %parallel_loop3A_1069, %parallel_loop3A_1070] : memref<2x4x4x8x128xf32, #tpu.memory_space<vmem>> -> memref<1x4x4x8x128xf32, #tpu.memory_space<vmem>>
        %parallel_loop3A_1072 = tpu.memref_squeeze %parallel_loop3A_1071 : memref<1x4x4x8x128xf32, #tpu.memory_space<vmem>> -> memref<4x4x8x128xf32, #tpu.memory_space<vmem>>
        tpu.vector_store_idx %parallel_loop3A_1072[%parallel_loop3A_1062, %parallel_loop3A_565, %parallel_loop3A_1065, %parallel_loop3A_568], %parallel_loop3A_920 : memref<4x4x8x128xf32, #tpu.memory_space<vmem>>[vector<16xi32>, vector<16xi32>, vector<16xi32>, vector<16xi32>], vector<16xf32>,
        %parallel_loop3A_1073 = arith.constant 3 : i32
        %parallel_loop3A_1074 = vector.broadcast %parallel_loop3A_1073 : i32 to vector<16xi32>
        %parallel_loop3A_1075 = arith.shrui %and3A_156, %parallel_loop3A_1074 : vector<16xi32>
        %parallel_loop3A_1076 = arith.constant 7 : i32
        %parallel_loop3A_1077 = vector.broadcast %parallel_loop3A_1076 : i32 to vector<16xi32>
        %parallel_loop3A_1078 = arith.andi %and3A_156, %parallel_loop3A_1077 : vector<16xi32>
        %parallel_loop3A_1079 = arith.constant 0 : i32
        %parallel_loop3A_1080 = arith.constant 0 : i32
        %parallel_loop3A_1081 = arith.constant 0 : i32
        %parallel_loop3A_1082 = arith.constant 0 : i32
        %parallel_loop3A_1083 = arith.constant 0 : i32
        %parallel_loop3A_1084 = tpu.memref_slice %arg10[%parallel_loop3A_1079, %parallel_loop3A_1080, %parallel_loop3A_1081, %parallel_loop3A_1082, %parallel_loop3A_1083] : memref<2x4x4x8x128xf32, #tpu.memory_space<vmem>> -> memref<1x4x4x8x128xf32, #tpu.memory_space<vmem>>
        %parallel_loop3A_1085 = tpu.memref_squeeze %parallel_loop3A_1084 : memref<1x4x4x8x128xf32, #tpu.memory_space<vmem>> -> memref<4x4x8x128xf32, #tpu.memory_space<vmem>>
        tpu.vector_store_idx %parallel_loop3A_1085[%parallel_loop3A_1075, %parallel_loop3A_565, %parallel_loop3A_1078, %parallel_loop3A_568], %parallel_loop3A_926 : memref<4x4x8x128xf32, #tpu.memory_space<vmem>>[vector<16xi32>, vector<16xi32>, vector<16xi32>, vector<16xi32>], vector<16xf32>,
        %parallel_loop3A_1086 = arith.constant 3 : i32
        %parallel_loop3A_1087 = vector.broadcast %parallel_loop3A_1086 : i32 to vector<16xi32>
        %parallel_loop3A_1088 = arith.shrui %and3A_162, %parallel_loop3A_1087 : vector<16xi32>
        %parallel_loop3A_1089 = arith.constant 7 : i32
        %parallel_loop3A_1090 = vector.broadcast %parallel_loop3A_1089 : i32 to vector<16xi32>
        %parallel_loop3A_1091 = arith.andi %and3A_162, %parallel_loop3A_1090 : vector<16xi32>
        %parallel_loop3A_1092 = arith.constant 0 : i32
        %parallel_loop3A_1093 = arith.constant 0 : i32
        %parallel_loop3A_1094 = arith.constant 0 : i32
        %parallel_loop3A_1095 = arith.constant 0 : i32
        %parallel_loop3A_1096 = arith.constant 0 : i32
        %parallel_loop3A_1097 = tpu.memref_slice %arg10[%parallel_loop3A_1092, %parallel_loop3A_1093, %parallel_loop3A_1094, %parallel_loop3A_1095, %parallel_loop3A_1096] : memref<2x4x4x8x128xf32, #tpu.memory_space<vmem>> -> memref<1x4x4x8x128xf32, #tpu.memory_space<vmem>>
        %parallel_loop3A_1098 = tpu.memref_squeeze %parallel_loop3A_1097 : memref<1x4x4x8x128xf32, #tpu.memory_space<vmem>> -> memref<4x4x8x128xf32, #tpu.memory_space<vmem>>
        tpu.vector_store_idx %parallel_loop3A_1098[%parallel_loop3A_1088, %parallel_loop3A_565, %parallel_loop3A_1091, %parallel_loop3A_568], %parallel_loop3A_932 : memref<4x4x8x128xf32, #tpu.memory_space<vmem>>[vector<16xi32>, vector<16xi32>, vector<16xi32>, vector<16xi32>], vector<16xf32>,
        %parallel_loop3A_1099 = arith.constant 3 : i32
        %parallel_loop3A_1100 = vector.broadcast %parallel_loop3A_1099 : i32 to vector<16xi32>
        %parallel_loop3A_1101 = arith.shrui %and3A_168, %parallel_loop3A_1100 : vector<16xi32>
        %parallel_loop3A_1102 = arith.constant 7 : i32
        %parallel_loop3A_1103 = vector.broadcast %parallel_loop3A_1102 : i32 to vector<16xi32>
        %parallel_loop3A_1104 = arith.andi %and3A_168, %parallel_loop3A_1103 : vector<16xi32>
        %parallel_loop3A_1105 = arith.constant 0 : i32
        %parallel_loop3A_1106 = arith.constant 0 : i32
        %parallel_loop3A_1107 = arith.constant 0 : i32
        %parallel_loop3A_1108 = arith.constant 0 : i32
        %parallel_loop3A_1109 = arith.constant 0 : i32
        %parallel_loop3A_1110 = tpu.memref_slice %arg10[%parallel_loop3A_1105, %parallel_loop3A_1106, %parallel_loop3A_1107, %parallel_loop3A_1108, %parallel_loop3A_1109] : memref<2x4x4x8x128xf32, #tpu.memory_space<vmem>> -> memref<1x4x4x8x128xf32, #tpu.memory_space<vmem>>
        %parallel_loop3A_1111 = tpu.memref_squeeze %parallel_loop3A_1110 : memref<1x4x4x8x128xf32, #tpu.memory_space<vmem>> -> memref<4x4x8x128xf32, #tpu.memory_space<vmem>>
        tpu.vector_store_idx %parallel_loop3A_1111[%parallel_loop3A_1101, %parallel_loop3A_565, %parallel_loop3A_1104, %parallel_loop3A_568], %parallel_loop3A_938 : memref<4x4x8x128xf32, #tpu.memory_space<vmem>>[vector<16xi32>, vector<16xi32>, vector<16xi32>, vector<16xi32>], vector<16xf32>,
        %parallel_loop3A_1112 = arith.constant 3 : i32
        %parallel_loop3A_1113 = vector.broadcast %parallel_loop3A_1112 : i32 to vector<16xi32>
        %parallel_loop3A_1114 = arith.shrui %and3A_174, %parallel_loop3A_1113 : vector<16xi32>
        %parallel_loop3A_1115 = arith.constant 7 : i32
        %parallel_loop3A_1116 = vector.broadcast %parallel_loop3A_1115 : i32 to vector<16xi32>
        %parallel_loop3A_1117 = arith.andi %and3A_174, %parallel_loop3A_1116 : vector<16xi32>
        %parallel_loop3A_1118 = arith.constant 0 : i32
        %parallel_loop3A_1119 = arith.constant 0 : i32
        %parallel_loop3A_1120 = arith.constant 0 : i32
        %parallel_loop3A_1121 = arith.constant 0 : i32
        %parallel_loop3A_1122 = arith.constant 0 : i32
        %parallel_loop3A_1123 = tpu.memref_slice %arg10[%parallel_loop3A_1118, %parallel_loop3A_1119, %parallel_loop3A_1120, %parallel_loop3A_1121, %parallel_loop3A_1122] : memref<2x4x4x8x128xf32, #tpu.memory_space<vmem>> -> memref<1x4x4x8x128xf32, #tpu.memory_space<vmem>>
        %parallel_loop3A_1124 = tpu.memref_squeeze %parallel_loop3A_1123 : memref<1x4x4x8x128xf32, #tpu.memory_space<vmem>> -> memref<4x4x8x128xf32, #tpu.memory_space<vmem>>
        tpu.vector_store_idx %parallel_loop3A_1124[%parallel_loop3A_1114, %parallel_loop3A_565, %parallel_loop3A_1117, %parallel_loop3A_568], %parallel_loop3A_944 : memref<4x4x8x128xf32, #tpu.memory_space<vmem>>[vector<16xi32>, vector<16xi32>, vector<16xi32>, vector<16xi32>], vector<16xf32>,
        %parallel_loop3A_1125 = arith.constant 3 : i32
        %parallel_loop3A_1126 = vector.broadcast %parallel_loop3A_1125 : i32 to vector<16xi32>
        %parallel_loop3A_1127 = arith.shrui %and3A_180, %parallel_loop3A_1126 : vector<16xi32>
        %parallel_loop3A_1128 = arith.constant 7 : i32
        %parallel_loop3A_1129 = vector.broadcast %parallel_loop3A_1128 : i32 to vector<16xi32>
        %parallel_loop3A_1130 = arith.andi %and3A_180, %parallel_loop3A_1129 : vector<16xi32>
        %parallel_loop3A_1131 = arith.constant 0 : i32
        %parallel_loop3A_1132 = arith.constant 0 : i32
        %parallel_loop3A_1133 = arith.constant 0 : i32
        %parallel_loop3A_1134 = arith.constant 0 : i32
        %parallel_loop3A_1135 = arith.constant 0 : i32
        %parallel_loop3A_1136 = tpu.memref_slice %arg10[%parallel_loop3A_1131, %parallel_loop3A_1132, %parallel_loop3A_1133, %parallel_loop3A_1134, %parallel_loop3A_1135] : memref<2x4x4x8x128xf32, #tpu.memory_space<vmem>> -> memref<1x4x4x8x128xf32, #tpu.memory_space<vmem>>
        %parallel_loop3A_1137 = tpu.memref_squeeze %parallel_loop3A_1136 : memref<1x4x4x8x128xf32, #tpu.memory_space<vmem>> -> memref<4x4x8x128xf32, #tpu.memory_space<vmem>>
        tpu.vector_store_idx %parallel_loop3A_1137[%parallel_loop3A_1127, %parallel_loop3A_565, %parallel_loop3A_1130, %parallel_loop3A_568], %parallel_loop3A_950 : memref<4x4x8x128xf32, #tpu.memory_space<vmem>>[vector<16xi32>, vector<16xi32>, vector<16xi32>, vector<16xi32>], vector<16xf32>,
        %parallel_loop3A_1138 = arith.constant 3 : i32
        %parallel_loop3A_1139 = vector.broadcast %parallel_loop3A_1138 : i32 to vector<16xi32>
        %parallel_loop3A_1140 = arith.shrui %and3A_186, %parallel_loop3A_1139 : vector<16xi32>
        %parallel_loop3A_1141 = arith.constant 7 : i32
        %parallel_loop3A_1142 = vector.broadcast %parallel_loop3A_1141 : i32 to vector<16xi32>
        %parallel_loop3A_1143 = arith.andi %and3A_186, %parallel_loop3A_1142 : vector<16xi32>
        %parallel_loop3A_1144 = arith.constant 0 : i32
        %parallel_loop3A_1145 = arith.constant 0 : i32
        %parallel_loop3A_1146 = arith.constant 0 : i32
        %parallel_loop3A_1147 = arith.constant 0 : i32
        %parallel_loop3A_1148 = arith.constant 0 : i32
        %parallel_loop3A_1149 = tpu.memref_slice %arg10[%parallel_loop3A_1144, %parallel_loop3A_1145, %parallel_loop3A_1146, %parallel_loop3A_1147, %parallel_loop3A_1148] : memref<2x4x4x8x128xf32, #tpu.memory_space<vmem>> -> memref<1x4x4x8x128xf32, #tpu.memory_space<vmem>>
        %parallel_loop3A_1150 = tpu.memref_squeeze %parallel_loop3A_1149 : memref<1x4x4x8x128xf32, #tpu.memory_space<vmem>> -> memref<4x4x8x128xf32, #tpu.memory_space<vmem>>
        tpu.vector_store_idx %parallel_loop3A_1150[%parallel_loop3A_1140, %parallel_loop3A_565, %parallel_loop3A_1143, %parallel_loop3A_568], %parallel_loop3A_956 : memref<4x4x8x128xf32, #tpu.memory_space<vmem>>[vector<16xi32>, vector<16xi32>, vector<16xi32>, vector<16xi32>], vector<16xf32>,
        %parallel_loop3A_1151 = arith.constant 3 : i32
        %parallel_loop3A_1152 = vector.broadcast %parallel_loop3A_1151 : i32 to vector<16xi32>
        %parallel_loop3A_1153 = arith.shrui %and3A_192, %parallel_loop3A_1152 : vector<16xi32>
        %parallel_loop3A_1154 = arith.constant 7 : i32
        %parallel_loop3A_1155 = vector.broadcast %parallel_loop3A_1154 : i32 to vector<16xi32>
        %parallel_loop3A_1156 = arith.andi %and3A_192, %parallel_loop3A_1155 : vector<16xi32>
        %parallel_loop3A_1157 = arith.constant 0 : i32
        %parallel_loop3A_1158 = arith.constant 0 : i32
        %parallel_loop3A_1159 = arith.constant 0 : i32
        %parallel_loop3A_1160 = arith.constant 0 : i32
        %parallel_loop3A_1161 = arith.constant 0 : i32
        %parallel_loop3A_1162 = tpu.memref_slice %arg10[%parallel_loop3A_1157, %parallel_loop3A_1158, %parallel_loop3A_1159, %parallel_loop3A_1160, %parallel_loop3A_1161] : memref<2x4x4x8x128xf32, #tpu.memory_space<vmem>> -> memref<1x4x4x8x128xf32, #tpu.memory_space<vmem>>
        %parallel_loop3A_1163 = tpu.memref_squeeze %parallel_loop3A_1162 : memref<1x4x4x8x128xf32, #tpu.memory_space<vmem>> -> memref<4x4x8x128xf32, #tpu.memory_space<vmem>>
        tpu.vector_store_idx %parallel_loop3A_1163[%parallel_loop3A_1153, %parallel_loop3A_565, %parallel_loop3A_1156, %parallel_loop3A_568], %parallel_loop3A_962 : memref<4x4x8x128xf32, #tpu.memory_space<vmem>>[vector<16xi32>, vector<16xi32>, vector<16xi32>, vector<16xi32>], vector<16xf32>,
        %parallel_loop3A_1164 = arith.constant 3 : i32
        %parallel_loop3A_1165 = vector.broadcast %parallel_loop3A_1164 : i32 to vector<16xi32>
        %parallel_loop3A_1166 = arith.shrui %and3A_198, %parallel_loop3A_1165 : vector<16xi32>
        %parallel_loop3A_1167 = arith.constant 7 : i32
        %parallel_loop3A_1168 = vector.broadcast %parallel_loop3A_1167 : i32 to vector<16xi32>
        %parallel_loop3A_1169 = arith.andi %and3A_198, %parallel_loop3A_1168 : vector<16xi32>
        %parallel_loop3A_1170 = arith.constant 0 : i32
        %parallel_loop3A_1171 = arith.constant 0 : i32
        %parallel_loop3A_1172 = arith.constant 0 : i32
        %parallel_loop3A_1173 = arith.constant 0 : i32
        %parallel_loop3A_1174 = arith.constant 0 : i32
        %parallel_loop3A_1175 = tpu.memref_slice %arg10[%parallel_loop3A_1170, %parallel_loop3A_1171, %parallel_loop3A_1172, %parallel_loop3A_1173, %parallel_loop3A_1174] : memref<2x4x4x8x128xf32, #tpu.memory_space<vmem>> -> memref<1x4x4x8x128xf32, #tpu.memory_space<vmem>>
        %parallel_loop3A_1176 = tpu.memref_squeeze %parallel_loop3A_1175 : memref<1x4x4x8x128xf32, #tpu.memory_space<vmem>> -> memref<4x4x8x128xf32, #tpu.memory_space<vmem>>
        tpu.vector_store_idx %parallel_loop3A_1176[%parallel_loop3A_1166, %parallel_loop3A_565, %parallel_loop3A_1169, %parallel_loop3A_568], %parallel_loop3A_968 : memref<4x4x8x128xf32, #tpu.memory_space<vmem>>[vector<16xi32>, vector<16xi32>, vector<16xi32>, vector<16xi32>], vector<16xf32>,
      } {sc.loop_unroll_factor = 2 : i64, sc.parallel_access}
      %mul3A_447 = arith.constant 4 : i32
      %mul3A_448 = arith.muli %add3A, %mul3A_447 : i32
      %dma_start3A_449 = arith.constant 0 : i32
      %dma_start3A_450 = arith.constant 0 : i32
      %dma_start3A_451 = arith.constant 0 : i32
      %dma_start3A_452 = arith.constant 0 : i32
      %dma_start3A_453 = arith.constant 0 : i32
      %dma_start3A_454 = tpu.memref_slice %arg10[%dma_start3A_449, %dma_start3A_450, %dma_start3A_451, %dma_start3A_452, %dma_start3A_453] : memref<2x4x4x8x128xf32, #tpu.memory_space<vmem>> -> memref<1x4x4x8x128xf32, #tpu.memory_space<vmem>>
      %dma_start3A_455 = tpu.memref_squeeze %dma_start3A_454 : memref<1x4x4x8x128xf32, #tpu.memory_space<vmem>> -> memref<4x4x8x128xf32, #tpu.memory_space<vmem>>
      %dma_start3A_456 = arith.constant 0 : i32
      %dma_start3A_457 = arith.constant 0 : i32
      %dma_start3A_458 = arith.constant 0 : i32
      %dma_start3A_459 = tpu.memref_slice %arg4[%mul3A_325, %dma_start3A_456, %mul3A_448, %dma_start3A_457, %dma_start3A_458] : memref<200x4x128x8x128xf32, #tpu.memory_space<hbm>> -> memref<1x4x4x8x128xf32, #tpu.memory_space<hbm>>
      %dma_start3A_460 = tpu.memref_squeeze %dma_start3A_459 : memref<1x4x4x8x128xf32, #tpu.memory_space<hbm>> -> memref<4x4x8x128xf32, #tpu.memory_space<hbm>>
      %dma_start3A_461 = arith.constant 0 : i32
      %dma_start3A_462 = arith.constant 0 : i32
      %dma_start3A_463 = arith.constant 0 : i32
      %dma_start3A_464 = tpu.memref_slice %arg4[%mul3A_325, %dma_start3A_461, %mul3A_448, %dma_start3A_462, %dma_start3A_463] : memref<200x4x128x8x128xf32, #tpu.memory_space<hbm>> -> memref<1x4x4x8x128xf32, #tpu.memory_space<hbm>>
      %dma_start3A_465 = tpu.memref_squeeze %dma_start3A_464 : memref<1x4x4x8x128xf32, #tpu.memory_space<hbm>> -> memref<4x4x8x128xf32, #tpu.memory_space<hbm>>
      %dma_start3A_466 = arith.constant 0 : i32
      %dma_start3A_467 = arith.constant 0 : i32
      %dma_start3A_468 = arith.constant 0 : i32
      %dma_start3A_469 = arith.constant 0 : i32
      %dma_start3A_470 = tpu.memref_slice %arg10[%dma_start3A_449, %dma_start3A_466, %dma_start3A_467, %dma_start3A_468, %dma_start3A_469] : memref<2x4x4x8x128xf32, #tpu.memory_space<vmem>> -> memref<1x4x4x8x128xf32, #tpu.memory_space<vmem>>
      %dma_start3A_471 = tpu.memref_squeeze %dma_start3A_470 : memref<1x4x4x8x128xf32, #tpu.memory_space<vmem>> -> memref<4x4x8x128xf32, #tpu.memory_space<vmem>>
      tpu.enqueue_dma source(%dma_start3A_471 : memref<4x4x8x128xf32, #tpu.memory_space<vmem>>) target(%dma_start3A_465 : memref<4x4x8x128xf32, #tpu.memory_space<hbm>>) target_semaphore(%arg15 : memref<!tpu.dma_semaphore, #tpu.memory_space<semaphore_mem>>)
      %dma_wait3A_472 = arith.constant 1 : i32
      %dma_wait3A_473 = arith.constant 1 : i32
      %dma_wait3A_474 = arith.constant 0 : i32
      %dma_wait3A_475 = arith.constant 0 : i32
      %dma_wait3A_476 = tpu.memref_slice %arg9[%dma_wait3A_473, %dma_wait3A_474, %dma_wait3A_475] : memref<2x512x32xf32, #tpu.memory_space<vmem>> -> memref<1x128x32xf32, #tpu.memory_space<vmem>>
      %dma_wait3A_477 = tpu.memref_squeeze %dma_wait3A_476 : memref<1x128x32xf32, #tpu.memory_space<vmem>> -> memref<128x32xf32, #tpu.memory_space<vmem>>
      %dma_wait3A_478 = arith.constant 0 : i32
      %dma_wait3A_479 = tpu.memref_slice %arg8[%dma_wait3A_472, %dma_wait3A_478] : memref<2x512xi32, #tpu.memory_space<vmem>> -> memref<1x128xi32, #tpu.memory_space<vmem>>
      %dma_wait3A_480 = tpu.memref_squeeze %dma_wait3A_479 : memref<1x128xi32, #tpu.memory_space<vmem>> -> memref<128xi32, #tpu.memory_space<vmem>>
      %dma_wait3A_481 = arith.constant 0 : i32
      %dma_wait3A_482 = arith.constant 0 : i32
      %dma_wait3A_483 = tpu.memref_slice %arg5[%dma_wait3A_481, %dma_wait3A_482] : memref<2000000x32xf32, #tpu.memory_space<hbm>> -> memref<2000000x32xf32, #tpu.memory_space<hbm>>
      tpu.wait_indirect_dma semaphore(%arg12 : memref<!tpu.dma_semaphore, #tpu.memory_space<semaphore_mem>>) src(%dma_wait3A_483 : memref<2000000x32xf32, #tpu.memory_space<hbm>>) dst(%dma_wait3A_477 : memref<128x32xf32, #tpu.memory_space<vmem>>)
      %dma_wait3A_484 = arith.constant 1 : i32
      %dma_wait3A_485 = arith.constant 1 : i32
      %dma_wait3A_486 = arith.constant 128 : i32
      %dma_wait3A_487 = arith.constant 0 : i32
      %dma_wait3A_488 = tpu.memref_slice %arg9[%dma_wait3A_485, %dma_wait3A_486, %dma_wait3A_487] : memref<2x512x32xf32, #tpu.memory_space<vmem>> -> memref<1x128x32xf32, #tpu.memory_space<vmem>>
      %dma_wait3A_489 = tpu.memref_squeeze %dma_wait3A_488 : memref<1x128x32xf32, #tpu.memory_space<vmem>> -> memref<128x32xf32, #tpu.memory_space<vmem>>
      %dma_wait3A_490 = arith.constant 128 : i32
      %dma_wait3A_491 = tpu.memref_slice %arg8[%dma_wait3A_484, %dma_wait3A_490] : memref<2x512xi32, #tpu.memory_space<vmem>> -> memref<1x128xi32, #tpu.memory_space<vmem>>
      %dma_wait3A_492 = tpu.memref_squeeze %dma_wait3A_491 : memref<1x128xi32, #tpu.memory_space<vmem>> -> memref<128xi32, #tpu.memory_space<vmem>>
      %dma_wait3A_493 = arith.constant 0 : i32
      %dma_wait3A_494 = arith.constant 0 : i32
      %dma_wait3A_495 = tpu.memref_slice %arg5[%dma_wait3A_493, %dma_wait3A_494] : memref<2000000x32xf32, #tpu.memory_space<hbm>> -> memref<2000000x32xf32, #tpu.memory_space<hbm>>
      tpu.wait_indirect_dma semaphore(%arg12 : memref<!tpu.dma_semaphore, #tpu.memory_space<semaphore_mem>>) src(%dma_wait3A_495 : memref<2000000x32xf32, #tpu.memory_space<hbm>>) dst(%dma_wait3A_489 : memref<128x32xf32, #tpu.memory_space<vmem>>)
      %dma_wait3A_496 = arith.constant 1 : i32
      %dma_wait3A_497 = arith.constant 1 : i32
      %dma_wait3A_498 = arith.constant 256 : i32
      %dma_wait3A_499 = arith.constant 0 : i32
      %dma_wait3A_500 = tpu.memref_slice %arg9[%dma_wait3A_497, %dma_wait3A_498, %dma_wait3A_499] : memref<2x512x32xf32, #tpu.memory_space<vmem>> -> memref<1x128x32xf32, #tpu.memory_space<vmem>>
      %dma_wait3A_501 = tpu.memref_squeeze %dma_wait3A_500 : memref<1x128x32xf32, #tpu.memory_space<vmem>> -> memref<128x32xf32, #tpu.memory_space<vmem>>
      %dma_wait3A_502 = arith.constant 256 : i32
      %dma_wait3A_503 = tpu.memref_slice %arg8[%dma_wait3A_496, %dma_wait3A_502] : memref<2x512xi32, #tpu.memory_space<vmem>> -> memref<1x128xi32, #tpu.memory_space<vmem>>
      %dma_wait3A_504 = tpu.memref_squeeze %dma_wait3A_503 : memref<1x128xi32, #tpu.memory_space<vmem>> -> memref<128xi32, #tpu.memory_space<vmem>>
      %dma_wait3A_505 = arith.constant 0 : i32
      %dma_wait3A_506 = arith.constant 0 : i32
      %dma_wait3A_507 = tpu.memref_slice %arg5[%dma_wait3A_505, %dma_wait3A_506] : memref<2000000x32xf32, #tpu.memory_space<hbm>> -> memref<2000000x32xf32, #tpu.memory_space<hbm>>
      tpu.wait_indirect_dma semaphore(%arg12 : memref<!tpu.dma_semaphore, #tpu.memory_space<semaphore_mem>>) src(%dma_wait3A_507 : memref<2000000x32xf32, #tpu.memory_space<hbm>>) dst(%dma_wait3A_501 : memref<128x32xf32, #tpu.memory_space<vmem>>)
      %dma_wait3A_508 = arith.constant 1 : i32
      %dma_wait3A_509 = arith.constant 1 : i32
      %dma_wait3A_510 = arith.constant 384 : i32
      %dma_wait3A_511 = arith.constant 0 : i32
      %dma_wait3A_512 = tpu.memref_slice %arg9[%dma_wait3A_509, %dma_wait3A_510, %dma_wait3A_511] : memref<2x512x32xf32, #tpu.memory_space<vmem>> -> memref<1x128x32xf32, #tpu.memory_space<vmem>>
      %dma_wait3A_513 = tpu.memref_squeeze %dma_wait3A_512 : memref<1x128x32xf32, #tpu.memory_space<vmem>> -> memref<128x32xf32, #tpu.memory_space<vmem>>
      %dma_wait3A_514 = arith.constant 384 : i32
      %dma_wait3A_515 = tpu.memref_slice %arg8[%dma_wait3A_508, %dma_wait3A_514] : memref<2x512xi32, #tpu.memory_space<vmem>> -> memref<1x128xi32, #tpu.memory_space<vmem>>
      %dma_wait3A_516 = tpu.memref_squeeze %dma_wait3A_515 : memref<1x128xi32, #tpu.memory_space<vmem>> -> memref<128xi32, #tpu.memory_space<vmem>>
      %dma_wait3A_517 = arith.constant 0 : i32
      %dma_wait3A_518 = arith.constant 0 : i32
      %dma_wait3A_519 = tpu.memref_slice %arg5[%dma_wait3A_517, %dma_wait3A_518] : memref<2000000x32xf32, #tpu.memory_space<hbm>> -> memref<2000000x32xf32, #tpu.memory_space<hbm>>
      tpu.wait_indirect_dma semaphore(%arg12 : memref<!tpu.dma_semaphore, #tpu.memory_space<semaphore_mem>>) src(%dma_wait3A_519 : memref<2000000x32xf32, #tpu.memory_space<hbm>>) dst(%dma_wait3A_513 : memref<128x32xf32, #tpu.memory_space<vmem>>)
      %lt3A_520 = arith.constant 99 : i32
      %lt3A_521 = arith.cmpi slt, %scan3A_323, %lt3A_520 : i32
      %convert_element_type3A_522 = arith.extui %lt3A_521 : i1 to i32
      %cond3A_523 = arith.constant 0 : i32
      %cond3A_524 = arith.cmpi ne, %convert_element_type3A_522, %cond3A_523 : i32
      scf.if %cond3A_524 {
        %add3A_558 = arith.constant 2 : i32
        %add3A_559 = arith.addi %mul3A_325, %add3A_558 : i32
        %dma_wait3A_560 = arith.constant 0 : i32
        %dma_wait3A_561 = arith.constant 0 : i32
        %dma_wait3A_562 = tpu.memref_slice %arg8[%dma_wait3A_560, %dma_wait3A_561] : memref<2x512xi32, #tpu.memory_space<vmem>> -> memref<1x512xi32, #tpu.memory_space<vmem>>
        %dma_wait3A_563 = tpu.memref_squeeze %dma_wait3A_562 : memref<1x512xi32, #tpu.memory_space<vmem>> -> memref<512xi32, #tpu.memory_space<vmem>>
        %dma_wait3A_564 = tpu.memref_slice %arg3[%add3A_559, %mul3A_2] : memref<200x16384xi32, #tpu.memory_space<hbm>> -> memref<1x512xi32, #tpu.memory_space<hbm>>
        %dma_wait3A_565 = tpu.memref_squeeze %dma_wait3A_564 : memref<1x512xi32, #tpu.memory_space<hbm>> -> memref<512xi32, #tpu.memory_space<hbm>>
        %dma_wait3A_566 = arith.constant 0 : i32
        %dma_wait3A_567 = tpu.memref_slice %arg8[%dma_wait3A_560, %dma_wait3A_566] : memref<2x512xi32, #tpu.memory_space<vmem>> -> memref<1x512xi32, #tpu.memory_space<vmem>>
        %dma_wait3A_568 = tpu.memref_squeeze %dma_wait3A_567 : memref<1x512xi32, #tpu.memory_space<vmem>> -> memref<512xi32, #tpu.memory_space<vmem>>
        %dma_wait3A_569 = tpu.memref_slice %arg3[%add3A_559, %mul3A_2] : memref<200x16384xi32, #tpu.memory_space<hbm>> -> memref<1x512xi32, #tpu.memory_space<hbm>>
        %dma_wait3A_570 = tpu.memref_squeeze %dma_wait3A_569 : memref<1x512xi32, #tpu.memory_space<hbm>> -> memref<512xi32, #tpu.memory_space<hbm>>
        tpu.wait_dma2 semaphore(%arg13 : memref<!tpu.dma_semaphore, #tpu.memory_space<semaphore_mem>>) src(%dma_wait3A_570 : memref<512xi32, #tpu.memory_space<hbm>>) dst(%dma_wait3A_568 : memref<512xi32, #tpu.memory_space<vmem>>)
        %parallel_loop3A_571 = arith.constant 0 : i32
        %parallel_loop3A_572 = arith.constant 32 : i32
        %parallel_loop3A_573 = arith.constant 1 : i32
        scf.for %parallel_loop3A_635 = %parallel_loop3A_571 to %parallel_loop3A_572 step %parallel_loop3A_573  : i32 {
          %parallel_loop3A_636 = arith.constant 16 : i32
          %parallel_loop3A_637 = arith.muli %parallel_loop3A_635, %parallel_loop3A_636 : i32
          %parallel_loop3A_638 = arith.constant 0 : i32
          %parallel_loop3A_639 = arith.index_cast %parallel_loop3A_638 : i32 to index
          %parallel_loop3A_640 = arith.index_cast %parallel_loop3A_637 : i32 to index
          %parallel_loop3A_641 = tpu.vector_load %arg8[%parallel_loop3A_639, %parallel_loop3A_640] {strides = array<i32>} : memref<2x512xi32, #tpu.memory_space<vmem>>, vector<16xi32>,
          %parallel_loop3A_642 = arith.addi %parallel_loop3A_641, %add3A_7 : vector<16xi32>
          %parallel_loop3A_643 = arith.constant 16 : i32
          %parallel_loop3A_644 = arith.muli %parallel_loop3A_635, %parallel_loop3A_643 : i32
          %parallel_loop3A_645 = arith.constant 0 : i32
          %parallel_loop3A_646 = arith.index_cast %parallel_loop3A_645 : i32 to index
          %parallel_loop3A_647 = arith.index_cast %parallel_loop3A_644 : i32 to index
          %parallel_loop3A_648 = tpu.vector_load %arg8[%parallel_loop3A_646, %parallel_loop3A_647] {strides = array<i32>} : memref<2x512xi32, #tpu.memory_space<vmem>>, vector<16xi32>,
          tpu.vector_store %arg8[%parallel_loop3A_646, %parallel_loop3A_647], %parallel_loop3A_642 {strides = array<i32>} : memref<2x512xi32, #tpu.memory_space<vmem>>, vector<16xi32>,
        } {sc.loop_unroll_factor = 2 : i64, sc.parallel_access}
        %dma_start3A_574 = arith.constant 0 : i32
        %dma_start3A_575 = arith.constant 0 : i32
        %dma_start3A_576 = arith.constant 0 : i32
        %dma_start3A_577 = arith.constant 0 : i32
        %dma_start3A_578 = tpu.memref_slice %arg9[%dma_start3A_575, %dma_start3A_576, %dma_start3A_577] : memref<2x512x32xf32, #tpu.memory_space<vmem>> -> memref<1x128x32xf32, #tpu.memory_space<vmem>>
        %dma_start3A_579 = tpu.memref_squeeze %dma_start3A_578 : memref<1x128x32xf32, #tpu.memory_space<vmem>> -> memref<128x32xf32, #tpu.memory_space<vmem>>
        %dma_start3A_580 = arith.constant 0 : i32
        %dma_start3A_581 = tpu.memref_slice %arg8[%dma_start3A_574, %dma_start3A_580] : memref<2x512xi32, #tpu.memory_space<vmem>> -> memref<1x128xi32, #tpu.memory_space<vmem>>
        %dma_start3A_582 = tpu.memref_squeeze %dma_start3A_581 : memref<1x128xi32, #tpu.memory_space<vmem>> -> memref<128xi32, #tpu.memory_space<vmem>>
        %dma_start3A_583 = arith.constant 0 : i32
        %dma_start3A_584 = arith.constant 0 : i32
        %dma_start3A_585 = tpu.memref_slice %arg5[%dma_start3A_583, %dma_start3A_584] : memref<2000000x32xf32, #tpu.memory_space<hbm>> -> memref<2000000x32xf32, #tpu.memory_space<hbm>>
        tpu.enqueue_indirect_dma source(%dma_start3A_585 : memref<2000000x32xf32, #tpu.memory_space<hbm>>) target(%dma_start3A_579 : memref<128x32xf32, #tpu.memory_space<vmem>>) offsets(%dma_start3A_582 : memref<128xi32, #tpu.memory_space<vmem>>) semaphore(%arg11 : memref<!tpu.dma_semaphore, #tpu.memory_space<semaphore_mem>>)
        %dma_start3A_586 = arith.constant 0 : i32
        %dma_start3A_587 = arith.constant 0 : i32
        %dma_start3A_588 = arith.constant 128 : i32
        %dma_start3A_589 = arith.constant 0 : i32
        %dma_start3A_590 = tpu.memref_slice %arg9[%dma_start3A_587, %dma_start3A_588, %dma_start3A_589] : memref<2x512x32xf32, #tpu.memory_space<vmem>> -> memref<1x128x32xf32, #tpu.memory_space<vmem>>
        %dma_start3A_591 = tpu.memref_squeeze %dma_start3A_590 : memref<1x128x32xf32, #tpu.memory_space<vmem>> -> memref<128x32xf32, #tpu.memory_space<vmem>>
        %dma_start3A_592 = arith.constant 128 : i32
        %dma_start3A_593 = tpu.memref_slice %arg8[%dma_start3A_586, %dma_start3A_592] : memref<2x512xi32, #tpu.memory_space<vmem>> -> memref<1x128xi32, #tpu.memory_space<vmem>>
        %dma_start3A_594 = tpu.memref_squeeze %dma_start3A_593 : memref<1x128xi32, #tpu.memory_space<vmem>> -> memref<128xi32, #tpu.memory_space<vmem>>
        %dma_start3A_595 = arith.constant 0 : i32
        %dma_start3A_596 = arith.constant 0 : i32
        %dma_start3A_597 = tpu.memref_slice %arg5[%dma_start3A_595, %dma_start3A_596] : memref<2000000x32xf32, #tpu.memory_space<hbm>> -> memref<2000000x32xf32, #tpu.memory_space<hbm>>
        tpu.enqueue_indirect_dma source(%dma_start3A_597 : memref<2000000x32xf32, #tpu.memory_space<hbm>>) target(%dma_start3A_591 : memref<128x32xf32, #tpu.memory_space<vmem>>) offsets(%dma_start3A_594 : memref<128xi32, #tpu.memory_space<vmem>>) semaphore(%arg11 : memref<!tpu.dma_semaphore, #tpu.memory_space<semaphore_mem>>)
        %dma_start3A_598 = arith.constant 0 : i32
        %dma_start3A_599 = arith.constant 0 : i32
        %dma_start3A_600 = arith.constant 256 : i32
        %dma_start3A_601 = arith.constant 0 : i32
        %dma_start3A_602 = tpu.memref_slice %arg9[%dma_start3A_599, %dma_start3A_600, %dma_start3A_601] : memref<2x512x32xf32, #tpu.memory_space<vmem>> -> memref<1x128x32xf32, #tpu.memory_space<vmem>>
        %dma_start3A_603 = tpu.memref_squeeze %dma_start3A_602 : memref<1x128x32xf32, #tpu.memory_space<vmem>> -> memref<128x32xf32, #tpu.memory_space<vmem>>
        %dma_start3A_604 = arith.constant 256 : i32
        %dma_start3A_605 = tpu.memref_slice %arg8[%dma_start3A_598, %dma_start3A_604] : memref<2x512xi32, #tpu.memory_space<vmem>> -> memref<1x128xi32, #tpu.memory_space<vmem>>
        %dma_start3A_606 = tpu.memref_squeeze %dma_start3A_605 : memref<1x128xi32, #tpu.memory_space<vmem>> -> memref<128xi32, #tpu.memory_space<vmem>>
        %dma_start3A_607 = arith.constant 0 : i32
        %dma_start3A_608 = arith.constant 0 : i32
        %dma_start3A_609 = tpu.memref_slice %arg5[%dma_start3A_607, %dma_start3A_608] : memref<2000000x32xf32, #tpu.memory_space<hbm>> -> memref<2000000x32xf32, #tpu.memory_space<hbm>>
        tpu.enqueue_indirect_dma source(%dma_start3A_609 : memref<2000000x32xf32, #tpu.memory_space<hbm>>) target(%dma_start3A_603 : memref<128x32xf32, #tpu.memory_space<vmem>>) offsets(%dma_start3A_606 : memref<128xi32, #tpu.memory_space<vmem>>) semaphore(%arg11 : memref<!tpu.dma_semaphore, #tpu.memory_space<semaphore_mem>>)
        %dma_start3A_610 = arith.constant 0 : i32
        %dma_start3A_611 = arith.constant 0 : i32
        %dma_start3A_612 = arith.constant 384 : i32
        %dma_start3A_613 = arith.constant 0 : i32
        %dma_start3A_614 = tpu.memref_slice %arg9[%dma_start3A_611, %dma_start3A_612, %dma_start3A_613] : memref<2x512x32xf32, #tpu.memory_space<vmem>> -> memref<1x128x32xf32, #tpu.memory_space<vmem>>
        %dma_start3A_615 = tpu.memref_squeeze %dma_start3A_614 : memref<1x128x32xf32, #tpu.memory_space<vmem>> -> memref<128x32xf32, #tpu.memory_space<vmem>>
        %dma_start3A_616 = arith.constant 384 : i32
        %dma_start3A_617 = tpu.memref_slice %arg8[%dma_start3A_610, %dma_start3A_616] : memref<2x512xi32, #tpu.memory_space<vmem>> -> memref<1x128xi32, #tpu.memory_space<vmem>>
        %dma_start3A_618 = tpu.memref_squeeze %dma_start3A_617 : memref<1x128xi32, #tpu.memory_space<vmem>> -> memref<128xi32, #tpu.memory_space<vmem>>
        %dma_start3A_619 = arith.constant 0 : i32
        %dma_start3A_620 = arith.constant 0 : i32
        %dma_start3A_621 = tpu.memref_slice %arg5[%dma_start3A_619, %dma_start3A_620] : memref<2000000x32xf32, #tpu.memory_space<hbm>> -> memref<2000000x32xf32, #tpu.memory_space<hbm>>
        tpu.enqueue_indirect_dma source(%dma_start3A_621 : memref<2000000x32xf32, #tpu.memory_space<hbm>>) target(%dma_start3A_615 : memref<128x32xf32, #tpu.memory_space<vmem>>) offsets(%dma_start3A_618 : memref<128xi32, #tpu.memory_space<vmem>>) semaphore(%arg11 : memref<!tpu.dma_semaphore, #tpu.memory_space<semaphore_mem>>)
        %add3A_622 = arith.constant 3 : i32
        %add3A_623 = arith.addi %mul3A_325, %add3A_622 : i32
        %dma_start3A_624 = arith.constant 1 : i32
        %dma_start3A_625 = arith.constant 0 : i32
        %dma_start3A_626 = tpu.memref_slice %arg8[%dma_start3A_624, %dma_start3A_625] : memref<2x512xi32, #tpu.memory_space<vmem>> -> memref<1x512xi32, #tpu.memory_space<vmem>>
        %dma_start3A_627 = tpu.memref_squeeze %dma_start3A_626 : memref<1x512xi32, #tpu.memory_space<vmem>> -> memref<512xi32, #tpu.memory_space<vmem>>
        %dma_start3A_628 = tpu.memref_slice %arg3[%add3A_623, %mul3A_2] : memref<200x16384xi32, #tpu.memory_space<hbm>> -> memref<1x512xi32, #tpu.memory_space<hbm>>
        %dma_start3A_629 = tpu.memref_squeeze %dma_start3A_628 : memref<1x512xi32, #tpu.memory_space<hbm>> -> memref<512xi32, #tpu.memory_space<hbm>>
        %dma_start3A_630 = arith.constant 0 : i32
        %dma_start3A_631 = tpu.memref_slice %arg8[%dma_start3A_624, %dma_start3A_630] : memref<2x512xi32, #tpu.memory_space<vmem>> -> memref<1x512xi32, #tpu.memory_space<vmem>>
        %dma_start3A_632 = tpu.memref_squeeze %dma_start3A_631 : memref<1x512xi32, #tpu.memory_space<vmem>> -> memref<512xi32, #tpu.memory_space<vmem>>
        %dma_start3A_633 = tpu.memref_slice %arg3[%add3A_623, %mul3A_2] : memref<200x16384xi32, #tpu.memory_space<hbm>> -> memref<1x512xi32, #tpu.memory_space<hbm>>
        %dma_start3A_634 = tpu.memref_squeeze %dma_start3A_633 : memref<1x512xi32, #tpu.memory_space<hbm>> -> memref<512xi32, #tpu.memory_space<hbm>>
        tpu.enqueue_dma source(%dma_start3A_634 : memref<512xi32, #tpu.memory_space<hbm>>) target(%dma_start3A_632 : memref<512xi32, #tpu.memory_space<vmem>>) target_semaphore(%arg14 : memref<!tpu.dma_semaphore, #tpu.memory_space<semaphore_mem>>)
      } else {
      }
      %gt3A_525 = arith.constant 0 : i32
      %gt3A_526 = arith.cmpi sgt, %scan3A_323, %gt3A_525 : i32
      %convert_element_type3A_527 = arith.extui %gt3A_526 : i1 to i32
      %cond3A_528 = arith.constant 0 : i32
      %cond3A_529 = arith.cmpi ne, %convert_element_type3A_527, %cond3A_528 : i32
      scf.if %cond3A_529 {
        %mul3A_558 = arith.constant 4 : i32
        %mul3A_559 = arith.muli %add3A, %mul3A_558 : i32
        %dma_wait3A_560 = arith.constant 1 : i32
        %dma_wait3A_561 = arith.constant 0 : i32
        %dma_wait3A_562 = arith.constant 0 : i32
        %dma_wait3A_563 = arith.constant 0 : i32
        %dma_wait3A_564 = arith.constant 0 : i32
        %dma_wait3A_565 = tpu.memref_slice %arg10[%dma_wait3A_560, %dma_wait3A_561, %dma_wait3A_562, %dma_wait3A_563, %dma_wait3A_564] : memref<2x4x4x8x128xf32, #tpu.memory_space<vmem>> -> memref<1x4x4x8x128xf32, #tpu.memory_space<vmem>>
        %dma_wait3A_566 = tpu.memref_squeeze %dma_wait3A_565 : memref<1x4x4x8x128xf32, #tpu.memory_space<vmem>> -> memref<4x4x8x128xf32, #tpu.memory_space<vmem>>
        %dma_wait3A_567 = arith.constant 0 : i32
        %dma_wait3A_568 = arith.constant 0 : i32
        %dma_wait3A_569 = arith.constant 0 : i32
        %dma_wait3A_570 = tpu.memref_slice %arg4[%add3A_327, %dma_wait3A_567, %mul3A_559, %dma_wait3A_568, %dma_wait3A_569] : memref<200x4x128x8x128xf32, #tpu.memory_space<hbm>> -> memref<1x4x4x8x128xf32, #tpu.memory_space<hbm>>
        %dma_wait3A_571 = tpu.memref_squeeze %dma_wait3A_570 : memref<1x4x4x8x128xf32, #tpu.memory_space<hbm>> -> memref<4x4x8x128xf32, #tpu.memory_space<hbm>>
        %dma_wait3A_572 = arith.constant 0 : i32
        %dma_wait3A_573 = arith.constant 0 : i32
        %dma_wait3A_574 = arith.constant 0 : i32
        %dma_wait3A_575 = tpu.memref_slice %arg4[%add3A_327, %dma_wait3A_572, %mul3A_559, %dma_wait3A_573, %dma_wait3A_574] : memref<200x4x128x8x128xf32, #tpu.memory_space<hbm>> -> memref<1x4x4x8x128xf32, #tpu.memory_space<hbm>>
        %dma_wait3A_576 = tpu.memref_squeeze %dma_wait3A_575 : memref<1x4x4x8x128xf32, #tpu.memory_space<hbm>> -> memref<4x4x8x128xf32, #tpu.memory_space<hbm>>
        %dma_wait3A_577 = arith.constant 0 : i32
        %dma_wait3A_578 = arith.constant 0 : i32
        %dma_wait3A_579 = arith.constant 0 : i32
        %dma_wait3A_580 = arith.constant 0 : i32
        %dma_wait3A_581 = tpu.memref_slice %arg10[%dma_wait3A_560, %dma_wait3A_577, %dma_wait3A_578, %dma_wait3A_579, %dma_wait3A_580] : memref<2x4x4x8x128xf32, #tpu.memory_space<vmem>> -> memref<1x4x4x8x128xf32, #tpu.memory_space<vmem>>
        %dma_wait3A_582 = tpu.memref_squeeze %dma_wait3A_581 : memref<1x4x4x8x128xf32, #tpu.memory_space<vmem>> -> memref<4x4x8x128xf32, #tpu.memory_space<vmem>>
        tpu.wait_dma2 semaphore(%arg16 : memref<!tpu.dma_semaphore, #tpu.memory_space<semaphore_mem>>) src(%dma_wait3A_582 : memref<4x4x8x128xf32, #tpu.memory_space<vmem>>) dst(%dma_wait3A_576 : memref<4x4x8x128xf32, #tpu.memory_space<hbm>>)
      } else {
      }
      %parallel_loop3A_530 = arith.constant 0 : i32
      %parallel_loop3A_531 = arith.constant 32 : i32
      %parallel_loop3A_532 = arith.constant 1 : i32
      scf.for %parallel_loop3A_558 = %parallel_loop3A_530 to %parallel_loop3A_531 step %parallel_loop3A_532  : i32 {
        %parallel_loop3A_559 = arith.constant 16 : i32
        %parallel_loop3A_560 = arith.muli %parallel_loop3A_558, %parallel_loop3A_559 : i32
        %parallel_loop3A_561 = vector.broadcast %parallel_loop3A_560 : i32 to vector<16xi32>
        %parallel_loop3A_562 = arith.addi %parallel_loop3A_561, %iota3A : vector<16xi32>
        %parallel_loop3A_563 = arith.constant 7 : i32
        %parallel_loop3A_564 = vector.broadcast %parallel_loop3A_563 : i32 to vector<16xi32>
        %parallel_loop3A_565 = arith.shrui %parallel_loop3A_562, %parallel_loop3A_564 : vector<16xi32>
        %parallel_loop3A_566 = arith.constant 127 : i32
        %parallel_loop3A_567 = vector.broadcast %parallel_loop3A_566 : i32 to vector<16xi32>
        %parallel_loop3A_568 = arith.andi %parallel_loop3A_562, %parallel_loop3A_567 : vector<16xi32>
        %parallel_loop3A_569 = arith.constant 1 : i32
        %parallel_loop3A_570 = arith.constant 0 : i32
        %parallel_loop3A_571 = arith.constant 0 : i32
        %parallel_loop3A_572 = tpu.memref_slice %arg9[%parallel_loop3A_569, %parallel_loop3A_570, %parallel_loop3A_571] : memref<2x512x32xf32, #tpu.memory_space<vmem>> -> memref<1x512x32xf32, #tpu.memory_space<vmem>>
        %parallel_loop3A_573 = tpu.memref_squeeze %parallel_loop3A_572 : memref<1x512x32xf32, #tpu.memory_space<vmem>> -> memref<512x32xf32, #tpu.memory_space<vmem>>
        %parallel_loop3A_574 = tpu.vector_load_idx %parallel_loop3A_573[%parallel_loop3A_562, %and3A_12] : memref<512x32xf32, #tpu.memory_space<vmem>>[vector<16xi32>, vector<16xi32>], vector<16xf32>,
        %parallel_loop3A_575 = arith.constant 1 : i32
        %parallel_loop3A_576 = arith.constant 0 : i32
        %parallel_loop3A_577 = arith.constant 0 : i32
        %parallel_loop3A_578 = tpu.memref_slice %arg9[%parallel_loop3A_575, %parallel_loop3A_576, %parallel_loop3A_577] : memref<2x512x32xf32, #tpu.memory_space<vmem>> -> memref<1x512x32xf32, #tpu.memory_space<vmem>>
        %parallel_loop3A_579 = tpu.memref_squeeze %parallel_loop3A_578 : memref<1x512x32xf32, #tpu.memory_space<vmem>> -> memref<512x32xf32, #tpu.memory_space<vmem>>
        %parallel_loop3A_580 = tpu.vector_load_idx %parallel_loop3A_579[%parallel_loop3A_562, %and3A_18] : memref<512x32xf32, #tpu.memory_space<vmem>>[vector<16xi32>, vector<16xi32>], vector<16xf32>,
        %parallel_loop3A_581 = arith.constant 1 : i32
        %parallel_loop3A_582 = arith.constant 0 : i32
        %parallel_loop3A_583 = arith.constant 0 : i32
        %parallel_loop3A_584 = tpu.memref_slice %arg9[%parallel_loop3A_581, %parallel_loop3A_582, %parallel_loop3A_583] : memref<2x512x32xf32, #tpu.memory_space<vmem>> -> memref<1x512x32xf32, #tpu.memory_space<vmem>>
        %parallel_loop3A_585 = tpu.memref_squeeze %parallel_loop3A_584 : memref<1x512x32xf32, #tpu.memory_space<vmem>> -> memref<512x32xf32, #tpu.memory_space<vmem>>
        %parallel_loop3A_586 = tpu.vector_load_idx %parallel_loop3A_585[%parallel_loop3A_562, %and3A_24] : memref<512x32xf32, #tpu.memory_space<vmem>>[vector<16xi32>, vector<16xi32>], vector<16xf32>,
        %parallel_loop3A_587 = arith.constant 1 : i32
        %parallel_loop3A_588 = arith.constant 0 : i32
        %parallel_loop3A_589 = arith.constant 0 : i32
        %parallel_loop3A_590 = tpu.memref_slice %arg9[%parallel_loop3A_587, %parallel_loop3A_588, %parallel_loop3A_589] : memref<2x512x32xf32, #tpu.memory_space<vmem>> -> memref<1x512x32xf32, #tpu.memory_space<vmem>>
        %parallel_loop3A_591 = tpu.memref_squeeze %parallel_loop3A_590 : memref<1x512x32xf32, #tpu.memory_space<vmem>> -> memref<512x32xf32, #tpu.memory_space<vmem>>
        %parallel_loop3A_592 = tpu.vector_load_idx %parallel_loop3A_591[%parallel_loop3A_562, %and3A_30] : memref<512x32xf32, #tpu.memory_space<vmem>>[vector<16xi32>, vector<16xi32>], vector<16xf32>,
        %parallel_loop3A_593 = arith.constant 1 : i32
        %parallel_loop3A_594 = arith.constant 0 : i32
        %parallel_loop3A_595 = arith.constant 0 : i32
        %parallel_loop3A_596 = tpu.memref_slice %arg9[%parallel_loop3A_593, %parallel_loop3A_594, %parallel_loop3A_595] : memref<2x512x32xf32, #tpu.memory_space<vmem>> -> memref<1x512x32xf32, #tpu.memory_space<vmem>>
        %parallel_loop3A_597 = tpu.memref_squeeze %parallel_loop3A_596 : memref<1x512x32xf32, #tpu.memory_space<vmem>> -> memref<512x32xf32, #tpu.memory_space<vmem>>
        %parallel_loop3A_598 = tpu.vector_load_idx %parallel_loop3A_597[%parallel_loop3A_562, %and3A_36] : memref<512x32xf32, #tpu.memory_space<vmem>>[vector<16xi32>, vector<16xi32>], vector<16xf32>,
        %parallel_loop3A_599 = arith.constant 1 : i32
        %parallel_loop3A_600 = arith.constant 0 : i32
        %parallel_loop3A_601 = arith.constant 0 : i32
        %parallel_loop3A_602 = tpu.memref_slice %arg9[%parallel_loop3A_599, %parallel_loop3A_600, %parallel_loop3A_601] : memref<2x512x32xf32, #tpu.memory_space<vmem>> -> memref<1x512x32xf32, #tpu.memory_space<vmem>>
        %parallel_loop3A_603 = tpu.memref_squeeze %parallel_loop3A_602 : memref<1x512x32xf32, #tpu.memory_space<vmem>> -> memref<512x32xf32, #tpu.memory_space<vmem>>
        %parallel_loop3A_604 = tpu.vector_load_idx %parallel_loop3A_603[%parallel_loop3A_562, %and3A_42] : memref<512x32xf32, #tpu.memory_space<vmem>>[vector<16xi32>, vector<16xi32>], vector<16xf32>,
        %parallel_loop3A_605 = arith.constant 1 : i32
        %parallel_loop3A_606 = arith.constant 0 : i32
        %parallel_loop3A_607 = arith.constant 0 : i32
        %parallel_loop3A_608 = tpu.memref_slice %arg9[%parallel_loop3A_605, %parallel_loop3A_606, %parallel_loop3A_607] : memref<2x512x32xf32, #tpu.memory_space<vmem>> -> memref<1x512x32xf32, #tpu.memory_space<vmem>>
        %parallel_loop3A_609 = tpu.memref_squeeze %parallel_loop3A_608 : memref<1x512x32xf32, #tpu.memory_space<vmem>> -> memref<512x32xf32, #tpu.memory_space<vmem>>
        %parallel_loop3A_610 = tpu.vector_load_idx %parallel_loop3A_609[%parallel_loop3A_562, %and3A_48] : memref<512x32xf32, #tpu.memory_space<vmem>>[vector<16xi32>, vector<16xi32>], vector<16xf32>,
        %parallel_loop3A_611 = arith.constant 1 : i32
        %parallel_loop3A_612 = arith.constant 0 : i32
        %parallel_loop3A_613 = arith.constant 0 : i32
        %parallel_loop3A_614 = tpu.memref_slice %arg9[%parallel_loop3A_611, %parallel_loop3A_612, %parallel_loop3A_613] : memref<2x512x32xf32, #tpu.memory_space<vmem>> -> memref<1x512x32xf32, #tpu.memory_space<vmem>>
        %parallel_loop3A_615 = tpu.memref_squeeze %parallel_loop3A_614 : memref<1x512x32xf32, #tpu.memory_space<vmem>> -> memref<512x32xf32, #tpu.memory_space<vmem>>
        %parallel_loop3A_616 = tpu.vector_load_idx %parallel_loop3A_615[%parallel_loop3A_562, %and3A_54] : memref<512x32xf32, #tpu.memory_space<vmem>>[vector<16xi32>, vector<16xi32>], vector<16xf32>,
        %parallel_loop3A_617 = arith.constant 1 : i32
        %parallel_loop3A_618 = arith.constant 0 : i32
        %parallel_loop3A_619 = arith.constant 0 : i32
        %parallel_loop3A_620 = tpu.memref_slice %arg9[%parallel_loop3A_617, %parallel_loop3A_618, %parallel_loop3A_619] : memref<2x512x32xf32, #tpu.memory_space<vmem>> -> memref<1x512x32xf32, #tpu.memory_space<vmem>>
        %parallel_loop3A_621 = tpu.memref_squeeze %parallel_loop3A_620 : memref<1x512x32xf32, #tpu.memory_space<vmem>> -> memref<512x32xf32, #tpu.memory_space<vmem>>
        %parallel_loop3A_622 = tpu.vector_load_idx %parallel_loop3A_621[%parallel_loop3A_562, %and3A_60] : memref<512x32xf32, #tpu.memory_space<vmem>>[vector<16xi32>, vector<16xi32>], vector<16xf32>,
        %parallel_loop3A_623 = arith.constant 1 : i32
        %parallel_loop3A_624 = arith.constant 0 : i32
        %parallel_loop3A_625 = arith.constant 0 : i32
        %parallel_loop3A_626 = tpu.memref_slice %arg9[%parallel_loop3A_623, %parallel_loop3A_624, %parallel_loop3A_625] : memref<2x512x32xf32, #tpu.memory_space<vmem>> -> memref<1x512x32xf32, #tpu.memory_space<vmem>>
        %parallel_loop3A_627 = tpu.memref_squeeze %parallel_loop3A_626 : memref<1x512x32xf32, #tpu.memory_space<vmem>> -> memref<512x32xf32, #tpu.memory_space<vmem>>
        %parallel_loop3A_628 = tpu.vector_load_idx %parallel_loop3A_627[%parallel_loop3A_562, %and3A_66] : memref<512x32xf32, #tpu.memory_space<vmem>>[vector<16xi32>, vector<16xi32>], vector<16xf32>,
        %parallel_loop3A_629 = arith.constant 1 : i32
        %parallel_loop3A_630 = arith.constant 0 : i32
        %parallel_loop3A_631 = arith.constant 0 : i32
        %parallel_loop3A_632 = tpu.memref_slice %arg9[%parallel_loop3A_629, %parallel_loop3A_630, %parallel_loop3A_631] : memref<2x512x32xf32, #tpu.memory_space<vmem>> -> memref<1x512x32xf32, #tpu.memory_space<vmem>>
        %parallel_loop3A_633 = tpu.memref_squeeze %parallel_loop3A_632 : memref<1x512x32xf32, #tpu.memory_space<vmem>> -> memref<512x32xf32, #tpu.memory_space<vmem>>
        %parallel_loop3A_634 = tpu.vector_load_idx %parallel_loop3A_633[%parallel_loop3A_562, %and3A_72] : memref<512x32xf32, #tpu.memory_space<vmem>>[vector<16xi32>, vector<16xi32>], vector<16xf32>,
        %parallel_loop3A_635 = arith.constant 1 : i32
        %parallel_loop3A_636 = arith.constant 0 : i32
        %parallel_loop3A_637 = arith.constant 0 : i32
        %parallel_loop3A_638 = tpu.memref_slice %arg9[%parallel_loop3A_635, %parallel_loop3A_636, %parallel_loop3A_637] : memref<2x512x32xf32, #tpu.memory_space<vmem>> -> memref<1x512x32xf32, #tpu.memory_space<vmem>>
        %parallel_loop3A_639 = tpu.memref_squeeze %parallel_loop3A_638 : memref<1x512x32xf32, #tpu.memory_space<vmem>> -> memref<512x32xf32, #tpu.memory_space<vmem>>
        %parallel_loop3A_640 = tpu.vector_load_idx %parallel_loop3A_639[%parallel_loop3A_562, %and3A_78] : memref<512x32xf32, #tpu.memory_space<vmem>>[vector<16xi32>, vector<16xi32>], vector<16xf32>,
        %parallel_loop3A_641 = arith.constant 1 : i32
        %parallel_loop3A_642 = arith.constant 0 : i32
        %parallel_loop3A_643 = arith.constant 0 : i32
        %parallel_loop3A_644 = tpu.memref_slice %arg9[%parallel_loop3A_641, %parallel_loop3A_642, %parallel_loop3A_643] : memref<2x512x32xf32, #tpu.memory_space<vmem>> -> memref<1x512x32xf32, #tpu.memory_space<vmem>>
        %parallel_loop3A_645 = tpu.memref_squeeze %parallel_loop3A_644 : memref<1x512x32xf32, #tpu.memory_space<vmem>> -> memref<512x32xf32, #tpu.memory_space<vmem>>
        %parallel_loop3A_646 = tpu.vector_load_idx %parallel_loop3A_645[%parallel_loop3A_562, %and3A_84] : memref<512x32xf32, #tpu.memory_space<vmem>>[vector<16xi32>, vector<16xi32>], vector<16xf32>,
        %parallel_loop3A_647 = arith.constant 1 : i32
        %parallel_loop3A_648 = arith.constant 0 : i32
        %parallel_loop3A_649 = arith.constant 0 : i32
        %parallel_loop3A_650 = tpu.memref_slice %arg9[%parallel_loop3A_647, %parallel_loop3A_648, %parallel_loop3A_649] : memref<2x512x32xf32, #tpu.memory_space<vmem>> -> memref<1x512x32xf32, #tpu.memory_space<vmem>>
        %parallel_loop3A_651 = tpu.memref_squeeze %parallel_loop3A_650 : memref<1x512x32xf32, #tpu.memory_space<vmem>> -> memref<512x32xf32, #tpu.memory_space<vmem>>
        %parallel_loop3A_652 = tpu.vector_load_idx %parallel_loop3A_651[%parallel_loop3A_562, %and3A_90] : memref<512x32xf32, #tpu.memory_space<vmem>>[vector<16xi32>, vector<16xi32>], vector<16xf32>,
        %parallel_loop3A_653 = arith.constant 1 : i32
        %parallel_loop3A_654 = arith.constant 0 : i32
        %parallel_loop3A_655 = arith.constant 0 : i32
        %parallel_loop3A_656 = tpu.memref_slice %arg9[%parallel_loop3A_653, %parallel_loop3A_654, %parallel_loop3A_655] : memref<2x512x32xf32, #tpu.memory_space<vmem>> -> memref<1x512x32xf32, #tpu.memory_space<vmem>>
        %parallel_loop3A_657 = tpu.memref_squeeze %parallel_loop3A_656 : memref<1x512x32xf32, #tpu.memory_space<vmem>> -> memref<512x32xf32, #tpu.memory_space<vmem>>
        %parallel_loop3A_658 = tpu.vector_load_idx %parallel_loop3A_657[%parallel_loop3A_562, %and3A_96] : memref<512x32xf32, #tpu.memory_space<vmem>>[vector<16xi32>, vector<16xi32>], vector<16xf32>,
        %parallel_loop3A_659 = arith.constant 1 : i32
        %parallel_loop3A_660 = arith.constant 0 : i32
        %parallel_loop3A_661 = arith.constant 0 : i32
        %parallel_loop3A_662 = tpu.memref_slice %arg9[%parallel_loop3A_659, %parallel_loop3A_660, %parallel_loop3A_661] : memref<2x512x32xf32, #tpu.memory_space<vmem>> -> memref<1x512x32xf32, #tpu.memory_space<vmem>>
        %parallel_loop3A_663 = tpu.memref_squeeze %parallel_loop3A_662 : memref<1x512x32xf32, #tpu.memory_space<vmem>> -> memref<512x32xf32, #tpu.memory_space<vmem>>
        %parallel_loop3A_664 = tpu.vector_load_idx %parallel_loop3A_663[%parallel_loop3A_562, %and3A_102] : memref<512x32xf32, #tpu.memory_space<vmem>>[vector<16xi32>, vector<16xi32>], vector<16xf32>,
        %parallel_loop3A_665 = arith.constant 3 : i32
        %parallel_loop3A_666 = vector.broadcast %parallel_loop3A_665 : i32 to vector<16xi32>
        %parallel_loop3A_667 = arith.shrui %and3A_12, %parallel_loop3A_666 : vector<16xi32>
        %parallel_loop3A_668 = arith.constant 7 : i32
        %parallel_loop3A_669 = vector.broadcast %parallel_loop3A_668 : i32 to vector<16xi32>
        %parallel_loop3A_670 = arith.andi %and3A_12, %parallel_loop3A_669 : vector<16xi32>
        %parallel_loop3A_671 = arith.constant 1 : i32
        %parallel_loop3A_672 = arith.constant 0 : i32
        %parallel_loop3A_673 = arith.constant 0 : i32
        %parallel_loop3A_674 = arith.constant 0 : i32
        %parallel_loop3A_675 = arith.constant 0 : i32
        %parallel_loop3A_676 = tpu.memref_slice %arg10[%parallel_loop3A_671, %parallel_loop3A_672, %parallel_loop3A_673, %parallel_loop3A_674, %parallel_loop3A_675] : memref<2x4x4x8x128xf32, #tpu.memory_space<vmem>> -> memref<1x4x4x8x128xf32, #tpu.memory_space<vmem>>
        %parallel_loop3A_677 = tpu.memref_squeeze %parallel_loop3A_676 : memref<1x4x4x8x128xf32, #tpu.memory_space<vmem>> -> memref<4x4x8x128xf32, #tpu.memory_space<vmem>>
        tpu.vector_store_idx %parallel_loop3A_677[%parallel_loop3A_667, %parallel_loop3A_565, %parallel_loop3A_670, %parallel_loop3A_568], %parallel_loop3A_574 : memref<4x4x8x128xf32, #tpu.memory_space<vmem>>[vector<16xi32>, vector<16xi32>, vector<16xi32>, vector<16xi32>], vector<16xf32>,
        %parallel_loop3A_678 = arith.constant 3 : i32
        %parallel_loop3A_679 = vector.broadcast %parallel_loop3A_678 : i32 to vector<16xi32>
        %parallel_loop3A_680 = arith.shrui %and3A_18, %parallel_loop3A_679 : vector<16xi32>
        %parallel_loop3A_681 = arith.constant 7 : i32
        %parallel_loop3A_682 = vector.broadcast %parallel_loop3A_681 : i32 to vector<16xi32>
        %parallel_loop3A_683 = arith.andi %and3A_18, %parallel_loop3A_682 : vector<16xi32>
        %parallel_loop3A_684 = arith.constant 1 : i32
        %parallel_loop3A_685 = arith.constant 0 : i32
        %parallel_loop3A_686 = arith.constant 0 : i32
        %parallel_loop3A_687 = arith.constant 0 : i32
        %parallel_loop3A_688 = arith.constant 0 : i32
        %parallel_loop3A_689 = tpu.memref_slice %arg10[%parallel_loop3A_684, %parallel_loop3A_685, %parallel_loop3A_686, %parallel_loop3A_687, %parallel_loop3A_688] : memref<2x4x4x8x128xf32, #tpu.memory_space<vmem>> -> memref<1x4x4x8x128xf32, #tpu.memory_space<vmem>>
        %parallel_loop3A_690 = tpu.memref_squeeze %parallel_loop3A_689 : memref<1x4x4x8x128xf32, #tpu.memory_space<vmem>> -> memref<4x4x8x128xf32, #tpu.memory_space<vmem>>
        tpu.vector_store_idx %parallel_loop3A_690[%parallel_loop3A_680, %parallel_loop3A_565, %parallel_loop3A_683, %parallel_loop3A_568], %parallel_loop3A_580 : memref<4x4x8x128xf32, #tpu.memory_space<vmem>>[vector<16xi32>, vector<16xi32>, vector<16xi32>, vector<16xi32>], vector<16xf32>,
        %parallel_loop3A_691 = arith.constant 3 : i32
        %parallel_loop3A_692 = vector.broadcast %parallel_loop3A_691 : i32 to vector<16xi32>
        %parallel_loop3A_693 = arith.shrui %and3A_24, %parallel_loop3A_692 : vector<16xi32>
        %parallel_loop3A_694 = arith.constant 7 : i32
        %parallel_loop3A_695 = vector.broadcast %parallel_loop3A_694 : i32 to vector<16xi32>
        %parallel_loop3A_696 = arith.andi %and3A_24, %parallel_loop3A_695 : vector<16xi32>
        %parallel_loop3A_697 = arith.constant 1 : i32
        %parallel_loop3A_698 = arith.constant 0 : i32
        %parallel_loop3A_699 = arith.constant 0 : i32
        %parallel_loop3A_700 = arith.constant 0 : i32
        %parallel_loop3A_701 = arith.constant 0 : i32
        %parallel_loop3A_702 = tpu.memref_slice %arg10[%parallel_loop3A_697, %parallel_loop3A_698, %parallel_loop3A_699, %parallel_loop3A_700, %parallel_loop3A_701] : memref<2x4x4x8x128xf32, #tpu.memory_space<vmem>> -> memref<1x4x4x8x128xf32, #tpu.memory_space<vmem>>
        %parallel_loop3A_703 = tpu.memref_squeeze %parallel_loop3A_702 : memref<1x4x4x8x128xf32, #tpu.memory_space<vmem>> -> memref<4x4x8x128xf32, #tpu.memory_space<vmem>>
        tpu.vector_store_idx %parallel_loop3A_703[%parallel_loop3A_693, %parallel_loop3A_565, %parallel_loop3A_696, %parallel_loop3A_568], %parallel_loop3A_586 : memref<4x4x8x128xf32, #tpu.memory_space<vmem>>[vector<16xi32>, vector<16xi32>, vector<16xi32>, vector<16xi32>], vector<16xf32>,
        %parallel_loop3A_704 = arith.constant 3 : i32
        %parallel_loop3A_705 = vector.broadcast %parallel_loop3A_704 : i32 to vector<16xi32>
        %parallel_loop3A_706 = arith.shrui %and3A_30, %parallel_loop3A_705 : vector<16xi32>
        %parallel_loop3A_707 = arith.constant 7 : i32
        %parallel_loop3A_708 = vector.broadcast %parallel_loop3A_707 : i32 to vector<16xi32>
        %parallel_loop3A_709 = arith.andi %and3A_30, %parallel_loop3A_708 : vector<16xi32>
        %parallel_loop3A_710 = arith.constant 1 : i32
        %parallel_loop3A_711 = arith.constant 0 : i32
        %parallel_loop3A_712 = arith.constant 0 : i32
        %parallel_loop3A_713 = arith.constant 0 : i32
        %parallel_loop3A_714 = arith.constant 0 : i32
        %parallel_loop3A_715 = tpu.memref_slice %arg10[%parallel_loop3A_710, %parallel_loop3A_711, %parallel_loop3A_712, %parallel_loop3A_713, %parallel_loop3A_714] : memref<2x4x4x8x128xf32, #tpu.memory_space<vmem>> -> memref<1x4x4x8x128xf32, #tpu.memory_space<vmem>>
        %parallel_loop3A_716 = tpu.memref_squeeze %parallel_loop3A_715 : memref<1x4x4x8x128xf32, #tpu.memory_space<vmem>> -> memref<4x4x8x128xf32, #tpu.memory_space<vmem>>
        tpu.vector_store_idx %parallel_loop3A_716[%parallel_loop3A_706, %parallel_loop3A_565, %parallel_loop3A_709, %parallel_loop3A_568], %parallel_loop3A_592 : memref<4x4x8x128xf32, #tpu.memory_space<vmem>>[vector<16xi32>, vector<16xi32>, vector<16xi32>, vector<16xi32>], vector<16xf32>,
        %parallel_loop3A_717 = arith.constant 3 : i32
        %parallel_loop3A_718 = vector.broadcast %parallel_loop3A_717 : i32 to vector<16xi32>
        %parallel_loop3A_719 = arith.shrui %and3A_36, %parallel_loop3A_718 : vector<16xi32>
        %parallel_loop3A_720 = arith.constant 7 : i32
        %parallel_loop3A_721 = vector.broadcast %parallel_loop3A_720 : i32 to vector<16xi32>
        %parallel_loop3A_722 = arith.andi %and3A_36, %parallel_loop3A_721 : vector<16xi32>
        %parallel_loop3A_723 = arith.constant 1 : i32
        %parallel_loop3A_724 = arith.constant 0 : i32
        %parallel_loop3A_725 = arith.constant 0 : i32
        %parallel_loop3A_726 = arith.constant 0 : i32
        %parallel_loop3A_727 = arith.constant 0 : i32
        %parallel_loop3A_728 = tpu.memref_slice %arg10[%parallel_loop3A_723, %parallel_loop3A_724, %parallel_loop3A_725, %parallel_loop3A_726, %parallel_loop3A_727] : memref<2x4x4x8x128xf32, #tpu.memory_space<vmem>> -> memref<1x4x4x8x128xf32, #tpu.memory_space<vmem>>
        %parallel_loop3A_729 = tpu.memref_squeeze %parallel_loop3A_728 : memref<1x4x4x8x128xf32, #tpu.memory_space<vmem>> -> memref<4x4x8x128xf32, #tpu.memory_space<vmem>>
        tpu.vector_store_idx %parallel_loop3A_729[%parallel_loop3A_719, %parallel_loop3A_565, %parallel_loop3A_722, %parallel_loop3A_568], %parallel_loop3A_598 : memref<4x4x8x128xf32, #tpu.memory_space<vmem>>[vector<16xi32>, vector<16xi32>, vector<16xi32>, vector<16xi32>], vector<16xf32>,
        %parallel_loop3A_730 = arith.constant 3 : i32
        %parallel_loop3A_731 = vector.broadcast %parallel_loop3A_730 : i32 to vector<16xi32>
        %parallel_loop3A_732 = arith.shrui %and3A_42, %parallel_loop3A_731 : vector<16xi32>
        %parallel_loop3A_733 = arith.constant 7 : i32
        %parallel_loop3A_734 = vector.broadcast %parallel_loop3A_733 : i32 to vector<16xi32>
        %parallel_loop3A_735 = arith.andi %and3A_42, %parallel_loop3A_734 : vector<16xi32>
        %parallel_loop3A_736 = arith.constant 1 : i32
        %parallel_loop3A_737 = arith.constant 0 : i32
        %parallel_loop3A_738 = arith.constant 0 : i32
        %parallel_loop3A_739 = arith.constant 0 : i32
        %parallel_loop3A_740 = arith.constant 0 : i32
        %parallel_loop3A_741 = tpu.memref_slice %arg10[%parallel_loop3A_736, %parallel_loop3A_737, %parallel_loop3A_738, %parallel_loop3A_739, %parallel_loop3A_740] : memref<2x4x4x8x128xf32, #tpu.memory_space<vmem>> -> memref<1x4x4x8x128xf32, #tpu.memory_space<vmem>>
        %parallel_loop3A_742 = tpu.memref_squeeze %parallel_loop3A_741 : memref<1x4x4x8x128xf32, #tpu.memory_space<vmem>> -> memref<4x4x8x128xf32, #tpu.memory_space<vmem>>
        tpu.vector_store_idx %parallel_loop3A_742[%parallel_loop3A_732, %parallel_loop3A_565, %parallel_loop3A_735, %parallel_loop3A_568], %parallel_loop3A_604 : memref<4x4x8x128xf32, #tpu.memory_space<vmem>>[vector<16xi32>, vector<16xi32>, vector<16xi32>, vector<16xi32>], vector<16xf32>,
        %parallel_loop3A_743 = arith.constant 3 : i32
        %parallel_loop3A_744 = vector.broadcast %parallel_loop3A_743 : i32 to vector<16xi32>
        %parallel_loop3A_745 = arith.shrui %and3A_48, %parallel_loop3A_744 : vector<16xi32>
        %parallel_loop3A_746 = arith.constant 7 : i32
        %parallel_loop3A_747 = vector.broadcast %parallel_loop3A_746 : i32 to vector<16xi32>
        %parallel_loop3A_748 = arith.andi %and3A_48, %parallel_loop3A_747 : vector<16xi32>
        %parallel_loop3A_749 = arith.constant 1 : i32
        %parallel_loop3A_750 = arith.constant 0 : i32
        %parallel_loop3A_751 = arith.constant 0 : i32
        %parallel_loop3A_752 = arith.constant 0 : i32
        %parallel_loop3A_753 = arith.constant 0 : i32
        %parallel_loop3A_754 = tpu.memref_slice %arg10[%parallel_loop3A_749, %parallel_loop3A_750, %parallel_loop3A_751, %parallel_loop3A_752, %parallel_loop3A_753] : memref<2x4x4x8x128xf32, #tpu.memory_space<vmem>> -> memref<1x4x4x8x128xf32, #tpu.memory_space<vmem>>
        %parallel_loop3A_755 = tpu.memref_squeeze %parallel_loop3A_754 : memref<1x4x4x8x128xf32, #tpu.memory_space<vmem>> -> memref<4x4x8x128xf32, #tpu.memory_space<vmem>>
        tpu.vector_store_idx %parallel_loop3A_755[%parallel_loop3A_745, %parallel_loop3A_565, %parallel_loop3A_748, %parallel_loop3A_568], %parallel_loop3A_610 : memref<4x4x8x128xf32, #tpu.memory_space<vmem>>[vector<16xi32>, vector<16xi32>, vector<16xi32>, vector<16xi32>], vector<16xf32>,
        %parallel_loop3A_756 = arith.constant 3 : i32
        %parallel_loop3A_757 = vector.broadcast %parallel_loop3A_756 : i32 to vector<16xi32>
        %parallel_loop3A_758 = arith.shrui %and3A_54, %parallel_loop3A_757 : vector<16xi32>
        %parallel_loop3A_759 = arith.constant 7 : i32
        %parallel_loop3A_760 = vector.broadcast %parallel_loop3A_759 : i32 to vector<16xi32>
        %parallel_loop3A_761 = arith.andi %and3A_54, %parallel_loop3A_760 : vector<16xi32>
        %parallel_loop3A_762 = arith.constant 1 : i32
        %parallel_loop3A_763 = arith.constant 0 : i32
        %parallel_loop3A_764 = arith.constant 0 : i32
        %parallel_loop3A_765 = arith.constant 0 : i32
        %parallel_loop3A_766 = arith.constant 0 : i32
        %parallel_loop3A_767 = tpu.memref_slice %arg10[%parallel_loop3A_762, %parallel_loop3A_763, %parallel_loop3A_764, %parallel_loop3A_765, %parallel_loop3A_766] : memref<2x4x4x8x128xf32, #tpu.memory_space<vmem>> -> memref<1x4x4x8x128xf32, #tpu.memory_space<vmem>>
        %parallel_loop3A_768 = tpu.memref_squeeze %parallel_loop3A_767 : memref<1x4x4x8x128xf32, #tpu.memory_space<vmem>> -> memref<4x4x8x128xf32, #tpu.memory_space<vmem>>
        tpu.vector_store_idx %parallel_loop3A_768[%parallel_loop3A_758, %parallel_loop3A_565, %parallel_loop3A_761, %parallel_loop3A_568], %parallel_loop3A_616 : memref<4x4x8x128xf32, #tpu.memory_space<vmem>>[vector<16xi32>, vector<16xi32>, vector<16xi32>, vector<16xi32>], vector<16xf32>,
        %parallel_loop3A_769 = arith.constant 3 : i32
        %parallel_loop3A_770 = vector.broadcast %parallel_loop3A_769 : i32 to vector<16xi32>
        %parallel_loop3A_771 = arith.shrui %and3A_60, %parallel_loop3A_770 : vector<16xi32>
        %parallel_loop3A_772 = arith.constant 7 : i32
        %parallel_loop3A_773 = vector.broadcast %parallel_loop3A_772 : i32 to vector<16xi32>
        %parallel_loop3A_774 = arith.andi %and3A_60, %parallel_loop3A_773 : vector<16xi32>
        %parallel_loop3A_775 = arith.constant 1 : i32
        %parallel_loop3A_776 = arith.constant 0 : i32
        %parallel_loop3A_777 = arith.constant 0 : i32
        %parallel_loop3A_778 = arith.constant 0 : i32
        %parallel_loop3A_779 = arith.constant 0 : i32
        %parallel_loop3A_780 = tpu.memref_slice %arg10[%parallel_loop3A_775, %parallel_loop3A_776, %parallel_loop3A_777, %parallel_loop3A_778, %parallel_loop3A_779] : memref<2x4x4x8x128xf32, #tpu.memory_space<vmem>> -> memref<1x4x4x8x128xf32, #tpu.memory_space<vmem>>
        %parallel_loop3A_781 = tpu.memref_squeeze %parallel_loop3A_780 : memref<1x4x4x8x128xf32, #tpu.memory_space<vmem>> -> memref<4x4x8x128xf32, #tpu.memory_space<vmem>>
        tpu.vector_store_idx %parallel_loop3A_781[%parallel_loop3A_771, %parallel_loop3A_565, %parallel_loop3A_774, %parallel_loop3A_568], %parallel_loop3A_622 : memref<4x4x8x128xf32, #tpu.memory_space<vmem>>[vector<16xi32>, vector<16xi32>, vector<16xi32>, vector<16xi32>], vector<16xf32>,
        %parallel_loop3A_782 = arith.constant 3 : i32
        %parallel_loop3A_783 = vector.broadcast %parallel_loop3A_782 : i32 to vector<16xi32>
        %parallel_loop3A_784 = arith.shrui %and3A_66, %parallel_loop3A_783 : vector<16xi32>
        %parallel_loop3A_785 = arith.constant 7 : i32
        %parallel_loop3A_786 = vector.broadcast %parallel_loop3A_785 : i32 to vector<16xi32>
        %parallel_loop3A_787 = arith.andi %and3A_66, %parallel_loop3A_786 : vector<16xi32>
        %parallel_loop3A_788 = arith.constant 1 : i32
        %parallel_loop3A_789 = arith.constant 0 : i32
        %parallel_loop3A_790 = arith.constant 0 : i32
        %parallel_loop3A_791 = arith.constant 0 : i32
        %parallel_loop3A_792 = arith.constant 0 : i32
        %parallel_loop3A_793 = tpu.memref_slice %arg10[%parallel_loop3A_788, %parallel_loop3A_789, %parallel_loop3A_790, %parallel_loop3A_791, %parallel_loop3A_792] : memref<2x4x4x8x128xf32, #tpu.memory_space<vmem>> -> memref<1x4x4x8x128xf32, #tpu.memory_space<vmem>>
        %parallel_loop3A_794 = tpu.memref_squeeze %parallel_loop3A_793 : memref<1x4x4x8x128xf32, #tpu.memory_space<vmem>> -> memref<4x4x8x128xf32, #tpu.memory_space<vmem>>
        tpu.vector_store_idx %parallel_loop3A_794[%parallel_loop3A_784, %parallel_loop3A_565, %parallel_loop3A_787, %parallel_loop3A_568], %parallel_loop3A_628 : memref<4x4x8x128xf32, #tpu.memory_space<vmem>>[vector<16xi32>, vector<16xi32>, vector<16xi32>, vector<16xi32>], vector<16xf32>,
        %parallel_loop3A_795 = arith.constant 3 : i32
        %parallel_loop3A_796 = vector.broadcast %parallel_loop3A_795 : i32 to vector<16xi32>
        %parallel_loop3A_797 = arith.shrui %and3A_72, %parallel_loop3A_796 : vector<16xi32>
        %parallel_loop3A_798 = arith.constant 7 : i32
        %parallel_loop3A_799 = vector.broadcast %parallel_loop3A_798 : i32 to vector<16xi32>
        %parallel_loop3A_800 = arith.andi %and3A_72, %parallel_loop3A_799 : vector<16xi32>
        %parallel_loop3A_801 = arith.constant 1 : i32
        %parallel_loop3A_802 = arith.constant 0 : i32
        %parallel_loop3A_803 = arith.constant 0 : i32
        %parallel_loop3A_804 = arith.constant 0 : i32
        %parallel_loop3A_805 = arith.constant 0 : i32
        %parallel_loop3A_806 = tpu.memref_slice %arg10[%parallel_loop3A_801, %parallel_loop3A_802, %parallel_loop3A_803, %parallel_loop3A_804, %parallel_loop3A_805] : memref<2x4x4x8x128xf32, #tpu.memory_space<vmem>> -> memref<1x4x4x8x128xf32, #tpu.memory_space<vmem>>
        %parallel_loop3A_807 = tpu.memref_squeeze %parallel_loop3A_806 : memref<1x4x4x8x128xf32, #tpu.memory_space<vmem>> -> memref<4x4x8x128xf32, #tpu.memory_space<vmem>>
        tpu.vector_store_idx %parallel_loop3A_807[%parallel_loop3A_797, %parallel_loop3A_565, %parallel_loop3A_800, %parallel_loop3A_568], %parallel_loop3A_634 : memref<4x4x8x128xf32, #tpu.memory_space<vmem>>[vector<16xi32>, vector<16xi32>, vector<16xi32>, vector<16xi32>], vector<16xf32>,
        %parallel_loop3A_808 = arith.constant 3 : i32
        %parallel_loop3A_809 = vector.broadcast %parallel_loop3A_808 : i32 to vector<16xi32>
        %parallel_loop3A_810 = arith.shrui %and3A_78, %parallel_loop3A_809 : vector<16xi32>
        %parallel_loop3A_811 = arith.constant 7 : i32
        %parallel_loop3A_812 = vector.broadcast %parallel_loop3A_811 : i32 to vector<16xi32>
        %parallel_loop3A_813 = arith.andi %and3A_78, %parallel_loop3A_812 : vector<16xi32>
        %parallel_loop3A_814 = arith.constant 1 : i32
        %parallel_loop3A_815 = arith.constant 0 : i32
        %parallel_loop3A_816 = arith.constant 0 : i32
        %parallel_loop3A_817 = arith.constant 0 : i32
        %parallel_loop3A_818 = arith.constant 0 : i32
        %parallel_loop3A_819 = tpu.memref_slice %arg10[%parallel_loop3A_814, %parallel_loop3A_815, %parallel_loop3A_816, %parallel_loop3A_817, %parallel_loop3A_818] : memref<2x4x4x8x128xf32, #tpu.memory_space<vmem>> -> memref<1x4x4x8x128xf32, #tpu.memory_space<vmem>>
        %parallel_loop3A_820 = tpu.memref_squeeze %parallel_loop3A_819 : memref<1x4x4x8x128xf32, #tpu.memory_space<vmem>> -> memref<4x4x8x128xf32, #tpu.memory_space<vmem>>
        tpu.vector_store_idx %parallel_loop3A_820[%parallel_loop3A_810, %parallel_loop3A_565, %parallel_loop3A_813, %parallel_loop3A_568], %parallel_loop3A_640 : memref<4x4x8x128xf32, #tpu.memory_space<vmem>>[vector<16xi32>, vector<16xi32>, vector<16xi32>, vector<16xi32>], vector<16xf32>,
        %parallel_loop3A_821 = arith.constant 3 : i32
        %parallel_loop3A_822 = vector.broadcast %parallel_loop3A_821 : i32 to vector<16xi32>
        %parallel_loop3A_823 = arith.shrui %and3A_84, %parallel_loop3A_822 : vector<16xi32>
        %parallel_loop3A_824 = arith.constant 7 : i32
        %parallel_loop3A_825 = vector.broadcast %parallel_loop3A_824 : i32 to vector<16xi32>
        %parallel_loop3A_826 = arith.andi %and3A_84, %parallel_loop3A_825 : vector<16xi32>
        %parallel_loop3A_827 = arith.constant 1 : i32
        %parallel_loop3A_828 = arith.constant 0 : i32
        %parallel_loop3A_829 = arith.constant 0 : i32
        %parallel_loop3A_830 = arith.constant 0 : i32
        %parallel_loop3A_831 = arith.constant 0 : i32
        %parallel_loop3A_832 = tpu.memref_slice %arg10[%parallel_loop3A_827, %parallel_loop3A_828, %parallel_loop3A_829, %parallel_loop3A_830, %parallel_loop3A_831] : memref<2x4x4x8x128xf32, #tpu.memory_space<vmem>> -> memref<1x4x4x8x128xf32, #tpu.memory_space<vmem>>
        %parallel_loop3A_833 = tpu.memref_squeeze %parallel_loop3A_832 : memref<1x4x4x8x128xf32, #tpu.memory_space<vmem>> -> memref<4x4x8x128xf32, #tpu.memory_space<vmem>>
        tpu.vector_store_idx %parallel_loop3A_833[%parallel_loop3A_823, %parallel_loop3A_565, %parallel_loop3A_826, %parallel_loop3A_568], %parallel_loop3A_646 : memref<4x4x8x128xf32, #tpu.memory_space<vmem>>[vector<16xi32>, vector<16xi32>, vector<16xi32>, vector<16xi32>], vector<16xf32>,
        %parallel_loop3A_834 = arith.constant 3 : i32
        %parallel_loop3A_835 = vector.broadcast %parallel_loop3A_834 : i32 to vector<16xi32>
        %parallel_loop3A_836 = arith.shrui %and3A_90, %parallel_loop3A_835 : vector<16xi32>
        %parallel_loop3A_837 = arith.constant 7 : i32
        %parallel_loop3A_838 = vector.broadcast %parallel_loop3A_837 : i32 to vector<16xi32>
        %parallel_loop3A_839 = arith.andi %and3A_90, %parallel_loop3A_838 : vector<16xi32>
        %parallel_loop3A_840 = arith.constant 1 : i32
        %parallel_loop3A_841 = arith.constant 0 : i32
        %parallel_loop3A_842 = arith.constant 0 : i32
        %parallel_loop3A_843 = arith.constant 0 : i32
        %parallel_loop3A_844 = arith.constant 0 : i32
        %parallel_loop3A_845 = tpu.memref_slice %arg10[%parallel_loop3A_840, %parallel_loop3A_841, %parallel_loop3A_842, %parallel_loop3A_843, %parallel_loop3A_844] : memref<2x4x4x8x128xf32, #tpu.memory_space<vmem>> -> memref<1x4x4x8x128xf32, #tpu.memory_space<vmem>>
        %parallel_loop3A_846 = tpu.memref_squeeze %parallel_loop3A_845 : memref<1x4x4x8x128xf32, #tpu.memory_space<vmem>> -> memref<4x4x8x128xf32, #tpu.memory_space<vmem>>
        tpu.vector_store_idx %parallel_loop3A_846[%parallel_loop3A_836, %parallel_loop3A_565, %parallel_loop3A_839, %parallel_loop3A_568], %parallel_loop3A_652 : memref<4x4x8x128xf32, #tpu.memory_space<vmem>>[vector<16xi32>, vector<16xi32>, vector<16xi32>, vector<16xi32>], vector<16xf32>,
        %parallel_loop3A_847 = arith.constant 3 : i32
        %parallel_loop3A_848 = vector.broadcast %parallel_loop3A_847 : i32 to vector<16xi32>
        %parallel_loop3A_849 = arith.shrui %and3A_96, %parallel_loop3A_848 : vector<16xi32>
        %parallel_loop3A_850 = arith.constant 7 : i32
        %parallel_loop3A_851 = vector.broadcast %parallel_loop3A_850 : i32 to vector<16xi32>
        %parallel_loop3A_852 = arith.andi %and3A_96, %parallel_loop3A_851 : vector<16xi32>
        %parallel_loop3A_853 = arith.constant 1 : i32
        %parallel_loop3A_854 = arith.constant 0 : i32
        %parallel_loop3A_855 = arith.constant 0 : i32
        %parallel_loop3A_856 = arith.constant 0 : i32
        %parallel_loop3A_857 = arith.constant 0 : i32
        %parallel_loop3A_858 = tpu.memref_slice %arg10[%parallel_loop3A_853, %parallel_loop3A_854, %parallel_loop3A_855, %parallel_loop3A_856, %parallel_loop3A_857] : memref<2x4x4x8x128xf32, #tpu.memory_space<vmem>> -> memref<1x4x4x8x128xf32, #tpu.memory_space<vmem>>
        %parallel_loop3A_859 = tpu.memref_squeeze %parallel_loop3A_858 : memref<1x4x4x8x128xf32, #tpu.memory_space<vmem>> -> memref<4x4x8x128xf32, #tpu.memory_space<vmem>>
        tpu.vector_store_idx %parallel_loop3A_859[%parallel_loop3A_849, %parallel_loop3A_565, %parallel_loop3A_852, %parallel_loop3A_568], %parallel_loop3A_658 : memref<4x4x8x128xf32, #tpu.memory_space<vmem>>[vector<16xi32>, vector<16xi32>, vector<16xi32>, vector<16xi32>], vector<16xf32>,
        %parallel_loop3A_860 = arith.constant 3 : i32
        %parallel_loop3A_861 = vector.broadcast %parallel_loop3A_860 : i32 to vector<16xi32>
        %parallel_loop3A_862 = arith.shrui %and3A_102, %parallel_loop3A_861 : vector<16xi32>
        %parallel_loop3A_863 = arith.constant 7 : i32
        %parallel_loop3A_864 = vector.broadcast %parallel_loop3A_863 : i32 to vector<16xi32>
        %parallel_loop3A_865 = arith.andi %and3A_102, %parallel_loop3A_864 : vector<16xi32>
        %parallel_loop3A_866 = arith.constant 1 : i32
        %parallel_loop3A_867 = arith.constant 0 : i32
        %parallel_loop3A_868 = arith.constant 0 : i32
        %parallel_loop3A_869 = arith.constant 0 : i32
        %parallel_loop3A_870 = arith.constant 0 : i32
        %parallel_loop3A_871 = tpu.memref_slice %arg10[%parallel_loop3A_866, %parallel_loop3A_867, %parallel_loop3A_868, %parallel_loop3A_869, %parallel_loop3A_870] : memref<2x4x4x8x128xf32, #tpu.memory_space<vmem>> -> memref<1x4x4x8x128xf32, #tpu.memory_space<vmem>>
        %parallel_loop3A_872 = tpu.memref_squeeze %parallel_loop3A_871 : memref<1x4x4x8x128xf32, #tpu.memory_space<vmem>> -> memref<4x4x8x128xf32, #tpu.memory_space<vmem>>
        tpu.vector_store_idx %parallel_loop3A_872[%parallel_loop3A_862, %parallel_loop3A_565, %parallel_loop3A_865, %parallel_loop3A_568], %parallel_loop3A_664 : memref<4x4x8x128xf32, #tpu.memory_space<vmem>>[vector<16xi32>, vector<16xi32>, vector<16xi32>, vector<16xi32>], vector<16xf32>,
        %parallel_loop3A_873 = arith.constant 1 : i32
        %parallel_loop3A_874 = arith.constant 0 : i32
        %parallel_loop3A_875 = arith.constant 0 : i32
        %parallel_loop3A_876 = tpu.memref_slice %arg9[%parallel_loop3A_873, %parallel_loop3A_874, %parallel_loop3A_875] : memref<2x512x32xf32, #tpu.memory_space<vmem>> -> memref<1x512x32xf32, #tpu.memory_space<vmem>>
        %parallel_loop3A_877 = tpu.memref_squeeze %parallel_loop3A_876 : memref<1x512x32xf32, #tpu.memory_space<vmem>> -> memref<512x32xf32, #tpu.memory_space<vmem>>
        %parallel_loop3A_878 = tpu.vector_load_idx %parallel_loop3A_877[%parallel_loop3A_562, %and3A_108] : memref<512x32xf32, #tpu.memory_space<vmem>>[vector<16xi32>, vector<16xi32>], vector<16xf32>,
        %parallel_loop3A_879 = arith.constant 1 : i32
        %parallel_loop3A_880 = arith.constant 0 : i32
        %parallel_loop3A_881 = arith.constant 0 : i32
        %parallel_loop3A_882 = tpu.memref_slice %arg9[%parallel_loop3A_879, %parallel_loop3A_880, %parallel_loop3A_881] : memref<2x512x32xf32, #tpu.memory_space<vmem>> -> memref<1x512x32xf32, #tpu.memory_space<vmem>>
        %parallel_loop3A_883 = tpu.memref_squeeze %parallel_loop3A_882 : memref<1x512x32xf32, #tpu.memory_space<vmem>> -> memref<512x32xf32, #tpu.memory_space<vmem>>
        %parallel_loop3A_884 = tpu.vector_load_idx %parallel_loop3A_883[%parallel_loop3A_562, %and3A_114] : memref<512x32xf32, #tpu.memory_space<vmem>>[vector<16xi32>, vector<16xi32>], vector<16xf32>,
        %parallel_loop3A_885 = arith.constant 1 : i32
        %parallel_loop3A_886 = arith.constant 0 : i32
        %parallel_loop3A_887 = arith.constant 0 : i32
        %parallel_loop3A_888 = tpu.memref_slice %arg9[%parallel_loop3A_885, %parallel_loop3A_886, %parallel_loop3A_887] : memref<2x512x32xf32, #tpu.memory_space<vmem>> -> memref<1x512x32xf32, #tpu.memory_space<vmem>>
        %parallel_loop3A_889 = tpu.memref_squeeze %parallel_loop3A_888 : memref<1x512x32xf32, #tpu.memory_space<vmem>> -> memref<512x32xf32, #tpu.memory_space<vmem>>
        %parallel_loop3A_890 = tpu.vector_load_idx %parallel_loop3A_889[%parallel_loop3A_562, %and3A_120] : memref<512x32xf32, #tpu.memory_space<vmem>>[vector<16xi32>, vector<16xi32>], vector<16xf32>,
        %parallel_loop3A_891 = arith.constant 1 : i32
        %parallel_loop3A_892 = arith.constant 0 : i32
        %parallel_loop3A_893 = arith.constant 0 : i32
        %parallel_loop3A_894 = tpu.memref_slice %arg9[%parallel_loop3A_891, %parallel_loop3A_892, %parallel_loop3A_893] : memref<2x512x32xf32, #tpu.memory_space<vmem>> -> memref<1x512x32xf32, #tpu.memory_space<vmem>>
        %parallel_loop3A_895 = tpu.memref_squeeze %parallel_loop3A_894 : memref<1x512x32xf32, #tpu.memory_space<vmem>> -> memref<512x32xf32, #tpu.memory_space<vmem>>
        %parallel_loop3A_896 = tpu.vector_load_idx %parallel_loop3A_895[%parallel_loop3A_562, %and3A_126] : memref<512x32xf32, #tpu.memory_space<vmem>>[vector<16xi32>, vector<16xi32>], vector<16xf32>,
        %parallel_loop3A_897 = arith.constant 1 : i32
        %parallel_loop3A_898 = arith.constant 0 : i32
        %parallel_loop3A_899 = arith.constant 0 : i32
        %parallel_loop3A_900 = tpu.memref_slice %arg9[%parallel_loop3A_897, %parallel_loop3A_898, %parallel_loop3A_899] : memref<2x512x32xf32, #tpu.memory_space<vmem>> -> memref<1x512x32xf32, #tpu.memory_space<vmem>>
        %parallel_loop3A_901 = tpu.memref_squeeze %parallel_loop3A_900 : memref<1x512x32xf32, #tpu.memory_space<vmem>> -> memref<512x32xf32, #tpu.memory_space<vmem>>
        %parallel_loop3A_902 = tpu.vector_load_idx %parallel_loop3A_901[%parallel_loop3A_562, %and3A_132] : memref<512x32xf32, #tpu.memory_space<vmem>>[vector<16xi32>, vector<16xi32>], vector<16xf32>,
        %parallel_loop3A_903 = arith.constant 1 : i32
        %parallel_loop3A_904 = arith.constant 0 : i32
        %parallel_loop3A_905 = arith.constant 0 : i32
        %parallel_loop3A_906 = tpu.memref_slice %arg9[%parallel_loop3A_903, %parallel_loop3A_904, %parallel_loop3A_905] : memref<2x512x32xf32, #tpu.memory_space<vmem>> -> memref<1x512x32xf32, #tpu.memory_space<vmem>>
        %parallel_loop3A_907 = tpu.memref_squeeze %parallel_loop3A_906 : memref<1x512x32xf32, #tpu.memory_space<vmem>> -> memref<512x32xf32, #tpu.memory_space<vmem>>
        %parallel_loop3A_908 = tpu.vector_load_idx %parallel_loop3A_907[%parallel_loop3A_562, %and3A_138] : memref<512x32xf32, #tpu.memory_space<vmem>>[vector<16xi32>, vector<16xi32>], vector<16xf32>,
        %parallel_loop3A_909 = arith.constant 1 : i32
        %parallel_loop3A_910 = arith.constant 0 : i32
        %parallel_loop3A_911 = arith.constant 0 : i32
        %parallel_loop3A_912 = tpu.memref_slice %arg9[%parallel_loop3A_909, %parallel_loop3A_910, %parallel_loop3A_911] : memref<2x512x32xf32, #tpu.memory_space<vmem>> -> memref<1x512x32xf32, #tpu.memory_space<vmem>>
        %parallel_loop3A_913 = tpu.memref_squeeze %parallel_loop3A_912 : memref<1x512x32xf32, #tpu.memory_space<vmem>> -> memref<512x32xf32, #tpu.memory_space<vmem>>
        %parallel_loop3A_914 = tpu.vector_load_idx %parallel_loop3A_913[%parallel_loop3A_562, %and3A_144] : memref<512x32xf32, #tpu.memory_space<vmem>>[vector<16xi32>, vector<16xi32>], vector<16xf32>,
        %parallel_loop3A_915 = arith.constant 1 : i32
        %parallel_loop3A_916 = arith.constant 0 : i32
        %parallel_loop3A_917 = arith.constant 0 : i32
        %parallel_loop3A_918 = tpu.memref_slice %arg9[%parallel_loop3A_915, %parallel_loop3A_916, %parallel_loop3A_917] : memref<2x512x32xf32, #tpu.memory_space<vmem>> -> memref<1x512x32xf32, #tpu.memory_space<vmem>>
        %parallel_loop3A_919 = tpu.memref_squeeze %parallel_loop3A_918 : memref<1x512x32xf32, #tpu.memory_space<vmem>> -> memref<512x32xf32, #tpu.memory_space<vmem>>
        %parallel_loop3A_920 = tpu.vector_load_idx %parallel_loop3A_919[%parallel_loop3A_562, %and3A_150] : memref<512x32xf32, #tpu.memory_space<vmem>>[vector<16xi32>, vector<16xi32>], vector<16xf32>,
        %parallel_loop3A_921 = arith.constant 1 : i32
        %parallel_loop3A_922 = arith.constant 0 : i32
        %parallel_loop3A_923 = arith.constant 0 : i32
        %parallel_loop3A_924 = tpu.memref_slice %arg9[%parallel_loop3A_921, %parallel_loop3A_922, %parallel_loop3A_923] : memref<2x512x32xf32, #tpu.memory_space<vmem>> -> memref<1x512x32xf32, #tpu.memory_space<vmem>>
        %parallel_loop3A_925 = tpu.memref_squeeze %parallel_loop3A_924 : memref<1x512x32xf32, #tpu.memory_space<vmem>> -> memref<512x32xf32, #tpu.memory_space<vmem>>
        %parallel_loop3A_926 = tpu.vector_load_idx %parallel_loop3A_925[%parallel_loop3A_562, %and3A_156] : memref<512x32xf32, #tpu.memory_space<vmem>>[vector<16xi32>, vector<16xi32>], vector<16xf32>,
        %parallel_loop3A_927 = arith.constant 1 : i32
        %parallel_loop3A_928 = arith.constant 0 : i32
        %parallel_loop3A_929 = arith.constant 0 : i32
        %parallel_loop3A_930 = tpu.memref_slice %arg9[%parallel_loop3A_927, %parallel_loop3A_928, %parallel_loop3A_929] : memref<2x512x32xf32, #tpu.memory_space<vmem>> -> memref<1x512x32xf32, #tpu.memory_space<vmem>>
        %parallel_loop3A_931 = tpu.memref_squeeze %parallel_loop3A_930 : memref<1x512x32xf32, #tpu.memory_space<vmem>> -> memref<512x32xf32, #tpu.memory_space<vmem>>
        %parallel_loop3A_932 = tpu.vector_load_idx %parallel_loop3A_931[%parallel_loop3A_562, %and3A_162] : memref<512x32xf32, #tpu.memory_space<vmem>>[vector<16xi32>, vector<16xi32>], vector<16xf32>,
        %parallel_loop3A_933 = arith.constant 1 : i32
        %parallel_loop3A_934 = arith.constant 0 : i32
        %parallel_loop3A_935 = arith.constant 0 : i32
        %parallel_loop3A_936 = tpu.memref_slice %arg9[%parallel_loop3A_933, %parallel_loop3A_934, %parallel_loop3A_935] : memref<2x512x32xf32, #tpu.memory_space<vmem>> -> memref<1x512x32xf32, #tpu.memory_space<vmem>>
        %parallel_loop3A_937 = tpu.memref_squeeze %parallel_loop3A_936 : memref<1x512x32xf32, #tpu.memory_space<vmem>> -> memref<512x32xf32, #tpu.memory_space<vmem>>
        %parallel_loop3A_938 = tpu.vector_load_idx %parallel_loop3A_937[%parallel_loop3A_562, %and3A_168] : memref<512x32xf32, #tpu.memory_space<vmem>>[vector<16xi32>, vector<16xi32>], vector<16xf32>,
        %parallel_loop3A_939 = arith.constant 1 : i32
        %parallel_loop3A_940 = arith.constant 0 : i32
        %parallel_loop3A_941 = arith.constant 0 : i32
        %parallel_loop3A_942 = tpu.memref_slice %arg9[%parallel_loop3A_939, %parallel_loop3A_940, %parallel_loop3A_941] : memref<2x512x32xf32, #tpu.memory_space<vmem>> -> memref<1x512x32xf32, #tpu.memory_space<vmem>>
        %parallel_loop3A_943 = tpu.memref_squeeze %parallel_loop3A_942 : memref<1x512x32xf32, #tpu.memory_space<vmem>> -> memref<512x32xf32, #tpu.memory_space<vmem>>
        %parallel_loop3A_944 = tpu.vector_load_idx %parallel_loop3A_943[%parallel_loop3A_562, %and3A_174] : memref<512x32xf32, #tpu.memory_space<vmem>>[vector<16xi32>, vector<16xi32>], vector<16xf32>,
        %parallel_loop3A_945 = arith.constant 1 : i32
        %parallel_loop3A_946 = arith.constant 0 : i32
        %parallel_loop3A_947 = arith.constant 0 : i32
        %parallel_loop3A_948 = tpu.memref_slice %arg9[%parallel_loop3A_945, %parallel_loop3A_946, %parallel_loop3A_947] : memref<2x512x32xf32, #tpu.memory_space<vmem>> -> memref<1x512x32xf32, #tpu.memory_space<vmem>>
        %parallel_loop3A_949 = tpu.memref_squeeze %parallel_loop3A_948 : memref<1x512x32xf32, #tpu.memory_space<vmem>> -> memref<512x32xf32, #tpu.memory_space<vmem>>
        %parallel_loop3A_950 = tpu.vector_load_idx %parallel_loop3A_949[%parallel_loop3A_562, %and3A_180] : memref<512x32xf32, #tpu.memory_space<vmem>>[vector<16xi32>, vector<16xi32>], vector<16xf32>,
        %parallel_loop3A_951 = arith.constant 1 : i32
        %parallel_loop3A_952 = arith.constant 0 : i32
        %parallel_loop3A_953 = arith.constant 0 : i32
        %parallel_loop3A_954 = tpu.memref_slice %arg9[%parallel_loop3A_951, %parallel_loop3A_952, %parallel_loop3A_953] : memref<2x512x32xf32, #tpu.memory_space<vmem>> -> memref<1x512x32xf32, #tpu.memory_space<vmem>>
        %parallel_loop3A_955 = tpu.memref_squeeze %parallel_loop3A_954 : memref<1x512x32xf32, #tpu.memory_space<vmem>> -> memref<512x32xf32, #tpu.memory_space<vmem>>
        %parallel_loop3A_956 = tpu.vector_load_idx %parallel_loop3A_955[%parallel_loop3A_562, %and3A_186] : memref<512x32xf32, #tpu.memory_space<vmem>>[vector<16xi32>, vector<16xi32>], vector<16xf32>,
        %parallel_loop3A_957 = arith.constant 1 : i32
        %parallel_loop3A_958 = arith.constant 0 : i32
        %parallel_loop3A_959 = arith.constant 0 : i32
        %parallel_loop3A_960 = tpu.memref_slice %arg9[%parallel_loop3A_957, %parallel_loop3A_958, %parallel_loop3A_959] : memref<2x512x32xf32, #tpu.memory_space<vmem>> -> memref<1x512x32xf32, #tpu.memory_space<vmem>>
        %parallel_loop3A_961 = tpu.memref_squeeze %parallel_loop3A_960 : memref<1x512x32xf32, #tpu.memory_space<vmem>> -> memref<512x32xf32, #tpu.memory_space<vmem>>
        %parallel_loop3A_962 = tpu.vector_load_idx %parallel_loop3A_961[%parallel_loop3A_562, %and3A_192] : memref<512x32xf32, #tpu.memory_space<vmem>>[vector<16xi32>, vector<16xi32>], vector<16xf32>,
        %parallel_loop3A_963 = arith.constant 1 : i32
        %parallel_loop3A_964 = arith.constant 0 : i32
        %parallel_loop3A_965 = arith.constant 0 : i32
        %parallel_loop3A_966 = tpu.memref_slice %arg9[%parallel_loop3A_963, %parallel_loop3A_964, %parallel_loop3A_965] : memref<2x512x32xf32, #tpu.memory_space<vmem>> -> memref<1x512x32xf32, #tpu.memory_space<vmem>>
        %parallel_loop3A_967 = tpu.memref_squeeze %parallel_loop3A_966 : memref<1x512x32xf32, #tpu.memory_space<vmem>> -> memref<512x32xf32, #tpu.memory_space<vmem>>
        %parallel_loop3A_968 = tpu.vector_load_idx %parallel_loop3A_967[%parallel_loop3A_562, %and3A_198] : memref<512x32xf32, #tpu.memory_space<vmem>>[vector<16xi32>, vector<16xi32>], vector<16xf32>,
        %parallel_loop3A_969 = arith.constant 3 : i32
        %parallel_loop3A_970 = vector.broadcast %parallel_loop3A_969 : i32 to vector<16xi32>
        %parallel_loop3A_971 = arith.shrui %and3A_108, %parallel_loop3A_970 : vector<16xi32>
        %parallel_loop3A_972 = arith.constant 7 : i32
        %parallel_loop3A_973 = vector.broadcast %parallel_loop3A_972 : i32 to vector<16xi32>
        %parallel_loop3A_974 = arith.andi %and3A_108, %parallel_loop3A_973 : vector<16xi32>
        %parallel_loop3A_975 = arith.constant 1 : i32
        %parallel_loop3A_976 = arith.constant 0 : i32
        %parallel_loop3A_977 = arith.constant 0 : i32
        %parallel_loop3A_978 = arith.constant 0 : i32
        %parallel_loop3A_979 = arith.constant 0 : i32
        %parallel_loop3A_980 = tpu.memref_slice %arg10[%parallel_loop3A_975, %parallel_loop3A_976, %parallel_loop3A_977, %parallel_loop3A_978, %parallel_loop3A_979] : memref<2x4x4x8x128xf32, #tpu.memory_space<vmem>> -> memref<1x4x4x8x128xf32, #tpu.memory_space<vmem>>
        %parallel_loop3A_981 = tpu.memref_squeeze %parallel_loop3A_980 : memref<1x4x4x8x128xf32, #tpu.memory_space<vmem>> -> memref<4x4x8x128xf32, #tpu.memory_space<vmem>>
        tpu.vector_store_idx %parallel_loop3A_981[%parallel_loop3A_971, %parallel_loop3A_565, %parallel_loop3A_974, %parallel_loop3A_568], %parallel_loop3A_878 : memref<4x4x8x128xf32, #tpu.memory_space<vmem>>[vector<16xi32>, vector<16xi32>, vector<16xi32>, vector<16xi32>], vector<16xf32>,
        %parallel_loop3A_982 = arith.constant 3 : i32
        %parallel_loop3A_983 = vector.broadcast %parallel_loop3A_982 : i32 to vector<16xi32>
        %parallel_loop3A_984 = arith.shrui %and3A_114, %parallel_loop3A_983 : vector<16xi32>
        %parallel_loop3A_985 = arith.constant 7 : i32
        %parallel_loop3A_986 = vector.broadcast %parallel_loop3A_985 : i32 to vector<16xi32>
        %parallel_loop3A_987 = arith.andi %and3A_114, %parallel_loop3A_986 : vector<16xi32>
        %parallel_loop3A_988 = arith.constant 1 : i32
        %parallel_loop3A_989 = arith.constant 0 : i32
        %parallel_loop3A_990 = arith.constant 0 : i32
        %parallel_loop3A_991 = arith.constant 0 : i32
        %parallel_loop3A_992 = arith.constant 0 : i32
        %parallel_loop3A_993 = tpu.memref_slice %arg10[%parallel_loop3A_988, %parallel_loop3A_989, %parallel_loop3A_990, %parallel_loop3A_991, %parallel_loop3A_992] : memref<2x4x4x8x128xf32, #tpu.memory_space<vmem>> -> memref<1x4x4x8x128xf32, #tpu.memory_space<vmem>>
        %parallel_loop3A_994 = tpu.memref_squeeze %parallel_loop3A_993 : memref<1x4x4x8x128xf32, #tpu.memory_space<vmem>> -> memref<4x4x8x128xf32, #tpu.memory_space<vmem>>
        tpu.vector_store_idx %parallel_loop3A_994[%parallel_loop3A_984, %parallel_loop3A_565, %parallel_loop3A_987, %parallel_loop3A_568], %parallel_loop3A_884 : memref<4x4x8x128xf32, #tpu.memory_space<vmem>>[vector<16xi32>, vector<16xi32>, vector<16xi32>, vector<16xi32>], vector<16xf32>,
        %parallel_loop3A_995 = arith.constant 3 : i32
        %parallel_loop3A_996 = vector.broadcast %parallel_loop3A_995 : i32 to vector<16xi32>
        %parallel_loop3A_997 = arith.shrui %and3A_120, %parallel_loop3A_996 : vector<16xi32>
        %parallel_loop3A_998 = arith.constant 7 : i32
        %parallel_loop3A_999 = vector.broadcast %parallel_loop3A_998 : i32 to vector<16xi32>
        %parallel_loop3A_1000 = arith.andi %and3A_120, %parallel_loop3A_999 : vector<16xi32>
        %parallel_loop3A_1001 = arith.constant 1 : i32
        %parallel_loop3A_1002 = arith.constant 0 : i32
        %parallel_loop3A_1003 = arith.constant 0 : i32
        %parallel_loop3A_1004 = arith.constant 0 : i32
        %parallel_loop3A_1005 = arith.constant 0 : i32
        %parallel_loop3A_1006 = tpu.memref_slice %arg10[%parallel_loop3A_1001, %parallel_loop3A_1002, %parallel_loop3A_1003, %parallel_loop3A_1004, %parallel_loop3A_1005] : memref<2x4x4x8x128xf32, #tpu.memory_space<vmem>> -> memref<1x4x4x8x128xf32, #tpu.memory_space<vmem>>
        %parallel_loop3A_1007 = tpu.memref_squeeze %parallel_loop3A_1006 : memref<1x4x4x8x128xf32, #tpu.memory_space<vmem>> -> memref<4x4x8x128xf32, #tpu.memory_space<vmem>>
        tpu.vector_store_idx %parallel_loop3A_1007[%parallel_loop3A_997, %parallel_loop3A_565, %parallel_loop3A_1000, %parallel_loop3A_568], %parallel_loop3A_890 : memref<4x4x8x128xf32, #tpu.memory_space<vmem>>[vector<16xi32>, vector<16xi32>, vector<16xi32>, vector<16xi32>], vector<16xf32>,
        %parallel_loop3A_1008 = arith.constant 3 : i32
        %parallel_loop3A_1009 = vector.broadcast %parallel_loop3A_1008 : i32 to vector<16xi32>
        %parallel_loop3A_1010 = arith.shrui %and3A_126, %parallel_loop3A_1009 : vector<16xi32>
        %parallel_loop3A_1011 = arith.constant 7 : i32
        %parallel_loop3A_1012 = vector.broadcast %parallel_loop3A_1011 : i32 to vector<16xi32>
        %parallel_loop3A_1013 = arith.andi %and3A_126, %parallel_loop3A_1012 : vector<16xi32>
        %parallel_loop3A_1014 = arith.constant 1 : i32
        %parallel_loop3A_1015 = arith.constant 0 : i32
        %parallel_loop3A_1016 = arith.constant 0 : i32
        %parallel_loop3A_1017 = arith.constant 0 : i32
        %parallel_loop3A_1018 = arith.constant 0 : i32
        %parallel_loop3A_1019 = tpu.memref_slice %arg10[%parallel_loop3A_1014, %parallel_loop3A_1015, %parallel_loop3A_1016, %parallel_loop3A_1017, %parallel_loop3A_1018] : memref<2x4x4x8x128xf32, #tpu.memory_space<vmem>> -> memref<1x4x4x8x128xf32, #tpu.memory_space<vmem>>
        %parallel_loop3A_1020 = tpu.memref_squeeze %parallel_loop3A_1019 : memref<1x4x4x8x128xf32, #tpu.memory_space<vmem>> -> memref<4x4x8x128xf32, #tpu.memory_space<vmem>>
        tpu.vector_store_idx %parallel_loop3A_1020[%parallel_loop3A_1010, %parallel_loop3A_565, %parallel_loop3A_1013, %parallel_loop3A_568], %parallel_loop3A_896 : memref<4x4x8x128xf32, #tpu.memory_space<vmem>>[vector<16xi32>, vector<16xi32>, vector<16xi32>, vector<16xi32>], vector<16xf32>,
        %parallel_loop3A_1021 = arith.constant 3 : i32
        %parallel_loop3A_1022 = vector.broadcast %parallel_loop3A_1021 : i32 to vector<16xi32>
        %parallel_loop3A_1023 = arith.shrui %and3A_132, %parallel_loop3A_1022 : vector<16xi32>
        %parallel_loop3A_1024 = arith.constant 7 : i32
        %parallel_loop3A_1025 = vector.broadcast %parallel_loop3A_1024 : i32 to vector<16xi32>
        %parallel_loop3A_1026 = arith.andi %and3A_132, %parallel_loop3A_1025 : vector<16xi32>
        %parallel_loop3A_1027 = arith.constant 1 : i32
        %parallel_loop3A_1028 = arith.constant 0 : i32
        %parallel_loop3A_1029 = arith.constant 0 : i32
        %parallel_loop3A_1030 = arith.constant 0 : i32
        %parallel_loop3A_1031 = arith.constant 0 : i32
        %parallel_loop3A_1032 = tpu.memref_slice %arg10[%parallel_loop3A_1027, %parallel_loop3A_1028, %parallel_loop3A_1029, %parallel_loop3A_1030, %parallel_loop3A_1031] : memref<2x4x4x8x128xf32, #tpu.memory_space<vmem>> -> memref<1x4x4x8x128xf32, #tpu.memory_space<vmem>>
        %parallel_loop3A_1033 = tpu.memref_squeeze %parallel_loop3A_1032 : memref<1x4x4x8x128xf32, #tpu.memory_space<vmem>> -> memref<4x4x8x128xf32, #tpu.memory_space<vmem>>
        tpu.vector_store_idx %parallel_loop3A_1033[%parallel_loop3A_1023, %parallel_loop3A_565, %parallel_loop3A_1026, %parallel_loop3A_568], %parallel_loop3A_902 : memref<4x4x8x128xf32, #tpu.memory_space<vmem>>[vector<16xi32>, vector<16xi32>, vector<16xi32>, vector<16xi32>], vector<16xf32>,
        %parallel_loop3A_1034 = arith.constant 3 : i32
        %parallel_loop3A_1035 = vector.broadcast %parallel_loop3A_1034 : i32 to vector<16xi32>
        %parallel_loop3A_1036 = arith.shrui %and3A_138, %parallel_loop3A_1035 : vector<16xi32>
        %parallel_loop3A_1037 = arith.constant 7 : i32
        %parallel_loop3A_1038 = vector.broadcast %parallel_loop3A_1037 : i32 to vector<16xi32>
        %parallel_loop3A_1039 = arith.andi %and3A_138, %parallel_loop3A_1038 : vector<16xi32>
        %parallel_loop3A_1040 = arith.constant 1 : i32
        %parallel_loop3A_1041 = arith.constant 0 : i32
        %parallel_loop3A_1042 = arith.constant 0 : i32
        %parallel_loop3A_1043 = arith.constant 0 : i32
        %parallel_loop3A_1044 = arith.constant 0 : i32
        %parallel_loop3A_1045 = tpu.memref_slice %arg10[%parallel_loop3A_1040, %parallel_loop3A_1041, %parallel_loop3A_1042, %parallel_loop3A_1043, %parallel_loop3A_1044] : memref<2x4x4x8x128xf32, #tpu.memory_space<vmem>> -> memref<1x4x4x8x128xf32, #tpu.memory_space<vmem>>
        %parallel_loop3A_1046 = tpu.memref_squeeze %parallel_loop3A_1045 : memref<1x4x4x8x128xf32, #tpu.memory_space<vmem>> -> memref<4x4x8x128xf32, #tpu.memory_space<vmem>>
        tpu.vector_store_idx %parallel_loop3A_1046[%parallel_loop3A_1036, %parallel_loop3A_565, %parallel_loop3A_1039, %parallel_loop3A_568], %parallel_loop3A_908 : memref<4x4x8x128xf32, #tpu.memory_space<vmem>>[vector<16xi32>, vector<16xi32>, vector<16xi32>, vector<16xi32>], vector<16xf32>,
        %parallel_loop3A_1047 = arith.constant 3 : i32
        %parallel_loop3A_1048 = vector.broadcast %parallel_loop3A_1047 : i32 to vector<16xi32>
        %parallel_loop3A_1049 = arith.shrui %and3A_144, %parallel_loop3A_1048 : vector<16xi32>
        %parallel_loop3A_1050 = arith.constant 7 : i32
        %parallel_loop3A_1051 = vector.broadcast %parallel_loop3A_1050 : i32 to vector<16xi32>
        %parallel_loop3A_1052 = arith.andi %and3A_144, %parallel_loop3A_1051 : vector<16xi32>
        %parallel_loop3A_1053 = arith.constant 1 : i32
        %parallel_loop3A_1054 = arith.constant 0 : i32
        %parallel_loop3A_1055 = arith.constant 0 : i32
        %parallel_loop3A_1056 = arith.constant 0 : i32
        %parallel_loop3A_1057 = arith.constant 0 : i32
        %parallel_loop3A_1058 = tpu.memref_slice %arg10[%parallel_loop3A_1053, %parallel_loop3A_1054, %parallel_loop3A_1055, %parallel_loop3A_1056, %parallel_loop3A_1057] : memref<2x4x4x8x128xf32, #tpu.memory_space<vmem>> -> memref<1x4x4x8x128xf32, #tpu.memory_space<vmem>>
        %parallel_loop3A_1059 = tpu.memref_squeeze %parallel_loop3A_1058 : memref<1x4x4x8x128xf32, #tpu.memory_space<vmem>> -> memref<4x4x8x128xf32, #tpu.memory_space<vmem>>
        tpu.vector_store_idx %parallel_loop3A_1059[%parallel_loop3A_1049, %parallel_loop3A_565, %parallel_loop3A_1052, %parallel_loop3A_568], %parallel_loop3A_914 : memref<4x4x8x128xf32, #tpu.memory_space<vmem>>[vector<16xi32>, vector<16xi32>, vector<16xi32>, vector<16xi32>], vector<16xf32>,
        %parallel_loop3A_1060 = arith.constant 3 : i32
        %parallel_loop3A_1061 = vector.broadcast %parallel_loop3A_1060 : i32 to vector<16xi32>
        %parallel_loop3A_1062 = arith.shrui %and3A_150, %parallel_loop3A_1061 : vector<16xi32>
        %parallel_loop3A_1063 = arith.constant 7 : i32
        %parallel_loop3A_1064 = vector.broadcast %parallel_loop3A_1063 : i32 to vector<16xi32>
        %parallel_loop3A_1065 = arith.andi %and3A_150, %parallel_loop3A_1064 : vector<16xi32>
        %parallel_loop3A_1066 = arith.constant 1 : i32
        %parallel_loop3A_1067 = arith.constant 0 : i32
        %parallel_loop3A_1068 = arith.constant 0 : i32
        %parallel_loop3A_1069 = arith.constant 0 : i32
        %parallel_loop3A_1070 = arith.constant 0 : i32
        %parallel_loop3A_1071 = tpu.memref_slice %arg10[%parallel_loop3A_1066, %parallel_loop3A_1067, %parallel_loop3A_1068, %parallel_loop3A_1069, %parallel_loop3A_1070] : memref<2x4x4x8x128xf32, #tpu.memory_space<vmem>> -> memref<1x4x4x8x128xf32, #tpu.memory_space<vmem>>
        %parallel_loop3A_1072 = tpu.memref_squeeze %parallel_loop3A_1071 : memref<1x4x4x8x128xf32, #tpu.memory_space<vmem>> -> memref<4x4x8x128xf32, #tpu.memory_space<vmem>>
        tpu.vector_store_idx %parallel_loop3A_1072[%parallel_loop3A_1062, %parallel_loop3A_565, %parallel_loop3A_1065, %parallel_loop3A_568], %parallel_loop3A_920 : memref<4x4x8x128xf32, #tpu.memory_space<vmem>>[vector<16xi32>, vector<16xi32>, vector<16xi32>, vector<16xi32>], vector<16xf32>,
        %parallel_loop3A_1073 = arith.constant 3 : i32
        %parallel_loop3A_1074 = vector.broadcast %parallel_loop3A_1073 : i32 to vector<16xi32>
        %parallel_loop3A_1075 = arith.shrui %and3A_156, %parallel_loop3A_1074 : vector<16xi32>
        %parallel_loop3A_1076 = arith.constant 7 : i32
        %parallel_loop3A_1077 = vector.broadcast %parallel_loop3A_1076 : i32 to vector<16xi32>
        %parallel_loop3A_1078 = arith.andi %and3A_156, %parallel_loop3A_1077 : vector<16xi32>
        %parallel_loop3A_1079 = arith.constant 1 : i32
        %parallel_loop3A_1080 = arith.constant 0 : i32
        %parallel_loop3A_1081 = arith.constant 0 : i32
        %parallel_loop3A_1082 = arith.constant 0 : i32
        %parallel_loop3A_1083 = arith.constant 0 : i32
        %parallel_loop3A_1084 = tpu.memref_slice %arg10[%parallel_loop3A_1079, %parallel_loop3A_1080, %parallel_loop3A_1081, %parallel_loop3A_1082, %parallel_loop3A_1083] : memref<2x4x4x8x128xf32, #tpu.memory_space<vmem>> -> memref<1x4x4x8x128xf32, #tpu.memory_space<vmem>>
        %parallel_loop3A_1085 = tpu.memref_squeeze %parallel_loop3A_1084 : memref<1x4x4x8x128xf32, #tpu.memory_space<vmem>> -> memref<4x4x8x128xf32, #tpu.memory_space<vmem>>
        tpu.vector_store_idx %parallel_loop3A_1085[%parallel_loop3A_1075, %parallel_loop3A_565, %parallel_loop3A_1078, %parallel_loop3A_568], %parallel_loop3A_926 : memref<4x4x8x128xf32, #tpu.memory_space<vmem>>[vector<16xi32>, vector<16xi32>, vector<16xi32>, vector<16xi32>], vector<16xf32>,
        %parallel_loop3A_1086 = arith.constant 3 : i32
        %parallel_loop3A_1087 = vector.broadcast %parallel_loop3A_1086 : i32 to vector<16xi32>
        %parallel_loop3A_1088 = arith.shrui %and3A_162, %parallel_loop3A_1087 : vector<16xi32>
        %parallel_loop3A_1089 = arith.constant 7 : i32
        %parallel_loop3A_1090 = vector.broadcast %parallel_loop3A_1089 : i32 to vector<16xi32>
        %parallel_loop3A_1091 = arith.andi %and3A_162, %parallel_loop3A_1090 : vector<16xi32>
        %parallel_loop3A_1092 = arith.constant 1 : i32
        %parallel_loop3A_1093 = arith.constant 0 : i32
        %parallel_loop3A_1094 = arith.constant 0 : i32
        %parallel_loop3A_1095 = arith.constant 0 : i32
        %parallel_loop3A_1096 = arith.constant 0 : i32
        %parallel_loop3A_1097 = tpu.memref_slice %arg10[%parallel_loop3A_1092, %parallel_loop3A_1093, %parallel_loop3A_1094, %parallel_loop3A_1095, %parallel_loop3A_1096] : memref<2x4x4x8x128xf32, #tpu.memory_space<vmem>> -> memref<1x4x4x8x128xf32, #tpu.memory_space<vmem>>
        %parallel_loop3A_1098 = tpu.memref_squeeze %parallel_loop3A_1097 : memref<1x4x4x8x128xf32, #tpu.memory_space<vmem>> -> memref<4x4x8x128xf32, #tpu.memory_space<vmem>>
        tpu.vector_store_idx %parallel_loop3A_1098[%parallel_loop3A_1088, %parallel_loop3A_565, %parallel_loop3A_1091, %parallel_loop3A_568], %parallel_loop3A_932 : memref<4x4x8x128xf32, #tpu.memory_space<vmem>>[vector<16xi32>, vector<16xi32>, vector<16xi32>, vector<16xi32>], vector<16xf32>,
        %parallel_loop3A_1099 = arith.constant 3 : i32
        %parallel_loop3A_1100 = vector.broadcast %parallel_loop3A_1099 : i32 to vector<16xi32>
        %parallel_loop3A_1101 = arith.shrui %and3A_168, %parallel_loop3A_1100 : vector<16xi32>
        %parallel_loop3A_1102 = arith.constant 7 : i32
        %parallel_loop3A_1103 = vector.broadcast %parallel_loop3A_1102 : i32 to vector<16xi32>
        %parallel_loop3A_1104 = arith.andi %and3A_168, %parallel_loop3A_1103 : vector<16xi32>
        %parallel_loop3A_1105 = arith.constant 1 : i32
        %parallel_loop3A_1106 = arith.constant 0 : i32
        %parallel_loop3A_1107 = arith.constant 0 : i32
        %parallel_loop3A_1108 = arith.constant 0 : i32
        %parallel_loop3A_1109 = arith.constant 0 : i32
        %parallel_loop3A_1110 = tpu.memref_slice %arg10[%parallel_loop3A_1105, %parallel_loop3A_1106, %parallel_loop3A_1107, %parallel_loop3A_1108, %parallel_loop3A_1109] : memref<2x4x4x8x128xf32, #tpu.memory_space<vmem>> -> memref<1x4x4x8x128xf32, #tpu.memory_space<vmem>>
        %parallel_loop3A_1111 = tpu.memref_squeeze %parallel_loop3A_1110 : memref<1x4x4x8x128xf32, #tpu.memory_space<vmem>> -> memref<4x4x8x128xf32, #tpu.memory_space<vmem>>
        tpu.vector_store_idx %parallel_loop3A_1111[%parallel_loop3A_1101, %parallel_loop3A_565, %parallel_loop3A_1104, %parallel_loop3A_568], %parallel_loop3A_938 : memref<4x4x8x128xf32, #tpu.memory_space<vmem>>[vector<16xi32>, vector<16xi32>, vector<16xi32>, vector<16xi32>], vector<16xf32>,
        %parallel_loop3A_1112 = arith.constant 3 : i32
        %parallel_loop3A_1113 = vector.broadcast %parallel_loop3A_1112 : i32 to vector<16xi32>
        %parallel_loop3A_1114 = arith.shrui %and3A_174, %parallel_loop3A_1113 : vector<16xi32>
        %parallel_loop3A_1115 = arith.constant 7 : i32
        %parallel_loop3A_1116 = vector.broadcast %parallel_loop3A_1115 : i32 to vector<16xi32>
        %parallel_loop3A_1117 = arith.andi %and3A_174, %parallel_loop3A_1116 : vector<16xi32>
        %parallel_loop3A_1118 = arith.constant 1 : i32
        %parallel_loop3A_1119 = arith.constant 0 : i32
        %parallel_loop3A_1120 = arith.constant 0 : i32
        %parallel_loop3A_1121 = arith.constant 0 : i32
        %parallel_loop3A_1122 = arith.constant 0 : i32
        %parallel_loop3A_1123 = tpu.memref_slice %arg10[%parallel_loop3A_1118, %parallel_loop3A_1119, %parallel_loop3A_1120, %parallel_loop3A_1121, %parallel_loop3A_1122] : memref<2x4x4x8x128xf32, #tpu.memory_space<vmem>> -> memref<1x4x4x8x128xf32, #tpu.memory_space<vmem>>
        %parallel_loop3A_1124 = tpu.memref_squeeze %parallel_loop3A_1123 : memref<1x4x4x8x128xf32, #tpu.memory_space<vmem>> -> memref<4x4x8x128xf32, #tpu.memory_space<vmem>>
        tpu.vector_store_idx %parallel_loop3A_1124[%parallel_loop3A_1114, %parallel_loop3A_565, %parallel_loop3A_1117, %parallel_loop3A_568], %parallel_loop3A_944 : memref<4x4x8x128xf32, #tpu.memory_space<vmem>>[vector<16xi32>, vector<16xi32>, vector<16xi32>, vector<16xi32>], vector<16xf32>,
        %parallel_loop3A_1125 = arith.constant 3 : i32
        %parallel_loop3A_1126 = vector.broadcast %parallel_loop3A_1125 : i32 to vector<16xi32>
        %parallel_loop3A_1127 = arith.shrui %and3A_180, %parallel_loop3A_1126 : vector<16xi32>
        %parallel_loop3A_1128 = arith.constant 7 : i32
        %parallel_loop3A_1129 = vector.broadcast %parallel_loop3A_1128 : i32 to vector<16xi32>
        %parallel_loop3A_1130 = arith.andi %and3A_180, %parallel_loop3A_1129 : vector<16xi32>
        %parallel_loop3A_1131 = arith.constant 1 : i32
        %parallel_loop3A_1132 = arith.constant 0 : i32
        %parallel_loop3A_1133 = arith.constant 0 : i32
        %parallel_loop3A_1134 = arith.constant 0 : i32
        %parallel_loop3A_1135 = arith.constant 0 : i32
        %parallel_loop3A_1136 = tpu.memref_slice %arg10[%parallel_loop3A_1131, %parallel_loop3A_1132, %parallel_loop3A_1133, %parallel_loop3A_1134, %parallel_loop3A_1135] : memref<2x4x4x8x128xf32, #tpu.memory_space<vmem>> -> memref<1x4x4x8x128xf32, #tpu.memory_space<vmem>>
        %parallel_loop3A_1137 = tpu.memref_squeeze %parallel_loop3A_1136 : memref<1x4x4x8x128xf32, #tpu.memory_space<vmem>> -> memref<4x4x8x128xf32, #tpu.memory_space<vmem>>
        tpu.vector_store_idx %parallel_loop3A_1137[%parallel_loop3A_1127, %parallel_loop3A_565, %parallel_loop3A_1130, %parallel_loop3A_568], %parallel_loop3A_950 : memref<4x4x8x128xf32, #tpu.memory_space<vmem>>[vector<16xi32>, vector<16xi32>, vector<16xi32>, vector<16xi32>], vector<16xf32>,
        %parallel_loop3A_1138 = arith.constant 3 : i32
        %parallel_loop3A_1139 = vector.broadcast %parallel_loop3A_1138 : i32 to vector<16xi32>
        %parallel_loop3A_1140 = arith.shrui %and3A_186, %parallel_loop3A_1139 : vector<16xi32>
        %parallel_loop3A_1141 = arith.constant 7 : i32
        %parallel_loop3A_1142 = vector.broadcast %parallel_loop3A_1141 : i32 to vector<16xi32>
        %parallel_loop3A_1143 = arith.andi %and3A_186, %parallel_loop3A_1142 : vector<16xi32>
        %parallel_loop3A_1144 = arith.constant 1 : i32
        %parallel_loop3A_1145 = arith.constant 0 : i32
        %parallel_loop3A_1146 = arith.constant 0 : i32
        %parallel_loop3A_1147 = arith.constant 0 : i32
        %parallel_loop3A_1148 = arith.constant 0 : i32
        %parallel_loop3A_1149 = tpu.memref_slice %arg10[%parallel_loop3A_1144, %parallel_loop3A_1145, %parallel_loop3A_1146, %parallel_loop3A_1147, %parallel_loop3A_1148] : memref<2x4x4x8x128xf32, #tpu.memory_space<vmem>> -> memref<1x4x4x8x128xf32, #tpu.memory_space<vmem>>
        %parallel_loop3A_1150 = tpu.memref_squeeze %parallel_loop3A_1149 : memref<1x4x4x8x128xf32, #tpu.memory_space<vmem>> -> memref<4x4x8x128xf32, #tpu.memory_space<vmem>>
        tpu.vector_store_idx %parallel_loop3A_1150[%parallel_loop3A_1140, %parallel_loop3A_565, %parallel_loop3A_1143, %parallel_loop3A_568], %parallel_loop3A_956 : memref<4x4x8x128xf32, #tpu.memory_space<vmem>>[vector<16xi32>, vector<16xi32>, vector<16xi32>, vector<16xi32>], vector<16xf32>,
        %parallel_loop3A_1151 = arith.constant 3 : i32
        %parallel_loop3A_1152 = vector.broadcast %parallel_loop3A_1151 : i32 to vector<16xi32>
        %parallel_loop3A_1153 = arith.shrui %and3A_192, %parallel_loop3A_1152 : vector<16xi32>
        %parallel_loop3A_1154 = arith.constant 7 : i32
        %parallel_loop3A_1155 = vector.broadcast %parallel_loop3A_1154 : i32 to vector<16xi32>
        %parallel_loop3A_1156 = arith.andi %and3A_192, %parallel_loop3A_1155 : vector<16xi32>
        %parallel_loop3A_1157 = arith.constant 1 : i32
        %parallel_loop3A_1158 = arith.constant 0 : i32
        %parallel_loop3A_1159 = arith.constant 0 : i32
        %parallel_loop3A_1160 = arith.constant 0 : i32
        %parallel_loop3A_1161 = arith.constant 0 : i32
        %parallel_loop3A_1162 = tpu.memref_slice %arg10[%parallel_loop3A_1157, %parallel_loop3A_1158, %parallel_loop3A_1159, %parallel_loop3A_1160, %parallel_loop3A_1161] : memref<2x4x4x8x128xf32, #tpu.memory_space<vmem>> -> memref<1x4x4x8x128xf32, #tpu.memory_space<vmem>>
        %parallel_loop3A_1163 = tpu.memref_squeeze %parallel_loop3A_1162 : memref<1x4x4x8x128xf32, #tpu.memory_space<vmem>> -> memref<4x4x8x128xf32, #tpu.memory_space<vmem>>
        tpu.vector_store_idx %parallel_loop3A_1163[%parallel_loop3A_1153, %parallel_loop3A_565, %parallel_loop3A_1156, %parallel_loop3A_568], %parallel_loop3A_962 : memref<4x4x8x128xf32, #tpu.memory_space<vmem>>[vector<16xi32>, vector<16xi32>, vector<16xi32>, vector<16xi32>], vector<16xf32>,
        %parallel_loop3A_1164 = arith.constant 3 : i32
        %parallel_loop3A_1165 = vector.broadcast %parallel_loop3A_1164 : i32 to vector<16xi32>
        %parallel_loop3A_1166 = arith.shrui %and3A_198, %parallel_loop3A_1165 : vector<16xi32>
        %parallel_loop3A_1167 = arith.constant 7 : i32
        %parallel_loop3A_1168 = vector.broadcast %parallel_loop3A_1167 : i32 to vector<16xi32>
        %parallel_loop3A_1169 = arith.andi %and3A_198, %parallel_loop3A_1168 : vector<16xi32>
        %parallel_loop3A_1170 = arith.constant 1 : i32
        %parallel_loop3A_1171 = arith.constant 0 : i32
        %parallel_loop3A_1172 = arith.constant 0 : i32
        %parallel_loop3A_1173 = arith.constant 0 : i32
        %parallel_loop3A_1174 = arith.constant 0 : i32
        %parallel_loop3A_1175 = tpu.memref_slice %arg10[%parallel_loop3A_1170, %parallel_loop3A_1171, %parallel_loop3A_1172, %parallel_loop3A_1173, %parallel_loop3A_1174] : memref<2x4x4x8x128xf32, #tpu.memory_space<vmem>> -> memref<1x4x4x8x128xf32, #tpu.memory_space<vmem>>
        %parallel_loop3A_1176 = tpu.memref_squeeze %parallel_loop3A_1175 : memref<1x4x4x8x128xf32, #tpu.memory_space<vmem>> -> memref<4x4x8x128xf32, #tpu.memory_space<vmem>>
        tpu.vector_store_idx %parallel_loop3A_1176[%parallel_loop3A_1166, %parallel_loop3A_565, %parallel_loop3A_1169, %parallel_loop3A_568], %parallel_loop3A_968 : memref<4x4x8x128xf32, #tpu.memory_space<vmem>>[vector<16xi32>, vector<16xi32>, vector<16xi32>, vector<16xi32>], vector<16xf32>,
      } {sc.loop_unroll_factor = 2 : i64, sc.parallel_access}
      %mul3A_533 = arith.constant 4 : i32
      %mul3A_534 = arith.muli %add3A, %mul3A_533 : i32
      %dma_start3A_535 = arith.constant 1 : i32
      %dma_start3A_536 = arith.constant 0 : i32
      %dma_start3A_537 = arith.constant 0 : i32
      %dma_start3A_538 = arith.constant 0 : i32
      %dma_start3A_539 = arith.constant 0 : i32
      %dma_start3A_540 = tpu.memref_slice %arg10[%dma_start3A_535, %dma_start3A_536, %dma_start3A_537, %dma_start3A_538, %dma_start3A_539] : memref<2x4x4x8x128xf32, #tpu.memory_space<vmem>> -> memref<1x4x4x8x128xf32, #tpu.memory_space<vmem>>
      %dma_start3A_541 = tpu.memref_squeeze %dma_start3A_540 : memref<1x4x4x8x128xf32, #tpu.memory_space<vmem>> -> memref<4x4x8x128xf32, #tpu.memory_space<vmem>>
      %dma_start3A_542 = arith.constant 0 : i32
      %dma_start3A_543 = arith.constant 0 : i32
      %dma_start3A_544 = arith.constant 0 : i32
      %dma_start3A_545 = tpu.memref_slice %arg4[%add3A_327, %dma_start3A_542, %mul3A_534, %dma_start3A_543, %dma_start3A_544] : memref<200x4x128x8x128xf32, #tpu.memory_space<hbm>> -> memref<1x4x4x8x128xf32, #tpu.memory_space<hbm>>
      %dma_start3A_546 = tpu.memref_squeeze %dma_start3A_545 : memref<1x4x4x8x128xf32, #tpu.memory_space<hbm>> -> memref<4x4x8x128xf32, #tpu.memory_space<hbm>>
      %dma_start3A_547 = arith.constant 0 : i32
      %dma_start3A_548 = arith.constant 0 : i32
      %dma_start3A_549 = arith.constant 0 : i32
      %dma_start3A_550 = tpu.memref_slice %arg4[%add3A_327, %dma_start3A_547, %mul3A_534, %dma_start3A_548, %dma_start3A_549] : memref<200x4x128x8x128xf32, #tpu.memory_space<hbm>> -> memref<1x4x4x8x128xf32, #tpu.memory_space<hbm>>
      %dma_start3A_551 = tpu.memref_squeeze %dma_start3A_550 : memref<1x4x4x8x128xf32, #tpu.memory_space<hbm>> -> memref<4x4x8x128xf32, #tpu.memory_space<hbm>>
      %dma_start3A_552 = arith.constant 0 : i32
      %dma_start3A_553 = arith.constant 0 : i32
      %dma_start3A_554 = arith.constant 0 : i32
      %dma_start3A_555 = arith.constant 0 : i32
      %dma_start3A_556 = tpu.memref_slice %arg10[%dma_start3A_535, %dma_start3A_552, %dma_start3A_553, %dma_start3A_554, %dma_start3A_555] : memref<2x4x4x8x128xf32, #tpu.memory_space<vmem>> -> memref<1x4x4x8x128xf32, #tpu.memory_space<vmem>>
      %dma_start3A_557 = tpu.memref_squeeze %dma_start3A_556 : memref<1x4x4x8x128xf32, #tpu.memory_space<vmem>> -> memref<4x4x8x128xf32, #tpu.memory_space<vmem>>
      tpu.enqueue_dma source(%dma_start3A_557 : memref<4x4x8x128xf32, #tpu.memory_space<vmem>>) target(%dma_start3A_551 : memref<4x4x8x128xf32, #tpu.memory_space<hbm>>) target_semaphore(%arg16 : memref<!tpu.dma_semaphore, #tpu.memory_space<semaphore_mem>>)
    }
    %scan3A_271 = arith.constant 100 : i32
    %mul3A_272 = arith.constant 4 : i32
    %mul3A_273 = arith.muli %add3A, %mul3A_272 : i32
    %dma_wait3A = arith.constant 0 : i32
    %dma_wait3A_274 = arith.constant 198 : i32
    %dma_wait3A_275 = arith.constant 0 : i32
    %dma_wait3A_276 = arith.constant 0 : i32
    %dma_wait3A_277 = arith.constant 0 : i32
    %dma_wait3A_278 = arith.constant 0 : i32
    %dma_wait3A_279 = tpu.memref_slice %arg10[%dma_wait3A, %dma_wait3A_275, %dma_wait3A_276, %dma_wait3A_277, %dma_wait3A_278] : memref<2x4x4x8x128xf32, #tpu.memory_space<vmem>> -> memref<1x4x4x8x128xf32, #tpu.memory_space<vmem>>
    %dma_wait3A_280 = tpu.memref_squeeze %dma_wait3A_279 : memref<1x4x4x8x128xf32, #tpu.memory_space<vmem>> -> memref<4x4x8x128xf32, #tpu.memory_space<vmem>>
    %dma_wait3A_281 = arith.constant 0 : i32
    %dma_wait3A_282 = arith.constant 0 : i32
    %dma_wait3A_283 = arith.constant 0 : i32
    %dma_wait3A_284 = tpu.memref_slice %arg4[%dma_wait3A_274, %dma_wait3A_281, %mul3A_273, %dma_wait3A_282, %dma_wait3A_283] : memref<200x4x128x8x128xf32, #tpu.memory_space<hbm>> -> memref<1x4x4x8x128xf32, #tpu.memory_space<hbm>>
    %dma_wait3A_285 = tpu.memref_squeeze %dma_wait3A_284 : memref<1x4x4x8x128xf32, #tpu.memory_space<hbm>> -> memref<4x4x8x128xf32, #tpu.memory_space<hbm>>
    %dma_wait3A_286 = arith.constant 0 : i32
    %dma_wait3A_287 = arith.constant 0 : i32
    %dma_wait3A_288 = arith.constant 0 : i32
    %dma_wait3A_289 = tpu.memref_slice %arg4[%dma_wait3A_274, %dma_wait3A_286, %mul3A_273, %dma_wait3A_287, %dma_wait3A_288] : memref<200x4x128x8x128xf32, #tpu.memory_space<hbm>> -> memref<1x4x4x8x128xf32, #tpu.memory_space<hbm>>
    %dma_wait3A_290 = tpu.memref_squeeze %dma_wait3A_289 : memref<1x4x4x8x128xf32, #tpu.memory_space<hbm>> -> memref<4x4x8x128xf32, #tpu.memory_space<hbm>>
    %dma_wait3A_291 = arith.constant 0 : i32
    %dma_wait3A_292 = arith.constant 0 : i32
    %dma_wait3A_293 = arith.constant 0 : i32
    %dma_wait3A_294 = arith.constant 0 : i32
    %dma_wait3A_295 = tpu.memref_slice %arg10[%dma_wait3A, %dma_wait3A_291, %dma_wait3A_292, %dma_wait3A_293, %dma_wait3A_294] : memref<2x4x4x8x128xf32, #tpu.memory_space<vmem>> -> memref<1x4x4x8x128xf32, #tpu.memory_space<vmem>>
    %dma_wait3A_296 = tpu.memref_squeeze %dma_wait3A_295 : memref<1x4x4x8x128xf32, #tpu.memory_space<vmem>> -> memref<4x4x8x128xf32, #tpu.memory_space<vmem>>
    tpu.wait_dma2 semaphore(%arg15 : memref<!tpu.dma_semaphore, #tpu.memory_space<semaphore_mem>>) src(%dma_wait3A_296 : memref<4x4x8x128xf32, #tpu.memory_space<vmem>>) dst(%dma_wait3A_290 : memref<4x4x8x128xf32, #tpu.memory_space<hbm>>)
    %mul3A_297 = arith.constant 4 : i32
    %mul3A_298 = arith.muli %add3A, %mul3A_297 : i32
    %dma_wait3A_299 = arith.constant 1 : i32
    %dma_wait3A_300 = arith.constant 199 : i32
    %dma_wait3A_301 = arith.constant 0 : i32
    %dma_wait3A_302 = arith.constant 0 : i32
    %dma_wait3A_303 = arith.constant 0 : i32
    %dma_wait3A_304 = arith.constant 0 : i32
    %dma_wait3A_305 = tpu.memref_slice %arg10[%dma_wait3A_299, %dma_wait3A_301, %dma_wait3A_302, %dma_wait3A_303, %dma_wait3A_304] : memref<2x4x4x8x128xf32, #tpu.memory_space<vmem>> -> memref<1x4x4x8x128xf32, #tpu.memory_space<vmem>>
    %dma_wait3A_306 = tpu.memref_squeeze %dma_wait3A_305 : memref<1x4x4x8x128xf32, #tpu.memory_space<vmem>> -> memref<4x4x8x128xf32, #tpu.memory_space<vmem>>
    %dma_wait3A_307 = arith.constant 0 : i32
    %dma_wait3A_308 = arith.constant 0 : i32
    %dma_wait3A_309 = arith.constant 0 : i32
    %dma_wait3A_310 = tpu.memref_slice %arg4[%dma_wait3A_300, %dma_wait3A_307, %mul3A_298, %dma_wait3A_308, %dma_wait3A_309] : memref<200x4x128x8x128xf32, #tpu.memory_space<hbm>> -> memref<1x4x4x8x128xf32, #tpu.memory_space<hbm>>
    %dma_wait3A_311 = tpu.memref_squeeze %dma_wait3A_310 : memref<1x4x4x8x128xf32, #tpu.memory_space<hbm>> -> memref<4x4x8x128xf32, #tpu.memory_space<hbm>>
    %dma_wait3A_312 = arith.constant 0 : i32
    %dma_wait3A_313 = arith.constant 0 : i32
    %dma_wait3A_314 = arith.constant 0 : i32
    %dma_wait3A_315 = tpu.memref_slice %arg4[%dma_wait3A_300, %dma_wait3A_312, %mul3A_298, %dma_wait3A_313, %dma_wait3A_314] : memref<200x4x128x8x128xf32, #tpu.memory_space<hbm>> -> memref<1x4x4x8x128xf32, #tpu.memory_space<hbm>>
    %dma_wait3A_316 = tpu.memref_squeeze %dma_wait3A_315 : memref<1x4x4x8x128xf32, #tpu.memory_space<hbm>> -> memref<4x4x8x128xf32, #tpu.memory_space<hbm>>
    %dma_wait3A_317 = arith.constant 0 : i32
    %dma_wait3A_318 = arith.constant 0 : i32
    %dma_wait3A_319 = arith.constant 0 : i32
    %dma_wait3A_320 = arith.constant 0 : i32
    %dma_wait3A_321 = tpu.memref_slice %arg10[%dma_wait3A_299, %dma_wait3A_317, %dma_wait3A_318, %dma_wait3A_319, %dma_wait3A_320] : memref<2x4x4x8x128xf32, #tpu.memory_space<vmem>> -> memref<1x4x4x8x128xf32, #tpu.memory_space<vmem>>
    %dma_wait3A_322 = tpu.memref_squeeze %dma_wait3A_321 : memref<1x4x4x8x128xf32, #tpu.memory_space<vmem>> -> memref<4x4x8x128xf32, #tpu.memory_space<vmem>>
    tpu.wait_dma2 semaphore(%arg16 : memref<!tpu.dma_semaphore, #tpu.memory_space<semaphore_mem>>) src(%dma_wait3A_322 : memref<4x4x8x128xf32, #tpu.memory_space<vmem>>) dst(%dma_wait3A_316 : memref<4x4x8x128xf32, #tpu.memory_space<hbm>>)
    return
  }
}

</mosaic_0001>

<sc_bundles>
// kernel: kernel.3.cloned.1.call-start
scs
__scs_entry_jumppad:
0x0: {  	(pc) =	sbr.rel $0x88, $3  }
0x1: {  	(tag) =	ssettag $0x0;
	lr =	simm.s32 $0x1  }
0x2: {  	[smem:$0x3F9F] =	sst lr;
	_ =	strace $0xD0000000  }
0x3: {  	_ = 	snop  }
0x4: {  	_ = 	snop  }
0x5: {  	_ = 	snop  }
0x6: {  	_ = 	snop  }
0x7: {  	_ = 	snop  }
__scs_overlays_trampoline_lowered:
0x8: {  	[smem:$0x3FAE] =	sst s0  }
0x9: {  	[smem:$0x3FAF] =	sst s1  }
0xa: {  	[smem:$0x3FB0] =	sst s2  }
0xb: {  	[smem:$0x3FB1] =	sst s3  }
0xc: {  	[smem:$0x3FB2] =	sst s4  }
0xd: {  	[smem:$0x3FB3] =	sst s5  }
0xe: {  	[smem:$0x3FB4] =	sst s6  }
0xf: {  	[smem:$0x3FB5] =	sst s7  }
0x10: {  	[smem:$0x3FB6] =	sst s8  }
0x11: {  	[smem:$0x3FB7] =	sst s9;
	s0 =	simm.s32 @!p0 $0x0  }
0x12: {  	s1 =	sld [smem:$0x3F9D];
	s0 =	simm.s32 @p0 $0x1  }
0x13: {  	[smem:$0x3FB8] =	sst s0;
	s0 =	simm.s32 @!p1 $0x0  }
0x14: {  	s2 =	sld [smem:$0x3F9C];
	s0 =	simm.s32 @p1 $0x1  }
0x15: {  	[smem:$0x3FB9] =	sst s0;
	s0 =	simm.s32 @!p2 $0x0  }
0x16: {  	s3 =	sld [smem:$0x3FDB];
	s0 =	simm.s32 @p2 $0x1  }
0x17: {  	s4 =	simm.s32 $0x1BF5;
	[smem:$0x3FBB] =	sst s0  }
0x18: {  	s0 =	sld [smem:$0x3F9E];
	_ =	swait.ge [sflag:s4], $0x0  }
0x19: {  	s7 =	sld [smem:$0x3F9F]  }
0x1a: {  	s8 =	sadd.s32 $0xFFFFE003, lr  }
0x1b: {  	s9 =	sadd.s32 $0xFFFFFEF7, lr;
	s5 =	simm.s32 $0xFFFFFFFF;
	p2 =	slt.u32 s8, $0xFFFFF086  }
0x1c: {  	p1 =	slt.u32 s9, $0xF7A;
	s5 =	simm.s32 @!p2 $0x0  }
0x1d: {  	s5 =	simm.s32 @p1 $0x1;
	p0 =	seq.s32 s7, s2  }
0x1e: {  	s7 =	smul.u32 @!p0 $0xF7A, s2;
	p2 =	seq.s32 @!p0 s5, $0x0  }
0x1f: {  	s9 =	smul.u32 $0xF7A, s1;
	s8 =	simm.s32 @!p0 $0x1BF5;
	p2 =	por !p2, p0  }
0x20: {  	[sflag:s8] =	ssyncset.s32 @!p0 $0xFFFFF086;
	s6 =	sadd.s32 @!p0 s3, s7;
	s7 =	simm.s32 @!p0 $0x108  }
0x21: {  	s3 =	sadd.s32 s3, s9;
	s6 =	sadd.s32 @!p0 $0x88, s6;
	s7 =	simm.s32 @p2 $0x1082  }
0x22: {  	[simem:s7], [sflag:s8] =	dma.local @!p0 [hbm:s6], $0xF7A  }
0x23: {  	s9 =	sor.u32 $0xD0000000, s2;
	s6 =	simm.s32 $0x108;
	_ =	swait.ge @!p0 [sflag:s8], $0x0  }
0x24: {  	s3 =	sadd.s32 $0x88, s3;
	s6 =	simm.s32 @!p1 $0x1082;
	[sflag:s4] =	ssyncset.s32 $0xFFFFF086  }
0x25: {  	[simem:s6], [sflag:s4] =	dma.local [hbm:s3], $0xF7A  }
0x26: {  	[smem:$0x3F9F] =	sst s1;
	(tag) =	ssettag s2;
	_ =	strace s9  }
0x27: {  	s1 =	sld [smem:$0x3FAF]  }
0x28: {  	s2 =	sld [smem:$0x3FB0]  }
0x29: {  	s4 =	sld [smem:$0x3FB2]  }
0x2a: {  	p0 =	seq.s32 s5, $0x0;
	s5 =	sld [smem:$0x3FB3]  }
0x2b: {  	s6 =	sld [smem:$0x3FB4]  }
0x2c: {  	s7 =	sld [smem:$0x3FB5]  }
0x2d: {  	s3 =	simm.s32 $0x108;
	s8 =	sld [smem:$0x3FB6]  }
0x2e: {  	s3 =	simm.s32 @!p0 $0x1082;
	s9 =	sld [smem:$0x3FB7]  }
0x2f: {  	lr =	sadd.s32 s0, s3;
	s0 =	sld [smem:$0x3FAE]  }
0x30: {  	s3 =	sld [smem:$0x3FB1]  }
0x31: {  	[smem:$0x3FBA] =	sst s10  }
0x32: {  	s10 =	sld [smem:$0x3FB8];
	_ =	sdelay $0x3  }
0x33: {  	p0 =	seq.s32 s10, $0x1;
	s10 =	sld [smem:$0x3FBA];
	_ =	sdelay $0x3  }
0x34: {  	[smem:$0x3FBA] =	sst s10  }
0x35: {  	s10 =	sld [smem:$0x3FB9];
	_ =	sdelay $0x3  }
0x36: {  	p1 =	seq.s32 s10, $0x1;
	s10 =	sld [smem:$0x3FBA];
	_ =	sdelay $0x3  }
0x37: {  	[smem:$0x3FBA] =	sst s10  }
0x38: {  	s10 =	sld [smem:$0x3FBB]  }
0x39: {  	_ = 	snop;
	(pc) =	sbr.ind lr, $3  }
0x3a: {  	_ = 	snop  }
0x3b: {  	_ = 	snop  }
0x3c: {  	p2 =	seq.s32 s10, $0x1;
	s10 =	sld [smem:$0x3FBA]  }
0x3d: {  	_ =	shalt  }
0x3e: {  	_ =	shalt  }
0x3f: {  	_ =	shalt  }
0x40: {  	_ =	shalt  }
0x41: {  	_ =	shalt  }
0x42: {  	_ =	shalt  }
0x43: {  	_ =	shalt  }
0x44: {  	_ =	shalt  }
0x45: {  	_ =	shalt  }
0x46: {  	_ =	shalt  }
0x47: {  	_ =	shalt  }
0x48: {  	_ =	shalt  }
0x49: {  	_ =	shalt  }
0x4a: {  	_ =	shalt  }
0x4b: {  	_ =	shalt  }
0x4c: {  	_ =	shalt  }
0x4d: {  	_ =	shalt  }
0x4e: {  	_ =	shalt  }
0x4f: {  	_ =	shalt  }
0x50: {  	_ =	shalt  }
0x51: {  	_ =	shalt  }
0x52: {  	_ =	shalt  }
0x53: {  	_ =	shalt  }
0x54: {  	_ =	shalt  }
0x55: {  	_ =	shalt  }
0x56: {  	_ =	shalt  }
0x57: {  	_ =	shalt  }
0x58: {  	_ =	shalt  }
0x59: {  	_ =	shalt  }
0x5a: {  	_ =	shalt  }
0x5b: {  	_ =	shalt  }
0x5c: {  	_ =	shalt  }
0x5d: {  	_ =	shalt  }
0x5e: {  	_ =	shalt  }
0x5f: {  	_ =	shalt  }
0x60: {  	_ =	shalt  }
0x61: {  	_ =	shalt  }
0x62: {  	_ =	shalt  }
0x63: {  	_ =	shalt  }
0x64: {  	_ =	shalt  }
0x65: {  	_ =	shalt  }
0x66: {  	_ =	shalt  }
0x67: {  	_ =	shalt  }
0x68: {  	_ =	shalt  }
0x69: {  	_ =	shalt  }
0x6a: {  	_ =	shalt  }
0x6b: {  	_ =	shalt  }
0x6c: {  	_ =	shalt  }
0x6d: {  	_ =	shalt  }
0x6e: {  	_ =	shalt  }
0x6f: {  	_ =	shalt  }
0x70: {  	_ =	shalt  }
0x71: {  	_ =	shalt  }
0x72: {  	_ =	shalt  }
0x73: {  	_ =	shalt  }
0x74: {  	_ =	shalt  }
0x75: {  	_ =	shalt  }
0x76: {  	_ =	shalt  }
0x77: {  	_ =	shalt  }
0x78: {  	_ =	shalt  }
0x79: {  	_ =	shalt  }
0x7a: {  	_ =	shalt  }
0x7b: {  	_ =	shalt  }
0x7c: {  	_ =	shalt  }
0x7d: {  	_ =	shalt  }
0x7e: {  	_ =	shalt  }
0x7f: {  	_ =	shalt  }
0x80: {  	_ =	shalt  }
0x81: {  	_ =	shalt  }
0x82: {  	_ =	shalt  }
0x83: {  	_ =	shalt  }
0x84: {  	_ =	shalt  }
0x85: {  	_ =	shalt  }
0x86: {  	_ =	shalt  }
0x87: {  	_ =	shalt  }
.Lfunc_end0:
.L_simem_size_0:
called_computation_lowered:
.L_overlay_start_0:
0x88: {  	s2 =	sld [smem:$0x3FD9]  }
0x89: {  	s3 =	sld [smem:$0x3FFE];
	_ =	sdelay $0x1  }
0x8a: {  	s1 =	srdreg.scid  }
0x8b: {  	s0 =	sand.u32 $0x1, s1  }
0x8c: {  	s18 =	sshll.u32 s0, $0xA;
	s2 =	sadd.s32 s3, s2  }
0x8d: {  	s3 =	sadd.s32 s2, s18  }
0x8e: {  	[smem:$0x3FC6] =	sst s3  }
0x8f: {  	_ = 	snop  }
0x90: {  	s3 =	sld [smem:$0x3FD0];
	(tm) =	ssettm $0x1  }
0x91: {  	s4 =	sld [smem:$0x3FFB];
	_ =	sdelay $0x3  }
0x92: {  	_ =	strace s4  }
0x93: {  	s4 =	sld [smem:$0x3FFC];
	_ =	sdelay $0x3  }
0x94: {  	_ =	strace s4  }
0x95: {  	s4 =	sld [smem:$0x3FFD];
	_ =	sdelay $0x3  }
0x96: {  	_ =	strace s4  }
0x97: {  	_ =	strace $0x8FFFFFFF  }
0x98: {  	s19 =	sld [smem:$0x3FDB];
	_ =	sdelay $0x1  }
0x99: {  	s5 =	simm.s32 $_scs_section_size  }
0x9a: {  	s6 =	simm.s32 $_size__tile_overlayer_lowered;
	s7 =	simm.s32 $_tile_overlayer_lowered  }
0x9b: {  	s22 =	simm.s32 $0x1BFF;
	s21 =	sshll.u32 s7, $0x1;
	s4 =	sadd.s32 s5, s19  }
0x9c: {  	s8 =	simm.s32 $0x0;
	s20 =	sshll.u32 s6, $0x1;
	s6 =	sadd.s32 s21, s4  }
0x9d: {  	[timem:s8], [sflag:s22] =	dma.local [hbm:s6], s20  }
0x9e: {  	_ =	swait.ge [sflag:s22], s20  }
0x9f: {  	s5 =	ssub.s32 $0x0, s20;
	[sflag:s22] =	ssyncset.done $0x0  }
0xa0: {  	[sflag:s22] =	ssyncadd.s32 s5;
	_ =	sdelay $0x1  }
0xa1: {  	s23 =	simm.s32 $0x1B8B  }
0xa2: {  	_ =	swait.ge [sflag:s23], $0x1  }
0xa3: {  	[sflag:s23] =	ssyncset.done $0x0  }
0xa4: {  	s25 =	simm.s32 $0x1B8E;
	s24 =	sld [smem:$0x3FFE];
	[sflag:s23] =	ssyncadd.s32 $0xFFFFFFFF  }
0xa5: {  	s26 =	simm.s32 $execute0_lowered;
	[smem:$0x3FD2] =	sst s25  }
0xa6: {  	s6 =	sshll.u32 s26, $0x1;
	_ =	strace $0x80000046;
	[dreg:$0x1] =	wrdreg $0xFFFFFFFF  }
0xa7: {  	s28 =	simm.s32 $_size_execute0_lowered;
	s4 =	sadd.s32 s4, s6;
	[dreg:$0x0] =	wrdreg $0x0  }
0xa8: {  	s6 =	sshll.u32 s28, $0x1;
	[dreg:$0x2] =	wrdreg s4  }
0xa9: {  	[dreg:$0x3] =	wrdreg s6  }
0xaa: {  	[dreg:$0x4] =	wrdreg $0xC0  }
0xab: {  	_ =	task [dreg:s8], $0x5FFFF  }
0xac: {  	[dreg:$0x1] =	wrdreg $0xFFFFFFFF  }
0xad: {  	[dreg:$0x0] =	wrdreg $0x60  }
0xae: {  	[dreg:$0x2] =	wrdreg s24  }
0xaf: {  	s2 =	sadd.s32 $0x800, s2;
	[dreg:$0x3] =	wrdreg s3  }
0xb0: {  	[dreg:$0x4] =	wrdreg s2  }
0xb1: {  	[dreg:$0x5] =	wrdreg $0x9  }
0xb2: {  	_ =	task.clear_ibuf [dreg:s8], $0x6FFFF;
	_ =	strace $0x90000046  }
0xb3: {  	s29 =	simm.s32 $0x9;
	_ =	strace $0x80000048  }
0xb4: {  	_ =	swait.ge [sflag:s29], $0x1  }
0xb5: {  	[sflag:s29] =	ssyncadd.s32 $0xFFFFFFFF  }
0xb6: {  	_ =	strace $0x90000048  }
0xb7: {  	_ =	sfence  }
0xb8: {  	s30 =	sld [smem:$0x0];
	_ =	sdelay $0x2  }
0xb9: {  	s31 =	sshll.u32 s1, $0xD;
	s1 =	sshrl.u32 s1, $0x2  }
0xba: {  	s3 =	sand.u32 $0x4000, s31;
	s1 =	sadd.s32 s1, s30  }
0xbb: {  	s0 =	sor.u32 s3, s0;
	s1 =	sshll.u32 s1, $0x11  }
0xbc: {  	s0 =	sor.u32 s1, s0  }
0xbd: {  	s0 =	sadd.s32 $0x8F2B, s0  }
0xbe: {  	[sflag:s0] =	ssyncadd.remote.s32 $0x1  }
0xbf: {  	_ =	sfence.sel $0xFFFF  }
0xc0: {  	[dreg:$0x0] =	wrdreg $0xFFFFFFFF;
	(pc) =	sbr.abs _section_cstart, $3  }
0xc1: {  	[dreg:$0x1] =	wrdreg $0xFFFFFFFF  }
0xc2: {  	_ =	task.clear_ibuf [dreg:s8], $0x2FFFF;
	_ =	strace $0x9FFFFFFF  }
0xc3: {  	(tm) =	ssettm $0x7FFFFFFF  }
tec
execute0_lowered:
.L_overlay_start_1:
0x0: {  	(tag) =	ssettag $0x1  }
0x1: {  	vm0 =	vcmask $0x300;
	v0 =	vimm.s32 $0x2EE7;
	vm1 =	vcmask $0x704  }
0x2: {  	vm2 =	vcmask $0xB08;
	vm3 =	vcmask $0xF0C;
	v1 =	vimm.s32 $0x3207  }
0x3: {  	vm4 =	vcmask $0x1310;
	vm5 =	vcmask $0x1714;
	vm6 =	vcmask $0x1B18  }
0x4: {  	vm7 =	vcmask $0x1F1C;
	vm8 =	vcmask $0x2320;
	vm9 =	vcmask $0x2724  }
0x5: {  	vm10 =	vcmask $0x2B28;
	vm11 =	vcmask $0x2F2C;
	vm12 =	vcmask $0x3330  }
0x6: {  	vm13 =	vcmask $0x3734;
	vm14 =	vcmask $0x3B38;
	v41 =	vimm.s32 $0x3527  }
0x7: {  	v2 =	vimm.s32 $0x3847;
	v44 =	vimm.s32 $0x3B67;
	v48 =	vimm.s32 $0x3E87  }
0x8: {  	v50 =	vimm.s32 $0x41A7;
	v53 =	vimm.s32 $0x44C7;
	v57 =	vimm.s32 $0x47E7  }
0x9: {  	v58 =	vimm.s32 $0x4B07;
	v61 =	vimm.s32 $0x4E27;
	v5 =	vimm.s32 $0x5147  }
0xa: {  	v6 =	vimm.s32 $0x5467;
	v34 =	vimm.s32 $0x5787;
	v38 =	vimm.s32 $0x5AA7  }
0xb: {  	v39 =	vimm.s32 $0x5DC7;
	v3 =	vimm.s32 $0x18171615;
	v8 =	vimm.s32 $0x43218765  }
0xc: {  	v9 =	vimm.s32 $0x6543A987;
	vm15 =	vcmask $0x2F10;
	v10 =	vimm.s32 $0xB0A0908  }
0xd: {  	v11 =	vimm.s32 $0xC0B0A09;
	v12 =	vimm.s32 $0xD0C0B0A;
	v13 =	vimm.s32 $0xE0D0C0B  }
0xe: {  	v0 =	vsel vm0, $0x0, v0;
	v1 =	vsel vm0, $0x320, v1;
	v2 =	vsel vm0, $0x960, v2  }
0xf: {  	v14 =	vunpack.c.0.s8.s32 v3;
	v9 =	vunpack.c.l.s4.s8 v9;
	v10 =	vunpack.c.0.s8.s32 v10  }
0x10: {  	v11 =	vunpack.c.0.s8.s32 v11;
	v12 =	vunpack.c.0.s8.s32 v12;
	v13 =	vunpack.c.0.s8.s32 v13  }
0x11: {  	v0 =	vsel vm1, $0x321, v0;
	v1 =	vsel vm1, $0x641, v1;
	v43 =	vsel vm1, $0xC81, v2  }
0x12: {  	v2 =	vsel vm0, $0xC80, v44;
	v0 =	vsel vm2, $0x642, v0;
	v1 =	vsel vm2, $0x962, v1  }
0x13: {  	v2 =	vsel vm1, $0xFA1, v2;
	v9 =	vunpack.c.0.s8.s32 v9;
	v0 =	vsel vm3, $0x963, v0  }
0x14: {  	v1 =	vsel vm3, $0xC83, v1;
	v2 =	vsel vm2, $0x12C2, v2;
	v0 =	vsel vm4, $0xC84, v0  }
0x15: {  	v1 =	vsel vm4, $0xFA4, v1;
	v2 =	vsel vm3, $0x15E3, v2;
	v9 =	vand.u32 $0xF, v9  }
0x16: {  	v0 =	vsel vm5, $0xFA5, v0;
	v1 =	vsel vm5, $0x12C5, v1;
	v2 =	vsel vm4, $0x1904, v2  }
0x17: {  	v0 =	vsel vm6, $0x12C6, v0;
	v1 =	vsel vm6, $0x15E6, v1;
	v2 =	vsel vm5, $0x1C25, v2  }
0x18: {  	v0 =	vsel vm7, $0x15E7, v0;
	v1 =	vsel vm7, $0x1907, v1;
	v2 =	vsel vm6, $0x1F46, v2  }
0x19: {  	v0 =	vsel vm8, $0x1900, v0;
	v1 =	vsel vm8, $0x1C20, v1;
	v2 =	vsel vm7, $0x2267, v2  }
0x1a: {  	v0 =	vsel vm9, $0x1C21, v0;
	v1 =	vsel vm9, $0x1F41, v1;
	v2 =	vsel vm8, $0x2580, v2  }
0x1b: {  	v0 =	vsel vm10, $0x1F42, v0;
	v1 =	vsel vm10, $0x2262, v1;
	v2 =	vsel vm9, $0x28A1, v2  }
0x1c: {  	v0 =	vsel vm11, $0x2263, v0;
	v40 =	vsel vm11, $0x2583, v1;
	v1 =	vsel vm0, $0x640, v41  }
0x1d: {  	v46 =	vsel vm10, $0x2BC2, v2;
	v2 =	vsel vm0, $0x12C0, v50;
	v0 =	vsel vm12, $0x2584, v0  }
0x1e: {  	v1 =	vsel vm1, $0x961, v1;
	v47 =	vsel vm11, $0x2EE3, v46;
	v52 =	vsel vm1, $0x15E1, v2  }
0x1f: {  	v2 =	vsel vm0, $0x15E0, v53;
	v0 =	vsel vm13, $0x28A5, v0;
	v42 =	vsel vm2, $0xC82, v1  }
0x20: {  	v1 =	vsel vm2, $0xFA2, v43;
	v2 =	vsel vm1, $0x1901, v2;
	v49 =	vsel vm14, $0x2BC6, v0  }
0x21: {  	v0 =	vsel vm12, $0x28A4, v40;
	v1 =	vsel vm3, $0x12C3, v1;
	v2 =	vsel vm2, $0x1C22, v2  }
0x22: {  	v0 =	vsel vm13, $0x2BC5, v0;
	v1 =	vsel vm4, $0x15E4, v1;
	v2 =	vsel vm3, $0x1F43, v2  }
0x23: {  	v17 =	vsel vm14, $0x2EE6, v0;
	v0 =	vsel vm3, $0xFA3, v42;
	v1 =	vsel vm5, $0x1905, v1  }
0x24: {  	v2 =	vsel vm4, $0x2264, v2;
	v42 =	vimm.s32 $0x60E7;
	v0 =	vsel vm4, $0x12C4, v0  }
0x25: {  	v1 =	vsel vm6, $0x1C26, v1;
	v2 =	vsel vm5, $0x2585, v2;
	v0 =	vsel vm5, $0x15E5, v0  }
0x26: {  	v1 =	vsel vm7, $0x1F47, v1;
	v2 =	vsel vm6, $0x28A6, v2;
	v0 =	vsel vm6, $0x1906, v0  }
0x27: {  	v1 =	vsel vm8, $0x2260, v1;
	v2 =	vsel vm7, $0x2BC7, v2;
	v0 =	vsel vm7, $0x1C27, v0  }
0x28: {  	v1 =	vsel vm9, $0x2581, v1;
	v2 =	vsel vm8, $0x2EE0, v2;
	v0 =	vsel vm8, $0x1F40, v0  }
0x29: {  	v1 =	vsel vm10, $0x28A2, v1;
	v2 =	vsel vm9, $0x3201, v2;
	v0 =	vsel vm9, $0x2261, v0  }
0x2a: {  	v1 =	vsel vm11, $0x2BC3, v1;
	v55 =	vsel vm10, $0x3522, v2;
	v2 =	vsel vm0, $0x1C20, v58  }
0x2b: {  	v0 =	vsel vm10, $0x2582, v0;
	v1 =	vsel vm12, $0x2EE4, v1;
	v56 =	vsel vm11, $0x3843, v55  }
0x2c: {  	v60 =	vsel vm1, $0x1F41, v2;
	v2 =	vsel vm0, $0x1F40, v61;
	v0 =	vsel vm11, $0x28A3, v0  }
0x2d: {  	v45 =	vsel vm13, $0x3205, v1;
	v1 =	vsel vm0, $0xFA0, v48;
	v2 =	vsel vm1, $0x2261, v2  }
0x2e: {  	v48 =	vimm.s32 $0x327;
	v0 =	vsel vm12, $0x2BC4, v0;
	v19 =	vsel vm14, $0x3526, v45  }
0x2f: {  	v1 =	vsel vm1, $0x12C1, v1;
	v2 =	vsel vm2, $0x2582, v2;
	v0 =	vsel vm13, $0x2EE5, v0  }
0x30: {  	v51 =	vsel vm2, $0x15E2, v1;
	v1 =	vsel vm2, $0x1902, v52;
	v2 =	vsel vm3, $0x28A3, v2  }
0x31: {  	v52 =	vimm.s32 $0x647;
	v33 =	vsel vm14, $0x3206, v0;
	v0 =	vsel vm12, $0x3204, v47  }
0x32: {  	v1 =	vsel vm3, $0x1C23, v1;
	v2 =	vsel vm4, $0x2BC4, v2;
	v47 =	vimm.s32 $0x7  }
0x33: {  	v0 =	vsel vm13, $0x3525, v0;
	v1 =	vsel vm4, $0x1F44, v1;
	v2 =	vsel vm5, $0x2EE5, v2  }
0x34: {  	v20 =	vsel vm14, $0x3846, v0;
	v0 =	vsel vm3, $0x1903, v51;
	v1 =	vsel vm5, $0x2265, v1  }
0x35: {  	v2 =	vsel vm6, $0x3206, v2;
	v0 =	vsel vm4, $0x1C24, v0;
	v1 =	vsel vm6, $0x2586, v1  }
0x36: {  	v2 =	vsel vm7, $0x3527, v2;
	v0 =	vsel vm5, $0x1F45, v0;
	v1 =	vsel vm7, $0x28A7, v1  }
0x37: {  	v2 =	vsel vm8, $0x3840, v2;
	v0 =	vsel vm6, $0x2266, v0;
	v1 =	vsel vm8, $0x2BC0, v1  }
0x38: {  	v2 =	vsel vm9, $0x3B61, v2;
	v0 =	vsel vm7, $0x2587, v0;
	v1 =	vsel vm9, $0x2EE1, v1  }
0x39: {  	v63 =	vsel vm10, $0x3E82, v2;
	v2 =	vsel vm0, $0x2580, v6;
	v0 =	vsel vm8, $0x28A0, v0  }
0x3a: {  	v1 =	vsel vm10, $0x3202, v1;
	v4 =	vsel vm11, $0x41A3, v63;
	v32 =	vsel vm1, $0x28A1, v2  }
0x3b: {  	v2 =	vsel vm0, $0x28A0, v34;
	v0 =	vsel vm9, $0x2BC1, v0;
	v1 =	vsel vm11, $0x3523, v1  }
0x3c: {  	v2 =	vsel vm1, $0x2BC1, v2;
	v0 =	vsel vm10, $0x2EE2, v0;
	v1 =	vsel vm12, $0x3844, v1  }
0x3d: {  	v2 =	vsel vm2, $0x2EE2, v2;
	v0 =	vsel vm11, $0x3203, v0;
	v54 =	vsel vm13, $0x3B65, v1  }
0x3e: {  	v1 =	vsel vm0, $0x1900, v57;
	v2 =	vsel vm3, $0x3203, v2;
	v57 =	vimm.s32 $0xC87  }
0x3f: {  	v0 =	vsel vm12, $0x3524, v0;
	v22 =	vsel vm14, $0x3E86, v54;
	v1 =	vsel vm1, $0x1C21, v1  }
0x40: {  	v2 =	vsel vm4, $0x3524, v2;
	v0 =	vsel vm13, $0x3845, v0;
	v59 =	vsel vm2, $0x1F42, v1  }
0x41: {  	v1 =	vsel vm2, $0x2262, v60;
	v2 =	vsel vm5, $0x3845, v2;
	v60 =	vimm.s32 $0xFA7  }
0x42: {  	v21 =	vsel vm14, $0x3B66, v0;
	v0 =	vsel vm12, $0x3B64, v56;
	v1 =	vsel vm3, $0x2583, v1  }
0x43: {  	v2 =	vsel vm6, $0x3B66, v2;
	v56 =	vimm.s32 $0x967;
	v0 =	vsel vm13, $0x3E85, v0  }
0x44: {  	v1 =	vsel vm4, $0x28A4, v1;
	v2 =	vsel vm7, $0x3E87, v2;
	v23 =	vsel vm14, $0x41A6, v0  }
0x45: {  	v0 =	vsel vm3, $0x2263, v59;
	v1 =	vsel vm5, $0x2BC5, v1;
	v2 =	vsel vm8, $0x41A0, v2  }
0x46: {  	v0 =	vsel vm4, $0x2584, v0;
	v1 =	vsel vm6, $0x2EE6, v1;
	v2 =	vsel vm9, $0x44C1, v2  }
0x47: {  	v0 =	vsel vm5, $0x28A5, v0;
	v1 =	vsel vm7, $0x3207, v1;
	v36 =	vsel vm10, $0x47E2, v2  }
0x48: {  	v2 =	vsel vm0, $0x2EE0, v39;
	v0 =	vsel vm6, $0x2BC6, v0;
	v1 =	vsel vm8, $0x3520, v1  }
0x49: {  	v37 =	vsel vm11, $0x4B03, v36;
	v41 =	vsel vm1, $0x3201, v2;
	v2 =	vsel vm0, $0x3200, v42  }
0x4a: {  	v0 =	vsel vm7, $0x2EE7, v0;
	v1 =	vsel vm9, $0x3841, v1;
	v2 =	vsel vm1, $0x3521, v2  }
0x4b: {  	v0 =	vsel vm8, $0x3200, v0;
	v1 =	vsel vm10, $0x3B62, v1;
	v2 =	vsel vm2, $0x3842, v2  }
0x4c: {  	v0 =	vsel vm9, $0x3521, v0;
	v1 =	vsel vm11, $0x3E83, v1;
	v2 =	vsel vm3, $0x3B63, v2  }
0x4d: {  	v0 =	vsel vm10, $0x3842, v0;
	v1 =	vsel vm12, $0x41A4, v1;
	v2 =	vsel vm4, $0x3E84, v2  }
0x4e: {  	v0 =	vsel vm11, $0x3B63, v0;
	v62 =	vsel vm13, $0x44C5, v1;
	v1 =	vsel vm0, $0x2260, v5  }
0x4f: {  	v2 =	vsel vm5, $0x41A5, v2;
	v5 =	vimm.s32 $0x15E7;
	v0 =	vsel vm12, $0x3E84, v0  }
0x50: {  	v30 =	vsel vm14, $0x47E6, v62;
	v1 =	vsel vm1, $0x2581, v1;
	v2 =	vsel vm6, $0x44C6, v2  }
0x51: {  	v0 =	vsel vm13, $0x41A5, v0;
	v7 =	vsel vm2, $0x28A2, v1;
	v1 =	vsel vm2, $0x2BC2, v32  }
0x52: {  	v2 =	vsel vm7, $0x47E7, v2;
	v29 =	vsel vm14, $0x44C6, v0;
	v0 =	vsel vm12, $0x44C4, v4  }
0x53: {  	v1 =	vsel vm3, $0x2EE3, v1;
	v2 =	vsel vm8, $0x4B00, v2;
	v4 =	vimm.s32 $0x12C7  }
0x54: {  	v0 =	vsel vm13, $0x47E5, v0;
	v1 =	vsel vm4, $0x3204, v1;
	v2 =	vsel vm9, $0x4E21, v2  }
0x55: {  	v24 =	vsel vm14, $0x4B06, v0;
	v0 =	vsel vm3, $0x2BC3, v7;
	v1 =	vsel vm5, $0x3525, v1  }
0x56: {  	v44 =	vsel vm10, $0x5142, v2;
	v2 =	vsel vm0, $0x3840, v48;
	v48 =	vimm.s32 $0x1F47  }
0x57: {  	v0 =	vsel vm4, $0x2EE4, v0;
	v1 =	vsel vm6, $0x3846, v1;
	v46 =	vsel vm11, $0x5463, v44  }
0x58: {  	v51 =	vsel vm1, $0x3B61, v2;
	v2 =	vsel vm0, $0x3B60, v52;
	v0 =	vsel vm5, $0x3205, v0  }
0x59: {  	v1 =	vsel vm7, $0x3B67, v1;
	v2 =	vsel vm1, $0x3E81, v2;
	v0 =	vsel vm6, $0x3526, v0  }
0x5a: {  	v1 =	vsel vm8, $0x3E80, v1;
	v2 =	vsel vm2, $0x41A2, v2;
	v0 =	vsel vm7, $0x3847, v0  }
0x5b: {  	v1 =	vsel vm9, $0x41A1, v1;
	v2 =	vsel vm3, $0x44C3, v2;
	v0 =	vsel vm8, $0x3B60, v0  }
0x5c: {  	v1 =	vsel vm10, $0x44C2, v1;
	v2 =	vsel vm4, $0x47E4, v2;
	v0 =	vsel vm9, $0x3E81, v0  }
0x5d: {  	v1 =	vsel vm11, $0x47E3, v1;
	v2 =	vsel vm5, $0x4B05, v2;
	v0 =	vsel vm10, $0x41A2, v0  }
0x5e: {  	v1 =	vsel vm12, $0x4B04, v1;
	v2 =	vsel vm6, $0x4E26, v2;
	v0 =	vsel vm11, $0x44C3, v0  }
0x5f: {  	v35 =	vsel vm13, $0x4E25, v1;
	v1 =	vsel vm0, $0x2BC0, v38;
	v2 =	vsel vm7, $0x5147, v2  }
0x60: {  	v0 =	vsel vm12, $0x47E4, v0;
	v26 =	vsel vm14, $0x5146, v35;
	v1 =	vsel vm1, $0x2EE1, v1  }
0x61: {  	v2 =	vsel vm8, $0x5460, v2;
	v35 =	vimm.s32 $0x1907;
	v0 =	vsel vm13, $0x4B05, v0  }
0x62: {  	v40 =	vsel vm2, $0x3202, v1;
	v1 =	vsel vm2, $0x3522, v41;
	v2 =	vsel vm9, $0x5781, v2  }
0x63: {  	v25 =	vsel vm14, $0x4E26, v0;
	v0 =	vsel vm12, $0x4E24, v37;
	v1 =	vsel vm3, $0x3843, v1  }
0x64: {  	v54 =	vsel vm10, $0x5AA2, v2;
	v2 =	vsel vm0, $0x41A0, v57;
	v57 =	vimm.s32 $0x2587  }
0x65: {  	v0 =	vsel vm13, $0x5145, v0;
	v1 =	vsel vm4, $0x3B64, v1;
	v55 =	vsel vm11, $0x5DC3, v54  }
0x66: {  	v59 =	vsel vm1, $0x44C1, v2;
	v2 =	vsel vm0, $0x44C0, v60;
	v27 =	vsel vm14, $0x5466, v0  }
0x67: {  	v0 =	vsel vm3, $0x3523, v40;
	v1 =	vsel vm5, $0x3E85, v1;
	v2 =	vsel vm1, $0x47E1, v2  }
0x68: {  	v0 =	vsel vm4, $0x3844, v0;
	v1 =	vsel vm6, $0x41A6, v1;
	v2 =	vsel vm2, $0x4B02, v2  }
0x69: {  	v0 =	vsel vm5, $0x3B65, v0;
	v1 =	vsel vm7, $0x44C7, v1;
	v2 =	vsel vm3, $0x4E23, v2  }
0x6a: {  	v0 =	vsel vm6, $0x3E86, v0;
	v1 =	vsel vm8, $0x47E0, v1;
	v2 =	vsel vm4, $0x5144, v2  }
0x6b: {  	v0 =	vsel vm7, $0x41A7, v0;
	v1 =	vsel vm9, $0x4B01, v1;
	v2 =	vsel vm5, $0x5465, v2  }
0x6c: {  	v0 =	vsel vm8, $0x44C0, v0;
	v1 =	vsel vm10, $0x4E22, v1;
	v2 =	vsel vm6, $0x5786, v2  }
0x6d: {  	v0 =	vsel vm9, $0x47E1, v0;
	v1 =	vsel vm11, $0x5143, v1;
	v2 =	vsel vm7, $0x5AA7, v2  }
0x6e: {  	v0 =	vsel vm10, $0x4B02, v0;
	v1 =	vsel vm12, $0x5464, v1;
	v2 =	vsel vm8, $0x5DC0, v2  }
0x6f: {  	v0 =	vsel vm11, $0x4E23, v0;
	v43 =	vsel vm13, $0x5785, v1;
	v1 =	vsel vm0, $0x3520, v47  }
0x70: {  	v2 =	vsel vm9, $0x60E1, v2;
	v47 =	vimm.s32 $0x1C27;
	v0 =	vsel vm12, $0x5144, v0  }
0x71: {  	v34 =	vsel vm14, $0x5AA6, v43;
	v1 =	vsel vm1, $0x3841, v1;
	v62 =	vsel vm10, $0x2, v2  }
0x72: {  	v2 =	vsel vm0, $0x4B00, v5;
	v5 =	vimm.s32 $0x32107654;
	v0 =	vsel vm13, $0x5465, v0  }
0x73: {  	v50 =	vsel vm2, $0x3B62, v1;
	v1 =	vsel vm2, $0x3E82, v51;
	v63 =	vsel vm11, $0x323, v62  }
0x74: {  	v7 =	vsel vm1, $0x4E21, v2;
	v2 =	vsel vm0, $0x4E20, v35;
	v62 =	vimm.s32 $0x2BC7  }
0x75: {  	v5 =	vunpack.c.l.s4.s8 v5;
	v45 =	vsel vm14, $0x5786, v0;
	v0 =	vsel vm12, $0x5784, v46  }
0x76: {  	v1 =	vsel vm3, $0x41A3, v1;
	v2 =	vsel vm1, $0x5141, v2;
	v0 =	vsel vm13, $0x5AA5, v0  }
0x77: {  	v1 =	vsel vm4, $0x44C4, v1;
	v2 =	vsel vm2, $0x5462, v2;
	v5 =	vunpack.c.0.s8.s32 v5  }
0x78: {  	v46 =	vsel vm14, $0x5DC6, v0;
	v0 =	vsel vm3, $0x3E83, v50;
	v1 =	vsel vm5, $0x47E5, v1  }
0x79: {  	v2 =	vsel vm3, $0x5783, v2;
	v0 =	vsel vm4, $0x41A4, v0;
	v1 =	vsel vm6, $0x4B06, v1  }
0x7a: {  	v2 =	vsel vm4, $0x5AA4, v2;
	v5 =	vand.u32 $0xF, v5;
	v0 =	vsel vm5, $0x44C5, v0  }
0x7b: {  	v1 =	vsel vm7, $0x4E27, v1;
	v2 =	vsel vm5, $0x5DC5, v2;
	v0 =	vsel vm6, $0x47E6, v0  }
0x7c: {  	v1 =	vsel vm8, $0x5140, v1;
	v2 =	vsel vm6, $0x60E6, v2;
	v0 =	vsel vm7, $0x4B07, v0  }
0x7d: {  	v1 =	vsel vm9, $0x5461, v1;
	v2 =	vsel vm7, $0x7, v2;
	v0 =	vsel vm8, $0x4E20, v0  }
0x7e: {  	v1 =	vsel vm10, $0x5782, v1;
	v2 =	vsel vm8, $0x320, v2;
	v0 =	vsel vm9, $0x5141, v0  }
0x7f: {  	v1 =	vsel vm11, $0x5AA3, v1;
	v2 =	vsel vm9, $0x641, v2;
	v0 =	vsel vm10, $0x5462, v0  }
0x80: {  	v1 =	vsel vm12, $0x5DC4, v1;
	v37 =	vsel vm10, $0x962, v2;
	v2 =	vsel vm0, $0x5460, v48  }
0x81: {  	v0 =	vsel vm11, $0x5783, v0;
	v53 =	vsel vm13, $0x60E5, v1;
	v1 =	vsel vm0, $0x3E80, v56  }
0x82: {  	v42 =	vsel vm11, $0xC83, v37;
	v52 =	vsel vm1, $0x5781, v2;
	v37 =	vimm.s32 $0x1F1E1D1C  }
0x83: {  	v0 =	vsel vm12, $0x5AA4, v0;
	v39 =	vsel vm14, $0x6, v53;
	v1 =	vsel vm1, $0x41A1, v1  }
0x84: {  	v53 =	vimm.s32 $0x2267;
	v16 =	vunpack.c.0.s8.s32 v37;
	v0 =	vsel vm13, $0x5DC5, v0  }
0x85: {  	v58 =	vsel vm2, $0x44C2, v1;
	v1 =	vsel vm2, $0x47E2, v59;
	v2 =	vsel vm0, $0x5780, v53  }
0x86: {  	v50 =	vsel vm14, $0x60E6, v0;
	v0 =	vsel vm12, $0x60E4, v55;
	v1 =	vsel vm3, $0x4B03, v1  }
0x87: {  	v2 =	vsel vm1, $0x5AA1, v2;
	v5 =	vsel vm15, v5, v16;
	v0 =	vsel vm13, $0x5, v0  }
0x88: {  	v1 =	vsel vm4, $0x4E24, v1;
	v2 =	vsel vm2, $0x5DC2, v2;
	v44 =	vsel vm14, $0x326, v0  }
0x89: {  	v0 =	vsel vm3, $0x47E3, v58;
	v1 =	vsel vm5, $0x5145, v1;
	v2 =	vsel vm3, $0x60E3, v2  }
0x8a: {  	v58 =	vimm.s32 $0x28A7;
	v0 =	vsel vm4, $0x4B04, v0;
	v1 =	vsel vm6, $0x5466, v1  }
0x8b: {  	v2 =	vsel vm4, $0x4, v2;
	v0 =	vsel vm5, $0x4E25, v0;
	v1 =	vsel vm7, $0x5787, v1  }
0x8c: {  	v2 =	vsel vm5, $0x325, v2;
	v0 =	vsel vm6, $0x5146, v0;
	v1 =	vsel vm8, $0x5AA0, v1  }
0x8d: {  	v2 =	vsel vm6, $0x646, v2;
	v0 =	vsel vm7, $0x5467, v0;
	v1 =	vsel vm9, $0x5DC1, v1  }
0x8e: {  	v2 =	vsel vm7, $0x967, v2;
	v0 =	vsel vm8, $0x5780, v0;
	v1 =	vsel vm10, $0x60E2, v1  }
0x8f: {  	v2 =	vsel vm8, $0xC80, v2;
	v0 =	vsel vm9, $0x5AA1, v0;
	v1 =	vsel vm11, $0x3, v1  }
0x90: {  	v2 =	vsel vm9, $0xFA1, v2;
	v0 =	vsel vm10, $0x5DC2, v0;
	v1 =	vsel vm12, $0x324, v1  }
0x91: {  	v55 =	vsel vm10, $0x12C2, v2;
	v2 =	vsel vm0, $0x5DC0, v58;
	v58 =	vimm.s32 $0x1E1D1C1B  }
0x92: {  	v0 =	vsel vm11, $0x60E3, v0;
	v61 =	vsel vm13, $0x645, v1;
	v1 =	vsel vm0, $0x47E0, v4  }
0x93: {  	v56 =	vsel vm11, $0x15E3, v55;
	v60 =	vsel vm1, $0x60E1, v2;
	v2 =	vsel vm0, $0x60E0, v62  }
0x94: {  	v4 =	vimm.s32 $0x1F1E1D;
	v62 =	vunpack.c.0.s8.s32 v58;
	v0 =	vsel vm12, $0x4, v0  }
0x95: {  	v38 =	vsel vm14, $0x966, v61;
	v1 =	vsel vm1, $0x4B01, v1;
	v2 =	vsel vm1, $0x1, v2  }
0x96: {  	v4 =	vunpack.c.0.s8.s32 v4;
	v0 =	vsel vm13, $0x325, v0;
	v6 =	vsel vm2, $0x4E22, v1  }
0x97: {  	v1 =	vsel vm2, $0x5142, v7;
	v2 =	vsel vm2, $0x322, v2;
	v7 =	vimm.s32 $0x14131211  }
0x98: {  	v32 =	vsel vm14, $0x646, v0;
	v0 =	vsel vm12, $0x644, v63;
	v1 =	vsel vm3, $0x5463, v1  }
0x99: {  	v2 =	vsel vm3, $0x643, v2;
	v0 =	vsel vm13, $0x965, v0;
	v1 =	vsel vm4, $0x5784, v1  }
0x9a: {  	v2 =	vsel vm4, $0x964, v2;
	v61 =	vsel vm14, $0xC86, v0;
	v0 =	vsel vm3, $0x5143, v6  }
0x9b: {  	v1 =	vsel vm5, $0x5AA5, v1;
	v2 =	vsel vm5, $0xC85, v2;
	v0 =	vsel vm4, $0x5464, v0  }
0x9c: {  	v1 =	vsel vm6, $0x5DC6, v1;
	v2 =	vsel vm6, $0xFA6, v2;
	v0 =	vsel vm5, $0x5785, v0  }
0x9d: {  	v1 =	vsel vm7, $0x60E7, v1;
	v2 =	vsel vm7, $0x12C7, v2;
	v0 =	vsel vm6, $0x5AA6, v0  }
0x9e: {  	v1 =	vsel vm8, $0x0, v1;
	v2 =	vsel vm8, $0x15E0, v2;
	v0 =	vsel vm7, $0x5DC7, v0  }
0x9f: {  	v1 =	vsel vm9, $0x321, v1;
	v2 =	vsel vm9, $0x1901, v2;
	v0 =	vsel vm8, $0x60E0, v0  }
0xa0: {  	v1 =	vsel vm10, $0x642, v1;
	v6 =	vsel vm10, $0x1C22, v2;
	v2 =	vunpack.c.0.s8.s32 v7  }
0xa1: {  	v7 =	vimm.s32 $0x201001F;
	v0 =	vsel vm9, $0x1, v0;
	v1 =	vsel vm11, $0x963, v1  }
0xa2: {  	v15 =	vunpack.c.0.s8.s32 v7;
	v0 =	vsel vm10, $0x322, v0;
	v1 =	vsel vm12, $0xC84, v1  }
0xa3: {  	v0 =	vsel vm11, $0x643, v0;
	v36 =	vsel vm13, $0xFA5, v1;
	v1 =	vsel vm0, $0x5140, v47  }
0xa4: {  	v47 =	vunpack.c.l.s4.s8 v8;
	v0 =	vsel vm12, $0x964, v0;
	v1 =	vsel vm1, $0x5461, v1  }
0xa5: {  	v0 =	vsel vm13, $0xC85, v0;
	v51 =	vsel vm2, $0x5782, v1;
	v1 =	vsel vm2, $0x5AA2, v52  }
0xa6: {  	v41 =	vsel vm14, $0xFA6, v0;
	v0 =	vsel vm12, $0xFA4, v42;
	v1 =	vsel vm3, $0x5DC3, v1  }
0xa7: {  	v8 =	vimm.s32 $0x54329876;
	v0 =	vsel vm13, $0x12C5, v0;
	v1 =	vsel vm4, $0x60E4, v1  }
0xa8: {  	v35 =	vsel vm14, $0x15E6, v0;
	v0 =	vsel vm3, $0x5AA3, v51;
	v1 =	vsel vm5, $0x5, v1  }
0xa9: {  	v9 =	vsel vm15, v9, v15;
	v0 =	vsel vm4, $0x5DC4, v0;
	v1 =	vsel vm6, $0x326, v1  }
0xaa: {  	v43 =	vsel vm14, $0x12C6, v36;
	v0 =	vsel vm5, $0x60E5, v0;
	v1 =	vsel vm7, $0x647, v1  }
0xab: {  	v36 =	vimm.s32 $0x1C1B1A19;
	v0 =	vsel vm6, $0x6, v0;
	v1 =	vsel vm8, $0x960, v1  }
0xac: {  	v8 =	vunpack.c.l.s4.s8 v8;
	v0 =	vsel vm7, $0x327, v0;
	v1 =	vsel vm9, $0xC81, v1  }
0xad: {  	v7 =	vunpack.c.0.s8.s32 v47;
	v0 =	vsel vm8, $0x640, v0;
	v1 =	vsel vm10, $0xFA2, v1  }
0xae: {  	v3 =	vunpack.c.0.s8.s32 v36;
	v0 =	vsel vm9, $0x961, v0;
	v1 =	vsel vm11, $0x12C3, v1  }
0xaf: {  	v52 =	vimm.s32 $0x19181716;
	v0 =	vsel vm10, $0xC82, v0;
	v1 =	vsel vm12, $0x15E4, v1  }
0xb0: {  	v0 =	vsel vm11, $0xFA3, v0;
	v54 =	vsel vm13, $0x1905, v1;
	v1 =	vsel vm0, $0x5AA0, v57  }
0xb1: {  	v8 =	vunpack.c.0.s8.s32 v8;
	v0 =	vsel vm12, $0x12C4, v0;
	v1 =	vsel vm1, $0x5DC1, v1  }
0xb2: {  	v7 =	vand.u32 $0xF, v7;
	v0 =	vsel vm13, $0x15E5, v0;
	v59 =	vsel vm2, $0x60E2, v1  }
0xb3: {  	v1 =	vsel vm2, $0x2, v60;
	v31 =	vsel vm14, $0x1906, v0;
	v0 =	vsel vm12, $0x1904, v56  }
0xb4: {  	v7 =	vsel vm15, v7, v4;
	v1 =	vsel vm3, $0x323, v1;
	v0 =	vsel vm13, $0x1C25, v0  }
0xb5: {  	v1 =	vsel vm4, $0x644, v1;
	v42 =	vsel vm14, $0x1F46, v0;
	v0 =	vsel vm3, $0x3, v59  }
0xb6: {  	v8 =	vand.u32 $0xF, v8;
	v1 =	vsel vm5, $0x965, v1;
	v0 =	vsel vm4, $0x324, v0  }
0xb7: {  	v51 =	vimm.s32 $0x15141312;
	v1 =	vsel vm6, $0xC86, v1;
	v0 =	vsel vm5, $0x645, v0  }
0xb8: {  	v57 =	vimm.s32 $0x1A191817;
	v1 =	vsel vm7, $0xFA7, v1;
	v0 =	vsel vm6, $0x966, v0  }
0xb9: {  	v48 =	vsel vm14, $0x1C26, v54;
	v1 =	vsel vm8, $0x12C0, v1;
	v0 =	vsel vm7, $0xC87, v0  }
0xba: {  	v54 =	vimm.s32 $0x16151413;
	v1 =	vsel vm9, $0x15E1, v1;
	v0 =	vsel vm8, $0xFA0, v0  }
0xbb: {  	v55 =	vunpack.c.0.s8.s32 v54;
	v1 =	vsel vm10, $0x1902, v1;
	v0 =	vsel vm9, $0x12C1, v0  }
0xbc: {  	v60 =	vimm.s32 $0x17161514;
	v1 =	vsel vm11, $0x1C23, v1;
	v0 =	vsel vm10, $0x15E2, v0  }
0xbd: {  	v54 =	vimm.s32 $0x87654321;
	v1 =	vsel vm12, $0x1F44, v1;
	v0 =	vsel vm11, $0x1903, v0  }
0xbe: {  	v63 =	vsel vm13, $0x2265, v1;
	v1 =	vsel vm11, $0x1F43, v6;
	v6 =	vimm.s32 $0x1001F1E  }
0xbf: {  	v59 =	vimm.s32 $0x3020100;
	v0 =	vsel vm12, $0x1C24, v0;
	v6 =	vunpack.c.0.s8.s32 v6  }
0xc0: {  	v1 =	vsel vm12, $0x2264, v1;
	v37 =	vsel vm14, $0x2586, v63;
	v0 =	vsel vm13, $0x1F45, v0  }
0xc1: {  	v1 =	vsel vm13, $0x2585, v1;
	v8 =	vsel vm15, v8, v6;
	vm15 =	vcmask $0x3F30  }
0xc2: {  	v40 =	vsel vm14, $0x2266, v0;
	v5 =	vsel vm15, v10, v5;
	v18 =	vsel vm15, v11, v7  }
0xc3: {  	v56 =	vsel vm15, v12, v8;
	v12 =	vsel vm15, v13, v9;
	vm15 =	vcmask $0x1F10  }
0xc4: {  	v8 =	vimm.s32 $0x1D1C1B1A;
	v7 =	vunpack.c.0.s8.s32 v52;
	v11 =	vsel vm14, $0x28A6, v1  }
0xc5: {  	[tilespmem:$0x1F9B0] =	vst v3;
	v9 =	vunpack.c.0.s8.s32 v57;
	v2 =	vsel vm15, v14, v2;
	v3 =	vsel vm15, v4, v3  }
0xc6: {  	[tilespmem:$0x1F990] =	vst v5;
	v5 =	vunpack.c.0.s8.s32 v51;
	v8 =	vunpack.c.0.s8.s32 v8;
	v51 =	vimm.s32 $0x5040302  }
0xc7: {  	v57 =	vimm.s32 $0x76543210;
	v28 =	vcombine.low v2, v3;
	v52 =	vunpack.c.0.s8.s32 v51  }
0xc8: {  	[tilespmem:$0x1F9C0] =	vst v7;
	v53 =	vsel vm15, v7, v5;
	v1 =	vsel vm15, v6, v8;
	v5 =	vunpack.c.0.s8.s32 v59  }
0xc9: {  	[tilespmem:$0x1F9D0] =	vst v8;
	v8 =	vimm.s32 $0x1B1A1918;
	v7 =	vunpack.c.0.s8.s32 v60;
	v0 =	vcombine.low v53, v1  }
0xca: {  	v10 =	vunpack.c.0.s8.s32 v8;
	v8 =	vimm.s32 $0x4030201;
	v53 =	vimm.s32 $0x6050403  }
0xcb: {  	v63 =	vunpack.c.0.s8.s32 v8;
	v36 =	vsel vm15, v5, v16;
	v2 =	vunpack.c.0.s8.s32 v53  }
0xcc: {  	v8 =	vimm.s32 $0xA9876543;
	v53 =	vimm.s32 $0x2087;
	[tilespmem:$0x1F9E0] =	vst v0;
	v0 =	vsel vm15, v9, v55  }
0xcd: {  	v47 =	vsel vm15, v10, v7;
	v55 =	vimm.s32 $0x98765432;
	v7 =	vunpack.c.l.s4.s8 v57  }
0xce: {  	v8 =	vunpack.c.l.s4.s8 v8;
	[tilespmem:$0x1FA00] =	vst v0;
	v13 =	vcombine.low v47, v36;
	v0 =	vsel vm15, v63, v4  }
0xcf: {  	v4 =	vunpack.c.l.s4.s8 v54;
	v5 =	vunpack.c.l.s4.s8 v55;
	v58 =	vsel vm15, v2, v15  }
0xd0: {  	v47 =	vimm.s32 $0x1387;
	v2 =	vsel vm0, $0x100, v53;
	[tilespmem:$0x1FA40] =	vst v0;
	v0 =	vsel vm15, v52, v6  }
0xd1: {  	[tilespmem:$0x1FA10] =	vst v62;
	v59 =	vunpack.c.0.s8.s32 v7;
	v63 =	vunpack.c.0.s8.s32 v8;
	v5 =	vunpack.c.0.s8.s32 v5  }
0xd2: {  	[tilespmem:$0x1FA70] =	vst v58;
	v52 =	vimm.s32 $0x2007;
	v2 =	vsel vm1, $0x181, v2;
	v58 =	vimm.s32 $0x2107  }
0xd3: {  	v4 =	vunpack.c.0.s8.s32 v4;
	[tilespmem:$0x1FA50] =	vst v0;
	v0 =	vsel vm0, $0x0, v47;
	v62 =	vand.u32 $0xF, v5  }
0xd4: {  	v2 =	vsel vm2, $0x202, v2;
	v36 =	vcombine.low v1, v62;
	v1 =	vsel vm0, $0x80, v52  }
0xd5: {  	v51 =	vand.u32 $0xF, v63;
	v0 =	vsel vm1, $0x81, v0;
	v1 =	vsel vm1, $0x101, v1  }
0xd6: {  	v2 =	vsel vm3, $0x283, v2;
	v0 =	vsel vm2, $0x102, v0;
	v1 =	vsel vm2, $0x182, v1  }
0xd7: {  	v60 =	vand.u32 $0xF, v4;
	v0 =	vsel vm3, $0x183, v0;
	v1 =	vsel vm3, $0x203, v1  }
0xd8: {  	v2 =	vsel vm4, $0x304, v2;
	v0 =	vsel vm4, $0x204, v0;
	v1 =	vsel vm4, $0x284, v1  }
0xd9: {  	v3 =	vcombine.low v3, v60;
	v0 =	vsel vm5, $0x285, v0;
	v1 =	vsel vm5, $0x305, v1  }
0xda: {  	v2 =	vsel vm5, $0x385, v2;
	v0 =	vsel vm6, $0x306, v0;
	v1 =	vsel vm6, $0x386, v1  }
0xdb: {  	v2 =	vsel vm6, $0x1006, v2;
	v0 =	vsel vm7, $0x387, v0;
	v1 =	vsel vm7, $0x1007, v1  }
0xdc: {  	v2 =	vsel vm7, $0x1087, v2;
	v0 =	vsel vm8, $0x1000, v0;
	v1 =	vsel vm8, $0x1080, v1  }
0xdd: {  	v2 =	vsel vm8, $0x1100, v2;
	v0 =	vsel vm9, $0x1081, v0;
	v1 =	vsel vm9, $0x1101, v1  }
0xde: {  	v2 =	vsel vm9, $0x1181, v2;
	v0 =	vsel vm10, $0x1102, v0;
	v1 =	vsel vm10, $0x1182, v1  }
0xdf: {  	v2 =	vsel vm10, $0x1202, v2;
	v0 =	vsel vm11, $0x1183, v0;
	v1 =	vsel vm11, $0x1203, v1  }
0xe0: {  	v2 =	vsel vm11, $0x1283, v2;
	v0 =	vsel vm12, $0x1204, v0;
	v1 =	vsel vm12, $0x1284, v1  }
0xe1: {  	v55 =	vsel vm12, $0x1304, v2;
	v0 =	vsel vm13, $0x1285, v0;
	v54 =	vsel vm13, $0x1305, v1  }
0xe2: {  	[tilespmem:$0x1FA80] =	vst v59;
	v57 =	vsel vm13, $0x1385, v55;
	v59 =	vsel vm14, $0x1306, v0;
	v0 =	vsel vm14, $0x1386, v54  }
0xe3: {  	v60 =	vsel vm0, $0x180, v58;
	v62 =	vimm.s32 $0x2187;
	[tilespmem:$0x1FAB0] =	vst v0;
	v0 =	vsel vm14, $0x2006, v57  }
0xe4: {  	v63 =	vimm.s32 $0x2207;
	v1 =	vsel vm0, $0x200, v62;
	[tilespmem:$0x1FAC0] =	vst v0;
	v0 =	vsel vm1, $0x201, v60  }
0xe5: {  	v2 =	vsel vm0, $0x280, v63;
	v1 =	vsel vm1, $0x281, v1;
	v0 =	vsel vm2, $0x282, v0  }
0xe6: {  	v2 =	vsel vm1, $0x301, v2;
	v1 =	vsel vm2, $0x302, v1;
	v0 =	vsel vm3, $0x303, v0  }
0xe7: {  	v2 =	vsel vm2, $0x382, v2;
	v1 =	vsel vm3, $0x383, v1;
	v0 =	vsel vm4, $0x384, v0  }
0xe8: {  	v2 =	vsel vm3, $0x1003, v2;
	v1 =	vsel vm4, $0x1004, v1;
	v0 =	vsel vm5, $0x1005, v0  }
0xe9: {  	v2 =	vsel vm4, $0x1084, v2;
	v1 =	vsel vm5, $0x1085, v1;
	v0 =	vsel vm6, $0x1086, v0  }
0xea: {  	v2 =	vsel vm5, $0x1105, v2;
	v1 =	vsel vm6, $0x1106, v1;
	v0 =	vsel vm7, $0x1107, v0  }
0xeb: {  	v2 =	vsel vm6, $0x1186, v2;
	v1 =	vsel vm7, $0x1187, v1;
	v0 =	vsel vm8, $0x1180, v0  }
0xec: {  	v2 =	vsel vm7, $0x1207, v2;
	v1 =	vsel vm8, $0x1200, v1;
	v0 =	vsel vm9, $0x1201, v0  }
0xed: {  	v2 =	vsel vm8, $0x1280, v2;
	v1 =	vsel vm9, $0x1281, v1;
	v0 =	vsel vm10, $0x1282, v0  }
0xee: {  	v2 =	vsel vm9, $0x1301, v2;
	v1 =	vsel vm10, $0x1302, v1;
	v0 =	vsel vm11, $0x1303, v0  }
0xef: {  	v2 =	vsel vm10, $0x1382, v2;
	v1 =	vsel vm11, $0x1383, v1;
	v0 =	vsel vm12, $0x1384, v0  }
0xf0: {  	[tilespmem:$0x1FAA0] =	vst v51;
	v2 =	vsel vm11, $0x2003, v2;
	v1 =	vsel vm12, $0x2004, v1;
	v0 =	vsel vm13, $0x2005, v0  }
0xf1: {  	[tilespmem:$0x1FA90] =	vst v36;
	v5 =	vsel vm12, $0x2084, v2;
	v4 =	vsel vm13, $0x2085, v1;
	v0 =	vsel vm14, $0x2086, v0  }
0xf2: {  	v7 =	vimm.s32 $0x2287;
	v6 =	vsel vm13, $0x2105, v5;
	[tilespmem:$0x1FAD0] =	vst v0;
	v0 =	vsel vm14, $0x2106, v4  }
0xf3: {  	v47 =	vimm.s32 $0x2307;
	v36 =	vsel vm0, $0x300, v7;
	[tilespmem:$0x1FAE0] =	vst v0;
	v0 =	vsel vm14, $0x2186, v6  }
0xf4: {  	v51 =	vimm.s32 $0x2387;
	v1 =	vsel vm0, $0x380, v47;
	[tilespmem:$0x1FAF0] =	vst v0;
	v0 =	vsel vm1, $0x381, v36  }
0xf5: {  	v2 =	vsel vm0, $0x1000, v51;
	v1 =	vsel vm1, $0x1001, v1;
	v0 =	vsel vm2, $0x1002, v0  }
0xf6: {  	v2 =	vsel vm1, $0x1081, v2;
	v1 =	vsel vm2, $0x1082, v1;
	v0 =	vsel vm3, $0x1083, v0  }
0xf7: {  	v2 =	vsel vm2, $0x1102, v2;
	v1 =	vsel vm3, $0x1103, v1;
	v0 =	vsel vm4, $0x1104, v0  }
0xf8: {  	v2 =	vsel vm3, $0x1183, v2;
	v1 =	vsel vm4, $0x1184, v1;
	v0 =	vsel vm5, $0x1185, v0  }
0xf9: {  	v2 =	vsel vm4, $0x1204, v2;
	v1 =	vsel vm5, $0x1205, v1;
	v0 =	vsel vm6, $0x1206, v0  }
0xfa: {  	v2 =	vsel vm5, $0x1285, v2;
	v1 =	vsel vm6, $0x1286, v1;
	v0 =	vsel vm7, $0x1287, v0  }
0xfb: {  	v2 =	vsel vm6, $0x1306, v2;
	v1 =	vsel vm7, $0x1307, v1;
	v0 =	vsel vm8, $0x1300, v0  }
0xfc: {  	v2 =	vsel vm7, $0x1387, v2;
	v1 =	vsel vm8, $0x1380, v1;
	v0 =	vsel vm9, $0x1381, v0  }
0xfd: {  	v2 =	vsel vm8, $0x2000, v2;
	v1 =	vsel vm9, $0x2001, v1;
	v0 =	vsel vm10, $0x2002, v0  }
0xfe: {  	v2 =	vsel vm9, $0x2081, v2;
	v1 =	vsel vm10, $0x2082, v1;
	v0 =	vsel vm11, $0x2083, v0  }
0xff: {  	v2 =	vsel vm10, $0x2102, v2;
	v1 =	vsel vm11, $0x2103, v1;
	v0 =	vsel vm12, $0x2104, v0  }
0x100: {  	v2 =	vsel vm11, $0x2183, v2;
	v1 =	vsel vm12, $0x2184, v1;
	v0 =	vsel vm13, $0x2185, v0  }
0x101: {  	v53 =	vsel vm12, $0x2204, v2;
	v52 =	vsel vm13, $0x2205, v1;
	v0 =	vsel vm14, $0x2206, v0  }
0x102: {  	v55 =	vimm.s32 $0x3007;
	v54 =	vsel vm13, $0x2285, v53;
	[tilespmem:$0x1FB00] =	vst v0;
	v0 =	vsel vm14, $0x2286, v52  }
0x103: {  	v58 =	vimm.s32 $0x3087;
	v57 =	vsel vm0, $0x1080, v55;
	[tilespmem:$0x1FB10] =	vst v0;
	v0 =	vsel vm14, $0x2306, v54  }
0x104: {  	v60 =	vimm.s32 $0x3107;
	v1 =	vsel vm0, $0x1100, v58;
	[tilespmem:$0x1FB20] =	vst v0;
	v0 =	vsel vm1, $0x1101, v57  }
0x105: {  	v2 =	vsel vm0, $0x1180, v60;
	v1 =	vsel vm1, $0x1181, v1;
	v0 =	vsel vm2, $0x1182, v0  }
0x106: {  	v2 =	vsel vm1, $0x1201, v2;
	v1 =	vsel vm2, $0x1202, v1;
	v0 =	vsel vm3, $0x1203, v0  }
0x107: {  	v2 =	vsel vm2, $0x1282, v2;
	v1 =	vsel vm3, $0x1283, v1;
	v0 =	vsel vm4, $0x1284, v0  }
0x108: {  	v2 =	vsel vm3, $0x1303, v2;
	v1 =	vsel vm4, $0x1304, v1;
	v0 =	vsel vm5, $0x1305, v0  }
0x109: {  	v2 =	vsel vm4, $0x1384, v2;
	v1 =	vsel vm5, $0x1385, v1;
	v0 =	vsel vm6, $0x1386, v0  }
0x10a: {  	v2 =	vsel vm5, $0x2005, v2;
	v1 =	vsel vm6, $0x2006, v1;
	v0 =	vsel vm7, $0x2007, v0  }
0x10b: {  	v2 =	vsel vm6, $0x2086, v2;
	v1 =	vsel vm7, $0x2087, v1;
	v0 =	vsel vm8, $0x2080, v0  }
0x10c: {  	v2 =	vsel vm7, $0x2107, v2;
	v1 =	vsel vm8, $0x2100, v1;
	v0 =	vsel vm9, $0x2101, v0  }
0x10d: {  	v2 =	vsel vm8, $0x2180, v2;
	v1 =	vsel vm9, $0x2181, v1;
	v0 =	vsel vm10, $0x2182, v0  }
0x10e: {  	v2 =	vsel vm9, $0x2201, v2;
	v1 =	vsel vm10, $0x2202, v1;
	v0 =	vsel vm11, $0x2203, v0  }
0x10f: {  	v2 =	vsel vm10, $0x2282, v2;
	v1 =	vsel vm11, $0x2283, v1;
	v0 =	vsel vm12, $0x2284, v0  }
0x110: {  	v2 =	vsel vm11, $0x2303, v2;
	v1 =	vsel vm12, $0x2304, v1;
	v0 =	vsel vm13, $0x2305, v0  }
0x111: {  	v63 =	vsel vm12, $0x2384, v2;
	v62 =	vsel vm13, $0x2385, v1;
	v0 =	vsel vm14, $0x2386, v0  }
0x112: {  	v5 =	vimm.s32 $0x3187;
	v4 =	vsel vm13, $0x3005, v63;
	[tilespmem:$0x1FB30] =	vst v0;
	v0 =	vsel vm14, $0x3006, v62  }
0x113: {  	v7 =	vimm.s32 $0x3287;
	v6 =	vsel vm0, $0x1200, v5;
	[tilespmem:$0x1FB40] =	vst v0;
	v0 =	vsel vm14, $0x3086, v4  }
0x114: {  	v36 =	vimm.s32 $0x3307;
	v1 =	vsel vm0, $0x1300, v7;
	[tilespmem:$0x1FB50] =	vst v0;
	v0 =	vsel vm1, $0x1281, v6  }
0x115: {  	v2 =	vsel vm0, $0x1380, v36;
	v1 =	vsel vm1, $0x1381, v1;
	v0 =	vsel vm2, $0x1302, v0  }
0x116: {  	v2 =	vsel vm1, $0x2001, v2;
	v1 =	vsel vm2, $0x2002, v1;
	v0 =	vsel vm3, $0x1383, v0  }
0x117: {  	v2 =	vsel vm2, $0x2082, v2;
	v1 =	vsel vm3, $0x2083, v1;
	v0 =	vsel vm4, $0x2004, v0  }
0x118: {  	v2 =	vsel vm3, $0x2103, v2;
	v1 =	vsel vm4, $0x2104, v1;
	v0 =	vsel vm5, $0x2085, v0  }
0x119: {  	v2 =	vsel vm4, $0x2184, v2;
	v1 =	vsel vm5, $0x2185, v1;
	v0 =	vsel vm6, $0x2106, v0  }
0x11a: {  	v2 =	vsel vm5, $0x2205, v2;
	v1 =	vsel vm6, $0x2206, v1;
	v0 =	vsel vm7, $0x2187, v0  }
0x11b: {  	v2 =	vsel vm6, $0x2286, v2;
	v1 =	vsel vm7, $0x2287, v1;
	v0 =	vsel vm8, $0x2200, v0  }
0x11c: {  	v2 =	vsel vm7, $0x2307, v2;
	v1 =	vsel vm8, $0x2300, v1;
	v0 =	vsel vm9, $0x2281, v0  }
0x11d: {  	v2 =	vsel vm8, $0x2380, v2;
	v1 =	vsel vm9, $0x2381, v1;
	v0 =	vsel vm10, $0x2302, v0  }
0x11e: {  	v2 =	vsel vm9, $0x3001, v2;
	v1 =	vsel vm10, $0x3002, v1;
	v0 =	vsel vm11, $0x2383, v0  }
0x11f: {  	v2 =	vsel vm10, $0x3082, v2;
	v1 =	vsel vm11, $0x3083, v1;
	v0 =	vsel vm12, $0x3004, v0  }
0x120: {  	v2 =	vsel vm11, $0x3103, v2;
	v1 =	vsel vm12, $0x3104, v1;
	v0 =	vsel vm13, $0x3085, v0  }
0x121: {  	v51 =	vsel vm12, $0x3184, v2;
	v47 =	vsel vm13, $0x3185, v1;
	v0 =	vsel vm14, $0x3106, v0  }
0x122: {  	v53 =	vimm.s32 $0x3387;
	v52 =	vsel vm13, $0x3205, v51;
	[tilespmem:$0x1FB60] =	vst v0;
	v0 =	vsel vm14, $0x3206, v47  }
0x123: {  	v55 =	vimm.s32 $0x87;
	v54 =	vsel vm0, $0x2000, v53;
	[tilespmem:$0x1FB70] =	vst v0;
	v0 =	vsel vm14, $0x3286, v52  }
0x124: {  	v57 =	vimm.s32 $0x107;
	v1 =	vsel vm0, $0x2100, v55;
	[tilespmem:$0x1FB80] =	vst v0;
	v0 =	vsel vm1, $0x2081, v54  }
0x125: {  	v2 =	vsel vm0, $0x2180, v57;
	v1 =	vsel vm1, $0x2181, v1;
	v0 =	vsel vm2, $0x2102, v0  }
0x126: {  	v2 =	vsel vm1, $0x2201, v2;
	v1 =	vsel vm2, $0x2202, v1;
	v0 =	vsel vm3, $0x2183, v0  }
0x127: {  	v2 =	vsel vm2, $0x2282, v2;
	v1 =	vsel vm3, $0x2283, v1;
	v0 =	vsel vm4, $0x2204, v0  }
0x128: {  	v2 =	vsel vm3, $0x2303, v2;
	v1 =	vsel vm4, $0x2304, v1;
	v0 =	vsel vm5, $0x2285, v0  }
0x129: {  	v2 =	vsel vm4, $0x2384, v2;
	v1 =	vsel vm5, $0x2385, v1;
	v0 =	vsel vm6, $0x2306, v0  }
0x12a: {  	v2 =	vsel vm5, $0x3005, v2;
	v1 =	vsel vm6, $0x3006, v1;
	v0 =	vsel vm7, $0x2387, v0  }
0x12b: {  	v2 =	vsel vm6, $0x3086, v2;
	v1 =	vsel vm7, $0x3087, v1;
	v0 =	vsel vm8, $0x3000, v0  }
0x12c: {  	v2 =	vsel vm7, $0x3107, v2;
	v1 =	vsel vm8, $0x3100, v1;
	v0 =	vsel vm9, $0x3081, v0  }
0x12d: {  	v2 =	vsel vm8, $0x3180, v2;
	v1 =	vsel vm9, $0x3181, v1;
	v0 =	vsel vm10, $0x3102, v0  }
0x12e: {  	v2 =	vsel vm9, $0x3201, v2;
	v1 =	vsel vm10, $0x3202, v1;
	v0 =	vsel vm11, $0x3183, v0  }
0x12f: {  	v2 =	vsel vm10, $0x3282, v2;
	v1 =	vsel vm11, $0x3283, v1;
	v0 =	vsel vm12, $0x3204, v0  }
0x130: {  	v2 =	vsel vm11, $0x3303, v2;
	v1 =	vsel vm12, $0x3304, v1;
	v0 =	vsel vm13, $0x3285, v0  }
0x131: {  	v60 =	vsel vm12, $0x3384, v2;
	v58 =	vsel vm13, $0x3385, v1;
	v0 =	vsel vm14, $0x3306, v0  }
0x132: {  	v63 =	vimm.s32 $0x187;
	v62 =	vsel vm13, $0x5, v60;
	[tilespmem:$0x1FB90] =	vst v0;
	v0 =	vsel vm14, $0x6, v58  }
0x133: {  	v5 =	vimm.s32 $0x207;
	v4 =	vsel vm0, $0x2200, v63;
	[tilespmem:$0x1FBA0] =	vst v0;
	v0 =	vsel vm14, $0x86, v62  }
0x134: {  	v6 =	vimm.s32 $0x287;
	v1 =	vsel vm0, $0x2280, v5;
	[tilespmem:$0x1FBB0] =	vst v0;
	v0 =	vsel vm1, $0x2281, v4  }
0x135: {  	v2 =	vsel vm0, $0x2300, v6;
	v1 =	vsel vm1, $0x2301, v1;
	v0 =	vsel vm2, $0x2302, v0  }
0x136: {  	v2 =	vsel vm1, $0x2381, v2;
	v1 =	vsel vm2, $0x2382, v1;
	v0 =	vsel vm3, $0x2383, v0  }
0x137: {  	v2 =	vsel vm2, $0x3002, v2;
	v1 =	vsel vm3, $0x3003, v1;
	v0 =	vsel vm4, $0x3004, v0  }
0x138: {  	v2 =	vsel vm3, $0x3083, v2;
	v1 =	vsel vm4, $0x3084, v1;
	v0 =	vsel vm5, $0x3085, v0  }
0x139: {  	v2 =	vsel vm4, $0x3104, v2;
	v1 =	vsel vm5, $0x3105, v1;
	v0 =	vsel vm6, $0x3106, v0  }
0x13a: {  	v2 =	vsel vm5, $0x3185, v2;
	v1 =	vsel vm6, $0x3186, v1;
	v0 =	vsel vm7, $0x3187, v0  }
0x13b: {  	v2 =	vsel vm6, $0x3206, v2;
	v1 =	vsel vm7, $0x3207, v1;
	v0 =	vsel vm8, $0x3200, v0  }
0x13c: {  	v2 =	vsel vm7, $0x3287, v2;
	v1 =	vsel vm8, $0x3280, v1;
	v0 =	vsel vm9, $0x3281, v0  }
0x13d: {  	v2 =	vsel vm8, $0x3300, v2;
	v1 =	vsel vm9, $0x3301, v1;
	v0 =	vsel vm10, $0x3302, v0  }
0x13e: {  	v2 =	vsel vm9, $0x3381, v2;
	v1 =	vsel vm10, $0x3382, v1;
	v0 =	vsel vm11, $0x3383, v0  }
0x13f: {  	v2 =	vsel vm10, $0x2, v2;
	v1 =	vsel vm11, $0x3, v1;
	v0 =	vsel vm12, $0x4, v0  }
0x140: {  	v2 =	vsel vm11, $0x83, v2;
	v1 =	vsel vm12, $0x84, v1;
	v0 =	vsel vm13, $0x85, v0  }
0x141: {  	v36 =	vsel vm12, $0x104, v2;
	v7 =	vsel vm13, $0x105, v1;
	v0 =	vsel vm14, $0x106, v0  }
0x142: {  	v51 =	vimm.s32 $0x307;
	v47 =	vsel vm13, $0x185, v36;
	[tilespmem:$0x1FBC0] =	vst v0;
	v0 =	vsel vm14, $0x186, v7  }
0x143: {  	v52 =	vsel vm0, $0x2380, v51;
	[tilespmem:$0x1FBD0] =	vst v0;
	v0 =	vsel vm14, $0x206, v47  }
0x144: {  	[tilespmem:$0x1FBE0] =	vst v0;
	v0 =	vsel vm1, $0x3001, v52  }
0x145: {  	v0 =	vsel vm2, $0x3082, v0  }
0x146: {  	v0 =	vsel vm3, $0x3103, v0  }
0x147: {  	v0 =	vsel vm4, $0x3184, v0  }
0x148: {  	v0 =	vsel vm5, $0x3205, v0  }
0x149: {  	v0 =	vsel vm6, $0x3286, v0  }
0x14a: {  	v0 =	vsel vm7, $0x3307, v0  }
0x14b: {  	v0 =	vsel vm8, $0x3380, v0  }
0x14c: {  	v0 =	vsel vm9, $0x1, v0  }
0x14d: {  	[tilespmem:$0x1F9A0] =	vst v14;
	v0 =	vsel vm10, $0x82, v0  }
0x14e: {  	s1 =	srdreg.scid;
	s4 =	stileid.u32;
	[tilespmem:$0x1FA20] =	vst v16;
	v0 =	vsel vm11, $0x103, v0  }
0x14f: {  	s0 =	rddreg [dreg:$0x0];
	s1 =	sand.u32 $0x1, s1;
	s4 =	sshll.u32 s4, $0x1;
	[tilespmem:$0x1FA60] =	vst v15;
	v0 =	vsel vm12, $0x184, v0  }
0x150: {  	s23 =	ssub.s32 $0x2, s1;
	s4 =	sor.u32 s1, s4;
	s1 =	smul.u32 $0xF4240, s1;
	[tilespmem:$0x1F9F0] =	vst v9;
	v0 =	vsel vm13, $0x205, v0  }
0x151: {  	s9 =	rddreg [dreg:$0x1];
	s3 =	simm.s32 $0x0;
	[tilespmem:$0x1FA30] =	vst v10;
	v60 =	vimm.s32 $0x1087;
	v0 =	vsel vm14, $0x286, v0  }
0x152: {  	[smem:$0x7FF] =	sst s3;
	v62 =	vsel vm0, $0x3100, v60;
	v60 =	vmov s1;
	[tilespmem:$0x1FBF0] =	vst v0  }
0x153: {  	s2 =	rddreg [dreg:$0x2];
	_ =	strace $0x80000047;
	[tilespmem:$0x1FC10] =	vst v60  }
0x154: {  	[tilespmem:$0x1FCB0] =	vst v49  }
0x155: {  	v53 =	vimm.s32 $0x387;
	[tilespmem:$0x1FCC0] =	vst v17  }
0x156: {  	v1 =	vsel vm0, $0x3000, v53;
	[tilespmem:$0x1FCD0] =	vst v33  }
0x157: {  	v1 =	vsel vm1, $0x3081, v1;
	[tilespmem:$0x1FCE0] =	vst v19  }
0x158: {  	v54 =	vimm.s32 $0x1007;
	v1 =	vsel vm2, $0x3102, v1;
	[tilespmem:$0x1FCF0] =	vst v20  }
0x159: {  	v2 =	vsel vm0, $0x3080, v54;
	v1 =	vsel vm3, $0x3183, v1;
	[tilespmem:$0x1FD00] =	vst v21  }
0x15a: {  	v2 =	vsel vm1, $0x3101, v2;
	v1 =	vsel vm4, $0x3204, v1;
	[tilespmem:$0x1FD10] =	vst v22  }
0x15b: {  	v2 =	vsel vm2, $0x3182, v2;
	v1 =	vsel vm5, $0x3285, v1;
	[tilespmem:$0x1FD20] =	vst v23  }
0x15c: {  	v2 =	vsel vm3, $0x3203, v2;
	v1 =	vsel vm6, $0x3306, v1;
	[tilespmem:$0x1FD30] =	vst v29  }
0x15d: {  	v2 =	vsel vm4, $0x3284, v2;
	v1 =	vsel vm7, $0x3387, v1;
	[tilespmem:$0x1FD40] =	vst v30  }
0x15e: {  	v2 =	vsel vm5, $0x3305, v2;
	v1 =	vsel vm8, $0x0, v1;
	[tilespmem:$0x1FD50] =	vst v24  }
0x15f: {  	v2 =	vsel vm6, $0x3386, v2;
	v1 =	vsel vm9, $0x81, v1;
	[tilespmem:$0x1FD60] =	vst v25  }
0x160: {  	v2 =	vsel vm7, $0x7, v2;
	v1 =	vsel vm10, $0x102, v1;
	[tilespmem:$0x1FD70] =	vst v26  }
0x161: {  	v2 =	vsel vm8, $0x80, v2;
	v1 =	vsel vm11, $0x183, v1;
	[tilespmem:$0x1FD80] =	vst v27  }
0x162: {  	v63 =	vimm.s32 $0x1107;
	v2 =	vsel vm9, $0x101, v2;
	v1 =	vsel vm12, $0x204, v1;
	[tilespmem:$0x1FD90] =	vst v45  }
0x163: {  	v2 =	vsel vm10, $0x182, v2;
	v55 =	vsel vm13, $0x285, v1;
	v1 =	vsel vm0, $0x3180, v63;
	[tilespmem:$0x1FDA0] =	vst v34  }
0x164: {  	v6 =	vimm.s32 $0x1187;
	v2 =	vsel vm11, $0x203, v2;
	v1 =	vsel vm1, $0x3201, v1;
	[tilespmem:$0x1FDB0] =	vst v46  }
0x165: {  	v57 =	vsel vm12, $0x284, v2;
	v2 =	vsel vm0, $0x3200, v6;
	v1 =	vsel vm2, $0x3282, v1;
	[tilespmem:$0x1FDC0] =	vst v50  }
0x166: {  	v2 =	vsel vm1, $0x3281, v2;
	v1 =	vsel vm3, $0x3303, v1;
	[tilespmem:$0x1FDD0] =	vst v39  }
0x167: {  	v2 =	vsel vm2, $0x3302, v2;
	v1 =	vsel vm4, $0x3384, v1;
	[tilespmem:$0x1FDE0] =	vst v44  }
0x168: {  	v2 =	vsel vm3, $0x3383, v2;
	v1 =	vsel vm5, $0x5, v1;
	[tilespmem:$0x1FDF0] =	vst v32  }
0x169: {  	v2 =	vsel vm4, $0x4, v2;
	v1 =	vsel vm6, $0x86, v1;
	[tilespmem:$0x1FE00] =	vst v41  }
0x16a: {  	v2 =	vsel vm5, $0x85, v2;
	v1 =	vsel vm7, $0x107, v1;
	[tilespmem:$0x1FE10] =	vst v43  }
0x16b: {  	v2 =	vsel vm6, $0x106, v2;
	v1 =	vsel vm8, $0x180, v1;
	[tilespmem:$0x1FE20] =	vst v35  }
0x16c: {  	v51 =	vimm.s32 $0x1207;
	v2 =	vsel vm7, $0x187, v2;
	v1 =	vsel vm9, $0x201, v1;
	[tilespmem:$0x1FE30] =	vst v31  }
0x16d: {  	v54 =	vimm.s32 $0x1307;
	v2 =	vsel vm8, $0x200, v2;
	v1 =	vsel vm10, $0x282, v1;
	[tilespmem:$0x1FE40] =	vst v48  }
0x16e: {  	v53 =	vimm.s32 $0x1287;
	v2 =	vsel vm9, $0x281, v2;
	v1 =	vsel vm11, $0x303, v1;
	[tilespmem:$0x1FE50] =	vst v42  }
0x16f: {  	v58 =	vsel vm13, $0x305, v57;
	v2 =	vsel vm10, $0x302, v2;
	v1 =	vsel vm12, $0x384, v1;
	[tilespmem:$0x1FE60] =	vst v40  }
0x170: {  	v2 =	vsel vm11, $0x383, v2;
	v7 =	vsel vm13, $0x1005, v1;
	v1 =	vsel vm0, $0x3300, v53;
	[tilespmem:$0x1FE70] =	vst v37  }
0x171: {  	v36 =	vsel vm12, $0x1004, v2;
	v2 =	vsel vm0, $0x3380, v54;
	v1 =	vsel vm1, $0x3381, v1;
	[tilespmem:$0x1FE80] =	vst v11  }
0x172: {  	v4 =	vsel vm14, $0x306, v55;
	v2 =	vsel vm1, $0x1, v2;
	v1 =	vsel vm2, $0x2, v1;
	[tilespmem:$0x1FE90] =	vst v59  }
0x173: {  	v5 =	vsel vm14, $0x386, v58;
	v2 =	vsel vm2, $0x82, v2;
	v1 =	vsel vm3, $0x83, v1;
	[tilespmem:$0x1FEA0] =	vst v4  }
0x174: {  	v47 =	vsel vm13, $0x1085, v36;
	v7 =	vsel vm14, $0x1086, v7;
	v1 =	vsel vm4, $0x104, v1;
	[tilespmem:$0x1FEB0] =	vst v5  }
0x175: {  	v8 =	vsel vm14, $0x1106, v47;
	v1 =	vsel vm5, $0x185, v1;
	v0 =	vsel vm1, $0x3181, v62;
	[tilespmem:$0x1FED0] =	vst v7  }
0x176: {  	v2 =	vsel vm3, $0x103, v2;
	v1 =	vsel vm6, $0x206, v1;
	v0 =	vsel vm2, $0x3202, v0;
	[tilespmem:$0x1FEE0] =	vst v8  }
0x177: {  	v2 =	vsel vm4, $0x184, v2;
	v1 =	vsel vm7, $0x287, v1;
	[tilespmem:$0x1FF10] =	vst v38;
	v0 =	vsel vm3, $0x3283, v0  }
0x178: {  	v2 =	vsel vm5, $0x205, v2;
	v1 =	vsel vm8, $0x300, v1;
	[tilespmem:$0x1FF20] =	vst v61;
	v0 =	vsel vm4, $0x3304, v0  }
0x179: {  	v2 =	vsel vm6, $0x286, v2;
	v1 =	vsel vm9, $0x381, v1;
	[tilespmem:$0x1FFA0] =	vst v18;
	v0 =	vsel vm5, $0x3385, v0  }
0x17a: {  	v52 =	vsel vm0, $0x3280, v51;
	v1 =	vsel vm10, $0x1002, v1;
	[tilespmem:$0x1FFB0] =	vst v28;
	v0 =	vsel vm6, $0x6, v0  }
0x17b: {  	v2 =	vsel vm7, $0x307, v2;
	[tilespmem:$0x1FFC0] =	vst v13;
	v1 =	vsel vm11, $0x1083, v1;
	v0 =	vsel vm7, $0x87, v0  }
0x17c: {  	v2 =	vsel vm8, $0x380, v2;
	[tilespmem:$0x1FFD0] =	vst v3;
	v1 =	vsel vm12, $0x1104, v1;
	v0 =	vsel vm8, $0x100, v0  }
0x17d: {  	[tilespmem:$0x1FFE0] =	vst v12;
	v55 =	vsel vm13, $0x1185, v1;
	v1 =	vlaneseq.u32;
	v0 =	vsel vm9, $0x181, v0  }
0x17e: {  	v2 =	vsel vm9, $0x1001, v2;
	[tilespmem:$0x1FFF0] =	vst v56;
	v62 =	vadd.s32 $0x1, v1;
	v0 =	vsel vm10, $0x202, v0  }
0x17f: {  	v2 =	vsel vm10, $0x1082, v2;
	v63 =	vadd.s32 $0x2, v1;
	[tilespmem:$0x1FC20] =	vst v62;
	v0 =	vsel vm11, $0x283, v0  }
0x180: {  	v2 =	vsel vm11, $0x1103, v2;
	v51 =	vadd.s32 $0x8, v1;
	[tilespmem:$0x1FC30] =	vst v63;
	v0 =	vsel vm12, $0x304, v0  }
0x181: {  	v57 =	vsel vm12, $0x1184, v2;
	v53 =	vadd.s32 $0xC, v1;
	[tilespmem:$0x1FC40] =	vst v51;
	v0 =	vsel vm13, $0x385, v0  }
0x182: {  	v54 =	vadd.s32 $0xD, v1;
	[tilespmem:$0x1FC60] =	vst v53;
	v6 =	vsel vm14, $0x1006, v0;
	v0 =	vsel vm1, $0x3301, v52  }
0x183: {  	v58 =	vsel vm13, $0x1205, v57;
	v57 =	vadd.s32 $0xE, v1;
	[tilespmem:$0x1FC70] =	vst v54;
	v0 =	vsel vm2, $0x3382, v0  }
0x184: {  	v10 =	vsel vm14, $0x1206, v55;
	[tilespmem:$0x1FC80] =	vst v57;
	v0 =	vsel vm3, $0x3, v0  }
0x185: {  	v36 =	vadd.s32 $0x3, v1;
	[tilespmem:$0x1FF00] =	vst v10;
	v0 =	vsel vm4, $0x84, v0  }
0x186: {  	s17 =	simm.s32 $0x8;
	s18 =	simm.s32 $0x6400;
	v60 =	vadd.s32 $0x5, v1;
	[tilespmem:$0x1FF30] =	vst v36;
	v0 =	vsel vm5, $0x105, v0  }
0x187: {  	s19 =	simm.s32 $0x7;
	s21 =	simm.s32 $0x80;
	s22 =	simm.s32 $0xCC00;
	v15 =	vadd.s32 $0x6, v1;
	[tilespmem:$0x1FF50] =	vst v60;
	v0 =	vsel vm6, $0x186, v0  }
0x188: {  	s30 =	simm.s32 $0xCA00;
	s31 =	simm.s32 $0x1;
	s10 =	simm.s32 $0x10C00;
	v16 =	vadd.s32 $0x7, v1;
	[tilespmem:$0x1FF60] =	vst v15;
	v0 =	vsel vm7, $0x207, v0  }
0x189: {  	s16 =	simm.s32 $0x12C00;
	s28 =	simm.s32 $0x20000;
	s20 =	simm.s32 $0x18C00;
	v47 =	vadd.s32 $0x9, v1;
	[tilespmem:$0x1FF70] =	vst v16;
	v0 =	vsel vm8, $0x280, v0  }
0x18a: {  	s29 =	simm.s32 $0x2;
	s5 =	sadd.s32 $0x200, s0;
	s6 =	sadd.s32 $0x3D0C00, s0;
	v55 =	vadd.s32 $0xA, v1;
	[tilespmem:$0x1FF80] =	vst v47;
	v0 =	vsel vm9, $0x301, v0  }
0x18b: {  	s13 =	sadd.s32 $0x10000, s9;
	s9 =	simm.s32 $0x0;
	s24 =	sshrl.u32 s23, $0x1;
	v62 =	vadd.s32 $0xF, v1;
	[tilespmem:$0x1FF90] =	vst v55;
	v0 =	vsel vm10, $0x382, v0  }
0x18c: {  	s8 =	sshll.u32 s4, $0x6;
	s7 =	sshll.u32 s4, $0x9;
	s0 =	ssub.s32 s23, s24;
	v63 =	vor.u32 $0x10, v1;
	[tilespmem:$0x1FC90] =	vst v62;
	v0 =	vsel vm11, $0x1003, v0  }
0x18d: {  	s25 =	sadd.s32 s6, s8;
	s11 =	sor.u32 $0x8000, s7;
	[dreg:$0x4] =	wrdreg s5;
	[tilespmem:$0x1FCA0] =	vst v63;
	v52 =	vadd.s32 $0xB, v1;
	v0 =	vsel vm12, $0x1084, v0  }
0x18e: {  	s26 =	sor.u32 $0xC000, s7;
	s4 =	sadd.s32 $0x800, s25;
	[dreg:$0x5] =	wrdreg s25;
	[tilespmem:$0x1FC50] =	vst v52;
	v0 =	vsel vm13, $0x1105, v0  }
0x18f: {  	s15 =	smov.u32 s1;
	s23 =	simm.s32 $0xCB80;
	[dreg:$0x6] =	wrdreg s4;
	[tilespmem:$0x1FEC0] =	vst v6;
	v9 =	vsel vm14, $0x1186, v0;
	v0 =	vsel vm14, $0x1286, v58  }
0x190: {  	s24 =	simm.s32 $0x13C00;
	s0 =	smax.u32 s0, $0x1;
	[dreg:$0x7] =	wrdreg s26;
	[tilespmem:$0x1FC00] =	vst v0  }
0x191: {  	s1 =	simm.s32 $0x4;
	[dreg:$0x8] =	wrdreg s0;
	s25 =	simm.s32 $0x14C00;
	v27 =	vmov v34;
	v34 =	vmov v35;
	v58 =	vadd.s32 $0x4, v1;
	[tilespmem:$0x1FEF0] =	vst v9  }
0x192: {  	s26 =	simm.s32 $0x1000;
	s0 =	simm.s32 $0x5;
	s4 =	simm.s32 $0x3;
	v30 =	vmovc v36;
	v51 =	vmovc v39;
	v53 =	vmov v32;
	v57 =	vmov v43;
	v52 =	vmov v44;
	[tilespmem:$0x1FF40] =	vst v58  }
.LBB2_1:
.Ltmp0:
0x193: {  	(pc) =	sbr.rel .LBB2_2-.Ltmp0, $2  }
0x194: {  	_ =	sdelay $0x2  }
0x195: {  	[dreg:$0x9] =	wrdreg s9;
	s5 =	simm.s32 $0x0  }
.LBB2_6:
0x196: {  	s5 =	sadd.s32 $0x1, s5  }
0x197: {  	p0 =	sne.s32 s5, $0x4F  }
.Ltmp1:
0x198: {  	_ = 	snop;
	(pc) =	sbr.rel @!p0 .LBB2_7-.Ltmp1, $1  }
0x199: {  	_ =	sdelay $0x3  }
.LBB2_2:
0x19a: {  	s8 =	sshll.u32 s5, $0x4;
	s9 =	stileid.u32  }
0x19b: {  	s8 =	sor.u32 s9, s8  }
0x19c: {  	p0 =	sgt.u32 s8, $0x4E1  }
.Ltmp2:
0x19d: {  	_ = 	snop;
	(pc) =	sbr.rel @p0 .LBB2_6-.Ltmp2, $1  }
0x19e: {  	_ =	sdelay $0x3  }
0x19f: {  	s9 =	smul.u32 $0x320, s8  }
0x1a0: {  	s12 =	simm.s32 $0x0;
	v41 =	vlaneseq.u32  }
0x1a1: {  	v1 =	vor.u32 s12, v41;
	s12 =	rddreg [dreg:$0x4];
	s14 =	sshrl.u32 s9, $0x3  }
0x1a2: {  	s8 =	sadd.s32 s12, s14;
	s12 =	simm.s32 $0x320;
	s14 =	simm.s32 $0xF4240  }
0x1a3: {  	v0 =	vand.u32 $0x3E8, v1;
	[tilespmem:s3], [sflag:$0x8] =	stream.strided.gather [hbm4b:s8+s12], $0x6400, s14, s12, $0x38;
	[tilespmem:$0x1CC00] =	vst v63  }
0x1a4: {  	v39 =	vld [tilespmem:$0x1FCC0];
	v4 =	vadd.s32 v45, v0;
	_ =	swait.ge [sflag:s17], $0x6400  }
0x1a5: {  	v56 =	vld [tilespmem:$0x1FD60];
	_ =	sdelay $0x1  }
0x1a6: {  	[sflag:s17] =	ssyncset.done $0x0;
	v21 =	vld [tilespmem:$0x1FCD0]  }
0x1a7: {  	v2 =	vadd.s32 v49, v0;
	v36 =	vld [tilespmem:$0x1FCF0];
	[sflag:s17] =	ssyncadd.s32 $0xFFFF9C00  }
0x1a8: {  	v3 =	vadd.s32 v39, v0;
	v4 =	vld.idx.msk [tilespmem:v4+s3+$0x0], $0xffff  }
0x1a9: {  	v43 =	vld [tilespmem:$0x1FD40];
	v5 =	vadd.s32 v56, v0  }
0x1aa: {  	v62 =	vld [tilespmem:$0x1FD00]  }
0x1ab: {  	v38 =	vld [tilespmem:$0x1FD50]  }
0x1ac: {  	v8 =	vld.idx.msk [tilespmem:v2+s3+$0x0], $0xffff  }
0x1ad: {  	v9 =	vld.idx.msk [tilespmem:v3+s3+$0x0], $0xffff;
	[tilespmem:$0x1F8F0] =	vst v4  }
0x1ae: {  	v4 =	vld.idx.msk [tilespmem:v5+s3+$0x0], $0xffff  }
0x1af: {  	v63 =	vld [tilespmem:$0x1FD30];
	v2 =	vadd.s32 v43, v0  }
0x1b0: {  	v26 =	vld [tilespmem:$0x1FD20]  }
0x1b1: {  	v29 =	vld [tilespmem:$0x1FD10]  }
0x1b2: {  	v32 =	vld [tilespmem:$0x1FD80];
	v6 =	vadd.s32 v21, v0  }
0x1b3: {  	v35 =	vld [tilespmem:$0x1FC20];
	v7 =	vadd.s32 v36, v0;
	[tilespmem:$0x1F8E0] =	vst v4  }
0x1b4: {  	v22 =	vld.idx.msk [tilespmem:v2+s3+$0x0], $0xffff;
	v2 =	vadd.s32 v27, v0  }
0x1b5: {  	v25 =	vld [tilespmem:$0x1FA30]  }
0x1b6: {  	v3 =	vadd.s32 v62, v0;
	v4 =	vld [tilespmem:$0x1FD70]  }
0x1b7: {  	v10 =	vadd.s32 v38, v0;
	v6 =	vld.idx.msk [tilespmem:v6+s3+$0x0], $0xffff  }
0x1b8: {  	v5 =	vadd.s32 v63, v0;
	v7 =	vld.idx.msk [tilespmem:v7+s3+$0x0], $0xffff  }
0x1b9: {  	v12 =	vadd.s32 v19, v0;
	v50 =	vld.idx.msk [tilespmem:v2+s3+$0x0], $0xffff  }
0x1ba: {  	v13 =	vadd.s32 v26, v0;
	v2 =	vld [tilespmem:$0x1FA20]  }
0x1bb: {  	v37 =	vmov v11;
	v11 =	vld.idx.msk [tilespmem:v3+s3+$0x0], $0xffff  }
0x1bc: {  	v10 =	vld.idx.msk [tilespmem:v10+s3+$0x0], $0xffff  }
0x1bd: {  	v17 =	vld.idx.msk [tilespmem:v5+s3+$0x0], $0xffff  }
0x1be: {  	v12 =	vld.idx.msk [tilespmem:v12+s3+$0x0], $0xffff  }
0x1bf: {  	v13 =	vld.idx.msk [tilespmem:v13+s3+$0x0], $0xffff;
	v2 =	vsel vm15, v2, v25  }
0x1c0: {  	[tilespmem:$0x1F910] =	vst v2;
	v2 =	vld [tilespmem:$0x1FC30]  }
0x1c1: {  	v42 =	vmov v16;
	v16 =	vadd.s32 v29, v0  }
0x1c2: {  	v1 =	vshll.u32 v1, $0x5;
	v5 =	vadd.s32 v32, v0  }
0x1c3: {  	v59 =	vmov v19;
	v20 =	vor.u32 v41, v1;
	v19 =	vadd.s32 v4, v0  }
0x1c4: {  	v23 =	vor.u32 v35, v1  }
0x1c5: {  	v25 =	vor.u32 v2, v1  }
0x1c6: {  	v16 =	vld.idx.msk [tilespmem:v16+s3+$0x0], $0xffff  }
0x1c7: {  	v28 =	vld.idx.msk [tilespmem:v5+s3+$0x0], $0xffff  }
0x1c8: {  	v19 =	vld.idx.msk [tilespmem:v19+s3+$0x0], $0xffff;
	[tilespmem:v20+s18+$0x0] =	vst.idx.msk $0xffff, v8  }
0x1c9: {  	s14 =	simm.s32 $0x10;
	[tilespmem:v23+s18+$0x0] =	vst.idx.msk $0xffff, v9  }
0x1ca: {  	v18 =	vor.u32 s14, v41;
	[tilespmem:v25+s18+$0x0] =	vst.idx.msk $0xffff, v6  }
0x1cb: {  	v3 =	vand.u32 $0x3F8, v18;
	v25 =	vld [tilespmem:$0x1F9F0]  }
0x1cc: {  	v61 =	vmov v58;
	v31 =	vor.u32 v58, v1;
	v21 =	vadd.s32 v21, v3;
	v58 =	vld [tilespmem:$0x1FA10]  }
0x1cd: {  	v24 =	vadd.s32 v49, v3  }
0x1ce: {  	v5 =	vor.u32 v30, v1;
	_ =	sdelay $0x2  }
0x1cf: {  	v20 =	vld.idx.msk [tilespmem:v21+s3+$0x0], $0xffff;
	v21 =	vadd.s32 v4, v3;
	v4 =	vsel vm15, v58, v25  }
0x1d0: {  	v23 =	vld.idx.msk [tilespmem:v24+s3+$0x0], $0xffff;
	[tilespmem:$0x1F900] =	vst v4  }
0x1d1: {  	v27 =	vadd.s32 v27, v3;
	[tilespmem:v5+s18+$0x0] =	vst.idx.msk $0xffff, v12  }
0x1d2: {  	v44 =	vmovc v15;
	v15 =	vmov v30;
	v30 =	vadd.s32 v45, v3;
	v8 =	vor.u32 v60, v1;
	v54 =	vld [tilespmem:$0x1FC40]  }
0x1d3: {  	v32 =	vadd.s32 v32, v3  }
0x1d4: {  	v9 =	vor.u32 v44, v1  }
0x1d5: {  	v33 =	vadd.s32 v38, v3  }
0x1d6: {  	v24 =	vadd.s32 v56, v3;
	v6 =	vor.u32 v42, v1;
	v56 =	vld.idx.msk [tilespmem:v27+s3+$0x0], $0xffff;
	[tilespmem:v31+s18+$0x0] =	vst.idx.msk $0xffff, v7  }
0x1d7: {  	v4 =	vadd.s32 v48, v3;
	v38 =	vld.idx.msk [tilespmem:v30+s3+$0x0], $0xffff;
	[tilespmem:v8+s18+$0x0] =	vst.idx.msk $0xffff, v11;
	v12 =	vor.u32 v54, v1  }
0x1d8: {  	v32 =	vld.idx.msk [tilespmem:v32+s3+$0x0], $0xffff;
	v7 =	vor.u32 v47, v1;
	[tilespmem:$0x1F920] =	vst v4  }
0x1d9: {  	v8 =	vor.u32 v55, v1;
	[tilespmem:v9+s18+$0x0] =	vst.idx.msk $0xffff, v16  }
0x1da: {  	v27 =	vadd.s32 v43, v3;
	v43 =	vld [tilespmem:$0x1FC50]  }
0x1db: {  	[tilespmem:v6+s18+$0x0] =	vst.idx.msk $0xffff, v13  }
0x1dc: {  	v31 =	vadd.s32 v63, v3;
	v63 =	vld [tilespmem:$0x1FC60];
	[tilespmem:v12+s18+$0x0] =	vst.idx.msk $0xffff, v17  }
0x1dd: {  	v5 =	vld [tilespmem:$0x1FC70];
	[tilespmem:v7+s18+$0x0] =	vst.idx.msk $0xffff, v22  }
0x1de: {  	v17 =	vadd.s32 v59, v3;
	v59 =	vld [tilespmem:$0x1FC80];
	[tilespmem:v8+s18+$0x0] =	vst.idx.msk $0xffff, v10  }
0x1df: {  	v16 =	vor.u32 v43, v1;
	v4 =	vld [tilespmem:$0x1F8E0];
	_ =	sdelay $0x1  }
0x1e0: {  	v13 =	vor.u32 v63, v1  }
0x1e1: {  	v12 =	vor.u32 v5, v1  }
0x1e2: {  	v30 =	vld.idx.msk [tilespmem:v21+s3+$0x0], $0xffff  }
0x1e3: {  	v14 =	vadd.s32 v36, v3;
	v36 =	vld [tilespmem:$0x1FC90];
	[tilespmem:v16+s18+$0x0] =	vst.idx.msk $0xffff, v4  }
0x1e4: {  	v11 =	vld [tilespmem:$0x1F9C0]  }
0x1e5: {  	v26 =	vadd.s32 v26, v3;
	v16 =	vld [tilespmem:$0x1F9D0];
	[tilespmem:v13+s18+$0x0] =	vst.idx.msk $0xffff, v19  }
0x1e6: {  	v29 =	vadd.s32 v29, v3;
	v9 =	vshll.u32 v18, $0x5;
	v25 =	vld [tilespmem:$0x1FDC0];
	[tilespmem:v12+s18+$0x0] =	vst.idx.msk $0xffff, v28  }
0x1e7: {  	v21 =	vadd.s32 v39, v3;
	v7 =	vor.u32 v59, v1;
	v12 =	vor.u32 v2, v9;
	v2 =	vld [tilespmem:$0x1F8F0]  }
0x1e8: {  	v24 =	vld.idx.msk [tilespmem:v24+s3+$0x0], $0xffff  }
0x1e9: {  	v18 =	vld.idx.msk [tilespmem:v33+s3+$0x0], $0xffff  }
0x1ea: {  	v26 =	vld.idx.msk [tilespmem:v26+s3+$0x0], $0xffff  }
0x1eb: {  	v29 =	vld.idx.msk [tilespmem:v29+s3+$0x0], $0xffff  }
0x1ec: {  	v8 =	vor.u32 v36, v1;
	v11 =	vsel vm15, v16, v11;
	v16 =	vld.idx.msk [tilespmem:v21+s3+$0x0], $0xffff;
	[tilespmem:v7+s18+$0x0] =	vst.idx.msk $0xffff, v2  }
0x1ed: {  	v10 =	vadd.s32 v62, v3;
	v21 =	vor.u32 v41, v9;
	v41 =	vld [tilespmem:$0x1FE70]  }
0x1ee: {  	v14 =	vld.idx.msk [tilespmem:v14+s3+$0x0], $0xffff;
	v13 =	vor.u32 v35, v9  }
0x1ef: {  	v27 =	vld.idx.msk [tilespmem:v27+s3+$0x0], $0xffff  }
0x1f0: {  	v17 =	vld.idx.msk [tilespmem:v17+s3+$0x0], $0xffff;
	v4 =	vor.u32 v15, v9  }
0x1f1: {  	v31 =	vld.idx.msk [tilespmem:v31+s3+$0x0], $0xffff;
	[tilespmem:v8+s18+$0x0] =	vst.idx.msk $0xffff, v50  }
0x1f2: {  	v10 =	vld.idx.msk [tilespmem:v10+s3+$0x0], $0xffff;
	v8 =	vor.u32 v61, v9;
	[tilespmem:v21+s18+$0x0] =	vst.idx.msk $0xffff, v23;
	v7 =	vadd.s32 v41, v0  }
0x1f3: {  	v21 =	vor.u32 v60, v9;
	[tilespmem:v13+s18+$0x0] =	vst.idx.msk $0xffff, v16  }
0x1f4: {  	v13 =	vor.u32 v44, v9;
	[tilespmem:v12+s18+$0x0] =	vst.idx.msk $0xffff, v20  }
0x1f5: {  	v28 =	vadd.s32 v40, v0;
	v12 =	vor.u32 v42, v9;
	[tilespmem:v4+s18+$0x0] =	vst.idx.msk $0xffff, v17  }
0x1f6: {  	v17 =	vor.u32 v54, v9;
	v61 =	vld [tilespmem:$0x1FF20]  }
0x1f7: {  	v19 =	vadd.s32 v25, v0;
	[tilespmem:v8+s18+$0x0] =	vst.idx.msk $0xffff, v14;
	v35 =	vld.idx.msk [tilespmem:v7+s3+$0x0], $0xffff;
	v7 =	vor.u32 v47, v9  }
0x1f8: {  	v50 =	vld [tilespmem:$0x1FE00];
	[tilespmem:v21+s18+$0x0] =	vst.idx.msk $0xffff, v10  }
0x1f9: {  	v22 =	vadd.s32 v37, v0;
	v39 =	vld [tilespmem:$0x1FE50];
	[tilespmem:v13+s18+$0x0] =	vst.idx.msk $0xffff, v29  }
0x1fa: {  	v23 =	vadd.s32 v51, v0;
	v33 =	vld.idx.msk [tilespmem:v28+s3+$0x0], $0xffff;
	[tilespmem:v12+s18+$0x0] =	vst.idx.msk $0xffff, v26  }
0x1fb: {  	v10 =	vor.u32 v55, v9;
	v2 =	vld [tilespmem:$0x1FE30];
	[tilespmem:v17+s18+$0x0] =	vst.idx.msk $0xffff, v31;
	v28 =	vadd.s32 v61, v0  }
0x1fc: {  	v16 =	vld.idx.msk [tilespmem:v19+s3+$0x0], $0xffff;
	[tilespmem:v7+s18+$0x0] =	vst.idx.msk $0xffff, v27  }
0x1fd: {  	v47 =	vld [tilespmem:$0x1FF10]  }
0x1fe: {  	v4 =	vld.idx.msk [tilespmem:v22+s3+$0x0], $0xffff  }
0x1ff: {  	v6 =	vadd.s32 v46, v0;
	v19 =	vadd.s32 v52, v0;
	v20 =	vadd.s32 v53, v0;
	v14 =	vld.idx.msk [tilespmem:v23+s3+$0x0], $0xffff  }
0x200: {  	v22 =	vadd.s32 v48, v0;
	v13 =	vor.u32 v43, v9;
	v26 =	vld.idx.msk [tilespmem:v28+s3+$0x0], $0xffff;
	[tilespmem:v10+s18+$0x0] =	vst.idx.msk $0xffff, v18  }
0x201: {  	v8 =	vadd.s32 v50, v0;
	v21 =	vadd.s32 v39, v0;
	v23 =	vadd.s32 v2, v0;
	v18 =	vld [tilespmem:$0x1F9B0]  }
0x202: {  	v28 =	vadd.s32 v34, v0;
	v10 =	vadd.s32 v57, v0;
	v29 =	vadd.s32 v47, v0;
	v0 =	vld [tilespmem:$0x1F9A0];
	_ =	sdelay $0x4  }
0x203: {  	[tilespmem:v13+s18+$0x0] =	vst.idx.msk $0xffff, v24;
	v0 =	vsel vm15, v18, v0;
	v18 =	vld.idx.msk [tilespmem:v22+s3+$0x0], $0xffff  }
0x204: {  	v22 =	vld [tilespmem:$0x1FA40];
	_ =	sdelay $0x3  }
0x205: {  	v12 =	vor.u32 v63, v9  }
0x206: {  	v43 =	vcombine.low v0, v22;
	v0 =	vld [tilespmem:$0x1FA60]  }
0x207: {  	v6 =	vld.idx.msk [tilespmem:v6+s3+$0x0], $0xffff  }
0x208: {  	v19 =	vld.idx.msk [tilespmem:v19+s3+$0x0], $0xffff;
	v17 =	vor.u32 v5, v9  }
0x209: {  	v7 =	vor.u32 v59, v9;
	v31 =	vld.idx.msk [tilespmem:v8+s3+$0x0], $0xffff  }
0x20a: {  	v8 =	vor.u32 v36, v9;
	v27 =	vld [tilespmem:$0x1FCA0];
	[tilespmem:v12+s18+$0x0] =	vst.idx.msk $0xffff, v30  }
0x20b: {  	v22 =	vsel vm15, v0, v58;
	v0 =	vld [tilespmem:$0x1FA00]  }
0x20c: {  	v20 =	vld.idx.msk [tilespmem:v20+s3+$0x0], $0xffff  }
0x20d: {  	v55 =	vld [tilespmem:$0x1FFB0];
	[tilespmem:v17+s18+$0x0] =	vst.idx.msk $0xffff, v32  }
0x20e: {  	v17 =	vld [tilespmem:$0x1F9E0];
	[tilespmem:v7+s18+$0x0] =	vst.idx.msk $0xffff, v38  }
0x20f: {  	v21 =	vld.idx.msk [tilespmem:v21+s3+$0x0], $0xffff;
	v13 =	vor.u32 v27, v1;
	[tilespmem:v8+s18+$0x0] =	vst.idx.msk $0xffff, v56  }
0x210: {  	v48 =	vcombine.low v0, v22;
	v0 =	vld [tilespmem:$0x1FFC0]  }
0x211: {  	v23 =	vld.idx.msk [tilespmem:v23+s3+$0x0], $0xffff  }
0x212: {  	v15 =	vld.idx.msk [tilespmem:v28+s3+$0x0], $0xffff  }
0x213: {  	v63 =	vld.idx.msk [tilespmem:v10+s3+$0x0], $0xffff  }
0x214: {  	v62 =	vld.idx.msk [tilespmem:v29+s3+$0x0], $0xffff;
	[tilespmem:v13+s18+$0x0] =	vst.idx.msk $0xffff, v6  }
0x215: {  	v42 =	vor.u32 v0, v1;
	v0 =	vld [tilespmem:$0x1FA50];
	_ =	sdelay $0x3  }
0x216: {  	v12 =	vor.u32 v55, v1;
	v6 =	vadd.s32 v2, v3;
	v2 =	vld [tilespmem:$0x1F900]  }
0x217: {  	v28 =	vcombine.low v11, v0;
	v0 =	vld [tilespmem:$0x1FA70];
	_ =	sdelay $0x2  }
0x218: {  	v60 =	vor.u32 v17, v1  }
0x219: {  	v30 =	vor.u32 v48, v1;
	[tilespmem:v12+s18+$0x0] =	vst.idx.msk $0xffff, v16  }
0x21a: {  	v29 =	vcombine.low v2, v0;
	v0 =	vld [tilespmem:$0x1FA80]  }
0x21b: {  	v2 =	vld [tilespmem:$0x1F910];
	_ =	sdelay $0x1  }
0x21c: {  	[tilespmem:v60+s18+$0x0] =	vst.idx.msk $0xffff, v14  }
0x21d: {  	[tilespmem:v30+s18+$0x0] =	vst.idx.msk $0xffff, v19  }
0x21e: {  	[tilespmem:v42+s18+$0x0] =	vst.idx.msk $0xffff, v20  }
0x21f: {  	v44 =	vcombine.low v2, v0;
	v0 =	vld [tilespmem:$0x1FAA0];
	_ =	sdelay $0x3  }
0x220: {  	v12 =	vor.u32 v43, v1  }
0x221: {  	v30 =	vcombine.low v22, v0;
	v0 =	vld [tilespmem:$0x1FFD0];
	_ =	sdelay $0x3  }
0x222: {  	v24 =	vadd.s32 v37, v3;
	v13 =	vor.u32 v28, v1;
	[tilespmem:v12+s18+$0x0] =	vst.idx.msk $0xffff, v62  }
0x223: {  	v22 =	vor.u32 v0, v1;
	v0 =	vld [tilespmem:$0x1FA90];
	_ =	sdelay $0x2  }
0x224: {  	v7 =	vadd.s32 v50, v3  }
0x225: {  	v2 =	vld.idx.msk [tilespmem:v24+s3+$0x0], $0xffff;
	[tilespmem:v13+s18+$0x0] =	vst.idx.msk $0xffff, v26  }
0x226: {  	v24 =	vadd.s32 v25, v3;
	v25 =	vor.u32 v0, v1;
	v0 =	vld [tilespmem:$0x1F920];
	_ =	sdelay $0x2  }
0x227: {  	v8 =	vld.idx.msk [tilespmem:v7+s3+$0x0], $0xffff;
	v7 =	vor.u32 v29, v1;
	_ =	sdelay $0x2  }
0x228: {  	v10 =	vadd.s32 v57, v3  }
0x229: {  	v54 =	vmov v34  }
0x22a: {  	v11 =	vadd.s32 v54, v3;
	v19 =	vor.u32 v44, v1;
	[tilespmem:v7+s18+$0x0] =	vst.idx.msk $0xffff, v31;
	v12 =	vld.idx.msk [tilespmem:v0+s3+$0x0], $0xffff  }
0x22b: {  	v0 =	vld [tilespmem:$0x1F990];
	_ =	sdelay $0x1  }
0x22c: {  	v10 =	vld.idx.msk [tilespmem:v10+s3+$0x0], $0xffff;
	v14 =	vadd.s32 v39, v3  }
0x22d: {  	v6 =	vld.idx.msk [tilespmem:v6+s3+$0x0], $0xffff;
	v16 =	vadd.s32 v40, v3  }
0x22e: {  	v11 =	vld.idx.msk [tilespmem:v11+s3+$0x0], $0xffff;
	[tilespmem:v19+s18+$0x0] =	vst.idx.msk $0xffff, v63  }
0x22f: {  	v57 =	vor.u32 v0, v1;
	v0 =	vld [tilespmem:$0x1FFA0]  }
0x230: {  	v20 =	vadd.s32 v41, v3;
	v5 =	vld.idx.msk [tilespmem:v24+s3+$0x0], $0xffff  }
0x231: {  	v26 =	vor.u32 v30, v1;
	v13 =	vld.idx.msk [tilespmem:v14+s3+$0x0], $0xffff  }
0x232: {  	v14 =	vld.idx.msk [tilespmem:v16+s3+$0x0], $0xffff;
	[tilespmem:v22+s18+$0x0] =	vst.idx.msk $0xffff, v15  }
0x233: {  	v56 =	vadd.s32 v46, v3;
	v50 =	vld [tilespmem:$0x1FDA0]  }
0x234: {  	v59 =	vor.u32 v0, v1;
	v0 =	vld [tilespmem:$0x1FFF0];
	[tilespmem:v25+s18+$0x0] =	vst.idx.msk $0xffff, v23  }
0x235: {  	v15 =	vld.idx.msk [tilespmem:v20+s3+$0x0], $0xffff;
	[tilespmem:$0x1F930] =	vst v30  }
0x236: {  	[tilespmem:v26+s18+$0x0] =	vst.idx.msk $0xffff, v18  }
0x237: {  	v31 =	vadd.s32 v51, v3;
	[tilespmem:$0x1F940] =	vst v43  }
0x238: {  	v58 =	vadd.s32 v52, v3;
	v24 =	vld.idx.msk [tilespmem:v56+s3+$0x0], $0xffff;
	[tilespmem:$0x1F950] =	vst v28  }
0x239: {  	v63 =	vadd.s32 v47, v3;
	v62 =	vor.u32 v0, v1;
	[tilespmem:v57+s18+$0x0] =	vst.idx.msk $0xffff, v21  }
0x23a: {  	v60 =	vadd.s32 v53, v3;
	v0 =	vld [tilespmem:$0x1FFE0]  }
0x23b: {  	v32 =	vor.u32 v17, v9;
	v34 =	vor.u32 v48, v9;
	v16 =	vor.u32 v43, v9;
	[tilespmem:$0x1F960] =	vst v29  }
0x23c: {  	v7 =	vor.u32 v30, v9;
	v19 =	vor.u32 v29, v9;
	v22 =	vld.idx.msk [tilespmem:v31+s3+$0x0], $0xffff;
	[tilespmem:$0x1F970] =	vst v44  }
0x23d: {  	v20 =	vor.u32 v44, v9;
	v25 =	vor.u32 v55, v9;
	v23 =	vld.idx.msk [tilespmem:v58+s3+$0x0], $0xffff;
	[tilespmem:v59+s18+$0x0] =	vst.idx.msk $0xffff, v33  }
0x23e: {  	v18 =	vor.u32 v28, v9;
	v31 =	vor.u32 v27, v9;
	v21 =	vld.idx.msk [tilespmem:v63+s3+$0x0], $0xffff;
	[tilespmem:v62+s18+$0x0] =	vst.idx.msk $0xffff, v35  }
0x23f: {  	s12 =	simm.s32 $0x0;
	s14 =	simm.s32 $0x30;
	v26 =	vor.u32 v0, v1;
	v1 =	vadd.s32 v61, v3;
	v3 =	vld.idx.msk [tilespmem:v60+s3+$0x0], $0xffff;
	[tilespmem:$0x1F980] =	vst v48  }
.LBB2_4:
0x240: {  	_ =	sdelay $0x3  }
0x241: {  	[tilespmem:v26+s18+$0x0] =	vst.idx.msk $0xffff, v4;
	v26 =	vld.idx.msk [tilespmem:v1+s3+$0x0], $0xffff  }
0x242: {  	v0 =	vld [tilespmem:$0x1FFD0]  }
0x243: {  	v56 =	vld [tilespmem:$0x1FFC0]  }
0x244: {  	v40 =	vld [tilespmem:$0x1FCD0]  }
0x245: {  	v47 =	vld [tilespmem:$0x1FD60]  }
0x246: {  	v30 =	vld [tilespmem:$0x1FD00]  }
0x247: {  	v58 =	vld [tilespmem:$0x1FD50]  }
0x248: {  	v52 =	vld [tilespmem:$0x1FCF0]  }
0x249: {  	v63 =	vld [tilespmem:$0x1FD40]  }
0x24a: {  	v57 =	vld [tilespmem:$0x1FA90]  }
0x24b: {  	v48 =	vld [tilespmem:$0x1FCE0]  }
0x24c: {  	v17 =	vld [tilespmem:$0x1FFE0]  }
0x24d: {  	v53 =	vld [tilespmem:$0x1FE60]  }
0x24e: {  	v55 =	vld [tilespmem:$0x1FE70]  }
0x24f: {  	v61 =	vlaneseq.u32;
	v60 =	vld [tilespmem:$0x1FE50]  }
0x250: {  	s8 =	sadd.s32 $0xFFFFFFF0, s14;
	v59 =	vld [tilespmem:$0x1FE40];
	v35 =	vor.u32 s14, v61  }
0x251: {  	v29 =	vld [tilespmem:$0x1FD70];
	v4 =	vor.u32 s8, v61;
	v1 =	vand.u32 $0x3F8, v35  }
0x252: {  	v54 =	vld [tilespmem:$0x1FE30];
	v33 =	vand.u32 $0x3E8, v4;
	[tilespmem:v31+s18+$0x0] =	vst.idx.msk $0xffff, v24;
	v38 =	vadd.s32 v40, v1  }
0x253: {  	v28 =	vld [tilespmem:$0x1FC30];
	[tilespmem:v25+s18+$0x0] =	vst.idx.msk $0xffff, v5;
	v5 =	vadd.s32 v49, v33  }
0x254: {  	v27 =	vld [tilespmem:$0x1FF30]  }
0x255: {  	v51 =	vmov v50;
	v24 =	vor.u32 v56, v9;
	v25 =	vadd.s32 v50, v33;
	v50 =	vld [tilespmem:$0x1FCC0];
	[tilespmem:v32+s18+$0x0] =	vst.idx.msk $0xffff, v22  }
0x256: {  	v36 =	vor.u32 v0, v9;
	v0 =	vld [tilespmem:$0x1FD30];
	[tilespmem:v34+s18+$0x0] =	vst.idx.msk $0xffff, v23  }
0x257: {  	v31 =	vshll.u32 v4, $0x5;
	v34 =	vadd.s32 v45, v33;
	v4 =	vld.idx.msk [tilespmem:v38+s3+$0x0], $0xffff  }
0x258: {  	v38 =	vld.idx.msk [tilespmem:v5+s3+$0x0], $0xffff  }
0x259: {  	v32 =	vadd.s32 v47, v33;
	v5 =	vld [tilespmem:$0x1FD20]  }
0x25a: {  	[tilespmem:v24+s18+$0x0] =	vst.idx.msk $0xffff, v3;
	v3 =	vld [tilespmem:$0x1F990]  }
0x25b: {  	v40 =	vadd.s32 v40, v33;
	v25 =	vld.idx.msk [tilespmem:v25+s3+$0x0], $0xffff  }
0x25c: {  	v22 =	vadd.s32 v50, v33;
	[tilespmem:v16+s18+$0x0] =	vst.idx.msk $0xffff, v21;
	v16 =	vld.idx.msk [tilespmem:v34+s3+$0x0], $0xffff  }
0x25d: {  	v41 =	vadd.s32 v52, v33;
	[tilespmem:v18+s18+$0x0] =	vst.idx.msk $0xffff, v26;
	v18 =	vor.u32 v17, v9;
	v17 =	vld [tilespmem:$0x1FFF0]  }
0x25e: {  	v42 =	vadd.s32 v63, v33;
	v24 =	vor.u32 v57, v9;
	[tilespmem:v19+s18+$0x0] =	vst.idx.msk $0xffff, v8;
	v19 =	vld.idx.msk [tilespmem:v32+s3+$0x0], $0xffff  }
0x25f: {  	v32 =	vld [tilespmem:$0x1FFA0]  }
0x260: {  	v23 =	vadd.s32 v30, v33;
	[tilespmem:v20+s18+$0x0] =	vst.idx.msk $0xffff, v10;
	v20 =	vld.idx.msk [tilespmem:v40+s3+$0x0], $0xffff  }
0x261: {  	v43 =	vadd.s32 v0, v33;
	v21 =	vld.idx.msk [tilespmem:v22+s3+$0x0], $0xffff  }
0x262: {  	v8 =	vor.u32 v3, v9;
	[tilespmem:v36+s18+$0x0] =	vst.idx.msk $0xffff, v11;
	v11 =	vld.idx.msk [tilespmem:v41+s3+$0x0], $0xffff  }
0x263: {  	v39 =	vadd.s32 v58, v33;
	[tilespmem:v24+s18+$0x0] =	vst.idx.msk $0xffff, v6;
	v24 =	vld.idx.msk [tilespmem:v42+s3+$0x0], $0xffff  }
0x264: {  	v6 =	vld [tilespmem:$0x1FD10]  }
0x265: {  	v44 =	vadd.s32 v48, v33;
	[tilespmem:v7+s18+$0x0] =	vst.idx.msk $0xffff, v12;
	v12 =	vld.idx.msk [tilespmem:v23+s3+$0x0], $0xffff;
	v10 =	vor.u32 v32, v9  }
0x266: {  	v22 =	vadd.s32 v5, v33;
	v23 =	vld.idx.msk [tilespmem:v43+s3+$0x0], $0xffff;
	v9 =	vor.u32 v17, v9  }
0x267: {  	v17 =	vadd.s32 v53, v1;
	[tilespmem:v8+s18+$0x0] =	vst.idx.msk $0xffff, v13;
	v13 =	vadd.s32 v46, v33;
	v46 =	vld [tilespmem:$0x1FD80]  }
0x268: {  	[tilespmem:$0x1F8C0] =	vst v17;
	v17 =	vadd.s32 v55, v1;
	v8 =	vld.idx.msk [tilespmem:v39+s3+$0x0], $0xffff  }
0x269: {  	[tilespmem:$0x1F8D0] =	vst v17;
	v17 =	vld [tilespmem:$0x1FC20];
	v7 =	vadd.s32 v6, v33  }
0x26a: {  	v37 =	vadd.s32 v49, v1;
	[tilespmem:v10+s18+$0x0] =	vst.idx.msk $0xffff, v14;
	v10 =	vld.idx.msk [tilespmem:v44+s3+$0x0], $0xffff  }
0x26b: {  	v41 =	vor.u32 v27, v31;
	v44 =	vld [tilespmem:$0x1FF40]  }
0x26c: {  	[tilespmem:v9+s18+$0x0] =	vst.idx.msk $0xffff, v15;
	v15 =	vld.idx.msk [tilespmem:v22+s3+$0x0], $0xffff;
	v9 =	vshll.u32 v35, $0x5;
	v62 =	vadd.s32 v46, v33  }
0x26d: {  	v42 =	vadd.s32 v45, v1;
	v45 =	vadd.s32 v46, v1;
	v46 =	vor.u32 v27, v9;
	v27 =	vld [tilespmem:$0x1FF70]  }
0x26e: {  	v26 =	vadd.s32 v5, v1;
	[tilespmem:v18+s18+$0x0] =	vst.idx.msk $0xffff, v2;
	v18 =	vld.idx.msk [tilespmem:v7+s3+$0x0], $0xffff  }
0x26f: {  	v14 =	vadd.s32 v29, v33;
	v22 =	vor.u32 v61, v31;
	v37 =	vld.idx.msk [tilespmem:v37+s3+$0x0], $0xffff  }
0x270: {  	v35 =	vor.u32 v17, v31;
	v7 =	vadd.s32 v51, v1;
	v51 =	vld [tilespmem:$0x1FF90]  }
0x271: {  	v39 =	vld.idx.msk [tilespmem:v62+s3+$0x0], $0xffff  }
0x272: {  	v62 =	vld [tilespmem:$0x1FF50]  }
0x273: {  	v2 =	vor.u32 v28, v31;
	v26 =	vld.idx.msk [tilespmem:v26+s3+$0x0], $0xffff  }
0x274: {  	v40 =	vor.u32 v44, v9;
	v14 =	vld.idx.msk [tilespmem:v14+s3+$0x0], $0xffff;
	[tilespmem:v22+s18+$0x0] =	vst.idx.msk $0xffff, v38  }
0x275: {  	v44 =	vor.u32 v44, v31;
	v38 =	vadd.s32 v29, v1;
	v29 =	vld [tilespmem:$0x1FC40];
	[tilespmem:v35+s18+$0x0] =	vst.idx.msk $0xffff, v21  }
0x276: {  	v35 =	vadd.s32 v47, v1;
	v47 =	vadd.s32 v58, v1;
	v58 =	vadd.s32 v63, v1;
	v63 =	vld [tilespmem:$0x1FF80]  }
0x277: {  	v43 =	vor.u32 v62, v9;
	v22 =	vor.u32 v62, v31;
	v62 =	vld [tilespmem:$0x1FF60]  }
0x278: {  	[tilespmem:v2+s18+$0x0] =	vst.idx.msk $0xffff, v20;
	v2 =	vld.idx.msk [tilespmem:v7+s3+$0x0], $0xffff  }
0x279: {  	v7 =	vld.idx.msk [tilespmem:v42+s3+$0x0], $0xffff  }
0x27a: {  	v42 =	vadd.s32 v0, v1;
	v0 =	vld [tilespmem:$0x1FC50];
	[tilespmem:v41+s18+$0x0] =	vst.idx.msk $0xffff, v10  }
0x27b: {  	[tilespmem:v44+s18+$0x0] =	vst.idx.msk $0xffff, v11;
	v44 =	vld.idx.msk [tilespmem:v45+s3+$0x0], $0xffff  }
0x27c: {  	v21 =	vor.u32 v62, v31;
	[tilespmem:v22+s18+$0x0] =	vst.idx.msk $0xffff, v12;
	v22 =	vld.idx.msk [tilespmem:v38+s3+$0x0], $0xffff  }
0x27d: {  	v20 =	vor.u32 v27, v31;
	v38 =	vor.u32 v17, v9;
	v17 =	vld [tilespmem:$0x1FC60]  }
0x27e: {  	v45 =	vor.u32 v28, v9;
	v28 =	vld [tilespmem:$0x1FC70];
	v10 =	vor.u32 v29, v31  }
0x27f: {  	v11 =	vor.u32 v63, v31;
	v35 =	vld.idx.msk [tilespmem:v35+s3+$0x0], $0xffff  }
0x280: {  	v41 =	vld.idx.msk [tilespmem:v58+s3+$0x0], $0xffff;
	v12 =	vor.u32 v51, v31  }
0x281: {  	v58 =	vld [tilespmem:$0x1FC80];
	[tilespmem:v21+s18+$0x0] =	vst.idx.msk $0xffff, v18;
	v18 =	vor.u32 v0, v31;
	v21 =	vadd.s32 v50, v1  }
0x282: {  	v36 =	vadd.s32 v6, v1;
	v42 =	vld.idx.msk [tilespmem:v42+s3+$0x0], $0xffff;
	[tilespmem:v20+s18+$0x0] =	vst.idx.msk $0xffff, v15;
	v15 =	vor.u32 v17, v31  }
0x283: {  	v20 =	vld.idx.msk [tilespmem:v47+s3+$0x0], $0xffff;
	[tilespmem:v10+s18+$0x0] =	vst.idx.msk $0xffff, v23  }
0x284: {  	v23 =	vadd.s32 v48, v1;
	[tilespmem:v11+s18+$0x0] =	vst.idx.msk $0xffff, v24;
	v24 =	vadd.s32 v52, v1;
	v52 =	vld [tilespmem:$0x1FC90]  }
0x285: {  	v10 =	vor.u32 v28, v31;
	[tilespmem:v12+s18+$0x0] =	vst.idx.msk $0xffff, v8;
	v12 =	vadd.s32 v30, v1;
	v30 =	vld [tilespmem:$0x1FDC0]  }
0x286: {  	[tilespmem:v18+s18+$0x0] =	vst.idx.msk $0xffff, v19;
	v18 =	vld.idx.msk [tilespmem:v21+s3+$0x0], $0xffff  }
0x287: {  	v11 =	vor.u32 v58, v31;
	[tilespmem:v15+s18+$0x0] =	vst.idx.msk $0xffff, v14;
	v15 =	vld.idx.msk [tilespmem:v36+s3+$0x0], $0xffff  }
0x288: {  	v36 =	vor.u32 v27, v9;
	v27 =	vld [tilespmem:$0x1FDD0]  }
0x289: {  	v23 =	vld.idx.msk [tilespmem:v23+s3+$0x0], $0xffff  }
0x28a: {  	v19 =	vor.u32 v61, v9;
	[tilespmem:v10+s18+$0x0] =	vst.idx.msk $0xffff, v39;
	v10 =	vadd.s32 v53, v33;
	v53 =	vld [tilespmem:$0x1FE80]  }
0x28b: {  	v39 =	vor.u32 v29, v9;
	v29 =	vld [tilespmem:$0x1FDE0]  }
0x28c: {  	v8 =	vor.u32 v52, v31;
	[tilespmem:v11+s18+$0x0] =	vst.idx.msk $0xffff, v16;
	v16 =	vld.idx.msk [tilespmem:v24+s3+$0x0], $0xffff  }
0x28d: {  	v11 =	vadd.s32 v55, v33;
	v55 =	vld [tilespmem:$0x1FF20]  }
0x28e: {  	v14 =	vadd.s32 v30, v33;
	v12 =	vld.idx.msk [tilespmem:v12+s3+$0x0], $0xffff  }
0x28f: {  	[tilespmem:v19+s18+$0x0] =	vst.idx.msk $0xffff, v37;
	v19 =	vor.u32 v0, v9;
	v0 =	vld [tilespmem:$0x1FE00]  }
0x290: {  	[tilespmem:v38+s18+$0x0] =	vst.idx.msk $0xffff, v18;
	v18 =	vor.u32 v17, v9;
	v17 =	vld [tilespmem:$0x1FE20]  }
0x291: {  	[tilespmem:v8+s18+$0x0] =	vst.idx.msk $0xffff, v25;
	v25 =	vor.u32 v51, v9;
	v51 =	vld [tilespmem:$0x1FDF0]  }
0x292: {  	v47 =	vadd.s32 v27, v33;
	v13 =	vld.idx.msk [tilespmem:v13+s3+$0x0], $0xffff  }
0x293: {  	v14 =	vld.idx.msk [tilespmem:v14+s3+$0x0], $0xffff  }
0x294: {  	v48 =	vld.idx.msk [tilespmem:v10+s3+$0x0], $0xffff  }
0x295: {  	v21 =	vor.u32 v62, v9;
	v37 =	vadd.s32 v29, v33;
	[tilespmem:v45+s18+$0x0] =	vst.idx.msk $0xffff, v4;
	v61 =	vld.idx.msk [tilespmem:v11+s3+$0x0], $0xffff  }
0x296: {  	v8 =	vadd.s32 v53, v33;
	[tilespmem:v46+s18+$0x0] =	vst.idx.msk $0xffff, v23;
	v10 =	vor.u32 v28, v9;
	v28 =	vld [tilespmem:$0x1F9E0]  }
0x297: {  	v24 =	vor.u32 v63, v9;
	v45 =	vadd.s32 v55, v33;
	[tilespmem:v40+s18+$0x0] =	vst.idx.msk $0xffff, v16;
	v40 =	vld.idx.msk [tilespmem:v47+s3+$0x0], $0xffff  }
0x298: {  	[tilespmem:v43+s18+$0x0] =	vst.idx.msk $0xffff, v12;
	v12 =	vadd.s32 v17, v1;
	v63 =	vadd.s32 v17, v33;
	v17 =	vld [tilespmem:$0x1FE10]  }
0x299: {  	v16 =	vadd.s32 v60, v33;
	v47 =	vld [tilespmem:$0x1FFB0]  }
0x29a: {  	v37 =	vld.idx.msk [tilespmem:v37+s3+$0x0], $0xffff  }
0x29b: {  	v23 =	vadd.s32 v0, v33;
	[tilespmem:v21+s18+$0x0] =	vst.idx.msk $0xffff, v15;
	v4 =	vld.idx.msk [tilespmem:v8+s3+$0x0], $0xffff  }
0x29c: {  	v62 =	vadd.s32 v59, v33;
	[tilespmem:v36+s18+$0x0] =	vst.idx.msk $0xffff, v26;
	v26 =	vld.idx.msk [tilespmem:v45+s3+$0x0], $0xffff  }
0x29d: {  	v38 =	vadd.s32 v51, v33;
	v8 =	vor.u32 v52, v9;
	[tilespmem:v39+s18+$0x0] =	vst.idx.msk $0xffff, v42;
	v52 =	vld [tilespmem:$0x1FF10]  }
0x29e: {  	[tilespmem:v24+s18+$0x0] =	vst.idx.msk $0xffff, v41;
	v41 =	vld.idx.msk [tilespmem:v16+s3+$0x0], $0xffff  }
0x29f: {  	v11 =	vor.u32 v58, v9;
	v21 =	vadd.s32 v54, v33;
	v24 =	vadd.s32 v0, v1;
	v0 =	vld [tilespmem:$0x1FCA0]  }
0x2a0: {  	v23 =	vld.idx.msk [tilespmem:v23+s3+$0x0], $0xffff;
	[tilespmem:v25+s18+$0x0] =	vst.idx.msk $0xffff, v20  }
0x2a1: {  	v25 =	vld.idx.msk [tilespmem:v62+s3+$0x0], $0xffff;
	[tilespmem:v19+s18+$0x0] =	vst.idx.msk $0xffff, v35  }
0x2a2: {  	[tilespmem:v18+s18+$0x0] =	vst.idx.msk $0xffff, v22;
	v15 =	vld.idx.msk [tilespmem:v38+s3+$0x0], $0xffff;
	v38 =	vadd.s32 v17, v1  }
0x2a3: {  	v58 =	vadd.s32 v52, v33;
	v33 =	vadd.s32 v17, v33;
	[tilespmem:v10+s18+$0x0] =	vst.idx.msk $0xffff, v44;
	v17 =	vld [tilespmem:$0x1F980]  }
0x2a4: {  	v21 =	vld.idx.msk [tilespmem:v21+s3+$0x0], $0xffff;
	[tilespmem:v11+s18+$0x0] =	vst.idx.msk $0xffff, v7  }
0x2a5: {  	v20 =	vor.u32 v0, v31;
	[tilespmem:v8+s18+$0x0] =	vst.idx.msk $0xffff, v2;
	v8 =	vld [tilespmem:$0x1F940]  }
0x2a6: {  	v16 =	vadd.s32 v53, v1;
	v19 =	vor.u32 v47, v31;
	v10 =	vld [tilespmem:$0x1F950]  }
0x2a7: {  	v34 =	vadd.s32 v59, v1;
	v59 =	vor.u32 v28, v31;
	v11 =	vld [tilespmem:$0x1F960]  }
0x2a8: {  	v22 =	vld.idx.msk [tilespmem:v63+s3+$0x0], $0xffff;
	v62 =	vor.u32 v17, v31  }
0x2a9: {  	v5 =	vadd.s32 v60, v1;
	v63 =	vor.u32 v56, v31;
	v60 =	vld.idx.msk [tilespmem:v58+s3+$0x0], $0xffff  }
0x2aa: {  	v33 =	vld.idx.msk [tilespmem:v33+s3+$0x0], $0xffff;
	[tilespmem:v20+s18+$0x0] =	vst.idx.msk $0xffff, v13;
	v13 =	vor.u32 v8, v31  }
0x2ab: {  	v2 =	vld.idx.msk [tilespmem:v16+s3+$0x0], $0xffff;
	[tilespmem:v19+s18+$0x0] =	vst.idx.msk $0xffff, v14;
	v14 =	vor.u32 v10, v31  }
0x2ac: {  	v16 =	vor.u32 v8, v9;
	v8 =	vld.idx.msk [tilespmem:v24+s3+$0x0], $0xffff;
	v24 =	vor.u32 v11, v31;
	[tilespmem:v59+s18+$0x0] =	vst.idx.msk $0xffff, v40  }
0x2ad: {  	[tilespmem:v62+s18+$0x0] =	vst.idx.msk $0xffff, v37  }
0x2ae: {  	[tilespmem:v63+s18+$0x0] =	vst.idx.msk $0xffff, v15  }
0x2af: {  	[tilespmem:v13+s18+$0x0] =	vst.idx.msk $0xffff, v60  }
0x2b0: {  	[tilespmem:v14+s18+$0x0] =	vst.idx.msk $0xffff, v26  }
0x2b1: {  	[tilespmem:v24+s18+$0x0] =	vst.idx.msk $0xffff, v23;
	v23 =	vor.u32 v3, v31;
	v3 =	vld [tilespmem:$0x1F8C0];
	_ =	sdelay $0x6  }
0x2b2: {  	v50 =	vld [tilespmem:$0x1FDA0]  }
0x2b3: {  	v14 =	vld.idx.msk [tilespmem:v3+s3+$0x0], $0xffff  }
0x2b4: {  	v3 =	vld [tilespmem:$0x1F8D0]  }
0x2b5: {  	v46 =	vld [tilespmem:$0x1FDB0]  }
0x2b6: {  	v6 =	vadd.s32 v54, v1;
	v20 =	vld [tilespmem:$0x1F970]  }
0x2b7: {  	v19 =	vor.u32 v11, v9;
	v11 =	vld.idx.msk [tilespmem:v12+s3+$0x0], $0xffff  }
0x2b8: {  	v12 =	vld [tilespmem:$0x1FFD0]  }
0x2b9: {  	v45 =	vld [tilespmem:$0x1FD90]  }
0x2ba: {  	v7 =	vld [tilespmem:$0x1F930]  }
0x2bb: {  	v6 =	vld.idx.msk [tilespmem:v6+s3+$0x0], $0xffff  }
0x2bc: {  	v54 =	vadd.s32 v30, v1;
	v44 =	vor.u32 v20, v31;
	v15 =	vld.idx.msk [tilespmem:v3+s3+$0x0], $0xffff  }
0x2bd: {  	v53 =	vor.u32 v12, v31;
	v3 =	vld [tilespmem:$0x1FFF0]  }
0x2be: {  	v56 =	vor.u32 v57, v31;
	v57 =	vadd.s32 v46, v1;
	v18 =	vor.u32 v10, v9;
	v10 =	vld.idx.msk [tilespmem:v38+s3+$0x0], $0xffff  }
0x2bf: {  	v58 =	vadd.s32 v27, v1;
	v43 =	vor.u32 v7, v31;
	v12 =	vld.idx.msk [tilespmem:v34+s3+$0x0], $0xffff  }
0x2c0: {  	v63 =	vadd.s32 v52, v1;
	v13 =	vld.idx.msk [tilespmem:v5+s3+$0x0], $0xffff  }
0x2c1: {  	s12 =	sadd.s32 $0x2, s12;
	v32 =	vor.u32 v32, v31;
	v59 =	vadd.s32 v29, v1;
	v5 =	vld.idx.msk [tilespmem:v54+s3+$0x0], $0xffff;
	[tilespmem:v44+s18+$0x0] =	vst.idx.msk $0xffff, v33  }
0x2c2: {  	p0 =	slt.u32 s12, $0x30;
	v60 =	vadd.s32 v51, v1;
	[tilespmem:v53+s18+$0x0] =	vst.idx.msk $0xffff, v22;
	v62 =	vor.u32 v3, v31;
	v3 =	vld [tilespmem:$0x1FFE0]  }
.Ltmp3:
0x2c3: {  	v24 =	vld.idx.msk [tilespmem:v57+s3+$0x0], $0xffff;
	[tilespmem:v56+s18+$0x0] =	vst.idx.msk $0xffff, v21;
	(pc) =	sbr.rel @p0 .LBB2_4-.Ltmp3, $4  }
0x2c4: {  	v7 =	vor.u32 v7, v9;
	v20 =	vor.u32 v20, v9;
	v22 =	vld.idx.msk [tilespmem:v58+s3+$0x0], $0xffff;
	[tilespmem:v43+s18+$0x0] =	vst.idx.msk $0xffff, v25  }
0x2c5: {  	v1 =	vadd.s32 v55, v1;
	v34 =	vor.u32 v17, v9;
	v21 =	vld.idx.msk [tilespmem:v63+s3+$0x0], $0xffff;
	[tilespmem:v23+s18+$0x0] =	vst.idx.msk $0xffff, v41  }
0x2c6: {  	v25 =	vor.u32 v47, v9;
	v23 =	vld.idx.msk [tilespmem:v59+s3+$0x0], $0xffff;
	[tilespmem:v32+s18+$0x0] =	vst.idx.msk $0xffff, v48;
	v32 =	vor.u32 v28, v9  }
0x2c7: {  	s14 =	sadd.s32 $0x20, s14;
	v26 =	vor.u32 v3, v31;
	v31 =	vor.u32 v0, v9;
	v3 =	vld.idx.msk [tilespmem:v60+s3+$0x0], $0xffff;
	[tilespmem:v62+s18+$0x0] =	vst.idx.msk $0xffff, v61  }
0x2c8: {  	_ =	sdelay $0x3  }
0x2c9: {  	[tilespmem:v26+s18+$0x0] =	vst.idx.msk $0xffff, v4  }
0x2ca: {  	v0 =	vld [tilespmem:$0x1FFC0];
	_ =	sdelay $0x1  }
0x2cb: {  	v26 =	vld.idx.msk [tilespmem:v1+s3+$0x0], $0xffff;
	[tilespmem:v31+s18+$0x0] =	vst.idx.msk $0xffff, v24  }
0x2cc: {  	[tilespmem:v25+s18+$0x0] =	vst.idx.msk $0xffff, v5  }
0x2cd: {  	[tilespmem:v32+s18+$0x0] =	vst.idx.msk $0xffff, v22  }
0x2ce: {  	[tilespmem:v34+s18+$0x0] =	vst.idx.msk $0xffff, v23;
	v59 =	vor.u32 v0, v9  }
0x2cf: {  	v17 =	vld [tilespmem:$0x1FFD0];
	_ =	sdelay $0x3  }
0x2d0: {  	[tilespmem:v59+s18+$0x0] =	vst.idx.msk $0xffff, v3  }
0x2d1: {  	v60 =	vor.u32 v17, v9;
	v1 =	vld [tilespmem:$0x1FA90];
	[tilespmem:v16+s18+$0x0] =	vst.idx.msk $0xffff, v21  }
0x2d2: {  	[tilespmem:v18+s18+$0x0] =	vst.idx.msk $0xffff, v26  }
0x2d3: {  	[tilespmem:v19+s18+$0x0] =	vst.idx.msk $0xffff, v8  }
0x2d4: {  	v16 =	vld [tilespmem:$0x1F990];
	[tilespmem:v20+s18+$0x0] =	vst.idx.msk $0xffff, v10  }
0x2d5: {  	v18 =	vld [tilespmem:$0x1FFA0]  }
0x2d6: {  	v56 =	vld [tilespmem:$0x1FFF0];
	[tilespmem:v60+s18+$0x0] =	vst.idx.msk $0xffff, v11  }
0x2d7: {  	v1 =	vor.u32 v1, v9;
	v10 =	vld [tilespmem:$0x1FFE0];
	_ =	sdelay $0x1  }
0x2d8: {  	v8 =	vor.u32 v16, v9  }
0x2d9: {  	v61 =	vor.u32 v18, v9  }
0x2da: {  	v62 =	vor.u32 v56, v9  }
0x2db: {  	v63 =	vor.u32 v10, v9;
	[tilespmem:v1+s18+$0x0] =	vst.idx.msk $0xffff, v6  }
0x2dc: {  	[tilespmem:v7+s18+$0x0] =	vst.idx.msk $0xffff, v12  }
0x2dd: {  	[tilespmem:v8+s18+$0x0] =	vst.idx.msk $0xffff, v13  }
0x2de: {  	s8 =	sadd.s32 s15, s9;
	[tilespmem:v61+s18+$0x0] =	vst.idx.msk $0xffff, v14  }
0x2df: {  	s8 =	sshll.u32 s8, $0x2;
	[tilespmem:v62+s18+$0x0] =	vst.idx.msk $0xffff, v15  }
0x2e0: {  	s8 =	sadd.s32 s8, s2;
	[tilespmem:v63+s18+$0x0] =	vst.idx.msk $0xffff, v2  }
0x2e1: {  	[hbm4b:s8+s3] =	stream.linear.scatter [tilespmem:s18], [sflag:$0x7], $0x6400, $0x38;
	[tilespmem:$0x1CC00] =	vst v63  }
0x2e2: {  	_ =	swait.ge [sflag:s19], $0x6400  }
0x2e3: {  	v51 =	vld [tilespmem:$0x1FDD0]  }
0x2e4: {  	v52 =	vld [tilespmem:$0x1FDE0]  }
0x2e5: {  	v53 =	vld [tilespmem:$0x1FDF0]  }
0x2e6: {  	v57 =	vld [tilespmem:$0x1FE10]  }
0x2e7: {  	v34 =	vld [tilespmem:$0x1FE20]  }
0x2e8: {  	v48 =	vld [tilespmem:$0x1FE40]  }
0x2e9: {  	v40 =	vld [tilespmem:$0x1FE60]  }
0x2ea: {  	v11 =	vld [tilespmem:$0x1FE80]  }
0x2eb: {  	v59 =	vld [tilespmem:$0x1FE90]  }
0x2ec: {  	v30 =	vld [tilespmem:$0x1FF30]  }
0x2ed: {  	v58 =	vld [tilespmem:$0x1FF40]  }
0x2ee: {  	v60 =	vld [tilespmem:$0x1FF50]  }
.Ltmp4:
0x2ef: {  	v15 =	vld [tilespmem:$0x1FF60];
	(pc) =	sbr.rel .LBB2_6-.Ltmp4, $4  }
0x2f0: {  	v16 =	vld [tilespmem:$0x1FF70]  }
0x2f1: {  	v47 =	vld [tilespmem:$0x1FF80]  }
0x2f2: {  	[sflag:s19] =	ssyncset.done $0x0;
	v55 =	vld [tilespmem:$0x1FF90]  }
0x2f3: {  	v27 =	vmov v50;
	v12 =	vmov v10;
	v19 =	vld [tilespmem:$0x1FCE0];
	[sflag:s19] =	ssyncadd.s32 $0xFFFF9C00  }
.LBB2_7:
0x2f4: {  	[bflag:$0x0] =	sbarrier.arrive $0xFFFF  }
0x2f5: {  	s8 =	simm.s32 $0xC800;
	s5 =	rddreg [dreg:$0x5]  }
0x2f6: {  	[tilespmem:s8], [sflag:$0x7] =	stream.linear.gather [hbm4b:s5+s3], $0x200, $0x38;
	[tilespmem:$0x1CC00] =	vst v63  }
0x2f7: {  	_ =	swait.ge [sflag:s19], $0x200  }
0x2f8: {  	[sflag:s19] =	ssyncset.done $0x0  }
0x2f9: {  	s9 =	simm.s32 $0xC810;
	v3 =	vld [tilespmem:$0x1FC10];
	[sflag:s19] =	ssyncadd.s32 $0xFFFFFE00  }
0x2fa: {  	v0 =	vld [tilespmem:s9+$0xFFFFFFF0]  }
0x2fb: {  	v1 =	vld [tilespmem:s9+$0x0];
	_ =	sdelay $0x3  }
0x2fc: {  	s5 =	simm.s32 $0xC830;
	v2 =	vadd.s32 v3, v0  }
0x2fd: {  	v42 =	vmov v56;
	s12 =	simm.s32 $0x2;
	v0 =	vld [tilespmem:s5+$0xFFFFFFF0];
	v1 =	vadd.s32 v3, v1;
	[tilespmem:s9+$0xFFFFFFF0] =	vst v2  }
.LBB2_8:
0x2fe: {  	s12 =	sadd.s32 $0x2, s12  }
0x2ff: {  	v2 =	vld [tilespmem:s5+$0x0];
	[tilespmem:s9+$0x0] =	vst v1;
	s9 =	smov.u32 s5;
	p0 =	slt.u32 s12, $0x1E  }
.Ltmp5:
0x300: {  	(pc) =	sbr.rel @p0 .LBB2_8-.Ltmp5, $3  }
0x301: {  	_ =	sdelay $0x1  }
0x302: {  	s5 =	sadd.s32 $0x20, s5;
	v1 =	vadd.s32 v3, v0  }
0x303: {  	v0 =	vld [tilespmem:s5+$0xFFFFFFF0];
	[tilespmem:s9+$0xFFFFFFF0] =	vst v1;
	v1 =	vadd.s32 v3, v2  }
0x304: {  	v2 =	vld [tilespmem:s5+$0x0];
	_ =	sdelay $0x3  }
0x305: {  	[tilespmem:s9+$0x0] =	vst v1;
	v0 =	vadd.s32 v3, v0  }
0x306: {  	[tilespmem:s5+$0xFFFFFFF0] =	vst v0;
	v63 =	vadd.s32 v3, v2  }
0x307: {  	s8 =	simm.s32 $0xC800;
	[tilespmem:s5+$0x0] =	vst v63  }
0x308: {  	[tilespmem:s22], [sflag:$0x1] =	stream.indirect.gather [hbm4b:s2+s21], $0x20, s8, s21, $0xb8;
	[tilespmem:$0x1CC00] =	vst v63  }
0x309: {  	s9 =	simm.s32 $0xC880;
	s8 =	simm.s32 $0xDC00  }
0x30a: {  	[tilespmem:s8], [sflag:$0x1] =	stream.indirect.gather [hbm4b:s2+s21], $0x20, s9, s21, $0xb8;
	[tilespmem:$0x1CC00] =	vst v63  }
0x30b: {  	s12 =	simm.s32 $0xC900;
	s14 =	simm.s32 $0xEC00  }
0x30c: {  	[tilespmem:s14], [sflag:$0x1] =	stream.indirect.gather [hbm4b:s2+s21], $0x20, s12, s21, $0xb8;
	[tilespmem:$0x1CC00] =	vst v63  }
0x30d: {  	s9 =	simm.s32 $0xC980;
	s12 =	simm.s32 $0xFC00  }
0x30e: {  	[tilespmem:s12], [sflag:$0x1] =	stream.indirect.gather [hbm4b:s2+s21], $0x20, s9, s21, $0xb8;
	[tilespmem:$0x1CC00] =	vst v63  }
0x30f: {  	s5 =	simm.s32 $0x0;
	s14 =	rddreg [dreg:$0x6]  }
0x310: {  	[tilespmem:s30], [sflag:$0x4] =	stream.linear.gather [hbm4b:s14+s5], $0x200, $0x38;
	[tilespmem:$0x1CC00] =	vst v63  }
.LBB2_10:
0x311: {  	_ =	swait.ge [sflag:s31], $0x1000  }
0x312: {  	[sflag:s31] =	ssyncset.done $0x0  }
0x313: {  	[sflag:s31] =	ssyncadd.s32 $0xFFFFF000  }
0x314: {  	_ =	swait.ge [sflag:s31], $0x1000  }
0x315: {  	[sflag:s31] =	ssyncset.done $0x0  }
0x316: {  	[sflag:s31] =	ssyncadd.s32 $0xFFFFF000  }
0x317: {  	_ =	swait.ge [sflag:s31], $0x1000  }
0x318: {  	[sflag:s31] =	ssyncset.done $0x0  }
0x319: {  	[sflag:s31] =	ssyncadd.s32 $0xFFFFF000  }
0x31a: {  	_ =	swait.ge [sflag:s31], $0x1000  }
0x31b: {  	[sflag:s31] =	ssyncset.done $0x0  }
0x31c: {  	[sflag:s31] =	ssyncadd.s32 $0xFFFFF000  }
0x31d: {  	_ =	swait.ge [sflag:s1], $0x200  }
0x31e: {  	[sflag:s1] =	ssyncset.done $0x0  }
0x31f: {  	s12 =	simm.s32 $0xCA10;
	v3 =	vld [tilespmem:$0x1FC10];
	[sflag:s1] =	ssyncadd.s32 $0xFFFFFE00  }
0x320: {  	v0 =	vld [tilespmem:s12+$0xFFFFFFF0]  }
0x321: {  	v1 =	vld [tilespmem:s12+$0x0];
	_ =	sdelay $0x3  }
0x322: {  	s9 =	simm.s32 $0xCA30;
	v2 =	vadd.s32 v3, v0  }
0x323: {  	s14 =	simm.s32 $0x2;
	v0 =	vld [tilespmem:s9+$0xFFFFFFF0];
	v1 =	vadd.s32 v3, v1;
	[tilespmem:s12+$0xFFFFFFF0] =	vst v2  }
.LBB2_11:
0x324: {  	s14 =	sadd.s32 $0x2, s14  }
0x325: {  	v2 =	vld [tilespmem:s9+$0x0];
	[tilespmem:s12+$0x0] =	vst v1;
	s12 =	smov.u32 s9;
	p0 =	slt.u32 s14, $0x1E  }
.Ltmp6:
0x326: {  	(pc) =	sbr.rel @p0 .LBB2_11-.Ltmp6, $3  }
0x327: {  	_ =	sdelay $0x1  }
0x328: {  	s9 =	sadd.s32 $0x20, s9;
	v1 =	vadd.s32 v3, v0  }
0x329: {  	v0 =	vld [tilespmem:s9+$0xFFFFFFF0];
	[tilespmem:s12+$0xFFFFFFF0] =	vst v1;
	v1 =	vadd.s32 v3, v2  }
0x32a: {  	v2 =	vld [tilespmem:s9+$0x0];
	_ =	sdelay $0x3  }
0x32b: {  	[tilespmem:s12+$0x0] =	vst v1;
	v0 =	vadd.s32 v3, v0  }
0x32c: {  	[tilespmem:s9+$0xFFFFFFF0] =	vst v0;
	v63 =	vadd.s32 v3, v2  }
0x32d: {  	[tilespmem:s9+$0x0] =	vst v63  }
0x32e: {  	v28 =	vld [tilespmem:$0x1FAB0]  }
0x32f: {  	v51 =	vld [tilespmem:$0x1FAC0]  }
0x330: {  	v33 =	vld [tilespmem:$0x1FAD0]  }
0x331: {  	p1 =	seq.s32 s5, $0x63;
	v15 =	vld [tilespmem:$0x1FC20]  }
0x332: {  	[tilespmem:s10], [sflag:$0x2] =	stream.indirect.gather [hbm4b:s2+s21], $0x20, s30, s21, $0xb8;
	v16 =	vld [tilespmem:$0x1FC30]  }
0x333: {  	s8 =	simm.s32 $0xCA80;
	s12 =	simm.s32 $0x11C00;
	p0 =	seq.s32 @!p1 s5, $0x0;
	v14 =	vld [tilespmem:$0x1FF50]  }
0x334: {  	v11 =	vld [tilespmem:$0x1FF60];
	[tilespmem:s12], [sflag:$0x2] =	stream.indirect.gather [hbm4b:s2+s21], $0x20, s8, s21, $0xb8  }
0x335: {  	s14 =	simm.s32 $0xCB00;
	p0 =	por p1, !p0;
	v35 =	vld [tilespmem:$0x1FC40];
	s8 =	sshll.u32 @!p1 s5, $0xF  }
0x336: {  	v36 =	vld [tilespmem:$0x1FC60];
	[tilespmem:s16], [sflag:$0x2] =	stream.indirect.gather [hbm4b:s2+s21], $0x20, s14, s21, $0xb8  }
.Ltmp7:
0x337: {  	v37 =	vld [tilespmem:$0x1FC70];
	s8 =	sadd.s32 @!p1 s11, s8;
	(pc) =	sbr.rel @!p0 .LBB2_13-.Ltmp7, $4  }
0x338: {  	v54 =	vld [tilespmem:$0x1FC80];
	s8 =	sshrl.u32 @!p1 s8, $0x3  }
0x339: {  	v56 =	vld [tilespmem:$0x1FC90];
	[tilespmem:s24], [sflag:$0x2] =	stream.indirect.gather [hbm4b:s2+s21], $0x20, s23, s21, $0xb8  }
0x33a: {  	s9 =	simm.s32 @!p1 $0x0;
	v41 =	vld [tilespmem:$0x1FCA0];
	s12 =	simm.s32 @!p1 $0xC800;
	s8 =	sadd.s32 @!p1 s6, s8  }
0x33b: {  	v13 =	vlaneseq.u32;
	v46 =	vmov v12;
	v44 =	vld [tilespmem:$0x1F990];
	[tilespmem:s12], [sflag:$0x3] =	stream.linear.gather @!p1 [hbm4b:s8+s9], $0x200, $0x38  }
.Ltmp8:
0x33c: {  	(pc) =	sbr.rel .LBB2_15-.Ltmp8, $4  }
0x33d: {  	_ = 	snop  }
0x33e: {  	_ =	swait.ge [sflag:s0], $0x4000  }
0x33f: {  	[sflag:s0] =	ssyncset.done $0x0  }
0x340: {  	p0 =	por $0x0, $0x0;
	[sflag:s0] =	ssyncadd.s32 $0xFFFFC000  }
.LBB2_13:
0x341: {  	p0 =	por @!p1 $0x1, $0x1  }
.LBB2_15:
0x342: {  	s8 =	simm.s32 $0x10  }
0x343: {  	v0 =	vor.u32 s8, v13  }
0x344: {  	v55 =	vld [tilespmem:$0x1FF30];
	v2 =	vshll.u32 v0, $0x5  }
0x345: {  	v39 =	vld [tilespmem:$0x1FF70];
	v1 =	vor.u32 v13, v2  }
0x346: {  	v48 =	vld [tilespmem:$0x1FF80];
	v3 =	vor.u32 v15, v2  }
0x347: {  	v62 =	vld [tilespmem:$0x1FF90];
	v4 =	vor.u32 v16, v2  }
0x348: {  	v47 =	vld [tilespmem:$0x1FC50];
	v6 =	vor.u32 v58, v2  }
0x349: {  	v63 =	vld [tilespmem:$0x1FAE0];
	v8 =	vor.u32 v14, v2  }
0x34a: {  	v9 =	vor.u32 v11, v2;
	v7 =	vld.idx.msk [tilespmem:v1+s22+$0x0], $0xffff  }
0x34b: {  	v5 =	vor.u32 v55, v2;
	v3 =	vld.idx.msk [tilespmem:v3+s22+$0x0], $0xffff  }
0x34c: {  	v12 =	vor.u32 v48, v2;
	v10 =	vld.idx.msk [tilespmem:v4+s22+$0x0], $0xffff  }
0x34d: {  	v29 =	vmov v14;
	v14 =	vor.u32 v62, v2;
	v6 =	vld.idx.msk [tilespmem:v6+s22+$0x0], $0xffff  }
0x34e: {  	v18 =	vor.u32 v47, v2;
	v8 =	vld.idx.msk [tilespmem:v8+s22+$0x0], $0xffff  }
0x34f: {  	v20 =	vmov s8;
	v4 =	vor.u32 v39, v2;
	v9 =	vld.idx.msk [tilespmem:v9+s22+$0x0], $0xffff  }
0x350: {  	s9 =	simm.s32 $0x0;
	v31 =	vmovc v11;
	v20 =	vshll.u32 v20, $0x3;
	v0 =	vand.u32 $0x78, v0;
	v11 =	vld.idx.msk [tilespmem:v5+s22+$0x0], $0xffff;
	v5 =	vor.u32 v35, v2  }
0x351: {  	v20 =	vand.u32 $0xC00, v20;
	v1 =	vor.u32 s9, v13;
	v24 =	vld.idx.msk [tilespmem:v12+s22+$0x0], $0xffff;
	v12 =	vor.u32 v54, v2  }
0x352: {  	v0 =	vor.u32 v20, v0;
	v17 =	vshll.u32 v1, $0x5;
	v20 =	vld.idx.msk [tilespmem:v14+s22+$0x0], $0xffff;
	v14 =	vor.u32 v56, v2  }
0x353: {  	v13 =	vor.u32 v13, v17;
	v27 =	vld.idx.msk [tilespmem:v18+s22+$0x0], $0xffff  }
0x354: {  	v21 =	vld.idx.msk [tilespmem:v4+s22+$0x0], $0xffff;
	v4 =	vor.u32 v36, v2  }
0x355: {  	v26 =	vor.u32 v59, v0;
	v23 =	vld.idx.msk [tilespmem:v5+s22+$0x0], $0xffff;
	v5 =	vor.u32 v37, v2  }
0x356: {  	v22 =	vimm.s32 $0x3207;
	v34 =	vld.idx.msk [tilespmem:v12+s22+$0x0], $0xffff  }
0x357: {  	v22 =	vsel vm0, $0x1280, v22;
	v61 =	vld.idx.msk [tilespmem:v14+s22+$0x0], $0xffff  }
0x358: {  	v49 =	vmovc v29;
	v22 =	vsel vm1, $0x1301, v22;
	v18 =	vor.u32 v29, v17;
	v29 =	vmov v28;
	v12 =	vld.idx.msk [tilespmem:v13+s22+$0x0], $0xffff  }
0x359: {  	v43 =	vmov v31;
	v22 =	vsel vm2, $0x1382, v22;
	v50 =	vmov v29;
	v29 =	vld.idx.msk [tilespmem:v4+s22+$0x0], $0xffff  }
0x35a: {  	v28 =	vor.u32 v28, v0;
	v30 =	vor.u32 v31, v17;
	v31 =	vld.idx.msk [tilespmem:v5+s22+$0x0], $0xffff;
	[tilespmem:v26+s25+$0x0] =	vst.idx.msk $0xffff, v7  }
0x35b: {  	v22 =	vsel vm3, $0x2003, v22;
	v5 =	vld [tilespmem:$0x1FAF0]  }
0x35c: {  	v4 =	vsel vm4, $0x2084, v22;
	v22 =	vor.u32 v51, v0  }
0x35d: {  	v33 =	vor.u32 v33, v0;
	v4 =	vsel vm5, $0x2105, v4  }
0x35e: {  	v4 =	vsel vm6, $0x2186, v4  }
0x35f: {  	v60 =	vor.u32 v63, v0;
	v16 =	vor.u32 v16, v17;
	v4 =	vsel vm7, $0x2207, v4;
	[tilespmem:v28+s25+$0x0] =	vst.idx.msk $0xffff, v3  }
0x360: {  	[tilespmem:$0x1F6A0] =	vst v12;
	v7 =	vor.u32 v5, v0;
	v5 =	vsel vm8, $0x2280, v4;
	v4 =	vld [tilespmem:$0x1FB00]  }
0x361: {  	v19 =	vor.u32 v55, v17;
	[tilespmem:v22+s25+$0x0] =	vst.idx.msk $0xffff, v10  }
0x362: {  	v15 =	vor.u32 v15, v17;
	v12 =	vsel vm9, $0x2301, v5;
	v5 =	vld [tilespmem:$0x1FB10];
	[tilespmem:v33+s25+$0x0] =	vst.idx.msk $0xffff, v11  }
0x363: {  	v11 =	vld [tilespmem:$0x1FB20]  }
0x364: {  	v25 =	vor.u32 v58, v17;
	v13 =	vsel vm10, $0x2382, v12;
	v12 =	vld.idx.msk [tilespmem:v16+s22+$0x0], $0xffff;
	[tilespmem:v60+s25+$0x0] =	vst.idx.msk $0xffff, v6  }
0x365: {  	v53 =	vmov v36;
	v36 =	vld [tilespmem:$0x1FB30];
	v3 =	vor.u32 v4, v0  }
0x366: {  	v14 =	vsel vm11, $0x3003, v13;
	v13 =	vld.idx.msk [tilespmem:v19+s22+$0x0], $0xffff  }
0x367: {  	[tilespmem:v7+s25+$0x0] =	vst.idx.msk $0xffff, v8;
	v10 =	vor.u32 v5, v0;
	v5 =	vld.idx.msk [tilespmem:v15+s22+$0x0], $0xffff  }
0x368: {  	v7 =	vld [tilespmem:$0x1FB40]  }
0x369: {  	v15 =	vsel vm12, $0x3084, v14;
	v14 =	vld.idx.msk [tilespmem:v25+s22+$0x0], $0xffff  }
0x36a: {  	[tilespmem:v3+s25+$0x0] =	vst.idx.msk $0xffff, v9;
	v9 =	vld.idx.msk [tilespmem:v30+s22+$0x0], $0xffff  }
0x36b: {  	v57 =	vor.u32 v35, v17;
	v11 =	vor.u32 v11, v0;
	v8 =	vsel vm13, $0x3105, v15;
	v15 =	vld.idx.msk [tilespmem:v18+s22+$0x0], $0xffff  }
0x36c: {  	v3 =	vld [tilespmem:$0x1FB50];
	[tilespmem:v10+s25+$0x0] =	vst.idx.msk $0xffff, v21  }
0x36d: {  	v6 =	vor.u32 v36, v0;
	v16 =	vsel vm14, $0x3186, v8;
	v8 =	vld [tilespmem:$0x1FB60]  }
0x36e: {  	v25 =	vld [tilespmem:$0x1FA10]  }
0x36f: {  	[tilespmem:$0x1F6B0] =	vst v9;
	v9 =	vld [tilespmem:$0x1FA60]  }
0x370: {  	[tilespmem:v11+s25+$0x0] =	vst.idx.msk $0xffff, v23;
	v18 =	vld.idx.msk [tilespmem:v57+s22+$0x0], $0xffff  }
0x371: {  	v32 =	vor.u32 v39, v17;
	v11 =	vld [tilespmem:$0x1F9A0]  }
0x372: {  	v7 =	vor.u32 v7, v0;
	v19 =	vld [tilespmem:$0x1F9B0];
	[tilespmem:v6+s25+$0x0] =	vst.idx.msk $0xffff, v24  }
0x373: {  	v21 =	vld [tilespmem:$0x1F9C0]  }
0x374: {  	v3 =	vor.u32 v3, v0;
	v22 =	vld [tilespmem:$0x1F9D0];
	_ =	sdelay $0x1  }
0x375: {  	v30 =	vld.idx.msk [tilespmem:v32+s22+$0x0], $0xffff;
	[tilespmem:$0x1F6C0] =	vst v18  }
0x376: {  	v6 =	vld [tilespmem:$0x1FB70];
	[tilespmem:v7+s25+$0x0] =	vst.idx.msk $0xffff, v20  }
0x377: {  	v7 =	vld [tilespmem:$0x1FB80]  }
0x378: {  	v21 =	vsel vm15, v22, v21;
	v22 =	vld [tilespmem:$0x1F9F0];
	[tilespmem:v3+s25+$0x0] =	vst.idx.msk $0xffff, v27  }
0x379: {  	v24 =	vld [tilespmem:$0x1FA00]  }
0x37a: {  	v38 =	vor.u32 v48, v17  }
0x37b: {  	v26 =	vor.u32 v62, v17  }
0x37c: {  	v8 =	vor.u32 v8, v0  }
0x37d: {  	v9 =	vsel vm15, v9, v25  }
0x37e: {  	v18 =	vcombine.low v24, v9  }
0x37f: {  	v20 =	vld.idx.msk [tilespmem:v38+s22+$0x0], $0xffff  }
0x380: {  	v3 =	vld.idx.msk [tilespmem:v26+s22+$0x0], $0xffff;
	[tilespmem:$0x1F7D0] =	vst v18  }
0x381: {  	[tilespmem:v8+s25+$0x0] =	vst.idx.msk $0xffff, v29  }
0x382: {  	v10 =	vor.u32 v16, v0;
	v22 =	vsel vm15, v25, v22;
	v25 =	vld [tilespmem:$0x1FA20]  }
0x383: {  	v26 =	vld [tilespmem:$0x1FA30];
	_ =	sdelay $0x3  }
0x384: {  	v8 =	vld [tilespmem:$0x1FFB0];
	[tilespmem:v10+s25+$0x0] =	vst.idx.msk $0xffff, v31  }
0x385: {  	v25 =	vsel vm15, v25, v26;
	v26 =	vld [tilespmem:$0x1FA40];
	_ =	sdelay $0x2  }
0x386: {  	v6 =	vor.u32 v6, v0  }
0x387: {  	v11 =	vsel vm15, v19, v11  }
0x388: {  	v19 =	vcombine.low v11, v26  }
0x389: {  	v24 =	vimm.s32 $0x7  }
0x38a: {  	v24 =	vsel vm0, $0x2080, v24;
	[tilespmem:$0x1F7E0] =	vst v19  }
0x38b: {  	v24 =	vsel vm1, $0x2101, v24;
	v10 =	vld [tilespmem:$0x1F9E0];
	[tilespmem:v6+s25+$0x0] =	vst.idx.msk $0xffff, v34  }
0x38c: {  	v11 =	vsel vm2, $0x2182, v24;
	v24 =	vld [tilespmem:$0x1FA50];
	_ =	sdelay $0x2  }
0x38d: {  	v7 =	vor.u32 v7, v0;
	_ =	sdelay $0x1  }
0x38e: {  	v6 =	vor.u32 v18, v2;
	v18 =	vcombine.low v21, v24;
	_ =	sdelay $0x1  }
0x38f: {  	[tilespmem:$0x1F7F0] =	vst v18  }
0x390: {  	[tilespmem:v7+s25+$0x0] =	vst.idx.msk $0xffff, v61  }
0x391: {  	v21 =	vld [tilespmem:$0x1FA70];
	_ =	sdelay $0x2  }
0x392: {  	v23 =	vor.u32 v41, v2;
	_ =	sdelay $0x1  }
0x393: {  	v26 =	vcombine.low v22, v21;
	_ =	sdelay $0x1  }
0x394: {  	[tilespmem:$0x1F800] =	vst v26  }
0x395: {  	v21 =	vld.idx.msk [tilespmem:v23+s22+$0x0], $0xffff  }
0x396: {  	v23 =	vld [tilespmem:$0x1FA80];
	_ =	sdelay $0x2  }
0x397: {  	v10 =	vor.u32 v10, v2;
	_ =	sdelay $0x1  }
0x398: {  	v22 =	vor.u32 v19, v2;
	v19 =	vcombine.low v25, v23;
	_ =	sdelay $0x1  }
0x399: {  	v7 =	vld [tilespmem:$0x1FFC0];
	[tilespmem:$0x1F810] =	vst v19  }
0x39a: {  	v24 =	vld.idx.msk [tilespmem:v10+s22+$0x0], $0xffff  }
0x39b: {  	v11 =	vsel vm3, $0x2203, v11;
	v10 =	vor.u32 v26, v2;
	v26 =	vld [tilespmem:$0x1FAA0]  }
0x39c: {  	v8 =	vor.u32 v8, v2;
	v11 =	vsel vm4, $0x2284, v11  }
0x39d: {  	v11 =	vsel vm5, $0x2305, v11  }
0x39e: {  	v11 =	vsel vm6, $0x2386, v11  }
0x39f: {  	v11 =	vsel vm7, $0x3007, v11;
	v7 =	vor.u32 v7, v2;
	v25 =	vld.idx.msk [tilespmem:v6+s22+$0x0], $0xffff  }
0x3a0: {  	v6 =	vor.u32 v19, v2;
	v19 =	vcombine.low v9, v26;
	v9 =	vsel vm8, $0x3080, v11;
	v11 =	vld.idx.msk [tilespmem:v22+s22+$0x0], $0xffff  }
0x3a1: {  	v23 =	vld.idx.msk [tilespmem:v8+s22+$0x0], $0xffff;
	v8 =	vor.u32 v18, v2;
	_ =	sdelay $0x3  }
0x3a2: {  	v26 =	vld.idx.msk [tilespmem:v7+s22+$0x0], $0xffff;
	[tilespmem:$0x1F700] =	vst v11  }
0x3a3: {  	v8 =	vld.idx.msk [tilespmem:v8+s22+$0x0], $0xffff;
	_ =	sdelay $0x4  }
0x3a4: {  	[tilespmem:$0x1F710] =	vst v8  }
0x3a5: {  	v10 =	vld.idx.msk [tilespmem:v10+s22+$0x0], $0xffff;
	_ =	sdelay $0x1  }
0x3a6: {  	v7 =	vld [tilespmem:$0x1FFD0];
	_ =	sdelay $0x2  }
0x3a7: {  	[tilespmem:$0x1F720] =	vst v10  }
0x3a8: {  	v6 =	vld.idx.msk [tilespmem:v6+s22+$0x0], $0xffff  }
0x3a9: {  	v7 =	vor.u32 v7, v2  }
0x3aa: {  	v61 =	vld [tilespmem:$0x1FA90];
	_ =	sdelay $0x2  }
0x3ab: {  	[tilespmem:$0x1F730] =	vst v6  }
0x3ac: {  	v7 =	vld.idx.msk [tilespmem:v7+s22+$0x0], $0xffff  }
0x3ad: {  	v22 =	vor.u32 v61, v2  }
0x3ae: {  	v9 =	vsel vm9, $0x3101, v9  }
0x3af: {  	v9 =	vsel vm10, $0x3182, v9  }
0x3b0: {  	v9 =	vsel vm11, $0x3203, v9  }
0x3b1: {  	v9 =	vsel vm12, $0x3284, v9;
	[tilespmem:$0x1F740] =	vst v7  }
0x3b2: {  	v7 =	vsel vm13, $0x3305, v9;
	v9 =	vld.idx.msk [tilespmem:v22+s22+$0x0], $0xffff  }
0x3b3: {  	v8 =	vor.u32 v19, v2;
	_ =	sdelay $0x1  }
0x3b4: {  	v7 =	vsel vm14, $0x3386, v7  }
0x3b5: {  	[tilespmem:$0x1F770] =	vst v7  }
0x3b6: {  	[tilespmem:$0x1F750] =	vst v9  }
0x3b7: {  	v8 =	vld.idx.msk [tilespmem:v8+s22+$0x0], $0xffff  }
0x3b8: {  	v27 =	vor.u32 v44, v2  }
0x3b9: {  	v6 =	vld [tilespmem:$0x1FFA0];
	_ =	sdelay $0x2  }
0x3ba: {  	[tilespmem:$0x1F760] =	vst v8  }
0x3bb: {  	v34 =	vor.u32 v7, v0;
	v7 =	vld.idx.msk [tilespmem:v27+s22+$0x0], $0xffff  }
0x3bc: {  	v6 =	vor.u32 v6, v2;
	_ =	sdelay $0x3  }
0x3bd: {  	[tilespmem:$0x1F780] =	vst v7  }
0x3be: {  	v6 =	vld.idx.msk [tilespmem:v6+s22+$0x0], $0xffff  }
0x3bf: {  	v28 =	vor.u32 v42, v2;
	_ =	sdelay $0x3  }
0x3c0: {  	[tilespmem:$0x1F790] =	vst v6  }
0x3c1: {  	v6 =	vld.idx.msk [tilespmem:v28+s22+$0x0], $0xffff  }
0x3c2: {  	v2 =	vor.u32 v46, v2  }
0x3c3: {  	v9 =	vld [tilespmem:$0x1FB90];
	_ =	sdelay $0x1  }
0x3c4: {  	v60 =	vld [tilespmem:$0x1FBA0]  }
0x3c5: {  	[tilespmem:$0x1F7A0] =	vst v6  }
0x3c6: {  	v2 =	vld.idx.msk [tilespmem:v2+s22+$0x0], $0xffff  }
0x3c7: {  	v33 =	vor.u32 v9, v0  }
0x3c8: {  	v52 =	vmov v37;
	v38 =	vmov s9;
	v22 =	vor.u32 v47, v17  }
0x3c9: {  	v57 =	vld [tilespmem:$0x1FBB0];
	v8 =	vshll.u32 v38, $0x3;
	v38 =	vor.u32 v60, v0;
	v27 =	vor.u32 v52, v17;
	_ =	sdelay $0x1  }
0x3ca: {  	v1 =	vand.u32 $0x68, v1;
	v8 =	vand.u32 $0xC00, v8;
	[tilespmem:$0x1F7B0] =	vst v2  }
0x3cb: {  	v45 =	vmovc v54;
	s12 =	simm.s32 $0x30;
	v35 =	vor.u32 v54, v17;
	v54 =	vld [tilespmem:$0x1FBC0];
	v9 =	vor.u32 v8, v1;
	v1 =	vlaneseq.u32;
	[tilespmem:v33+s25+$0x0] =	vst.idx.msk $0xffff, v21  }
0x3cc: {  	v21 =	vld.idx.msk [tilespmem:v22+s22+$0x0], $0xffff;
	v22 =	vor.u32 s12, v1;
	[tilespmem:v34+s25+$0x0] =	vst.idx.msk $0xffff, v23  }
0x3cd: {  	v40 =	vor.u32 v57, v0;
	v46 =	vshll.u32 v22, $0x5;
	[tilespmem:v38+s25+$0x0] =	vst.idx.msk $0xffff, v24;
	v24 =	vld.idx.msk [tilespmem:v27+s22+$0x0], $0xffff  }
0x3ce: {  	v27 =	vor.u32 v1, v46;
	v1 =	vld [tilespmem:$0x1FAD0];
	_ =	sdelay $0x3  }
0x3cf: {  	v42 =	vmov v47;
	v32 =	vor.u32 v53, v17;
	v47 =	vor.u32 v54, v0;
	[tilespmem:v40+s25+$0x0] =	vst.idx.msk $0xffff, v25  }
0x3d0: {  	v34 =	vor.u32 v1, v9;
	v1 =	vld [tilespmem:$0x1FC20];
	_ =	sdelay $0x2  }
0x3d1: {  	v28 =	vor.u32 v56, v17  }
0x3d2: {  	v23 =	vld.idx.msk [tilespmem:v32+s22+$0x0], $0xffff;
	[tilespmem:v47+s25+$0x0] =	vst.idx.msk $0xffff, v26  }
0x3d3: {  	v32 =	vor.u32 v51, v9;
	v51 =	vor.u32 v1, v46;
	v1 =	vld [tilespmem:$0x1FC30];
	_ =	sdelay $0x2  }
0x3d4: {  	v26 =	vld.idx.msk [tilespmem:v28+s22+$0x0], $0xffff  }
0x3d5: {  	v7 =	vld [tilespmem:$0x1FAF0]  }
0x3d6: {  	v2 =	vor.u32 v59, v9;
	v28 =	vor.u32 v1, v46;
	v1 =	vld [tilespmem:$0x1F6A0]  }
0x3d7: {  	v33 =	vor.u32 v50, v9;
	_ =	sdelay $0x2  }
0x3d8: {  	v38 =	vor.u32 v63, v9  }
0x3d9: {  	v25 =	vld.idx.msk [tilespmem:v35+s22+$0x0], $0xffff;
	v37 =	vor.u32 v7, v9;
	[tilespmem:v2+s25+$0x0] =	vst.idx.msk $0xffff, v1  }
0x3da: {  	[tilespmem:v33+s25+$0x0] =	vst.idx.msk $0xffff, v5  }
0x3db: {  	v10 =	vld [tilespmem:$0x1FB10];
	[tilespmem:v32+s25+$0x0] =	vst.idx.msk $0xffff, v12  }
0x3dc: {  	v11 =	vld [tilespmem:$0x1FB20];
	[tilespmem:v34+s25+$0x0] =	vst.idx.msk $0xffff, v13  }
0x3dd: {  	[tilespmem:v38+s25+$0x0] =	vst.idx.msk $0xffff, v14  }
0x3de: {  	[tilespmem:v37+s25+$0x0] =	vst.idx.msk $0xffff, v15  }
0x3df: {  	v1 =	vld [tilespmem:$0x1FC40];
	_ =	sdelay $0x3  }
0x3e0: {  	v2 =	vor.u32 v55, v46  }
0x3e1: {  	v8 =	vmov v4;
	v4 =	vor.u32 v4, v9;
	v15 =	vor.u32 v1, v46;
	v1 =	vld [tilespmem:$0x1F6B0]  }
0x3e2: {  	v5 =	vor.u32 v58, v46;
	v12 =	vld.idx.msk [tilespmem:v27+s22+$0x0], $0xffff  }
0x3e3: {  	v13 =	vld.idx.msk [tilespmem:v51+s22+$0x0], $0xffff;
	v33 =	vor.u32 v10, v9  }
0x3e4: {  	v14 =	vld.idx.msk [tilespmem:v28+s22+$0x0], $0xffff  }
0x3e5: {  	v37 =	vld.idx.msk [tilespmem:v2+s22+$0x0], $0xffff  }
0x3e6: {  	v6 =	vld [tilespmem:$0x1FB40];
	[tilespmem:v4+s25+$0x0] =	vst.idx.msk $0xffff, v1  }
0x3e7: {  	v4 =	vld.idx.msk [tilespmem:v5+s22+$0x0], $0xffff;
	[tilespmem:$0x1F7C0] =	vst v16  }
0x3e8: {  	[tilespmem:v33+s25+$0x0] =	vst.idx.msk $0xffff, v30  }
0x3e9: {  	v47 =	vor.u32 v11, v9;
	v1 =	vld [tilespmem:$0x1F6C0];
	_ =	sdelay $0x4  }
0x3ea: {  	v18 =	vmov v36;
	v27 =	vor.u32 v49, v46;
	v51 =	vor.u32 v36, v9;
	v36 =	vld [tilespmem:$0x1FB50];
	[tilespmem:v47+s25+$0x0] =	vst.idx.msk $0xffff, v1  }
0x3eb: {  	v32 =	vor.u32 v42, v46;
	v42 =	vld [tilespmem:$0x1FB60]  }
0x3ec: {  	v49 =	vor.u32 v43, v46;
	v38 =	vor.u32 v6, v9;
	_ =	sdelay $0x1  }
0x3ed: {  	v28 =	vor.u32 v39, v46  }
0x3ee: {  	v39 =	vld.idx.msk [tilespmem:v27+s22+$0x0], $0xffff;
	v33 =	vor.u32 v36, v9;
	[tilespmem:v51+s25+$0x0] =	vst.idx.msk $0xffff, v20  }
0x3ef: {  	v27 =	vor.u32 v62, v46;
	v51 =	vld [tilespmem:$0x1FB70];
	v34 =	vor.u32 v42, v9  }
0x3f0: {  	v43 =	vmov v16;
	v16 =	vor.u32 v16, v9;
	v31 =	vld.idx.msk [tilespmem:v49+s22+$0x0], $0xffff;
	[tilespmem:v38+s25+$0x0] =	vst.idx.msk $0xffff, v3  }
0x3f1: {  	v40 =	vld [tilespmem:$0x1FB80]  }
0x3f2: {  	v5 =	vor.u32 v48, v46;
	v28 =	vld.idx.msk [tilespmem:v28+s22+$0x0], $0xffff  }
0x3f3: {  	v35 =	vor.u32 v53, v46;
	v15 =	vld.idx.msk [tilespmem:v15+s22+$0x0], $0xffff;
	[tilespmem:v33+s25+$0x0] =	vst.idx.msk $0xffff, v21  }
0x3f4: {  	v47 =	vor.u32 v52, v46;
	v52 =	vld.idx.msk [tilespmem:v27+s22+$0x0], $0xffff;
	v20 =	vmov s12;
	v30 =	vor.u32 v51, v9;
	[tilespmem:v34+s25+$0x0] =	vst.idx.msk $0xffff, v23  }
0x3f5: {  	v20 =	vshll.u32 v20, $0x3;
	v2 =	vld [tilespmem:$0x1FFB0];
	[tilespmem:v16+s25+$0x0] =	vst.idx.msk $0xffff, v24  }
0x3f6: {  	v3 =	vand.u32 $0x78, v22;
	v20 =	vand.u32 $0xC00, v20;
	v62 =	vor.u32 v40, v9;
	v1 =	vld [tilespmem:$0x1FAC0]  }
0x3f7: {  	v22 =	vld.idx.msk [tilespmem:v5+s22+$0x0], $0xffff;
	v38 =	vor.u32 v20, v3  }
0x3f8: {  	v53 =	vor.u32 v50, v38;
	v50 =	vld.idx.msk [tilespmem:v35+s22+$0x0], $0xffff  }
0x3f9: {  	v35 =	vld [tilespmem:$0x1F9E0];
	[tilespmem:v30+s25+$0x0] =	vst.idx.msk $0xffff, v25  }
0x3fa: {  	v20 =	vor.u32 v56, v46;
	v3 =	vld [tilespmem:$0x1F7D0]  }
0x3fb: {  	v5 =	vor.u32 v45, v46;
	v24 =	vor.u32 v1, v38;
	v1 =	vld [tilespmem:$0x1FAD0];
	[tilespmem:v62+s25+$0x0] =	vst.idx.msk $0xffff, v26  }
0x3fc: {  	v27 =	vor.u32 v59, v38;
	v30 =	vld [tilespmem:$0x1FFC0]  }
0x3fd: {  	v29 =	vld.idx.msk [tilespmem:v32+s22+$0x0], $0xffff  }
0x3fe: {  	v47 =	vld.idx.msk [tilespmem:v47+s22+$0x0], $0xffff  }
0x3ff: {  	v21 =	vor.u32 v41, v17;
	v20 =	vld.idx.msk [tilespmem:v20+s22+$0x0], $0xffff  }
0x400: {  	v34 =	vld.idx.msk [tilespmem:v5+s22+$0x0], $0xffff  }
0x401: {  	v62 =	vld [tilespmem:$0x1FAC0];
	[tilespmem:v27+s25+$0x0] =	vst.idx.msk $0xffff, v12;
	v5 =	vor.u32 v30, v17  }
0x402: {  	v23 =	vor.u32 v2, v17;
	v26 =	vor.u32 v63, v38;
	v63 =	vld [tilespmem:$0x1F7E0]  }
0x403: {  	v16 =	vor.u32 v35, v17  }
0x404: {  	v21 =	vld.idx.msk [tilespmem:v21+s22+$0x0], $0xffff;
	[tilespmem:v53+s25+$0x0] =	vst.idx.msk $0xffff, v13;
	v49 =	vor.u32 v1, v38  }
0x405: {  	v27 =	vor.u32 v7, v38;
	v7 =	vld [tilespmem:$0x1F7F0]  }
0x406: {  	v25 =	vor.u32 v3, v17;
	v5 =	vld.idx.msk [tilespmem:v5+s22+$0x0], $0xffff  }
0x407: {  	v23 =	vld.idx.msk [tilespmem:v23+s22+$0x0], $0xffff;
	v12 =	vor.u32 v63, v17  }
0x408: {  	[tilespmem:v24+s25+$0x0] =	vst.idx.msk $0xffff, v14;
	v16 =	vld.idx.msk [tilespmem:v16+s22+$0x0], $0xffff  }
0x409: {  	v32 =	vor.u32 v8, v38;
	v8 =	vld [tilespmem:$0x1F800];
	[tilespmem:v49+s25+$0x0] =	vst.idx.msk $0xffff, v37  }
0x40a: {  	v37 =	vld [tilespmem:$0x1F810];
	[tilespmem:v26+s25+$0x0] =	vst.idx.msk $0xffff, v4  }
0x40b: {  	v25 =	vld.idx.msk [tilespmem:v25+s22+$0x0], $0xffff;
	[tilespmem:$0x1F830] =	vst v5  }
0x40c: {  	v5 =	vld.idx.msk [tilespmem:v12+s22+$0x0], $0xffff;
	_ =	sdelay $0x2  }
0x40d: {  	v13 =	vor.u32 v7, v17  }
0x40e: {  	v49 =	vld [tilespmem:$0x1FFD0];
	[tilespmem:v27+s25+$0x0] =	vst.idx.msk $0xffff, v39  }
0x40f: {  	[tilespmem:$0x1F840] =	vst v5  }
0x410: {  	[tilespmem:v32+s25+$0x0] =	vst.idx.msk $0xffff, v31  }
0x411: {  	[tilespmem:$0x1F820] =	vst v19  }
0x412: {  	v5 =	vld.idx.msk [tilespmem:v13+s22+$0x0], $0xffff  }
0x413: {  	v14 =	vor.u32 v8, v17;
	_ =	sdelay $0x3  }
0x414: {  	v24 =	vor.u32 v10, v38;
	[tilespmem:$0x1F850] =	vst v5  }
0x415: {  	v5 =	vld.idx.msk [tilespmem:v14+s22+$0x0], $0xffff  }
0x416: {  	v1 =	vor.u32 v37, v17;
	_ =	sdelay $0x2  }
0x417: {  	[tilespmem:v24+s25+$0x0] =	vst.idx.msk $0xffff, v28  }
0x418: {  	v53 =	vor.u32 v11, v38;
	[tilespmem:$0x1F860] =	vst v5  }
0x419: {  	v1 =	vld.idx.msk [tilespmem:v1+s22+$0x0], $0xffff  }
0x41a: {  	v4 =	vor.u32 v49, v17;
	_ =	sdelay $0x2  }
0x41b: {  	[tilespmem:v53+s25+$0x0] =	vst.idx.msk $0xffff, v15  }
0x41c: {  	v26 =	vor.u32 v18, v38;
	[tilespmem:$0x1F870] =	vst v1  }
0x41d: {  	v1 =	vld.idx.msk [tilespmem:v4+s22+$0x0], $0xffff  }
0x41e: {  	v18 =	vor.u32 v61, v17;
	_ =	sdelay $0x2  }
0x41f: {  	v31 =	vld [tilespmem:$0x1FFA0];
	[tilespmem:v26+s25+$0x0] =	vst.idx.msk $0xffff, v22  }
0x420: {  	[tilespmem:$0x1F880] =	vst v1  }
0x421: {  	v1 =	vld.idx.msk [tilespmem:v18+s22+$0x0], $0xffff  }
0x422: {  	v12 =	vor.u32 v6, v38;
	v6 =	vmov v19;
	v19 =	vor.u32 v19, v17;
	_ =	sdelay $0x3  }
0x423: {  	[tilespmem:$0x1F890] =	vst v1  }
0x424: {  	v1 =	vld.idx.msk [tilespmem:v19+s22+$0x0], $0xffff  }
0x425: {  	v24 =	vor.u32 v44, v17;
	_ =	sdelay $0x1  }
0x426: {  	v48 =	vld [tilespmem:$0x1FFF0]  }
0x427: {  	v4 =	vld [tilespmem:$0x1FFE0];
	[tilespmem:v12+s25+$0x0] =	vst.idx.msk $0xffff, v52  }
0x428: {  	v13 =	vor.u32 v36, v38;
	[tilespmem:$0x1F8A0] =	vst v1  }
0x429: {  	v1 =	vld.idx.msk [tilespmem:v24+s22+$0x0], $0xffff  }
0x42a: {  	v15 =	vor.u32 v31, v17;
	_ =	sdelay $0x2  }
0x42b: {  	v12 =	vor.u32 v40, v38;
	v40 =	vld [tilespmem:$0x1FBD0];
	[tilespmem:v13+s25+$0x0] =	vst.idx.msk $0xffff, v29  }
0x42c: {  	v14 =	vor.u32 v42, v38;
	[tilespmem:$0x1F8B0] =	vst v1  }
0x42d: {  	v1 =	vld.idx.msk [tilespmem:v15+s22+$0x0], $0xffff  }
0x42e: {  	v22 =	vor.u32 v48, v17;
	_ =	sdelay $0x2  }
0x42f: {  	v33 =	vld [tilespmem:$0x1FBE0];
	[tilespmem:v14+s25+$0x0] =	vst.idx.msk $0xffff, v50  }
0x430: {  	v27 =	vor.u32 v43, v38;
	[tilespmem:$0x1F6D0] =	vst v1  }
0x431: {  	v1 =	vld.idx.msk [tilespmem:v22+s22+$0x0], $0xffff  }
0x432: {  	v17 =	vor.u32 v4, v17;
	_ =	sdelay $0x2  }
0x433: {  	v32 =	vld [tilespmem:$0x1FBF0];
	[tilespmem:v27+s25+$0x0] =	vst.idx.msk $0xffff, v47  }
0x434: {  	v26 =	vor.u32 v51, v38;
	[tilespmem:$0x1F6E0] =	vst v1  }
0x435: {  	v1 =	vld.idx.msk [tilespmem:v17+s22+$0x0], $0xffff  }
0x436: {  	v47 =	vld [tilespmem:$0x1FC40]  }
0x437: {  	v43 =	vld [tilespmem:$0x1FC30]  }
0x438: {  	v42 =	vld [tilespmem:$0x1FC20]  }
0x439: {  	v53 =	vld [tilespmem:$0x1FEA0];
	[tilespmem:v26+s25+$0x0] =	vst.idx.msk $0xffff, v34  }
0x43a: {  	[tilespmem:$0x1F6F0] =	vst v1  }
0x43b: {  	v52 =	vld [tilespmem:$0x1FEB0];
	[tilespmem:v12+s25+$0x0] =	vst.idx.msk $0xffff, v20  }
0x43c: {  	v18 =	vor.u32 v40, v0;
	v1 =	vld [tilespmem:$0x1F700];
	_ =	sdelay $0x4  }
0x43d: {  	[tilespmem:v18+s25+$0x0] =	vst.idx.msk $0xffff, v1  }
0x43e: {  	v19 =	vor.u32 v33, v0;
	v1 =	vld [tilespmem:$0x1F710];
	_ =	sdelay $0x4  }
0x43f: {  	v51 =	vld [tilespmem:$0x1FEC0];
	[tilespmem:v19+s25+$0x0] =	vst.idx.msk $0xffff, v1  }
0x440: {  	v24 =	vor.u32 v32, v0;
	v1 =	vld [tilespmem:$0x1F720];
	_ =	sdelay $0x4  }
0x441: {  	v34 =	vld [tilespmem:$0x1FED0];
	[tilespmem:v24+s25+$0x0] =	vst.idx.msk $0xffff, v1  }
0x442: {  	v27 =	vor.u32 v53, v0;
	v1 =	vld [tilespmem:$0x1F730];
	_ =	sdelay $0x4  }
0x443: {  	v5 =	vld [tilespmem:$0x1FEE0];
	[tilespmem:v27+s25+$0x0] =	vst.idx.msk $0xffff, v1  }
0x444: {  	v14 =	vor.u32 v2, v46;
	v26 =	vor.u32 v52, v0;
	v2 =	vld [tilespmem:$0x1F740];
	_ =	sdelay $0x4  }
0x445: {  	v22 =	vor.u32 v3, v46;
	v50 =	vld [tilespmem:$0x1FEF0];
	[tilespmem:v26+s25+$0x0] =	vst.idx.msk $0xffff, v2  }
0x446: {  	v17 =	vor.u32 v51, v0;
	v2 =	vld [tilespmem:$0x1F750];
	_ =	sdelay $0x3  }
0x447: {  	v1 =	vld.idx.msk [tilespmem:v22+s22+$0x0], $0xffff  }
0x448: {  	v3 =	vmov v30;
	v12 =	vor.u32 v30, v46;
	v30 =	vld [tilespmem:$0x1FF00];
	[tilespmem:v17+s25+$0x0] =	vst.idx.msk $0xffff, v2  }
0x449: {  	v19 =	vor.u32 v34, v0;
	v22 =	vor.u32 v6, v46;
	v6 =	vld [tilespmem:$0x1F760];
	_ =	sdelay $0x3  }
0x44a: {  	v2 =	vld [tilespmem:$0x1FC00]  }
0x44b: {  	v13 =	vor.u32 v41, v46;
	v41 =	vld [tilespmem:$0x1FB90];
	[tilespmem:v19+s25+$0x0] =	vst.idx.msk $0xffff, v6  }
0x44c: {  	v20 =	vor.u32 v5, v0;
	v6 =	vld [tilespmem:$0x1F780];
	_ =	sdelay $0x3  }
0x44d: {  	v15 =	vor.u32 v35, v46  }
0x44e: {  	v35 =	vld [tilespmem:$0x1F770];
	[tilespmem:v20+s25+$0x0] =	vst.idx.msk $0xffff, v6  }
0x44f: {  	v18 =	vor.u32 v63, v46;
	v27 =	vor.u32 v50, v0;
	v6 =	vld [tilespmem:$0x1F790]  }
0x450: {  	v13 =	vld.idx.msk [tilespmem:v13+s22+$0x0], $0xffff  }
0x451: {  	v11 =	vld.idx.msk [tilespmem:v14+s22+$0x0], $0xffff;
	v14 =	vor.u32 v7, v46  }
0x452: {  	v10 =	vld.idx.msk [tilespmem:v15+s22+$0x0], $0xffff;
	v15 =	vor.u32 v8, v46  }
0x453: {  	v12 =	vld.idx.msk [tilespmem:v12+s22+$0x0], $0xffff;
	v24 =	vor.u32 v37, v46  }
0x454: {  	v26 =	vor.u32 v49, v46;
	v17 =	vld.idx.msk [tilespmem:v18+s22+$0x0], $0xffff;
	[tilespmem:v27+s25+$0x0] =	vst.idx.msk $0xffff, v6  }
0x455: {  	v28 =	vor.u32 v30, v0;
	v18 =	vor.u32 v61, v46;
	v6 =	vld [tilespmem:$0x1F7A0]  }
0x456: {  	v14 =	vld.idx.msk [tilespmem:v14+s22+$0x0], $0xffff  }
0x457: {  	v15 =	vld.idx.msk [tilespmem:v15+s22+$0x0], $0xffff;
	v39 =	vor.u32 v41, v9  }
0x458: {  	v24 =	vld.idx.msk [tilespmem:v24+s22+$0x0], $0xffff;
	v19 =	vor.u32 v44, v46;
	v7 =	vor.u32 v35, v9  }
0x459: {  	v36 =	vor.u32 v31, v46;
	v26 =	vld.idx.msk [tilespmem:v26+s22+$0x0], $0xffff;
	v20 =	vor.u32 v60, v9  }
0x45a: {  	v37 =	vor.u32 v48, v46;
	v18 =	vld.idx.msk [tilespmem:v18+s22+$0x0], $0xffff;
	v27 =	vor.u32 v57, v9;
	[tilespmem:v28+s25+$0x0] =	vst.idx.msk $0xffff, v6  }
0x45b: {  	v49 =	vmovc v48;
	v48 =	vmov v4;
	v0 =	vor.u32 v2, v0;
	v28 =	vor.u32 v4, v46;
	v4 =	vld [tilespmem:$0x1F7B0]  }
0x45c: {  	v8 =	vor.u32 v41, v38;
	v63 =	vld [tilespmem:$0x1FAD0];
	[tilespmem:v39+s25+$0x0] =	vst.idx.msk $0xffff, v21  }
0x45d: {  	v19 =	vld.idx.msk [tilespmem:v19+s22+$0x0], $0xffff;
	v21 =	vor.u32 v35, v38;
	[tilespmem:v7+s25+$0x0] =	vst.idx.msk $0xffff, v23  }
0x45e: {  	v7 =	vor.u32 v60, v38;
	v23 =	vld.idx.msk [tilespmem:v36+s22+$0x0], $0xffff;
	[tilespmem:v20+s25+$0x0] =	vst.idx.msk $0xffff, v16  }
0x45f: {  	v16 =	vor.u32 v57, v38;
	v20 =	vld.idx.msk [tilespmem:v37+s22+$0x0], $0xffff;
	[tilespmem:v27+s25+$0x0] =	vst.idx.msk $0xffff, v25  }
0x460: {  	v28 =	vld.idx.msk [tilespmem:v28+s22+$0x0], $0xffff;
	[tilespmem:v0+s25+$0x0] =	vst.idx.msk $0xffff, v4  }
0x461: {  	s14 =	simm.s32 $0x20;
	v29 =	vlaneseq.u32;
	v4 =	vmov v41;
	v41 =	vld.idx.msk [tilespmem:v22+s22+$0x0], $0xffff;
	[tilespmem:v8+s25+$0x0] =	vst.idx.msk $0xffff, v13  }
0x462: {  	v6 =	vor.u32 s14, v29;
	[tilespmem:v21+s25+$0x0] =	vst.idx.msk $0xffff, v11  }
0x463: {  	v27 =	vor.u32 v54, v38;
	v0 =	vshll.u32 v6, $0x5;
	v11 =	vld [tilespmem:$0x1FF50];
	[tilespmem:v7+s25+$0x0] =	vst.idx.msk $0xffff, v10  }
0x464: {  	v13 =	vor.u32 v40, v38;
	v44 =	vor.u32 v29, v0;
	v7 =	vld [tilespmem:$0x1FF60];
	[tilespmem:v16+s25+$0x0] =	vst.idx.msk $0xffff, v1  }
0x465: {  	v1 =	vld [tilespmem:$0x1FF70];
	_ =	sdelay $0x2  }
0x466: {  	[tilespmem:v27+s25+$0x0] =	vst.idx.msk $0xffff, v12  }
0x467: {  	[tilespmem:v13+s25+$0x0] =	vst.idx.msk $0xffff, v17;
	v21 =	vld.idx.msk [tilespmem:v44+s22+$0x0], $0xffff;
	v44 =	vor.u32 v33, v38  }
0x468: {  	v16 =	vor.u32 v1, v0;
	v1 =	vld [tilespmem:$0x1FF80];
	_ =	sdelay $0x3  }
0x469: {  	v39 =	vor.u32 v42, v0;
	[tilespmem:v44+s25+$0x0] =	vst.idx.msk $0xffff, v14  }
0x46a: {  	v13 =	vor.u32 v1, v0;
	v1 =	vld [tilespmem:$0x1FF90];
	_ =	sdelay $0x3  }
0x46b: {  	v10 =	vld.idx.msk [tilespmem:v39+s22+$0x0], $0xffff;
	v39 =	vor.u32 v32, v38  }
0x46c: {  	v14 =	vor.u32 v1, v0;
	v1 =	vld [tilespmem:$0x1FC50];
	_ =	sdelay $0x1  }
0x46d: {  	v36 =	vor.u32 v43, v0  }
0x46e: {  	v25 =	vor.u32 v55, v0;
	v55 =	vor.u32 v53, v38  }
0x46f: {  	v8 =	vor.u32 v58, v0;
	[tilespmem:v39+s25+$0x0] =	vst.idx.msk $0xffff, v15  }
0x470: {  	v27 =	vor.u32 v52, v38;
	v44 =	vor.u32 v1, v0;
	v1 =	vld [tilespmem:$0x1FC60]  }
0x471: {  	v46 =	vmov s14;
	v12 =	vor.u32 v47, v0;
	v17 =	vor.u32 v51, v38  }
0x472: {  	v37 =	vshll.u32 v46, $0x3;
	v46 =	vor.u32 v34, v38;
	v22 =	vld.idx.msk [tilespmem:v36+s22+$0x0], $0xffff;
	v11 =	vor.u32 v11, v0  }
0x473: {  	v25 =	vld.idx.msk [tilespmem:v25+s22+$0x0], $0xffff;
	v7 =	vor.u32 v7, v0;
	[tilespmem:v55+s25+$0x0] =	vst.idx.msk $0xffff, v24;
	v55 =	vor.u32 v5, v38  }
0x474: {  	v8 =	vld.idx.msk [tilespmem:v8+s22+$0x0], $0xffff  }
0x475: {  	v15 =	vor.u32 v1, v0;
	v1 =	vld [tilespmem:$0x1FC70];
	[tilespmem:v27+s25+$0x0] =	vst.idx.msk $0xffff, v26  }
0x476: {  	v12 =	vld.idx.msk [tilespmem:v12+s22+$0x0], $0xffff;
	[tilespmem:v17+s25+$0x0] =	vst.idx.msk $0xffff, v18  }
0x477: {  	v11 =	vld.idx.msk [tilespmem:v11+s22+$0x0], $0xffff;
	[tilespmem:v46+s25+$0x0] =	vst.idx.msk $0xffff, v41  }
0x478: {  	v7 =	vld.idx.msk [tilespmem:v7+s22+$0x0], $0xffff;
	v27 =	vor.u32 v50, v38;
	[tilespmem:v55+s25+$0x0] =	vst.idx.msk $0xffff, v19  }
0x479: {  	v6 =	vand.u32 $0x68, v6;
	v17 =	vand.u32 $0xC00, v37;
	v18 =	vor.u32 v30, v38;
	v19 =	vld [tilespmem:$0x1FAB0]  }
0x47a: {  	v16 =	vld.idx.msk [tilespmem:v16+s22+$0x0], $0xffff;
	v26 =	vor.u32 v45, v0;
	v31 =	vor.u32 v17, v6;
	v17 =	vor.u32 v2, v38  }
0x47b: {  	v13 =	vld.idx.msk [tilespmem:v13+s22+$0x0], $0xffff  }
0x47c: {  	v14 =	vld.idx.msk [tilespmem:v14+s22+$0x0], $0xffff;
	v6 =	vor.u32 v56, v0  }
0x47d: {  	v56 =	vor.u32 v59, v31;
	v24 =	vor.u32 v1, v0;
	v1 =	vld.idx.msk [tilespmem:v44+s22+$0x0], $0xffff;
	[tilespmem:v27+s25+$0x0] =	vst.idx.msk $0xffff, v23  }
0x47e: {  	v15 =	vld.idx.msk [tilespmem:v15+s22+$0x0], $0xffff;
	[tilespmem:v18+s25+$0x0] =	vst.idx.msk $0xffff, v20;
	v19 =	vor.u32 v19, v31  }
0x47f: {  	v23 =	vor.u32 v62, v31;
	v26 =	vld.idx.msk [tilespmem:v26+s22+$0x0], $0xffff;
	[tilespmem:v17+s25+$0x0] =	vst.idx.msk $0xffff, v28  }
0x480: {  	v27 =	vld [tilespmem:$0x1FAE0]  }
0x481: {  	v6 =	vld.idx.msk [tilespmem:v6+s22+$0x0], $0xffff  }
0x482: {  	v24 =	vld.idx.msk [tilespmem:v24+s22+$0x0], $0xffff;
	[tilespmem:v56+s25+$0x0] =	vst.idx.msk $0xffff, v21  }
0x483: {  	v28 =	vld [tilespmem:$0x1FAF0];
	[tilespmem:v19+s25+$0x0] =	vst.idx.msk $0xffff, v10  }
0x484: {  	v20 =	vor.u32 v63, v31;
	v10 =	vld [tilespmem:$0x1FB00];
	[tilespmem:v23+s25+$0x0] =	vst.idx.msk $0xffff, v22  }
0x485: {  	v27 =	vor.u32 v27, v31;
	v22 =	vld [tilespmem:$0x1FB10];
	_ =	sdelay $0x3  }
0x486: {  	[tilespmem:v20+s25+$0x0] =	vst.idx.msk $0xffff, v25  }
0x487: {  	v23 =	vor.u32 v22, v31;
	v22 =	vld [tilespmem:$0x1FB20];
	[tilespmem:v27+s25+$0x0] =	vst.idx.msk $0xffff, v8  }
0x488: {  	v28 =	vor.u32 v28, v31;
	v8 =	vld [tilespmem:$0x1FB30];
	_ =	sdelay $0x1  }
0x489: {  	v10 =	vor.u32 v10, v31;
	_ =	sdelay $0x1  }
0x48a: {  	v25 =	vor.u32 v22, v31  }
0x48b: {  	[tilespmem:v28+s25+$0x0] =	vst.idx.msk $0xffff, v11;
	v8 =	vor.u32 v8, v31  }
0x48c: {  	v11 =	vld [tilespmem:$0x1FB40]  }
0x48d: {  	[tilespmem:v10+s25+$0x0] =	vst.idx.msk $0xffff, v7  }
0x48e: {  	v7 =	vld [tilespmem:$0x1FB50];
	[tilespmem:v23+s25+$0x0] =	vst.idx.msk $0xffff, v16  }
0x48f: {  	v10 =	vld [tilespmem:$0x1FB60];
	[tilespmem:v25+s25+$0x0] =	vst.idx.msk $0xffff, v12  }
0x490: {  	v12 =	vld [tilespmem:$0x1F7C0];
	[tilespmem:v8+s25+$0x0] =	vst.idx.msk $0xffff, v13  }
0x491: {  	v11 =	vor.u32 v11, v31;
	v8 =	vld [tilespmem:$0x1FB70]  }
0x492: {  	v39 =	vor.u32 v5, v9;
	v45 =	vor.u32 v2, v9;
	v37 =	vor.u32 v53, v9  }
0x493: {  	v44 =	vor.u32 v30, v9;
	v18 =	vor.u32 v54, v9;
	v7 =	vor.u32 v7, v31  }
0x494: {  	v17 =	vor.u32 v40, v9;
	v21 =	vor.u32 v33, v9;
	v19 =	vor.u32 v32, v9  }
0x495: {  	v20 =	vor.u32 v52, v9;
	v27 =	vor.u32 v51, v9;
	v28 =	vor.u32 v34, v9  }
0x496: {  	v23 =	vor.u32 v50, v9;
	v9 =	vor.u32 v8, v31;
	v8 =	vld [tilespmem:$0x1FCA0];
	[tilespmem:v11+s25+$0x0] =	vst.idx.msk $0xffff, v14  }
0x497: {  	v11 =	vld [tilespmem:$0x1FB80]  }
0x498: {  	v13 =	vld [tilespmem:$0x1FFB0];
	[tilespmem:v7+s25+$0x0] =	vst.idx.msk $0xffff, v1  }
0x499: {  	v10 =	vor.u32 v10, v31;
	v1 =	vld [tilespmem:$0x1F9E0];
	_ =	sdelay $0x4  }
0x49a: {  	v12 =	vor.u32 v12, v31;
	v14 =	vor.u32 v1, v0;
	v1 =	vld [tilespmem:$0x1F7D0];
	[tilespmem:v10+s25+$0x0] =	vst.idx.msk $0xffff, v15  }
0x49b: {  	v7 =	vld [tilespmem:$0x1F7E0];
	_ =	sdelay $0x3  }
0x49c: {  	[tilespmem:v12+s25+$0x0] =	vst.idx.msk $0xffff, v24  }
0x49d: {  	v41 =	vor.u32 v7, v0;
	v7 =	vld [tilespmem:$0x1F7F0];
	_ =	sdelay $0x4  }
0x49e: {  	v12 =	vor.u32 v7, v0;
	v7 =	vld [tilespmem:$0x1F800];
	[tilespmem:v9+s25+$0x0] =	vst.idx.msk $0xffff, v26  }
0x49f: {  	v25 =	vor.u32 v1, v0;
	v1 =	vor.u32 v3, v0;
	v3 =	vld [tilespmem:$0x1F810];
	_ =	sdelay $0x3  }
0x4a0: {  	v11 =	vor.u32 v11, v31  }
0x4a1: {  	v9 =	vor.u32 v3, v0;
	v3 =	vld [tilespmem:$0x1FFD0];
	_ =	sdelay $0x3  }
0x4a2: {  	[tilespmem:v11+s25+$0x0] =	vst.idx.msk $0xffff, v6  }
0x4a3: {  	v55 =	vor.u32 v3, v0;
	v3 =	vld [tilespmem:$0x1F820];
	_ =	sdelay $0x4  }
0x4a4: {  	v56 =	vor.u32 v3, v0;
	v3 =	vld [tilespmem:$0x1F830];
	_ =	sdelay $0x4  }
0x4a5: {  	[tilespmem:v18+s25+$0x0] =	vst.idx.msk $0xffff, v3  }
0x4a6: {  	v3 =	vld [tilespmem:$0x1F990];
	_ =	sdelay $0x4  }
0x4a7: {  	v22 =	vor.u32 v3, v0;
	v3 =	vld [tilespmem:$0x1FFA0];
	_ =	sdelay $0x4  }
0x4a8: {  	v38 =	vor.u32 v61, v0;
	v61 =	vor.u32 v3, v0;
	v3 =	vld [tilespmem:$0x1F840];
	_ =	sdelay $0x4  }
0x4a9: {  	v46 =	vor.u32 v49, v0;
	v8 =	vor.u32 v8, v0;
	[tilespmem:v17+s25+$0x0] =	vst.idx.msk $0xffff, v3  }
0x4aa: {  	v13 =	vor.u32 v13, v0;
	v24 =	vor.u32 v7, v0;
	v7 =	vor.u32 v48, v0;
	v0 =	vld [tilespmem:$0x1F850];
	_ =	sdelay $0x4  }
0x4ab: {  	[tilespmem:v21+s25+$0x0] =	vst.idx.msk $0xffff, v0  }
0x4ac: {  	v0 =	vld [tilespmem:$0x1F860];
	_ =	sdelay $0x4  }
0x4ad: {  	[tilespmem:v19+s25+$0x0] =	vst.idx.msk $0xffff, v0  }
0x4ae: {  	v0 =	vld [tilespmem:$0x1F870];
	_ =	sdelay $0x4  }
0x4af: {  	[tilespmem:v37+s25+$0x0] =	vst.idx.msk $0xffff, v0  }
0x4b0: {  	v0 =	vld [tilespmem:$0x1F880];
	_ =	sdelay $0x4  }
0x4b1: {  	[tilespmem:v20+s25+$0x0] =	vst.idx.msk $0xffff, v0  }
0x4b2: {  	v0 =	vld [tilespmem:$0x1F890];
	_ =	sdelay $0x4  }
0x4b3: {  	[tilespmem:v27+s25+$0x0] =	vst.idx.msk $0xffff, v0  }
0x4b4: {  	v0 =	vld [tilespmem:$0x1F8A0];
	_ =	sdelay $0x1  }
0x4b5: {  	v16 =	vld.idx.msk [tilespmem:v8+s22+$0x0], $0xffff  }
0x4b6: {  	v13 =	vld.idx.msk [tilespmem:v13+s22+$0x0], $0xffff  }
0x4b7: {  	v14 =	vld.idx.msk [tilespmem:v14+s22+$0x0], $0xffff  }
0x4b8: {  	v15 =	vld.idx.msk [tilespmem:v25+s22+$0x0], $0xffff;
	[tilespmem:v28+s25+$0x0] =	vst.idx.msk $0xffff, v0  }
0x4b9: {  	v36 =	vor.u32 v35, v31;
	v49 =	vor.u32 v60, v31;
	v0 =	vld [tilespmem:$0x1F8B0]  }
0x4ba: {  	v26 =	vor.u32 v53, v31;
	v48 =	vor.u32 v4, v31;
	v25 =	vor.u32 v33, v31;
	v33 =	vld.idx.msk [tilespmem:v1+s22+$0x0], $0xffff  }
0x4bb: {  	v6 =	vor.u32 v57, v31;
	v11 =	vor.u32 v54, v31;
	v8 =	vor.u32 v51, v31;
	v35 =	vld.idx.msk [tilespmem:v12+s22+$0x0], $0xffff  }
0x4bc: {  	v12 =	vor.u32 v2, v31;
	v18 =	vor.u32 v34, v31;
	v3 =	vor.u32 v30, v31;
	v21 =	vld.idx.msk [tilespmem:v24+s22+$0x0], $0xffff  }
0x4bd: {  	v24 =	vld.idx.msk [tilespmem:v9+s22+$0x0], $0xffff;
	v19 =	vor.u32 v40, v31;
	v20 =	vor.u32 v32, v31;
	v27 =	vor.u32 v52, v31  }
0x4be: {  	s9 =	sshll.u32 s5, $0x11;
	s12 =	simm.s32 $0x2;
	s14 =	simm.s32 $0x50;
	v32 =	vld.idx.msk [tilespmem:v41+s22+$0x0], $0xffff;
	v28 =	vor.u32 v5, v31;
	v5 =	vor.u32 v50, v31;
	[tilespmem:v39+s25+$0x0] =	vst.idx.msk $0xffff, v0  }
.LBB2_16:
0x4bf: {  	v0 =	vld.idx.msk [tilespmem:v55+s22+$0x0], $0xffff;
	_ =	sdelay $0x4  }
0x4c0: {  	[tilespmem:$0x1F620] =	vst v0;
	v0 =	vld [tilespmem:$0x1F6D0];
	_ =	sdelay $0x4  }
0x4c1: {  	[tilespmem:v23+s25+$0x0] =	vst.idx.msk $0xffff, v0;
	v0 =	vmov v5  }
0x4c2: {  	[tilespmem:$0x1F430] =	vst v0;
	v0 =	vld.idx.msk [tilespmem:v38+s22+$0x0], $0xffff;
	_ =	sdelay $0x4  }
0x4c3: {  	[tilespmem:$0x1F640] =	vst v0;
	v0 =	vld [tilespmem:$0x1F6E0];
	_ =	sdelay $0x4  }
0x4c4: {  	[tilespmem:v44+s25+$0x0] =	vst.idx.msk $0xffff, v0;
	v0 =	vmov v3  }
0x4c5: {  	[tilespmem:$0x1F420] =	vst v0;
	v0 =	vld.idx.msk [tilespmem:v56+s22+$0x0], $0xffff;
	_ =	sdelay $0x4  }
0x4c6: {  	[tilespmem:$0x1F660] =	vst v0;
	v0 =	vld [tilespmem:$0x1F6F0];
	_ =	sdelay $0x1  }
0x4c7: {  	v9 =	vld [tilespmem:$0x1FF50]  }
0x4c8: {  	[tilespmem:$0x1F650] =	vst v8;
	v8 =	vld [tilespmem:$0x1FF60]  }
0x4c9: {  	[tilespmem:$0x1F5B0] =	vst v32;
	v17 =	vld [tilespmem:$0x1FF80]  }
0x4ca: {  	v32 =	vld [tilespmem:$0x1FF90];
	[tilespmem:v45+s25+$0x0] =	vst.idx.msk $0xffff, v0  }
0x4cb: {  	[tilespmem:$0x1F590] =	vst v33;
	v0 =	vld.idx.msk [tilespmem:v22+s22+$0x0], $0xffff  }
0x4cc: {  	[tilespmem:$0x1F670] =	vst v18;
	v18 =	vor.u32 s14, v29;
	v33 =	vld [tilespmem:$0x1FC60]  }
0x4cd: {  	v34 =	vld [tilespmem:$0x1FC70];
	v55 =	vshll.u32 v18, $0x5  }
0x4ce: {  	[tilespmem:$0x1F5F0] =	vst v21;
	v10 =	vld [tilespmem:$0x1FCA0];
	v21 =	vor.u32 v42, v55  }
0x4cf: {  	[tilespmem:$0x1F5C0] =	vst v25;
	v40 =	vld [tilespmem:$0x1FB70]  }
0x4d0: {  	[tilespmem:$0x1F680] =	vst v0;
	v0 =	vld [tilespmem:$0x1FF30]  }
0x4d1: {  	v41 =	vld [tilespmem:$0x1FB80];
	[tilespmem:$0x1F610] =	vst v24;
	v24 =	vor.u32 v43, v55  }
0x4d2: {  	[tilespmem:$0x1F580] =	vst v11;
	s8 =	sadd.s32 $0xFFFFFFF0, s14;
	v11 =	vld [tilespmem:$0x1F820]  }
0x4d3: {  	[tilespmem:$0x1F690] =	vst v28;
	v1 =	vmov s8;
	v2 =	vor.u32 s8, v29;
	v21 =	vld.idx.msk [tilespmem:v21+s22+$0x0], $0xffff;
	v5 =	vor.u32 v29, v55  }
0x4d4: {  	[tilespmem:$0x1F630] =	vst v27;
	v4 =	vshll.u32 v1, $0x3;
	v37 =	vor.u32 v58, v55;
	v3 =	vshll.u32 v2, $0x5;
	v1 =	vld.idx.msk [tilespmem:v61+s22+$0x0], $0xffff  }
0x4d5: {  	v38 =	vor.u32 v8, v55;
	v23 =	vor.u32 v0, v3;
	v27 =	vor.u32 v0, v55;
	v0 =	vld.idx.msk [tilespmem:v46+s22+$0x0], $0xffff  }
0x4d6: {  	[tilespmem:$0x1F5A0] =	vst v19;
	v24 =	vld.idx.msk [tilespmem:v24+s22+$0x0], $0xffff  }
0x4d7: {  	[tilespmem:$0x1F600] =	vst v26;
	v60 =	vor.u32 v47, v55;
	v44 =	vld [tilespmem:$0x1FB90]  }
0x4d8: {  	[tilespmem:$0x1F5E0] =	vst v20;
	v20 =	vor.u32 v42, v3;
	v42 =	vld.idx.msk [tilespmem:v5+s22+$0x0], $0xffff  }
0x4d9: {  	v26 =	vor.u32 v9, v3;
	v5 =	vor.u32 v9, v55;
	v9 =	vld.idx.msk [tilespmem:v37+s22+$0x0], $0xffff;
	[tilespmem:$0x1F6D0] =	vst v1  }
0x4da: {  	v19 =	vor.u32 v29, v3;
	v25 =	vor.u32 v58, v3;
	v58 =	vld.idx.msk [tilespmem:v38+s22+$0x0], $0xffff;
	[tilespmem:$0x1F6E0] =	vst v0  }
0x4db: {  	v0 =	vld.idx.msk [tilespmem:v7+s22+$0x0], $0xffff;
	[tilespmem:v48+s25+$0x0] =	vst.idx.msk $0xffff, v16  }
0x4dc: {  	v28 =	vor.u32 v8, v3;
	v8 =	vld.idx.msk [tilespmem:v60+s22+$0x0], $0xffff;
	[tilespmem:v36+s25+$0x0] =	vst.idx.msk $0xffff, v13  }
0x4dd: {  	v1 =	vld [tilespmem:$0x1FF70];
	[tilespmem:v49+s25+$0x0] =	vst.idx.msk $0xffff, v14  }
0x4de: {  	v45 =	vld.idx.msk [tilespmem:v5+s22+$0x0], $0xffff;
	[tilespmem:v6+s25+$0x0] =	vst.idx.msk $0xffff, v15  }
0x4df: {  	v5 =	vld.idx.msk [tilespmem:v19+s22+$0x0], $0xffff  }
0x4e0: {  	v37 =	vld [tilespmem:$0x1FBA0];
	v61 =	vor.u32 v17, v55  }
0x4e1: {  	[tilespmem:$0x1F6F0] =	vst v0;
	v0 =	vld [tilespmem:$0x1FC50]  }
0x4e2: {  	v29 =	vor.u32 v1, v3;
	v39 =	vor.u32 v1, v55;
	v1 =	vld [tilespmem:$0x1FC80]  }
0x4e3: {  	v31 =	vor.u32 v17, v3;
	v17 =	vld [tilespmem:$0x1FB10]  }
0x4e4: {  	v22 =	vor.u32 v43, v3;
	[tilespmem:$0x1F460] =	vst v5;
	v5 =	vld.idx.msk [tilespmem:v20+s22+$0x0], $0xffff  }
0x4e5: {  	[tilespmem:$0x1F5D0] =	vst v35;
	v43 =	vor.u32 v32, v3;
	v54 =	vld.idx.msk [tilespmem:v61+s22+$0x0], $0xffff  }
0x4e6: {  	v61 =	vld [tilespmem:$0x1FB40];
	v16 =	vor.u32 v32, v55;
	v50 =	vor.u32 v0, v3;
	v32 =	vor.u32 v0, v55;
	v0 =	vmovc v12  }
0x4e7: {  	v7 =	vor.u32 v1, v3;
	[tilespmem:$0x1F440] =	vst v0;
	v0 =	vld [tilespmem:$0x1FAB0]  }
0x4e8: {  	v53 =	vmov s14;
	[tilespmem:$0x1F410] =	vst v7;
	v7 =	vld [tilespmem:$0x1FC90];
	v14 =	vor.u32 v34, v55  }
0x4e9: {  	v35 =	vshll.u32 v53, $0x3;
	v18 =	vand.u32 $0x78, v18;
	[tilespmem:$0x1F480] =	vst v5;
	v5 =	vld.idx.msk [tilespmem:v22+s22+$0x0], $0xffff  }
0x4ea: {  	v4 =	vand.u32 $0xC00, v4;
	v2 =	vand.u32 $0x68, v2;
	v36 =	vld.idx.msk [tilespmem:v39+s22+$0x0], $0xffff;
	v39 =	vand.u32 $0xC00, v35  }
0x4eb: {  	v4 =	vor.u32 v4, v2;
	v27 =	vld.idx.msk [tilespmem:v27+s22+$0x0], $0xffff;
	v15 =	vor.u32 v1, v55;
	v6 =	vor.u32 v39, v18  }
0x4ec: {  	v57 =	vld.idx.msk [tilespmem:v16+s22+$0x0], $0xffff;
	v1 =	vor.u32 v0, v4;
	v18 =	vor.u32 v0, v6;
	v0 =	vor.u32 v62, v4  }
0x4ed: {  	v13 =	vor.u32 v33, v55;
	v60 =	vld.idx.msk [tilespmem:v14+s22+$0x0], $0xffff;
	[tilespmem:$0x1F490] =	vst v0  }
0x4ee: {  	v0 =	vor.u32 v63, v4;
	[tilespmem:$0x1F4A0] =	vst v5;
	v5 =	vld.idx.msk [tilespmem:v23+s22+$0x0], $0xffff  }
0x4ef: {  	v2 =	vor.u32 v10, v3;
	v16 =	vor.u32 v59, v6;
	v12 =	vor.u32 v7, v55;
	[tilespmem:$0x1F4B0] =	vst v0;
	v0 =	vld [tilespmem:$0x1FAE0]  }
0x4f0: {  	[tilespmem:$0x1F570] =	vst v2;
	v2 =	vor.u32 v59, v4;
	v48 =	vld.idx.msk [tilespmem:v15+s22+$0x0], $0xffff  }
0x4f1: {  	[tilespmem:$0x1F450] =	vst v2;
	v38 =	vld.idx.msk [tilespmem:v32+s22+$0x0], $0xffff  }
0x4f2: {  	v39 =	vor.u32 v62, v6;
	[tilespmem:$0x1F470] =	vst v1;
	v1 =	vld.idx.msk [tilespmem:v13+s22+$0x0], $0xffff  }
0x4f3: {  	v30 =	vor.u32 v47, v3;
	v47 =	vor.u32 v63, v6;
	[tilespmem:$0x1F4C0] =	vst v5;
	v5 =	vld.idx.msk [tilespmem:v25+s22+$0x0], $0xffff  }
0x4f4: {  	v2 =	vor.u32 v0, v4;
	v51 =	vor.u32 v0, v6;
	v0 =	vld.idx.msk [tilespmem:v12+s22+$0x0], $0xffff;
	[tilespmem:v16+s25+$0x0] =	vst.idx.msk $0xffff, v42  }
0x4f5: {  	v35 =	vld [tilespmem:$0x1FB60];
	[tilespmem:$0x1F4D0] =	vst v2  }
0x4f6: {  	v2 =	vld [tilespmem:$0x1FAF0];
	[tilespmem:v18+s25+$0x0] =	vst.idx.msk $0xffff, v21  }
0x4f7: {  	v13 =	vld [tilespmem:$0x1FB00];
	[tilespmem:v39+s25+$0x0] =	vst.idx.msk $0xffff, v24  }
0x4f8: {  	[tilespmem:$0x1F4E0] =	vst v5;
	v5 =	vld.idx.msk [tilespmem:v26+s22+$0x0], $0xffff  }
0x4f9: {  	[tilespmem:v47+s25+$0x0] =	vst.idx.msk $0xffff, v27;
	v27 =	vld [tilespmem:$0x1F7C0]  }
0x4fa: {  	v18 =	vld [tilespmem:$0x1FB20]  }
0x4fb: {  	v59 =	vld [tilespmem:$0x1FB30];
	v53 =	vor.u32 v2, v6  }
0x4fc: {  	v56 =	vor.u32 v34, v3;
	v34 =	vld [tilespmem:$0x1FB50];
	v19 =	vor.u32 v13, v6;
	[tilespmem:v51+s25+$0x0] =	vst.idx.msk $0xffff, v9  }
0x4fd: {  	v2 =	vor.u32 v2, v4;
	[tilespmem:$0x1F4F0] =	vst v5;
	v5 =	vld.idx.msk [tilespmem:v28+s22+$0x0], $0xffff  }
0x4fe: {  	v46 =	vor.u32 v7, v3;
	v14 =	vld [tilespmem:$0x1F990];
	v20 =	vor.u32 v17, v6;
	[tilespmem:$0x1F500] =	vst v2;
	v7 =	vor.u32 v27, v4  }
0x4ff: {  	v15 =	vld [tilespmem:$0x1F9E0];
	v21 =	vor.u32 v18, v6;
	[tilespmem:$0x1F560] =	vst v7  }
0x500: {  	v22 =	vld [tilespmem:$0x1FFC0];
	v9 =	vor.u32 v59, v6;
	[tilespmem:v53+s25+$0x0] =	vst.idx.msk $0xffff, v45  }
0x501: {  	v23 =	vor.u32 v61, v6;
	v16 =	vld [tilespmem:$0x1FFF0];
	[tilespmem:v19+s25+$0x0] =	vst.idx.msk $0xffff, v58  }
0x502: {  	[tilespmem:$0x1F510] =	vst v5;
	v5 =	vld.idx.msk [tilespmem:v29+s22+$0x0], $0xffff  }
0x503: {  	v12 =	vld [tilespmem:$0x1F770];
	v25 =	vor.u32 v34, v6;
	[tilespmem:v20+s25+$0x0] =	vst.idx.msk $0xffff, v36  }
0x504: {  	v39 =	vld [tilespmem:$0x1F7D0];
	v26 =	vor.u32 v35, v6;
	[tilespmem:v21+s25+$0x0] =	vst.idx.msk $0xffff, v8  }
0x505: {  	v53 =	vld [tilespmem:$0x1F7F0];
	v8 =	vor.u32 v27, v6;
	[tilespmem:v9+s25+$0x0] =	vst.idx.msk $0xffff, v54  }
0x506: {  	v2 =	vld [tilespmem:$0x1FBC0];
	v9 =	vor.u32 v40, v6;
	[tilespmem:v23+s25+$0x0] =	vst.idx.msk $0xffff, v57  }
0x507: {  	[tilespmem:$0x1F520] =	vst v5;
	v5 =	vld.idx.msk [tilespmem:v30+s22+$0x0], $0xffff  }
0x508: {  	v7 =	vld [tilespmem:$0x1F800];
	v23 =	vor.u32 v41, v6;
	[tilespmem:v25+s25+$0x0] =	vst.idx.msk $0xffff, v38  }
0x509: {  	v25 =	vor.u32 v10, v55;
	v38 =	vld [tilespmem:$0x1FFD0];
	[tilespmem:v26+s25+$0x0] =	vst.idx.msk $0xffff, v1  }
0x50a: {  	v29 =	vor.u32 v53, v55;
	v10 =	vld [tilespmem:$0x1FA90];
	[tilespmem:v8+s25+$0x0] =	vst.idx.msk $0xffff, v60  }
0x50b: {  	v45 =	vor.u32 v11, v55;
	v26 =	vor.u32 v13, v4;
	v13 =	vld [tilespmem:$0x1FFA0];
	[tilespmem:v9+s25+$0x0] =	vst.idx.msk $0xffff, v48  }
0x50c: {  	[tilespmem:$0x1F530] =	vst v5;
	v5 =	vld.idx.msk [tilespmem:v31+s22+$0x0], $0xffff  }
0x50d: {  	v54 =	vor.u32 v14, v55;
	v48 =	vld [tilespmem:$0x1F7E0];
	[tilespmem:v23+s25+$0x0] =	vst.idx.msk $0xffff, v0  }
0x50e: {  	v51 =	vor.u32 v16, v55;
	v23 =	vld.idx.msk [tilespmem:v25+s22+$0x0], $0xffff  }
0x50f: {  	v9 =	vor.u32 v39, v55;
	v29 =	vld.idx.msk [tilespmem:v29+s22+$0x0], $0xffff  }
0x510: {  	v25 =	vor.u32 v18, v4;
	v18 =	vld.idx.msk [tilespmem:v45+s22+$0x0], $0xffff  }
0x511: {  	[tilespmem:$0x1F540] =	vst v5;
	v5 =	vld.idx.msk [tilespmem:v43+s22+$0x0], $0xffff  }
0x512: {  	v8 =	vor.u32 v15, v55;
	v54 =	vld.idx.msk [tilespmem:v54+s22+$0x0], $0xffff  }
0x513: {  	v60 =	vld.idx.msk [tilespmem:v51+s22+$0x0], $0xffff;
	v28 =	vor.u32 v48, v55  }
0x514: {  	v19 =	vld.idx.msk [tilespmem:v9+s22+$0x0], $0xffff  }
0x515: {  	v0 =	vor.u32 v22, v55;
	v9 =	vld [tilespmem:$0x1F810]  }
0x516: {  	v30 =	vor.u32 v7, v55;
	[tilespmem:$0x1F550] =	vst v5;
	v5 =	vld [tilespmem:$0x1FFB0]  }
0x517: {  	v63 =	vor.u32 v38, v55;
	v8 =	vld.idx.msk [tilespmem:v8+s22+$0x0], $0xffff  }
0x518: {  	v42 =	vld.idx.msk [tilespmem:v28+s22+$0x0], $0xffff  }
0x519: {  	v49 =	vor.u32 v13, v55;
	v28 =	vor.u32 v17, v4;
	v17 =	vld [tilespmem:$0x1FFE0]  }
0x51a: {  	v0 =	vld.idx.msk [tilespmem:v0+s22+$0x0], $0xffff;
	v31 =	vor.u32 v9, v55  }
0x51b: {  	v30 =	vld.idx.msk [tilespmem:v30+s22+$0x0], $0xffff;
	v1 =	vor.u32 v5, v55  }
0x51c: {  	v36 =	vld.idx.msk [tilespmem:v63+s22+$0x0], $0xffff;
	v43 =	vor.u32 v10, v55  }
0x51d: {  	v63 =	vor.u32 v35, v4;
	v35 =	vor.u32 v15, v3;
	v15 =	vld.idx.msk [tilespmem:v50+s22+$0x0], $0xffff  }
0x51e: {  	v58 =	vld.idx.msk [tilespmem:v49+s22+$0x0], $0xffff;
	v55 =	vor.u32 v17, v55  }
0x51f: {  	v57 =	vor.u32 v59, v4;
	v59 =	vor.u32 v61, v4;
	v61 =	vor.u32 v44, v6;
	v31 =	vld.idx.msk [tilespmem:v31+s22+$0x0], $0xffff  }
0x520: {  	v45 =	vor.u32 v12, v6;
	v1 =	vld.idx.msk [tilespmem:v1+s22+$0x0], $0xffff  }
0x521: {  	v43 =	vld.idx.msk [tilespmem:v43+s22+$0x0], $0xffff  }
0x522: {  	v62 =	vor.u32 v34, v4;
	v34 =	vor.u32 v5, v3;
	v5 =	vld [tilespmem:$0x1FBB0]  }
0x523: {  	v51 =	vld.idx.msk [tilespmem:v55+s22+$0x0], $0xffff  }
0x524: {  	[tilespmem:v61+s25+$0x0] =	vst.idx.msk $0xffff, v23;
	v23 =	vld [tilespmem:$0x1FBD0]  }
0x525: {  	[tilespmem:v45+s25+$0x0] =	vst.idx.msk $0xffff, v1;
	v45 =	vld [tilespmem:$0x1FBE0]  }
0x526: {  	v52 =	vor.u32 v33, v3;
	v33 =	vor.u32 v37, v6;
	v50 =	vld [tilespmem:$0x1FBF0]  }
0x527: {  	v20 =	vor.u32 v40, v4;
	v40 =	vor.u32 v5, v6  }
0x528: {  	v47 =	vor.u32 v2, v6  }
0x529: {  	v61 =	vor.u32 v23, v6  }
0x52a: {  	v55 =	vor.u32 v38, v3;
	v38 =	vor.u32 v10, v3;
	v10 =	vld [tilespmem:$0x1FEC0];
	v1 =	vor.u32 v45, v6  }
0x52b: {  	[tilespmem:v33+s25+$0x0] =	vst.idx.msk $0xffff, v8;
	v8 =	vor.u32 v50, v6;
	v33 =	vld.idx.msk [tilespmem:v56+s22+$0x0], $0xffff  }
0x52c: {  	[tilespmem:v40+s25+$0x0] =	vst.idx.msk $0xffff, v19;
	v19 =	vld [tilespmem:$0x1FEA0]  }
0x52d: {  	[tilespmem:v47+s25+$0x0] =	vst.idx.msk $0xffff, v0;
	v47 =	vld [tilespmem:$0x1FEB0]  }
0x52e: {  	v56 =	vor.u32 v11, v3;
	v11 =	vld [tilespmem:$0x1FED0];
	[tilespmem:v61+s25+$0x0] =	vst.idx.msk $0xffff, v42  }
0x52f: {  	v40 =	vld.idx.msk [tilespmem:v46+s22+$0x0], $0xffff;
	[tilespmem:v1+s25+$0x0] =	vst.idx.msk $0xffff, v29  }
0x530: {  	v21 =	vor.u32 v53, v3;
	[tilespmem:v8+s25+$0x0] =	vst.idx.msk $0xffff, v30;
	v8 =	vld [tilespmem:$0x1FEE0]  }
0x531: {  	v53 =	vor.u32 v7, v3;
	v61 =	vor.u32 v13, v3;
	v13 =	vld [tilespmem:$0x1FEF0];
	v7 =	vor.u32 v19, v6  }
0x532: {  	v46 =	vor.u32 v16, v3;
	v16 =	vld [tilespmem:$0x1FF00];
	v0 =	vor.u32 v47, v6  }
0x533: {  	v24 =	vor.u32 v22, v3;
	v22 =	vor.u32 v14, v3;
	v14 =	vld [tilespmem:$0x1FC00];
	v49 =	vor.u32 v10, v6  }
0x534: {  	v1 =	vor.u32 v11, v6  }
0x535: {  	v32 =	vor.u32 v41, v4;
	v41 =	vor.u32 v39, v3;
	v29 =	vor.u32 v8, v6  }
0x536: {  	v27 =	vor.u32 v48, v3;
	v30 =	vor.u32 v13, v6;
	[tilespmem:v7+s25+$0x0] =	vst.idx.msk $0xffff, v31  }
0x537: {  	v39 =	vor.u32 v9, v3;
	[tilespmem:v0+s25+$0x0] =	vst.idx.msk $0xffff, v36;
	v0 =	vor.u32 v16, v6  }
0x538: {  	v7 =	vor.u32 v17, v3;
	v3 =	vor.u32 v14, v6;
	[tilespmem:v49+s25+$0x0] =	vst.idx.msk $0xffff, v43  }
0x539: {  	[tilespmem:v1+s25+$0x0] =	vst.idx.msk $0xffff, v18  }
0x53a: {  	[tilespmem:v29+s25+$0x0] =	vst.idx.msk $0xffff, v54  }
0x53b: {  	[tilespmem:v30+s25+$0x0] =	vst.idx.msk $0xffff, v58  }
0x53c: {  	v9 =	vld [tilespmem:$0x1F410];
	[tilespmem:v0+s25+$0x0] =	vst.idx.msk $0xffff, v60  }
0x53d: {  	[tilespmem:v3+s25+$0x0] =	vst.idx.msk $0xffff, v51;
	v3 =	vld [tilespmem:$0x1F450];
	_ =	sdelay $0x2  }
0x53e: {  	v6 =	vor.u32 v5, v4;
	v5 =	vld [tilespmem:$0x1F460];
	_ =	sdelay $0x2  }
0x53f: {  	v52 =	vld.idx.msk [tilespmem:v52+s22+$0x0], $0xffff  }
0x540: {  	v9 =	vld.idx.msk [tilespmem:v9+s22+$0x0], $0xffff  }
0x541: {  	[tilespmem:v3+s25+$0x0] =	vst.idx.msk $0xffff, v5;
	v3 =	vld [tilespmem:$0x1F470];
	_ =	sdelay $0x2  }
0x542: {  	v5 =	vld [tilespmem:$0x1F480];
	_ =	sdelay $0x4  }
0x543: {  	[tilespmem:v3+s25+$0x0] =	vst.idx.msk $0xffff, v5;
	v3 =	vld [tilespmem:$0x1F490];
	_ =	sdelay $0x2  }
0x544: {  	v54 =	vor.u32 v8, v4;
	v8 =	vld [tilespmem:$0x1F4A0]  }
0x545: {  	v48 =	vor.u32 v44, v4;
	v31 =	vor.u32 v47, v4;
	v36 =	vor.u32 v12, v4  }
0x546: {  	v12 =	vor.u32 v14, v4;
	v49 =	vor.u32 v37, v4;
	v1 =	vor.u32 v2, v4  }
0x547: {  	v2 =	vor.u32 v23, v4;
	v29 =	vor.u32 v45, v4;
	v30 =	vor.u32 v50, v4  }
0x548: {  	v50 =	vor.u32 v10, v4;
	v0 =	vor.u32 v19, v4;
	v51 =	vor.u32 v11, v4  }
0x549: {  	v5 =	vor.u32 v13, v4;
	[tilespmem:v3+s25+$0x0] =	vst.idx.msk $0xffff, v8;
	v3 =	vor.u32 v16, v4;
	v4 =	vld [tilespmem:$0x1F4B0];
	_ =	sdelay $0x2  }
0x54a: {  	v8 =	vld [tilespmem:$0x1F4C0];
	_ =	sdelay $0x4  }
0x54b: {  	[tilespmem:v4+s25+$0x0] =	vst.idx.msk $0xffff, v8;
	v4 =	vld [tilespmem:$0x1F4D0];
	_ =	sdelay $0x2  }
0x54c: {  	v8 =	vld [tilespmem:$0x1F4E0];
	_ =	sdelay $0x4  }
0x54d: {  	[tilespmem:v4+s25+$0x0] =	vst.idx.msk $0xffff, v8;
	v8 =	vld [tilespmem:$0x1F500];
	_ =	sdelay $0x2  }
0x54e: {  	v4 =	vld [tilespmem:$0x1F4F0];
	_ =	sdelay $0x4  }
0x54f: {  	[tilespmem:v8+s25+$0x0] =	vst.idx.msk $0xffff, v4;
	v4 =	vld [tilespmem:$0x1F510];
	_ =	sdelay $0x4  }
0x550: {  	[tilespmem:v26+s25+$0x0] =	vst.idx.msk $0xffff, v4;
	v4 =	vld [tilespmem:$0x1F520];
	_ =	sdelay $0x4  }
0x551: {  	[tilespmem:v28+s25+$0x0] =	vst.idx.msk $0xffff, v4;
	v4 =	vld [tilespmem:$0x1F530];
	_ =	sdelay $0x4  }
0x552: {  	[tilespmem:v25+s25+$0x0] =	vst.idx.msk $0xffff, v4;
	v4 =	vld [tilespmem:$0x1F540];
	_ =	sdelay $0x4  }
0x553: {  	[tilespmem:v57+s25+$0x0] =	vst.idx.msk $0xffff, v4;
	v4 =	vld [tilespmem:$0x1F550];
	_ =	sdelay $0x4  }
0x554: {  	[tilespmem:v59+s25+$0x0] =	vst.idx.msk $0xffff, v4;
	v4 =	vld [tilespmem:$0x1F560];
	_ =	sdelay $0x5  }
0x555: {  	[tilespmem:v62+s25+$0x0] =	vst.idx.msk $0xffff, v15  }
0x556: {  	[tilespmem:v63+s25+$0x0] =	vst.idx.msk $0xffff, v52  }
0x557: {  	[tilespmem:v4+s25+$0x0] =	vst.idx.msk $0xffff, v33;
	v4 =	vld [tilespmem:$0x1F570];
	_ =	sdelay $0x5  }
0x558: {  	[tilespmem:v20+s25+$0x0] =	vst.idx.msk $0xffff, v9  }
0x559: {  	[tilespmem:v32+s25+$0x0] =	vst.idx.msk $0xffff, v40  }
0x55a: {  	v16 =	vld.idx.msk [tilespmem:v4+s22+$0x0], $0xffff  }
0x55b: {  	v4 =	vld [tilespmem:$0x1F580];
	_ =	sdelay $0x2  }
0x55c: {  	v8 =	vld [tilespmem:$0x1F590];
	_ =	sdelay $0x1  }
0x55d: {  	v11 =	vmov v1;
	v1 =	vld [tilespmem:$0x1F5A0];
	_ =	sdelay $0x2  }
0x55e: {  	[tilespmem:v4+s25+$0x0] =	vst.idx.msk $0xffff, v8;
	v4 =	vld [tilespmem:$0x1F5B0];
	_ =	sdelay $0x3  }
0x55f: {  	v13 =	vld.idx.msk [tilespmem:v34+s22+$0x0], $0xffff  }
0x560: {  	[tilespmem:v1+s25+$0x0] =	vst.idx.msk $0xffff, v4;
	v1 =	vld [tilespmem:$0x1F5C0];
	_ =	sdelay $0x2  }
0x561: {  	v19 =	vmov v2;
	v2 =	vld [tilespmem:$0x1F5D0];
	_ =	sdelay $0x3  }
0x562: {  	v14 =	vld.idx.msk [tilespmem:v35+s22+$0x0], $0xffff  }
0x563: {  	[tilespmem:v1+s25+$0x0] =	vst.idx.msk $0xffff, v2;
	v1 =	vld [tilespmem:$0x1F5E0];
	_ =	sdelay $0x2  }
0x564: {  	v2 =	vld [tilespmem:$0x1F5F0];
	_ =	sdelay $0x3  }
0x565: {  	v15 =	vld.idx.msk [tilespmem:v41+s22+$0x0], $0xffff  }
0x566: {  	[tilespmem:v1+s25+$0x0] =	vst.idx.msk $0xffff, v2;
	v1 =	vld [tilespmem:$0x1F600];
	_ =	sdelay $0x2  }
0x567: {  	v2 =	vld [tilespmem:$0x1F610];
	_ =	sdelay $0x3  }
0x568: {  	v33 =	vld.idx.msk [tilespmem:v24+s22+$0x0], $0xffff  }
0x569: {  	[tilespmem:v1+s25+$0x0] =	vst.idx.msk $0xffff, v2;
	v1 =	vld [tilespmem:$0x1F630];
	_ =	sdelay $0x2  }
0x56a: {  	v26 =	vmov v0;
	v0 =	vld [tilespmem:$0x1F620];
	_ =	sdelay $0x3  }
0x56b: {  	v32 =	vld.idx.msk [tilespmem:v27+s22+$0x0], $0xffff  }
0x56c: {  	[tilespmem:v1+s25+$0x0] =	vst.idx.msk $0xffff, v0;
	v1 =	vld [tilespmem:$0x1F650];
	_ =	sdelay $0x2  }
0x56d: {  	v0 =	vld [tilespmem:$0x1F640];
	_ =	sdelay $0x3  }
0x56e: {  	v35 =	vld.idx.msk [tilespmem:v21+s22+$0x0], $0xffff  }
0x56f: {  	[tilespmem:v1+s25+$0x0] =	vst.idx.msk $0xffff, v0;
	v1 =	vld [tilespmem:$0x1F670];
	_ =	sdelay $0x1  }
0x570: {  	v44 =	vld [tilespmem:$0x1F420]  }
0x571: {  	v0 =	vld [tilespmem:$0x1F660]  }
0x572: {  	v42 =	vld [tilespmem:$0x1FC20]  }
0x573: {  	v47 =	vld [tilespmem:$0x1FC40]  }
0x574: {  	v43 =	vld [tilespmem:$0x1FC30]  }
0x575: {  	v21 =	vld.idx.msk [tilespmem:v53+s22+$0x0], $0xffff  }
0x576: {  	[tilespmem:v1+s25+$0x0] =	vst.idx.msk $0xffff, v0;
	v1 =	vld [tilespmem:$0x1F690]  }
0x577: {  	v23 =	vld [tilespmem:$0x1F430]  }
0x578: {  	s12 =	sadd.s32 $0x2, s12;
	v45 =	vld [tilespmem:$0x1F440]  }
0x579: {  	p2 =	slt.u32 s12, $0x1E;
	v0 =	vld [tilespmem:$0x1F680]  }
.Ltmp9:
0x57a: {  	v58 =	vld [tilespmem:$0x1FF40];
	(pc) =	sbr.rel @p2 .LBB2_16-.Ltmp9, $4  }
0x57b: {  	v59 =	vld [tilespmem:$0x1FE90]  }
0x57c: {  	v62 =	vld [tilespmem:$0x1FAC0]  }
0x57d: {  	v18 =	vmov v51;
	v28 =	vmov v54;
	v63 =	vld [tilespmem:$0x1FAD0]  }
0x57e: {  	s14 =	sadd.s32 $0x20, s14;
	v25 =	vmovc v29;
	v29 =	vlaneseq.u32;
	v20 =	vmovc v30;
	v8 =	vmov v50;
	v27 =	vmov v31;
	v24 =	vld.idx.msk [tilespmem:v39+s22+$0x0], $0xffff;
	[tilespmem:v1+s25+$0x0] =	vst.idx.msk $0xffff, v0  }
0x57f: {  	v9 =	vld [tilespmem:$0x1F6D0];
	_ =	sdelay $0x3  }
0x580: {  	v0 =	vld.idx.msk [tilespmem:v55+s22+$0x0], $0xffff  }
0x581: {  	v1 =	vld.idx.msk [tilespmem:v38+s22+$0x0], $0xffff;
	[tilespmem:v23+s25+$0x0] =	vst.idx.msk $0xffff, v9  }
0x582: {  	v17 =	vld [tilespmem:$0x1F6E0]  }
0x583: {  	v2 =	vld.idx.msk [tilespmem:v56+s22+$0x0], $0xffff  }
0x584: {  	v4 =	vld.idx.msk [tilespmem:v22+s22+$0x0], $0xffff  }
0x585: {  	v61 =	vld.idx.msk [tilespmem:v61+s22+$0x0], $0xffff  }
0x586: {  	v10 =	vld.idx.msk [tilespmem:v46+s22+$0x0], $0xffff  }
0x587: {  	v7 =	vld.idx.msk [tilespmem:v7+s22+$0x0], $0xffff;
	[tilespmem:v44+s25+$0x0] =	vst.idx.msk $0xffff, v17  }
0x588: {  	v17 =	vld [tilespmem:$0x1F6F0];
	[tilespmem:v48+s25+$0x0] =	vst.idx.msk $0xffff, v16  }
0x589: {  	[tilespmem:v36+s25+$0x0] =	vst.idx.msk $0xffff, v13  }
0x58a: {  	[tilespmem:v49+s25+$0x0] =	vst.idx.msk $0xffff, v14  }
0x58b: {  	[tilespmem:v6+s25+$0x0] =	vst.idx.msk $0xffff, v15  }
0x58c: {  	[tilespmem:v11+s25+$0x0] =	vst.idx.msk $0xffff, v33  }
0x58d: {  	[tilespmem:v45+s25+$0x0] =	vst.idx.msk $0xffff, v17  }
0x58e: {  	[tilespmem:v19+s25+$0x0] =	vst.idx.msk $0xffff, v32  }
0x58f: {  	[tilespmem:v25+s25+$0x0] =	vst.idx.msk $0xffff, v35  }
0x590: {  	[tilespmem:v20+s25+$0x0] =	vst.idx.msk $0xffff, v21  }
0x591: {  	[tilespmem:v26+s25+$0x0] =	vst.idx.msk $0xffff, v24  }
0x592: {  	[tilespmem:v27+s25+$0x0] =	vst.idx.msk $0xffff, v0  }
0x593: {  	[tilespmem:v8+s25+$0x0] =	vst.idx.msk $0xffff, v1  }
0x594: {  	[tilespmem:v18+s25+$0x0] =	vst.idx.msk $0xffff, v2  }
0x595: {  	[tilespmem:v28+s25+$0x0] =	vst.idx.msk $0xffff, v4  }
0x596: {  	[tilespmem:v5+s25+$0x0] =	vst.idx.msk $0xffff, v61  }
0x597: {  	s9 =	sor.u32 s7, s9;
	s8 =	rddreg [dreg:$0x1];
	[tilespmem:v3+s25+$0x0] =	vst.idx.msk $0xffff, v10  }
0x598: {  	s8 =	sadd.s32 s8, s9;
	[tilespmem:v12+s25+$0x0] =	vst.idx.msk $0xffff, v7  }
0x599: {  	[hbm4b:s8+s26] =	stream.strided.scatter [tilespmem:s25], [sflag:$0x5], $0x4000, s28, s26, $0x38;
	[tilespmem:$0x1CC00] =	vst v63  }
0x59a: {  	_ =	swait.ge [sflag:s29], $0x1000  }
0x59b: {  	[sflag:s29] =	ssyncset.done $0x0  }
0x59c: {  	[sflag:s29] =	ssyncadd.s32 $0xFFFFF000  }
0x59d: {  	_ =	swait.ge [sflag:s29], $0x1000  }
0x59e: {  	[sflag:s29] =	ssyncset.done $0x0  }
0x59f: {  	[sflag:s29] =	ssyncadd.s32 $0xFFFFF000  }
0x5a0: {  	_ =	swait.ge [sflag:s29], $0x1000  }
0x5a1: {  	[sflag:s29] =	ssyncset.done $0x0  }
0x5a2: {  	[sflag:s29] =	ssyncadd.s32 $0xFFFFF000  }
0x5a3: {  	_ =	swait.ge [sflag:s29], $0x1000  }
0x5a4: {  	v33 =	vld [tilespmem:$0x1FFE0]  }
0x5a5: {  	v32 =	vld [tilespmem:$0x1FA90]  }
0x5a6: {  	v46 =	vld [tilespmem:$0x1FAE0]  }
0x5a7: {  	v37 =	vld [tilespmem:$0x1FAF0]  }
0x5a8: {  	v53 =	vld [tilespmem:$0x1FB00]  }
0x5a9: {  	v48 =	vld [tilespmem:$0x1FB10]  }
0x5aa: {  	v55 =	vld [tilespmem:$0x1FB20]  }
0x5ab: {  	v61 =	vld [tilespmem:$0x1FB30]  }
0x5ac: {  	v40 =	vld [tilespmem:$0x1FB40]  }
0x5ad: {  	v49 =	vld [tilespmem:$0x1FB50]  }
0x5ae: {  	v41 =	vld [tilespmem:$0x1FB60]  }
0x5af: {  	v54 =	vld [tilespmem:$0x1FB70]  }
.Ltmp10:
0x5b0: {  	v36 =	vld [tilespmem:$0x1FB90];
	(pc) =	sbr.rel @p1 .LBB2_21-.Ltmp10, $4  }
0x5b1: {  	v17 =	vld [tilespmem:$0x1FC50]  }
0x5b2: {  	v45 =	vld [tilespmem:$0x1FC80]  }
0x5b3: {  	[sflag:s29] =	ssyncset.done $0x0;
	v31 =	vld [tilespmem:$0x1F7C0]  }
0x5b4: {  	v30 =	vld [tilespmem:$0x1F7D0];
	[sflag:s29] =	ssyncadd.s32 $0xFFFFF000  }
0x5b5: {  	_ =	swait.ge [sflag:s4], $0x200  }
0x5b6: {  	[sflag:s4] =	ssyncset.done $0x0  }
0x5b7: {  	s14 =	simm.s32 $0xC810;
	v3 =	vld [tilespmem:$0x1FC10];
	[sflag:s4] =	ssyncadd.s32 $0xFFFFFE00  }
0x5b8: {  	v0 =	vld [tilespmem:s14+$0xFFFFFFF0]  }
0x5b9: {  	v1 =	vld [tilespmem:s14+$0x0];
	_ =	sdelay $0x3  }
0x5ba: {  	s12 =	simm.s32 $0xC830;
	v2 =	vadd.s32 v3, v0  }
0x5bb: {  	s8 =	simm.s32 $0x2;
	v0 =	vld [tilespmem:s12+$0xFFFFFFF0];
	v1 =	vadd.s32 v3, v1;
	[tilespmem:s14+$0xFFFFFFF0] =	vst v2  }
.LBB2_19:
0x5bc: {  	s8 =	sadd.s32 $0x2, s8  }
0x5bd: {  	v2 =	vld [tilespmem:s12+$0x0];
	[tilespmem:s14+$0x0] =	vst v1;
	s14 =	smov.u32 s12;
	p1 =	slt.u32 s8, $0x1E  }
.Ltmp11:
0x5be: {  	(pc) =	sbr.rel @p1 .LBB2_19-.Ltmp11, $3  }
0x5bf: {  	_ =	sdelay $0x1  }
0x5c0: {  	s12 =	sadd.s32 $0x20, s12;
	v1 =	vadd.s32 v3, v0  }
0x5c1: {  	v0 =	vld [tilespmem:s12+$0xFFFFFFF0];
	[tilespmem:s14+$0xFFFFFFF0] =	vst v1;
	v1 =	vadd.s32 v3, v2  }
0x5c2: {  	v2 =	vld [tilespmem:s12+$0x0];
	_ =	sdelay $0x3  }
0x5c3: {  	[tilespmem:s14+$0x0] =	vst v1;
	v0 =	vadd.s32 v3, v0  }
0x5c4: {  	[tilespmem:s12+$0xFFFFFFF0] =	vst v0;
	v60 =	vadd.s32 v3, v2  }
0x5c5: {  	s8 =	simm.s32 $0xC800;
	[tilespmem:s12+$0x0] =	vst v60  }
0x5c6: {  	[tilespmem:s22], [sflag:$0x1] =	stream.indirect.gather [hbm4b:s2+s21], $0x20, s8, s21, $0xb8;
	[tilespmem:$0x1CC00] =	vst v63  }
0x5c7: {  	s14 =	simm.s32 $0xDC00;
	s12 =	simm.s32 $0xC880  }
0x5c8: {  	[tilespmem:s14], [sflag:$0x1] =	stream.indirect.gather [hbm4b:s2+s21], $0x20, s12, s21, $0xb8;
	[tilespmem:$0x1CC00] =	vst v63  }
0x5c9: {  	s12 =	simm.s32 $0xC900;
	s14 =	simm.s32 $0xEC00  }
0x5ca: {  	[tilespmem:s14], [sflag:$0x1] =	stream.indirect.gather [hbm4b:s2+s21], $0x20, s12, s21, $0xb8;
	[tilespmem:$0x1CC00] =	vst v63  }
0x5cb: {  	s12 =	simm.s32 $0xC980;
	s14 =	simm.s32 $0xFC00  }
0x5cc: {  	[tilespmem:s14], [sflag:$0x1] =	stream.indirect.gather [hbm4b:s2+s21], $0x20, s12, s21, $0xb8;
	[tilespmem:$0x1CC00] =	vst v63  }
0x5cd: {  	s12 =	sshll.u32 s5, $0xF;
	s14 =	rddreg [dreg:$0x7]  }
0x5ce: {  	s8 =	sadd.s32 s14, s12  }
0x5cf: {  	s8 =	sshrl.u32 s8, $0x3  }
0x5d0: {  	s8 =	sadd.s32 s6, s8  }
0x5d1: {  	[tilespmem:s30], [sflag:$0x4] =	stream.linear.gather [hbm4b:s8+s3], $0x200, $0x38;
	[tilespmem:$0x1CC00] =	vst v63  }
.LBB2_21:
0x5d2: {  	s12 =	simm.s32 @!p0 $0x6  }
0x5d3: {  	v26 =	vld [tilespmem:$0x1FF50];
	_ =	swait.ge @!p0 [sflag:s12], $0x4000  }
0x5d4: {  	v39 =	vld [tilespmem:$0x1FC90]  }
0x5d5: {  	s8 =	simm.s32 $0x0;
	v35 =	vld [tilespmem:$0x1FC70]  }
0x5d6: {  	v1 =	vor.u32 s8, v29;
	v50 =	vld [tilespmem:$0x1FF80]  }
0x5d7: {  	v0 =	vshll.u32 v1, $0x5;
	v52 =	vld [tilespmem:$0x1FC60]  }
0x5d8: {  	v56 =	vld [tilespmem:$0x1FF90];
	v2 =	vor.u32 v29, v0  }
0x5d9: {  	v57 =	vld [tilespmem:$0x1FF30];
	v7 =	vor.u32 v45, v0  }
0x5da: {  	v60 =	vld [tilespmem:$0x1FF70];
	v9 =	vor.u32 v17, v0  }
0x5db: {  	[sflag:s12] =	ssyncset.done @!p0 $0x0;
	v24 =	vld [tilespmem:$0x1FF60];
	v11 =	vor.u32 v58, v0  }
0x5dc: {  	v51 =	vld [tilespmem:$0x1FAB0];
	[sflag:s12] =	ssyncadd.s32 @!p0 $0xFFFFC000;
	v13 =	vor.u32 v43, v0  }
0x5dd: {  	v4 =	vor.u32 v39, v0;
	v8 =	vld.idx.msk [tilespmem:v2+s10+$0x0], $0xffff  }
0x5de: {  	v2 =	vor.u32 v52, v0;
	v7 =	vld.idx.msk [tilespmem:v7+s10+$0x0], $0xffff  }
0x5df: {  	v15 =	vor.u32 v42, v0;
	v9 =	vld.idx.msk [tilespmem:v9+s10+$0x0], $0xffff  }
0x5e0: {  	v18 =	vor.u32 v47, v0;
	v11 =	vld.idx.msk [tilespmem:v11+s10+$0x0], $0xffff  }
0x5e1: {  	v3 =	vor.u32 v26, v0;
	v13 =	vld.idx.msk [tilespmem:v13+s10+$0x0], $0xffff  }
0x5e2: {  	v12 =	vor.u32 v57, v0;
	v10 =	vld.idx.msk [tilespmem:v4+s10+$0x0], $0xffff  }
0x5e3: {  	v4 =	vor.u32 v56, v0;
	v14 =	vld.idx.msk [tilespmem:v2+s10+$0x0], $0xffff;
	v2 =	vmov s8  }
0x5e4: {  	v5 =	vor.u32 v35, v0;
	v15 =	vld.idx.msk [tilespmem:v15+s10+$0x0], $0xffff;
	v2 =	vshll.u32 v2, $0x3  }
0x5e5: {  	v1 =	vand.u32 $0x68, v1;
	v6 =	vor.u32 v50, v0;
	v18 =	vld.idx.msk [tilespmem:v18+s10+$0x0], $0xffff;
	v2 =	vand.u32 $0xC00, v2  }
0x5e6: {  	s14 =	simm.s32 $0x10;
	v16 =	vor.u32 v60, v0;
	v3 =	vld.idx.msk [tilespmem:v3+s10+$0x0], $0xffff;
	v2 =	vor.u32 v2, v1  }
0x5e7: {  	v19 =	vor.u32 v24, v0;
	v1 =	vld.idx.msk [tilespmem:v12+s10+$0x0], $0xffff;
	v12 =	vor.u32 s14, v29;
	v20 =	vor.u32 v59, v2  }
0x5e8: {  	v44 =	vld.idx.msk [tilespmem:v4+s10+$0x0], $0xffff;
	v4 =	vshll.u32 v12, $0x5;
	v21 =	vor.u32 v51, v2  }
0x5e9: {  	v5 =	vld.idx.msk [tilespmem:v5+s10+$0x0], $0xffff;
	v23 =	vor.u32 v62, v2;
	v22 =	vor.u32 v42, v4  }
0x5ea: {  	v6 =	vld.idx.msk [tilespmem:v6+s10+$0x0], $0xffff;
	v25 =	vor.u32 v63, v2;
	v24 =	vor.u32 v24, v4  }
0x5eb: {  	v16 =	vld.idx.msk [tilespmem:v16+s10+$0x0], $0xffff;
	v27 =	vor.u32 v46, v2;
	v26 =	vor.u32 v26, v4  }
0x5ec: {  	v19 =	vld.idx.msk [tilespmem:v19+s10+$0x0], $0xffff;
	[tilespmem:v20+s20+$0x0] =	vst.idx.msk $0xffff, v8  }
0x5ed: {  	v8 =	vor.u32 v37, v2;
	v20 =	vor.u32 v43, v4;
	[tilespmem:v21+s20+$0x0] =	vst.idx.msk $0xffff, v15  }
0x5ee: {  	v28 =	vor.u32 v58, v4;
	v15 =	vor.u32 v53, v2;
	v22 =	vld.idx.msk [tilespmem:v22+s10+$0x0], $0xffff;
	[tilespmem:v23+s20+$0x0] =	vst.idx.msk $0xffff, v13  }
0x5ef: {  	v21 =	vor.u32 v57, v4;
	v13 =	vor.u32 v48, v2;
	v23 =	vld.idx.msk [tilespmem:v24+s10+$0x0], $0xffff;
	[tilespmem:v25+s20+$0x0] =	vst.idx.msk $0xffff, v1  }
0x5f0: {  	v24 =	vor.u32 v60, v4;
	v1 =	vor.u32 v55, v2;
	v25 =	vld.idx.msk [tilespmem:v26+s10+$0x0], $0xffff;
	[tilespmem:v27+s20+$0x0] =	vst.idx.msk $0xffff, v11  }
0x5f1: {  	v26 =	vor.u32 v39, v4;
	v11 =	vor.u32 v61, v2;
	v27 =	vor.u32 v29, v4;
	v29 =	vld [tilespmem:$0x1FC80]  }
0x5f2: {  	[tilespmem:v8+s20+$0x0] =	vst.idx.msk $0xffff, v3;
	v3 =	vld.idx.msk [tilespmem:v20+s10+$0x0], $0xffff;
	v8 =	vor.u32 v35, v4;
	v20 =	vor.u32 v40, v2  }
0x5f3: {  	v28 =	vld.idx.msk [tilespmem:v28+s10+$0x0], $0xffff;
	[tilespmem:v15+s20+$0x0] =	vst.idx.msk $0xffff, v19  }
0x5f4: {  	v19 =	vld.idx.msk [tilespmem:v21+s10+$0x0], $0xffff;
	[tilespmem:v13+s20+$0x0] =	vst.idx.msk $0xffff, v16  }
0x5f5: {  	v15 =	vor.u32 v56, v4;
	v13 =	vor.u32 v49, v2;
	v16 =	vld.idx.msk [tilespmem:v24+s10+$0x0], $0xffff;
	[tilespmem:v1+s20+$0x0] =	vst.idx.msk $0xffff, v18  }
0x5f6: {  	v24 =	vmov s14;
	v18 =	vor.u32 v41, v2;
	v26 =	vld.idx.msk [tilespmem:v26+s10+$0x0], $0xffff;
	[tilespmem:v11+s20+$0x0] =	vst.idx.msk $0xffff, v6  }
0x5f7: {  	v24 =	vshll.u32 v24, $0x3;
	v11 =	vor.u32 v31, v2;
	[tilespmem:v20+s20+$0x0] =	vst.idx.msk $0xffff, v44;
	v8 =	vld.idx.msk [tilespmem:v8+s10+$0x0], $0xffff  }
0x5f8: {  	v12 =	vand.u32 $0x78, v12;
	v20 =	vand.u32 $0xC00, v24;
	v38 =	vld [tilespmem:$0x1FB80]  }
0x5f9: {  	v45 =	vmovc v40;
	v40 =	vmov v59;
	v21 =	vor.u32 v17, v4;
	v59 =	vor.u32 v20, v12;
	v20 =	vld.idx.msk [tilespmem:v27+s10+$0x0], $0xffff  }
0x5fa: {  	v17 =	vor.u32 v54, v2;
	v1 =	vor.u32 v47, v4;
	v15 =	vld.idx.msk [tilespmem:v15+s10+$0x0], $0xffff;
	[tilespmem:v13+s20+$0x0] =	vst.idx.msk $0xffff, v9  }
0x5fb: {  	v6 =	vor.u32 v50, v4;
	v44 =	vld [tilespmem:$0x1FCA0];
	[tilespmem:v18+s20+$0x0] =	vst.idx.msk $0xffff, v14  }
0x5fc: {  	v29 =	vor.u32 v29, v4;
	v35 =	vld [tilespmem:$0x1FFB0];
	[tilespmem:v11+s20+$0x0] =	vst.idx.msk $0xffff, v5  }
0x5fd: {  	v24 =	vor.u32 v52, v4;
	v34 =	vld [tilespmem:$0x1F9E0];
	v12 =	vor.u32 v38, v2  }
0x5fe: {  	v13 =	vld.idx.msk [tilespmem:v21+s10+$0x0], $0xffff  }
0x5ff: {  	v21 =	vor.u32 v40, v59;
	v1 =	vld.idx.msk [tilespmem:v1+s10+$0x0], $0xffff;
	[tilespmem:v17+s20+$0x0] =	vst.idx.msk $0xffff, v7;
	v7 =	vor.u32 v30, v0  }
0x600: {  	v18 =	vor.u32 v51, v59;
	v6 =	vld.idx.msk [tilespmem:v6+s10+$0x0], $0xffff  }
0x601: {  	v29 =	vld.idx.msk [tilespmem:v29+s10+$0x0], $0xffff  }
0x602: {  	v11 =	vor.u32 v62, v59;
	v5 =	vor.u32 v34, v0;
	[tilespmem:v12+s20+$0x0] =	vst.idx.msk $0xffff, v10;
	v12 =	vld.idx.msk [tilespmem:v24+s10+$0x0], $0xffff  }
0x603: {  	v17 =	vor.u32 v63, v59;
	v50 =	vld [tilespmem:$0x1FFC0]  }
0x604: {  	v57 =	vmov v30;
	[tilespmem:v21+s20+$0x0] =	vst.idx.msk $0xffff, v20;
	v30 =	vld.idx.msk [tilespmem:v7+s10+$0x0], $0xffff  }
0x605: {  	v9 =	vor.u32 v44, v0;
	v24 =	vor.u32 v46, v59;
	v51 =	vld [tilespmem:$0x1F7E0];
	[tilespmem:v18+s20+$0x0] =	vst.idx.msk $0xffff, v22  }
0x606: {  	v21 =	vor.u32 v37, v59;
	v52 =	vld [tilespmem:$0x1F7F0]  }
0x607: {  	v14 =	vor.u32 v35, v0;
	v22 =	vor.u32 v53, v59;
	[tilespmem:v11+s20+$0x0] =	vst.idx.msk $0xffff, v3;
	v27 =	vld.idx.msk [tilespmem:v5+s10+$0x0], $0xffff  }
0x608: {  	v56 =	vld [tilespmem:$0x1F800];
	v5 =	vor.u32 v48, v59;
	[tilespmem:v17+s20+$0x0] =	vst.idx.msk $0xffff, v19  }
0x609: {  	v60 =	vld [tilespmem:$0x1F810]  }
0x60a: {  	v9 =	vld.idx.msk [tilespmem:v9+s10+$0x0], $0xffff;
	v11 =	vor.u32 v55, v59;
	[tilespmem:v24+s20+$0x0] =	vst.idx.msk $0xffff, v28;
	v10 =	vor.u32 v50, v0  }
0x60b: {  	v19 =	vor.u32 v61, v59;
	v46 =	vld [tilespmem:$0x1FFD0];
	[tilespmem:v21+s20+$0x0] =	vst.idx.msk $0xffff, v25  }
0x60c: {  	v14 =	vld.idx.msk [tilespmem:v14+s10+$0x0], $0xffff;
	[tilespmem:v22+s20+$0x0] =	vst.idx.msk $0xffff, v23  }
0x60d: {  	v55 =	vld [tilespmem:$0x1F820];
	v3 =	vor.u32 v56, v0;
	[tilespmem:v5+s20+$0x0] =	vst.idx.msk $0xffff, v16  }
0x60e: {  	v24 =	vor.u32 v45, v59;
	v7 =	vor.u32 v60, v0;
	v37 =	vld [tilespmem:$0x1F990]  }
0x60f: {  	v21 =	vor.u32 v32, v0;
	v23 =	vor.u32 v49, v59;
	[tilespmem:v11+s20+$0x0] =	vst.idx.msk $0xffff, v1;
	v10 =	vld.idx.msk [tilespmem:v10+s10+$0x0], $0xffff  }
0x610: {  	v20 =	vor.u32 v51, v0;
	v5 =	vor.u32 v41, v59;
	v48 =	vld [tilespmem:$0x1FFA0];
	[tilespmem:v19+s20+$0x0] =	vst.idx.msk $0xffff, v6  }
0x611: {  	v53 =	vld [tilespmem:$0x1FFF0]  }
0x612: {  	v40 =	vmov v54;
	v17 =	vor.u32 v46, v0;
	v25 =	vld.idx.msk [tilespmem:v3+s10+$0x0], $0xffff  }
0x613: {  	[tilespmem:v24+s20+$0x0] =	vst.idx.msk $0xffff, v15;
	v3 =	vor.u32 v37, v0;
	v16 =	vld.idx.msk [tilespmem:v7+s10+$0x0], $0xffff;
	v7 =	vor.u32 v31, v59  }
0x614: {  	v19 =	vor.u32 v40, v59;
	v21 =	vld.idx.msk [tilespmem:v21+s10+$0x0], $0xffff;
	[tilespmem:v23+s20+$0x0] =	vst.idx.msk $0xffff, v13  }
0x615: {  	v20 =	vld.idx.msk [tilespmem:v20+s10+$0x0], $0xffff;
	[tilespmem:v5+s20+$0x0] =	vst.idx.msk $0xffff, v12  }
0x616: {  	v18 =	vor.u32 v52, v0;
	v39 =	vld [tilespmem:$0x1F770]  }
0x617: {  	v22 =	vor.u32 v55, v0;
	v28 =	vld.idx.msk [tilespmem:v17+s10+$0x0], $0xffff  }
0x618: {  	v31 =	vor.u32 v33, v0;
	v11 =	vld.idx.msk [tilespmem:v3+s10+$0x0], $0xffff;
	[tilespmem:v7+s20+$0x0] =	vst.idx.msk $0xffff, v8  }
0x619: {  	v1 =	vor.u32 v48, v0;
	v3 =	vld [tilespmem:$0x1FBA0];
	[tilespmem:v19+s20+$0x0] =	vst.idx.msk $0xffff, v29  }
0x61a: {  	v15 =	vor.u32 v38, v59;
	v12 =	vor.u32 v46, v4;
	v17 =	vor.u32 v53, v0;
	v46 =	vld [tilespmem:$0x1FBB0]  }
0x61b: {  	v18 =	vld.idx.msk [tilespmem:v18+s10+$0x0], $0xffff;
	v13 =	vor.u32 v36, v2  }
0x61c: {  	v45 =	vld.idx.msk [tilespmem:v22+s10+$0x0], $0xffff  }
0x61d: {  	v0 =	vor.u32 v33, v4;
	v5 =	vor.u32 v39, v2;
	v33 =	vld.idx.msk [tilespmem:v31+s10+$0x0], $0xffff  }
0x61e: {  	v6 =	vld.idx.msk [tilespmem:v1+s10+$0x0], $0xffff;
	v1 =	vor.u32 v3, v2  }
0x61f: {  	v8 =	vld.idx.msk [tilespmem:v17+s10+$0x0], $0xffff;
	[tilespmem:v15+s20+$0x0] =	vst.idx.msk $0xffff, v26;
	v17 =	vor.u32 v46, v2  }
0x620: {  	v31 =	vld [tilespmem:$0x1FBC0];
	[tilespmem:v13+s20+$0x0] =	vst.idx.msk $0xffff, v9  }
0x621: {  	v49 =	vld [tilespmem:$0x1FBD0]  }
0x622: {  	v13 =	vor.u32 v57, v4;
	v57 =	vld [tilespmem:$0x1FC80];
	[tilespmem:v5+s20+$0x0] =	vst.idx.msk $0xffff, v14  }
0x623: {  	v62 =	vld [tilespmem:$0x1FBE0];
	[tilespmem:v1+s20+$0x0] =	vst.idx.msk $0xffff, v27  }
0x624: {  	v63 =	vld [tilespmem:$0x1FBF0];
	[tilespmem:v17+s20+$0x0] =	vst.idx.msk $0xffff, v30  }
0x625: {  	v15 =	vor.u32 v31, v2;
	v1 =	vld [tilespmem:$0x1FEA0];
	_ =	sdelay $0x3  }
0x626: {  	v23 =	vor.u32 v55, v4;
	v22 =	vor.u32 v53, v4  }
0x627: {  	v9 =	vor.u32 v49, v2;
	v26 =	vor.u32 v1, v2;
	v1 =	vld [tilespmem:$0x1FF00];
	[tilespmem:v15+s20+$0x0] =	vst.idx.msk $0xffff, v10  }
0x628: {  	v14 =	vor.u32 v62, v2;
	v15 =	vld [tilespmem:$0x1FEB0]  }
0x629: {  	v5 =	vld.idx.msk [tilespmem:v12+s10+$0x0], $0xffff;
	v12 =	vor.u32 v63, v2;
	_ =	sdelay $0x1  }
0x62a: {  	v61 =	vld.idx.msk [tilespmem:v22+s10+$0x0], $0xffff  }
0x62b: {  	v7 =	vor.u32 v50, v4;
	v22 =	vor.u32 v34, v4;
	v34 =	vld.idx.msk [tilespmem:v23+s10+$0x0], $0xffff;
	[tilespmem:v9+s20+$0x0] =	vst.idx.msk $0xffff, v20  }
0x62c: {  	v29 =	vor.u32 v15, v2;
	v15 =	vld [tilespmem:$0x1FEC0];
	[tilespmem:v14+s20+$0x0] =	vst.idx.msk $0xffff, v18  }
0x62d: {  	v19 =	vor.u32 v52, v4;
	v14 =	vld [tilespmem:$0x1FED0];
	[tilespmem:v12+s20+$0x0] =	vst.idx.msk $0xffff, v25  }
0x62e: {  	v17 =	vor.u32 v1, v2;
	v1 =	vld [tilespmem:$0x1FC00];
	[tilespmem:v26+s20+$0x0] =	vst.idx.msk $0xffff, v16  }
0x62f: {  	v16 =	vld [tilespmem:$0x1FEE0]  }
0x630: {  	v7 =	vld.idx.msk [tilespmem:v7+s10+$0x0], $0xffff;
	v27 =	vor.u32 v35, v4  }
0x631: {  	v22 =	vld.idx.msk [tilespmem:v22+s10+$0x0], $0xffff;
	v9 =	vor.u32 v44, v4  }
0x632: {  	v24 =	vor.u32 v60, v4;
	v10 =	vld.idx.msk [tilespmem:v19+s10+$0x0], $0xffff  }
0x633: {  	v19 =	vld.idx.msk [tilespmem:v13+s10+$0x0], $0xffff;
	v13 =	vor.u32 v51, v4;
	v23 =	vor.u32 v15, v2  }
0x634: {  	v30 =	vor.u32 v48, v4;
	v14 =	vor.u32 v14, v2;
	v35 =	vor.u32 v16, v2;
	v16 =	vld [tilespmem:$0x1FEF0]  }
0x635: {  	v58 =	vor.u32 v32, v4;
	v20 =	vor.u32 v62, v59;
	v25 =	vld.idx.msk [tilespmem:v27+s10+$0x0], $0xffff  }
0x636: {  	v18 =	vor.u32 v63, v59;
	v12 =	vor.u32 v56, v4;
	v4 =	vor.u32 v37, v4;
	v26 =	vld.idx.msk [tilespmem:v9+s10+$0x0], $0xffff  }
0x637: {  	v27 =	vor.u32 v46, v59;
	v15 =	vld.idx.msk [tilespmem:v24+s10+$0x0], $0xffff;
	v24 =	vor.u32 v31, v59;
	[tilespmem:v29+s20+$0x0] =	vst.idx.msk $0xffff, v28  }
0x638: {  	v1 =	vor.u32 v1, v2;
	v28 =	vor.u32 v3, v59;
	[tilespmem:v23+s20+$0x0] =	vst.idx.msk $0xffff, v21;
	v21 =	vld.idx.msk [tilespmem:v13+s10+$0x0], $0xffff  }
0x639: {  	s12 =	simm.s32 $0x0;
	s14 =	simm.s32 $0x30;
	v23 =	vor.u32 v49, v59;
	[tilespmem:v14+s20+$0x0] =	vst.idx.msk $0xffff, v45;
	v2 =	vor.u32 v16, v2;
	v16 =	vld.idx.msk [tilespmem:v30+s10+$0x0], $0xffff  }
.LBB2_22:
0x63a: {  	_ =	sdelay $0x2  }
0x63b: {  	v9 =	vld.idx.msk [tilespmem:v4+s10+$0x0], $0xffff  }
0x63c: {  	v37 =	vld.idx.msk [tilespmem:v12+s10+$0x0], $0xffff  }
0x63d: {  	v63 =	vld [tilespmem:$0x1FF90]  }
0x63e: {  	v55 =	vld [tilespmem:$0x1FC60]  }
0x63f: {  	v60 =	vld [tilespmem:$0x1FC90]  }
0x640: {  	v52 =	vld [tilespmem:$0x1FF50]  }
0x641: {  	v51 =	vld [tilespmem:$0x1FC70]  }
0x642: {  	v54 =	vld [tilespmem:$0x1FF60]  }
0x643: {  	v49 =	vld [tilespmem:$0x1FF30]  }
0x644: {  	v50 =	vld [tilespmem:$0x1FF80]  }
0x645: {  	s8 =	sadd.s32 $0xFFFFFFF0, s14;
	v3 =	vlaneseq.u32;
	v53 =	vld [tilespmem:$0x1FC50]  }
0x646: {  	v29 =	vor.u32 v36, v59;
	v56 =	vld [tilespmem:$0x1FA90];
	v13 =	vor.u32 s14, v3;
	v36 =	vor.u32 s8, v3  }
0x647: {  	v30 =	vor.u32 v39, v59;
	v62 =	vld [tilespmem:$0x1FC00];
	v32 =	vshll.u32 v13, $0x5;
	v4 =	vshll.u32 v36, $0x5  }
0x648: {  	[tilespmem:v35+s20+$0x0] =	vst.idx.msk $0xffff, v11;
	v14 =	vor.u32 v3, v32;
	v11 =	vor.u32 v3, v4;
	v3 =	vld [tilespmem:$0x1FC20]  }
0x649: {  	v42 =	vld.idx.msk [tilespmem:v0+s10+$0x0], $0xffff  }
0x64a: {  	v45 =	vld.idx.msk [tilespmem:v58+s10+$0x0], $0xffff  }
0x64b: {  	v58 =	vld [tilespmem:$0x1FC30];
	v40 =	vor.u32 v52, v4;
	[tilespmem:v29+s20+$0x0] =	vst.idx.msk $0xffff, v26  }
0x64c: {  	v0 =	vor.u32 v57, v4;
	v57 =	vld [tilespmem:$0x1FC80];
	v38 =	vor.u32 v60, v4;
	[tilespmem:v30+s20+$0x0] =	vst.idx.msk $0xffff, v25  }
0x64d: {  	v44 =	vor.u32 v49, v32;
	[tilespmem:v28+s20+$0x0] =	vst.idx.msk $0xffff, v22;
	v22 =	vor.u32 v49, v4;
	v49 =	vld [tilespmem:$0x1FF00]  }
0x64e: {  	v46 =	vor.u32 v47, v4;
	v39 =	vor.u32 v3, v4;
	v47 =	vor.u32 v3, v32;
	v3 =	vld [tilespmem:$0x1FF70]  }
0x64f: {  	v41 =	vor.u32 v51, v4;
	v25 =	vld.idx.msk [tilespmem:v11+s10+$0x0], $0xffff  }
0x650: {  	v28 =	vld.idx.msk [tilespmem:v40+s10+$0x0], $0xffff  }
0x651: {  	v40 =	vld [tilespmem:$0x1FF40]  }
0x652: {  	[tilespmem:v27+s20+$0x0] =	vst.idx.msk $0xffff, v19;
	v11 =	vld.idx.msk [tilespmem:v38+s10+$0x0], $0xffff  }
0x653: {  	v29 =	vor.u32 v50, v4;
	[tilespmem:v2+s20+$0x0] =	vst.idx.msk $0xffff, v6;
	v38 =	vld [tilespmem:$0x1FAB0]  }
0x654: {  	[tilespmem:v24+s20+$0x0] =	vst.idx.msk $0xffff, v7;
	v6 =	vld.idx.msk [tilespmem:v41+s10+$0x0], $0xffff  }
0x655: {  	[tilespmem:v23+s20+$0x0] =	vst.idx.msk $0xffff, v21;
	v41 =	vld [tilespmem:$0x1FE90]  }
0x656: {  	[tilespmem:v17+s20+$0x0] =	vst.idx.msk $0xffff, v8;
	v17 =	vld [tilespmem:$0x1FEC0]  }
0x657: {  	[tilespmem:v20+s20+$0x0] =	vst.idx.msk $0xffff, v10;
	v10 =	vld [tilespmem:$0x1FED0]  }
0x658: {  	v8 =	vld.idx.msk [tilespmem:v29+s10+$0x0], $0xffff  }
0x659: {  	v35 =	vor.u32 v55, v4;
	[tilespmem:v1+s20+$0x0] =	vst.idx.msk $0xffff, v33;
	v1 =	vld [tilespmem:$0x1FEA0]  }
0x65a: {  	v31 =	vmov s8;
	[tilespmem:v18+s20+$0x0] =	vst.idx.msk $0xffff, v37;
	v18 =	vld [tilespmem:$0x1FEE0]  }
0x65b: {  	v31 =	vshll.u32 v31, $0x3;
	v43 =	vor.u32 v54, v4;
	v48 =	vor.u32 v53, v4;
	v37 =	vld [tilespmem:$0x1FAC0]  }
0x65c: {  	v27 =	vand.u32 $0xC00, v31;
	v31 =	vor.u32 v63, v4;
	v33 =	vor.u32 v54, v32;
	v54 =	vld [tilespmem:$0x1FAE0]  }
0x65d: {  	v29 =	vld.idx.msk [tilespmem:v0+s10+$0x0], $0xffff  }
0x65e: {  	v0 =	vor.u32 v56, v32;
	v7 =	vld.idx.msk [tilespmem:v35+s10+$0x0], $0xffff  }
0x65f: {  	[tilespmem:$0x1F400] =	vst v0;
	v0 =	vld [tilespmem:$0x1FEB0]  }
0x660: {  	v30 =	vor.u32 v58, v4;
	v21 =	vld.idx.msk [tilespmem:v48+s10+$0x0], $0xffff  }
0x661: {  	v20 =	vld.idx.msk [tilespmem:v31+s10+$0x0], $0xffff  }
0x662: {  	v31 =	vld.idx.msk [tilespmem:v39+s10+$0x0], $0xffff;
	v1 =	vor.u32 v1, v59  }
0x663: {  	v48 =	vld [tilespmem:$0x1FFE0];
	v19 =	vor.u32 v40, v4  }
0x664: {  	v39 =	vld [tilespmem:$0x1F770];
	v0 =	vor.u32 v0, v59  }
0x665: {  	v23 =	vld.idx.msk [tilespmem:v30+s10+$0x0], $0xffff;
	v17 =	vor.u32 v17, v59  }
0x666: {  	v12 =	vor.u32 v63, v32;
	v63 =	vor.u32 v40, v32;
	v40 =	vld [tilespmem:$0x1FFB0]  }
0x667: {  	v36 =	vand.u32 $0x68, v36;
	[tilespmem:v1+s20+$0x0] =	vst.idx.msk $0xffff, v15;
	v1 =	vld [tilespmem:$0x1FEF0]  }
0x668: {  	v2 =	vor.u32 v27, v36;
	v26 =	vor.u32 v3, v4;
	v10 =	vor.u32 v10, v59;
	v19 =	vld.idx.msk [tilespmem:v19+s10+$0x0], $0xffff  }
0x669: {  	v18 =	vor.u32 v18, v59;
	v15 =	vld.idx.msk [tilespmem:v22+s10+$0x0], $0xffff;
	[tilespmem:v0+s20+$0x0] =	vst.idx.msk $0xffff, v5;
	v5 =	vor.u32 v49, v59  }
0x66a: {  	v0 =	vor.u32 v48, v32;
	[tilespmem:v17+s20+$0x0] =	vst.idx.msk $0xffff, v45;
	v17 =	vor.u32 v49, v2;
	v49 =	vld [tilespmem:$0x1FB00]  }
0x66b: {  	[tilespmem:$0x1F3F0] =	vst v0;
	v0 =	vld [tilespmem:$0x1FB40]  }
0x66c: {  	v45 =	vld [tilespmem:$0x1FB70];
	v1 =	vor.u32 v1, v59  }
0x66d: {  	[tilespmem:v10+s20+$0x0] =	vst.idx.msk $0xffff, v34;
	v10 =	vld.idx.msk [tilespmem:v26+s10+$0x0], $0xffff  }
0x66e: {  	v27 =	vor.u32 v41, v2;
	v26 =	vor.u32 v52, v32;
	v52 =	vld [tilespmem:$0x1FAD0]  }
0x66f: {  	v24 =	vor.u32 v38, v2;
	[tilespmem:v18+s20+$0x0] =	vst.idx.msk $0xffff, v9;
	v9 =	vld.idx.msk [tilespmem:v46+s10+$0x0], $0xffff  }
0x670: {  	v30 =	vor.u32 v62, v59;
	v59 =	vor.u32 v51, v32;
	v51 =	vld [tilespmem:$0x1F9E0]  }
0x671: {  	[tilespmem:v1+s20+$0x0] =	vst.idx.msk $0xffff, v16;
	v16 =	vld.idx.msk [tilespmem:v43+s10+$0x0], $0xffff  }
0x672: {  	v1 =	vld [tilespmem:$0x1FC40]  }
0x673: {  	[tilespmem:v27+s20+$0x0] =	vst.idx.msk $0xffff, v25;
	v27 =	vor.u32 v55, v32;
	v55 =	vld [tilespmem:$0x1FB10]  }
0x674: {  	[tilespmem:v24+s20+$0x0] =	vst.idx.msk $0xffff, v31;
	v31 =	vor.u32 v60, v32;
	v60 =	vld [tilespmem:$0x1FB20]  }
0x675: {  	[tilespmem:v5+s20+$0x0] =	vst.idx.msk $0xffff, v61;
	v61 =	vld [tilespmem:$0x1FB30]  }
0x676: {  	v22 =	vor.u32 v37, v2;
	v46 =	vld.idx.msk [tilespmem:v47+s10+$0x0], $0xffff  }
0x677: {  	[tilespmem:v30+s20+$0x0] =	vst.idx.msk $0xffff, v42;
	v42 =	vld [tilespmem:$0x1FAF0]  }
0x678: {  	v47 =	vld [tilespmem:$0x1FB50]  }
0x679: {  	v25 =	vld.idx.msk [tilespmem:v33+s10+$0x0], $0xffff  }
0x67a: {  	v26 =	vld.idx.msk [tilespmem:v26+s10+$0x0], $0xffff  }
0x67b: {  	[tilespmem:v22+s20+$0x0] =	vst.idx.msk $0xffff, v23;
	v23 =	vld.idx.msk [tilespmem:v63+s10+$0x0], $0xffff  }
0x67c: {  	v36 =	vor.u32 v58, v32;
	v18 =	vor.u32 v52, v2;
	v34 =	vld.idx.msk [tilespmem:v44+s10+$0x0], $0xffff  }
0x67d: {  	v35 =	vor.u32 v54, v2;
	v63 =	vld [tilespmem:$0x1FB80]  }
0x67e: {  	v14 =	vld.idx.msk [tilespmem:v14+s10+$0x0], $0xffff;
	v5 =	vor.u32 v42, v2  }
0x67f: {  	v24 =	vor.u32 v49, v2;
	v30 =	vor.u32 v3, v32;
	v33 =	vld [tilespmem:$0x1FFC0]  }
0x680: {  	v44 =	vld [tilespmem:$0x1F810]  }
0x681: {  	[tilespmem:v18+s20+$0x0] =	vst.idx.msk $0xffff, v15;
	v18 =	vld.idx.msk [tilespmem:v36+s10+$0x0], $0xffff  }
0x682: {  	v36 =	vor.u32 v50, v32;
	v50 =	vld [tilespmem:$0x1F7C0];
	v22 =	vor.u32 v55, v2;
	[tilespmem:v35+s20+$0x0] =	vst.idx.msk $0xffff, v19  }
0x683: {  	v43 =	vor.u32 v57, v32;
	v35 =	vld [tilespmem:$0x1FCA0];
	v15 =	vor.u32 v60, v2;
	[tilespmem:v5+s20+$0x0] =	vst.idx.msk $0xffff, v28  }
0x684: {  	[tilespmem:v24+s20+$0x0] =	vst.idx.msk $0xffff, v16;
	v24 =	vld.idx.msk [tilespmem:v30+s10+$0x0], $0xffff  }
0x685: {  	v19 =	vor.u32 v61, v2;
	v30 =	vor.u32 v53, v32;
	v53 =	vld [tilespmem:$0x1FB60]  }
0x686: {  	v27 =	vld.idx.msk [tilespmem:v27+s10+$0x0], $0xffff;
	v5 =	vor.u32 v0, v2;
	v28 =	vor.u32 v1, v32  }
0x687: {  	v31 =	vld.idx.msk [tilespmem:v31+s10+$0x0], $0xffff;
	v16 =	vor.u32 v47, v2;
	[tilespmem:v22+s20+$0x0] =	vst.idx.msk $0xffff, v10  }
0x688: {  	v22 =	vmov s14;
	[tilespmem:v15+s20+$0x0] =	vst.idx.msk $0xffff, v9;
	v15 =	vld.idx.msk [tilespmem:v43+s10+$0x0], $0xffff  }
0x689: {  	v22 =	vshll.u32 v22, $0x3;
	v43 =	vld [tilespmem:$0x1F7D0]  }
0x68a: {  	v13 =	vand.u32 $0x78, v13;
	[tilespmem:v19+s20+$0x0] =	vst.idx.msk $0xffff, v8;
	v19 =	vld.idx.msk [tilespmem:v59+s10+$0x0], $0xffff;
	v22 =	vand.u32 $0xC00, v22;
	v10 =	vor.u32 v53, v2  }
0x68b: {  	[tilespmem:v5+s20+$0x0] =	vst.idx.msk $0xffff, v20;
	v59 =	vor.u32 v22, v13;
	v22 =	vld.idx.msk [tilespmem:v28+s10+$0x0], $0xffff  }
0x68c: {  	v9 =	vor.u32 v50, v2;
	[tilespmem:v16+s20+$0x0] =	vst.idx.msk $0xffff, v21;
	v16 =	vld.idx.msk [tilespmem:v30+s10+$0x0], $0xffff  }
0x68d: {  	v20 =	vor.u32 v41, v59;
	v41 =	vld [tilespmem:$0x1F7F0]  }
0x68e: {  	v8 =	vor.u32 v45, v2;
	v21 =	vor.u32 v37, v59;
	v37 =	vld [tilespmem:$0x1FFF0]  }
0x68f: {  	v5 =	vor.u32 v63, v2;
	[tilespmem:v10+s20+$0x0] =	vst.idx.msk $0xffff, v7;
	v10 =	vld.idx.msk [tilespmem:v12+s10+$0x0], $0xffff  }
0x690: {  	v13 =	vor.u32 v35, v4;
	v12 =	vor.u32 v38, v59;
	v38 =	vld [tilespmem:$0x1F7E0]  }
0x691: {  	v7 =	vor.u32 v40, v4;
	[tilespmem:v9+s20+$0x0] =	vst.idx.msk $0xffff, v6;
	v9 =	vld.idx.msk [tilespmem:v36+s10+$0x0], $0xffff  }
0x692: {  	v6 =	vor.u32 v51, v4;
	v36 =	vld [tilespmem:$0x1FB90];
	[tilespmem:v20+s20+$0x0] =	vst.idx.msk $0xffff, v14  }
0x693: {  	v14 =	vor.u32 v42, v59;
	v20 =	vor.u32 v41, v4;
	v42 =	vld [tilespmem:$0x1F800];
	[tilespmem:v8+s20+$0x0] =	vst.idx.msk $0xffff, v29  }
0x694: {  	v8 =	vor.u32 v43, v4;
	[tilespmem:v5+s20+$0x0] =	vst.idx.msk $0xffff, v11;
	v11 =	vor.u32 v54, v59;
	v54 =	vld [tilespmem:$0x1FBC0]  }
0x695: {  	v28 =	vor.u32 v52, v59;
	v13 =	vld.idx.msk [tilespmem:v13+s10+$0x0], $0xffff  }
0x696: {  	v7 =	vld.idx.msk [tilespmem:v7+s10+$0x0], $0xffff  }
0x697: {  	v29 =	vor.u32 v38, v4;
	[tilespmem:v12+s20+$0x0] =	vst.idx.msk $0xffff, v46;
	v12 =	vld.idx.msk [tilespmem:v6+s10+$0x0], $0xffff  }
0x698: {  	v20 =	vld.idx.msk [tilespmem:v20+s10+$0x0], $0xffff  }
0x699: {  	v3 =	vor.u32 v49, v59;
	v5 =	vor.u32 v33, v4;
	[tilespmem:v21+s20+$0x0] =	vst.idx.msk $0xffff, v18;
	v21 =	vld.idx.msk [tilespmem:v8+s10+$0x0], $0xffff  }
0x69a: {  	v6 =	vor.u32 v42, v4;
	[tilespmem:v28+s20+$0x0] =	vst.idx.msk $0xffff, v34;
	v28 =	vor.u32 v60, v59;
	v60 =	vld [tilespmem:$0x1FFD0]  }
0x69b: {  	v18 =	vor.u32 v55, v59;
	[tilespmem:v11+s20+$0x0] =	vst.idx.msk $0xffff, v23;
	v11 =	vor.u32 v61, v59;
	v61 =	vld [tilespmem:$0x1F820]  }
0x69c: {  	v58 =	vor.u32 v62, v2;
	v8 =	vor.u32 v44, v4;
	v23 =	vld.idx.msk [tilespmem:v29+s10+$0x0], $0xffff  }
0x69d: {  	[tilespmem:v14+s20+$0x0] =	vst.idx.msk $0xffff, v26;
	v14 =	vor.u32 v0, v59;
	v29 =	vor.u32 v56, v4;
	v56 =	vld [tilespmem:$0x1F990]  }
0x69e: {  	[tilespmem:v3+s20+$0x0] =	vst.idx.msk $0xffff, v25;
	v3 =	vor.u32 v47, v59;
	v47 =	vmov v1;
	v1 =	vmov v58;
	v58 =	vld [tilespmem:$0x1FFA0]  }
0x69f: {  	v30 =	vld.idx.msk [tilespmem:v5+s10+$0x0], $0xffff;
	v5 =	vor.u32 v60, v4  }
0x6a0: {  	v25 =	vld.idx.msk [tilespmem:v6+s10+$0x0], $0xffff;
	[tilespmem:v18+s20+$0x0] =	vst.idx.msk $0xffff, v24;
	v26 =	vor.u32 v61, v4  }
0x6a1: {  	v18 =	vor.u32 v53, v59;
	v53 =	vld [tilespmem:$0x1FBB0];
	[tilespmem:v28+s20+$0x0] =	vst.idx.msk $0xffff, v22  }
0x6a2: {  	v22 =	vor.u32 v50, v59;
	v50 =	vld [tilespmem:$0x1FBA0];
	[tilespmem:v11+s20+$0x0] =	vst.idx.msk $0xffff, v9;
	v6 =	vor.u32 v56, v4  }
0x6a3: {  	v24 =	vld.idx.msk [tilespmem:v8+s10+$0x0], $0xffff;
	v9 =	vor.u32 v45, v59;
	[tilespmem:v14+s20+$0x0] =	vst.idx.msk $0xffff, v10;
	v8 =	vor.u32 v58, v4  }
0x6a4: {  	v10 =	vor.u32 v63, v59;
	v28 =	vld.idx.msk [tilespmem:v5+s10+$0x0], $0xffff;
	v5 =	vor.u32 v37, v4;
	v4 =	vor.u32 v48, v4  }
0x6a5: {  	[tilespmem:v3+s20+$0x0] =	vst.idx.msk $0xffff, v16;
	v14 =	vld.idx.msk [tilespmem:v26+s10+$0x0], $0xffff;
	v26 =	vor.u32 v36, v2  }
0x6a6: {  	v29 =	vld.idx.msk [tilespmem:v29+s10+$0x0], $0xffff;
	v16 =	vor.u32 v39, v2;
	[tilespmem:v18+s20+$0x0] =	vst.idx.msk $0xffff, v27  }
0x6a7: {  	v27 =	vor.u32 v50, v2;
	[tilespmem:v22+s20+$0x0] =	vst.idx.msk $0xffff, v19;
	v11 =	vld.idx.msk [tilespmem:v6+s10+$0x0], $0xffff  }
0x6a8: {  	v22 =	vor.u32 v53, v2;
	[tilespmem:v9+s20+$0x0] =	vst.idx.msk $0xffff, v15;
	v6 =	vld.idx.msk [tilespmem:v8+s10+$0x0], $0xffff  }
0x6a9: {  	v19 =	vor.u32 v33, v32;
	[tilespmem:v10+s20+$0x0] =	vst.idx.msk $0xffff, v31;
	v33 =	vld.idx.msk [tilespmem:v4+s10+$0x0], $0xffff;
	v4 =	vor.u32 v54, v2  }
0x6aa: {  	v3 =	vor.u32 v37, v32;
	v8 =	vld.idx.msk [tilespmem:v5+s10+$0x0], $0xffff;
	[tilespmem:v26+s20+$0x0] =	vst.idx.msk $0xffff, v13  }
0x6ab: {  	[tilespmem:v16+s20+$0x0] =	vst.idx.msk $0xffff, v7  }
0x6ac: {  	v55 =	vld [tilespmem:$0x1FBD0];
	v18 =	vor.u32 v60, v32;
	[tilespmem:v27+s20+$0x0] =	vst.idx.msk $0xffff, v12  }
0x6ad: {  	v9 =	vor.u32 v41, v32;
	v10 =	vld [tilespmem:$0x1FEA0];
	[tilespmem:v22+s20+$0x0] =	vst.idx.msk $0xffff, v21  }
0x6ae: {  	[tilespmem:v4+s20+$0x0] =	vst.idx.msk $0xffff, v30;
	v4 =	vld [tilespmem:$0x1FEB0]  }
0x6af: {  	v15 =	vor.u32 v61, v32;
	v61 =	vld.idx.msk [tilespmem:v3+s10+$0x0], $0xffff  }
0x6b0: {  	v3 =	vld [tilespmem:$0x1FBE0]  }
0x6b1: {  	v5 =	vld.idx.msk [tilespmem:v18+s10+$0x0], $0xffff;
	v18 =	vor.u32 v44, v32  }
0x6b2: {  	v21 =	vor.u32 v10, v2;
	v10 =	vld.idx.msk [tilespmem:v9+s10+$0x0], $0xffff  }
0x6b3: {  	v13 =	vor.u32 v55, v2;
	v9 =	vor.u32 v4, v2;
	v4 =	vld [tilespmem:$0x1FEC0]  }
0x6b4: {  	v63 =	vld [tilespmem:$0x1FBF0]  }
0x6b5: {  	v34 =	vld.idx.msk [tilespmem:v15+s10+$0x0], $0xffff  }
0x6b6: {  	v31 =	vor.u32 v51, v32;
	v15 =	vld.idx.msk [tilespmem:v18+s10+$0x0], $0xffff  }
0x6b7: {  	v18 =	vld [tilespmem:$0x1FEE0]  }
0x6b8: {  	v16 =	vor.u32 v3, v2;
	[tilespmem:v13+s20+$0x0] =	vst.idx.msk $0xffff, v23;
	v13 =	vor.u32 v4, v2;
	v4 =	vld [tilespmem:$0x1FED0]  }
0x6b9: {  	v0 =	vld [tilespmem:$0x1F3F0];
	v26 =	vor.u32 v43, v32;
	v12 =	vor.u32 v63, v2  }
0x6ba: {  	v7 =	vld.idx.msk [tilespmem:v19+s10+$0x0], $0xffff;
	v27 =	vor.u32 v40, v32  }
0x6bb: {  	v22 =	vld.idx.msk [tilespmem:v31+s10+$0x0], $0xffff;
	v23 =	vor.u32 v38, v32  }
0x6bc: {  	s12 =	sadd.s32 $0x2, s12;
	v31 =	vor.u32 v58, v32;
	v58 =	vld [tilespmem:$0x1F400];
	v30 =	vor.u32 v35, v32  }
0x6bd: {  	p0 =	slt.u32 s12, $0x1E;
	[tilespmem:v16+s20+$0x0] =	vst.idx.msk $0xffff, v20;
	v35 =	vor.u32 v18, v2;
	v18 =	vld [tilespmem:$0x1FEF0];
	v16 =	vor.u32 v4, v2  }
.Ltmp12:
0x6be: {  	v19 =	vld.idx.msk [tilespmem:v26+s10+$0x0], $0xffff;
	v20 =	vor.u32 v3, v59;
	[tilespmem:v12+s20+$0x0] =	vst.idx.msk $0xffff, v25;
	(pc) =	sbr.rel @p0 .LBB2_22-.Ltmp12, $4  }
0x6bf: {  	v12 =	vor.u32 v42, v32;
	v25 =	vld.idx.msk [tilespmem:v27+s10+$0x0], $0xffff;
	v27 =	vor.u32 v53, v59;
	[tilespmem:v21+s20+$0x0] =	vst.idx.msk $0xffff, v24  }
0x6c0: {  	v24 =	vor.u32 v54, v59;
	v21 =	vld.idx.msk [tilespmem:v23+s10+$0x0], $0xffff;
	v23 =	vor.u32 v55, v59;
	[tilespmem:v9+s20+$0x0] =	vst.idx.msk $0xffff, v28  }
0x6c1: {  	v26 =	vld.idx.msk [tilespmem:v30+s10+$0x0], $0xffff;
	v28 =	vor.u32 v50, v59;
	v4 =	vor.u32 v56, v32;
	[tilespmem:v13+s20+$0x0] =	vst.idx.msk $0xffff, v29  }
0x6c2: {  	s14 =	sadd.s32 $0x20, s14;
	v2 =	vor.u32 v18, v2;
	v18 =	vor.u32 v63, v59;
	[tilespmem:v16+s20+$0x0] =	vst.idx.msk $0xffff, v14;
	v16 =	vld.idx.msk [tilespmem:v31+s10+$0x0], $0xffff  }
0x6c3: {  	_ =	sdelay $0x2  }
0x6c4: {  	v9 =	vor.u32 v36, v59  }
0x6c5: {  	v42 =	vld [tilespmem:$0x1FFF0];
	v13 =	vor.u32 v39, v59;
	[tilespmem:v35+s20+$0x0] =	vst.idx.msk $0xffff, v11  }
0x6c6: {  	v4 =	vld.idx.msk [tilespmem:v4+s10+$0x0], $0xffff;
	[tilespmem:v2+s20+$0x0] =	vst.idx.msk $0xffff, v6  }
0x6c7: {  	v12 =	vld.idx.msk [tilespmem:v12+s10+$0x0], $0xffff;
	[tilespmem:v17+s20+$0x0] =	vst.idx.msk $0xffff, v8  }
0x6c8: {  	v0 =	vld.idx.msk [tilespmem:v0+s10+$0x0], $0xffff;
	[tilespmem:v1+s20+$0x0] =	vst.idx.msk $0xffff, v33  }
0x6c9: {  	v52 =	vld.idx.msk [tilespmem:v58+s10+$0x0], $0xffff;
	[tilespmem:v9+s20+$0x0] =	vst.idx.msk $0xffff, v26  }
0x6ca: {  	[tilespmem:v13+s20+$0x0] =	vst.idx.msk $0xffff, v25  }
0x6cb: {  	[tilespmem:v28+s20+$0x0] =	vst.idx.msk $0xffff, v22  }
0x6cc: {  	[tilespmem:v27+s20+$0x0] =	vst.idx.msk $0xffff, v19  }
0x6cd: {  	v9 =	vld [tilespmem:$0x1FEA0];
	[tilespmem:v24+s20+$0x0] =	vst.idx.msk $0xffff, v7  }
0x6ce: {  	v13 =	vld [tilespmem:$0x1FEB0];
	_ =	sdelay $0x3  }
0x6cf: {  	v53 =	vor.u32 v9, v59  }
0x6d0: {  	v54 =	vor.u32 v13, v59  }
0x6d1: {  	[tilespmem:v23+s20+$0x0] =	vst.idx.msk $0xffff, v21  }
0x6d2: {  	v14 =	vld [tilespmem:$0x1FEC0];
	[tilespmem:v20+s20+$0x0] =	vst.idx.msk $0xffff, v10  }
0x6d3: {  	v17 =	vld [tilespmem:$0x1FED0];
	[tilespmem:v18+s20+$0x0] =	vst.idx.msk $0xffff, v12  }
0x6d4: {  	v12 =	vld [tilespmem:$0x1FEE0];
	[tilespmem:v53+s20+$0x0] =	vst.idx.msk $0xffff, v15  }
0x6d5: {  	v15 =	vld [tilespmem:$0x1FEF0];
	[tilespmem:v54+s20+$0x0] =	vst.idx.msk $0xffff, v5  }
0x6d6: {  	v10 =	vld [tilespmem:$0x1FF00]  }
0x6d7: {  	v55 =	vor.u32 v14, v59  }
0x6d8: {  	v56 =	vor.u32 v17, v59  }
0x6d9: {  	v57 =	vor.u32 v12, v59  }
0x6da: {  	v58 =	vor.u32 v15, v59  }
0x6db: {  	v60 =	vor.u32 v10, v59  }
0x6dc: {  	v63 =	vor.u32 v62, v59;
	[tilespmem:v55+s20+$0x0] =	vst.idx.msk $0xffff, v52  }
0x6dd: {  	[tilespmem:v56+s20+$0x0] =	vst.idx.msk $0xffff, v34  }
0x6de: {  	[tilespmem:v57+s20+$0x0] =	vst.idx.msk $0xffff, v4  }
0x6df: {  	[tilespmem:v58+s20+$0x0] =	vst.idx.msk $0xffff, v16  }
0x6e0: {  	[tilespmem:v60+s20+$0x0] =	vst.idx.msk $0xffff, v61  }
0x6e1: {  	[tilespmem:v63+s20+$0x0] =	vst.idx.msk $0xffff, v0  }
0x6e2: {  	v45 =	vld [tilespmem:$0x1FD90]  }
0x6e3: {  	v47 =	vld [tilespmem:$0x1FDA0]  }
0x6e4: {  	v46 =	vld [tilespmem:$0x1FDB0]  }
0x6e5: {  	v51 =	vld [tilespmem:$0x1FDD0]  }
0x6e6: {  	v52 =	vld [tilespmem:$0x1FDE0]  }
0x6e7: {  	s5 =	sadd.s32 $0x1, s5;
	v53 =	vld [tilespmem:$0x1FDF0]  }
0x6e8: {  	p0 =	sne.s32 s5, $0x64;
	v57 =	vld [tilespmem:$0x1FE10]  }
.Ltmp13:
0x6e9: {  	v34 =	vld [tilespmem:$0x1FE20];
	(pc) =	sbr.rel @p0 .LBB2_10-.Ltmp13, $4  }
0x6ea: {  	v48 =	vld [tilespmem:$0x1FE40]  }
0x6eb: {  	v59 =	vld [tilespmem:$0x1FE90]  }
0x6ec: {  	s8 =	sadd.s32 s9, s13;
	v58 =	vld [tilespmem:$0x1FF40]  }
0x6ed: {  	[hbm4b:s8+s26] =	stream.strided.scatter [tilespmem:s20], [sflag:$0x6], $0x4000, s28, s26, $0x38;
	v12 =	vld [tilespmem:$0x1FFE0]  }
0x6ee: {  	_ =	swait.ge [sflag:s0], $0x4000  }
0x6ef: {  	[sflag:s0] =	ssyncset.done $0x0  }
0x6f0: {  	s8 =	simm.s32 $0x6;
	[sflag:s0] =	ssyncadd.s32 $0xFFFFC000  }
0x6f1: {  	_ =	swait.ge [sflag:s8], $0x4000  }
0x6f2: {  	v49 =	vld [tilespmem:$0x1FCB0]  }
0x6f3: {  	v30 =	vld [tilespmem:$0x1FF30]  }
0x6f4: {  	s9 =	rddreg [dreg:$0x9];
	v60 =	vld [tilespmem:$0x1FF50]  }
0x6f5: {  	s5 =	rddreg [dreg:$0x8];
	v15 =	vld [tilespmem:$0x1FF60];
	s9 =	sadd.s32 $0x1, s9  }
0x6f6: {  	v16 =	vld [tilespmem:$0x1FF70];
	p0 =	sne.s32 s9, s5  }
.Ltmp14:
0x6f7: {  	v27 =	vmov v47;
	v47 =	vld [tilespmem:$0x1FF80];
	(pc) =	sbr.rel @p0 .LBB2_1-.Ltmp14, $4  }
0x6f8: {  	v55 =	vld [tilespmem:$0x1FF90]  }
0x6f9: {  	v19 =	vld [tilespmem:$0x1FCE0]  }
0x6fa: {  	[sflag:s8] =	ssyncset.done $0x0;
	v40 =	vld [tilespmem:$0x1FE60]  }
0x6fb: {  	v56 =	vmov v42;
	v11 =	vld [tilespmem:$0x1FE80];
	[sflag:s8] =	ssyncadd.s32 $0xFFFFC000  }
0x6fc: {  	_ =	sfence.sel $0x180000  }
0x6fd: {  	[bflag:$0x0] =	sbarrier.arrive $0xFFFF  }
0x6fe: {  	_ =	strace $0x90000047  }
0x6ff: {  	s0 =	stileid.u32;
	[bflag:$0x2] =	sbarrier.arrive $0xFFFF  }
0x700: {  	p0 =	sne.s32 s0, $0x0;
	s0 =	rddreg [dreg:$0x3]  }
0x701: {  	s0 =	sadd.s32 @!p0 $0x100000, s0  }
0x702: {  	[sflag:s0] =	ssyncadd.tile.s32 @!p0 $0x1;
	_ =	shalt  }
.Lfunc_end2:
_tile_overlayer_lowered:
.L_overlay_start_2:
0x703: {  	(tag) =	ssettag $0x2  }
0x704: {  	s0 =	rddreg [dreg:$0x0];
	s2 =	stileid.u32  }
0x705: {  	s1 =	rddreg [dreg:$0x1];
	p0 =	sne.s32 s2, $0x0  }
0x706: {  	s3 =	rddreg [dreg:$0x2];
	[bflag:$0x3] =	sbarrier.arrive $0xFFFF;
	s2 =	simm.s32 @!p0 $0x1C07  }
0x707: {  	[timem:s3], [sflag:s2] =	dma.local @!p0 [hbm:s0], s1  }
0x708: {  	s0 =	simm.s32 @!p0 $0x7  }
0x709: {  	_ =	swait.ge @!p0 [sflag:s0], s1  }
0x70a: {  	s1 =	ssub.s32 @!p0 $0x0, s1;
	[sflag:s0] =	ssyncset.done @!p0 $0x0  }
0x70b: {  	[sflag:s0] =	ssyncadd.s32 @!p0 s1  }
0x70c: {  	[bflag:$0x3] =	sbarrier.arrive $0xFFFF  }
0x70d: {  	_ =	shalt  }

</sc_bundles>
